<compile_context>
chip_gen: v7x
topology: tpu7x:2x2x1
jax: 0.10.2.dev20260603
libtpu: 0.0.44.dev20260713+nightly
codegen_flags: <defaults>
</compile_context>

<pallas_src>
import functools

import jax
import jax.numpy as jnp
from jax import lax
from jax.experimental import pallas as pl
from jax.experimental.pallas import tpu as pltpu
from jax.experimental.pallas import tpu_sc as plsc

_B = 16384
_L = 50
_D = 64
_LANES = 16
_CHUNK = 128


def _sc_workers():
    try:
        info = plsc.get_sparse_core_info()
        return info.num_cores, info.num_subcores
    except Exception:
        return 2, 16


@functools.partial(jax.jit, static_argnames=("nc", "ns"))
def _trans_rec(user, item_seq_flat, item_seq_len, user_table, item_table, T,
               nc, ns):
    nw = nc * ns
    b_per_w = _B // nw
    n_chunks = b_per_w // _CHUNK
    n_waves = b_per_w // _LANES
    mesh = plsc.VectorSubcoreMesh(
        core_axis_name="c", subcore_axis_name="s", num_cores=nc,
        num_subcores=ns)

    @functools.partial(
        pl.kernel,
        out_type=jax.ShapeDtypeStruct((_B, _D), jnp.float32),
        mesh=mesh,
        compiler_params=pltpu.CompilerParams(use_tc_tiling_on_sc=True),
        scratch_types=[
            pltpu.VMEM((b_per_w,), jnp.int32),
            pltpu.VMEM((b_per_w,), jnp.int32),
            pltpu.VMEM((b_per_w,), jnp.int32),
            pltpu.VMEM((b_per_w,), jnp.int32),
            pltpu.VMEM((2, _LANES, 8, _D), jnp.float32),
            pltpu.VMEM((2, _LANES, 8, _D), jnp.float32),
            pltpu.VMEM((_LANES, _D), jnp.float32),
            pltpu.VMEM((_D,), jnp.float32),
            pltpu.SemaphoreType.DMA,
            pltpu.SemaphoreType.DMA,
        ],
    )
    def body(user_hbm, iseq_hbm, len_hbm, utab_hbm, itab_hbm, t_hbm,
             out_hbm, uidx_v, len_v, fidx_v, last_v, ublk_v, iblk_v,
             outb_v, t_v, sem_a, sem_b):
        wid = lax.axis_index("s") * nc + lax.axis_index("c")
        base = wid * b_per_w

        pltpu.sync_copy(user_hbm.at[pl.ds(base, b_per_w)], uidx_v)
        pltpu.sync_copy(len_hbm.at[pl.ds(base, b_per_w)], len_v)
        pltpu.sync_copy(t_hbm, t_v)

        for j in range(b_per_w // _LANES):
            sl = pl.ds(j * _LANES, _LANES)
            seq_len = len_v[sl]
            row = lax.iota(jnp.int32, _LANES) + (base + j * _LANES)
            fidx_v[sl] = row * _L + seq_len - 1

        copies = []
        for k in range(n_chunks):
            sl = pl.ds(k * _CHUNK, _CHUNK)
            copies.append(pltpu.async_copy(
                iseq_hbm.at[fidx_v.at[sl]], last_v.at[sl], sem_a))
        for c in copies:
            c.wait()

        t_regs = [t_v[pl.ds(d * _LANES, _LANES)]
                  for d in range(_D // _LANES)]

        def fire_wave(w, slot):
            uvec = uidx_v[pl.ds(w * _LANES, _LANES)]
            ivec = last_v[pl.ds(w * _LANES, _LANES)]
            for lane in range(_LANES):
                uoff = pl.multiple_of((uvec[lane] >> 3) * 8, 8)
                ioff = pl.multiple_of((ivec[lane] >> 3) * 8, 8)
                pltpu.async_copy(
                    utab_hbm.at[pl.ds(uoff, 8)], ublk_v.at[slot, lane],
                    sem_b)
                pltpu.async_copy(
                    itab_hbm.at[pl.ds(ioff, 8)], iblk_v.at[slot, lane],
                    sem_b)

        def drain_wave(slot):
            for lane in range(_LANES):
                pltpu.make_async_copy(
                    utab_hbm.at[pl.ds(0, 8)], ublk_v.at[slot, lane],
                    sem_b).wait()
                pltpu.make_async_copy(
                    itab_hbm.at[pl.ds(0, 8)], iblk_v.at[slot, lane],
                    sem_b).wait()

        fire_wave(0, 0)

        def wave_body(g, _):
            slot = lax.rem(g, 2)

            @pl.when(g + 1 < n_waves)
            def _():
                fire_wave(g + 1, 1 - slot)

            drain_wave(slot)

            uvec = uidx_v[pl.ds(g * _LANES, _LANES)]
            ivec = last_v[pl.ds(g * _LANES, _LANES)]
            for lane in range(_LANES):
                ru = uvec[lane] & 7
                ri = ivec[lane] & 7
                for d in range(_D // _LANES):
                    sl = pl.ds(d * _LANES, _LANES)
                    outb_v[lane, sl] = (
                        ublk_v[slot, lane, ru, sl]
                        + iblk_v[slot, lane, ri, sl] + t_regs[d])

            pltpu.sync_copy(
                outb_v, out_hbm.at[pl.ds(base + g * _LANES, _LANES)])
            return 0

        lax.fori_loop(0, n_waves, wave_body, 0)

    return body(user, item_seq_flat, item_seq_len, user_table, item_table, T)


def kernel(user, item_seq, item_seq_len, user_table, item_table, T):
    nc, ns = _sc_workers()
    return _trans_rec(
        user.astype(jnp.int32),
        item_seq.reshape(-1).astype(jnp.int32),
        item_seq_len.astype(jnp.int32),
        user_table, item_table, T, nc, ns)

# --- scband reference (transcript-rebuilt; emitter-appended) ---
"""Pipeline reference for scband-trans-rec-71811853189918 (READ-ONLY COPY).

The authoritative reference and input builder live on the scoring server;
editing this copy changes nothing except your own understanding.
"""

import jax, jax.numpy as jnp
import numpy as np

B = 16384
L = 50
N_USERS = 1000000
N_ITEMS = 1000000
D = 64

def setup_inputs(seed: int = 0) -> dict:
    key = jax.random.key(seed)
    k1, k2, k3, k4 = jax.random.split(key, 4)
    user = jax.random.randint(k1, (B,), 0, N_USERS, dtype=jnp.int64 if jax.config.jax_enable_x64 else jnp.int32)
    item_seq = jax.random.randint(k2, (B, L), 0, N_ITEMS, dtype=jnp.int64 if jax.config.jax_enable_x64 else jnp.int32)
    item_seq_len = jnp.ones((B,), dtype=jnp.int32)
    # learned parameters (xavier_normal init approximated; padding row 0 left nonzero for simplicity of math check)
    user_table = jax.random.normal(k3, (N_USERS, D), dtype=jnp.float32) * np.sqrt(2.0 / (N_USERS + D))
    item_table = jax.random.normal(k4, (N_ITEMS, D), dtype=jnp.float32) * np.sqrt(2.0 / (N_ITEMS + D))
    user_table = user_table.at[0].set(0.0)
    item_table = item_table.at[0].set(0.0)
    T = jnp.zeros((D,), dtype=jnp.float32)
    return {"user": user, "item_seq": item_seq, "item_seq_len": item_seq_len,
            "user_table": user_table, "item_table": item_table, "T": T}

def reference(user, item_seq, item_seq_len, user_table, item_table, T):
    # gather_last_items: item_seq.gather(1, (item_seq_len-1).view(-1,1)).squeeze(-1)
    gather_index = (item_seq_len - 1).reshape(-1, 1)
    last_items = jnp.take_along_axis(item_seq, gather_index, axis=1).squeeze(-1)
    user_emb = jnp.take(user_table, user, axis=0)            # [B, D]
    last_items_emb = jnp.take(item_table, last_items, axis=0)  # [B, D]
    seq_output = user_emb + T[None, :] + last_items_emb
    return seq_output

if __name__ == "__main__":
    import jax
    _d = setup_inputs()
    print(jax.jit(kernel)(*tuple(_d.values())))

</pallas_src>

<mosaic_0001>
#map = affine_map<(d0, d1) -> (0)>
#map1 = affine_map<(d0, d1) -> (0, 0)>
module attributes {stable_mosaic.version = 14 : i64} {
  func.func @body(%arg0: i32, %arg1: i32, %arg2: memref<16384xi32, #tpu.memory_space<hbm>>, %arg3: memref<819200xi32, #tpu.memory_space<hbm>>, %arg4: memref<16384xi32, #tpu.memory_space<hbm>>, %arg5: memref<1000000x64xf32, #tpu.memory_space<hbm>>, %arg6: memref<1000000x64xf32, #tpu.memory_space<hbm>>, %arg7: memref<64xf32, #tpu.memory_space<hbm>>, %arg8: memref<16384x64xf32, #tpu.memory_space<hbm>>, %arg9: memref<512xi32, #tpu.memory_space<vmem>>, %arg10: memref<512xi32, #tpu.memory_space<vmem>>, %arg11: memref<512xi32, #tpu.memory_space<vmem>>, %arg12: memref<512xi32, #tpu.memory_space<vmem>>, %arg13: memref<2x16x8x64xf32, #tpu.memory_space<vmem>>, %arg14: memref<2x16x8x64xf32, #tpu.memory_space<vmem>>, %arg15: memref<16x64xf32, #tpu.memory_space<vmem>>, %arg16: memref<64xf32, #tpu.memory_space<vmem>>, %arg17: memref<!tpu.dma_semaphore, #tpu.memory_space<semaphore_mem>>, %arg18: memref<!tpu.dma_semaphore, #tpu.memory_space<semaphore_mem>>) attributes {dimension_semantics = [#tpu.dimension_semantics<core_parallel>, #tpu.dimension_semantics<subcore_parallel>], iteration_bounds = array<i64: 2, 16>, scalar_prefetch = 0 : i64, scratch_operands = 10 : i64, tpu.core_type = #tpu.core_type<sc_vector_subcore>, window_params = [{transform_indices = #map}, {transform_indices = #map}, {transform_indices = #map}, {transform_indices = #map1}, {transform_indices = #map1}, {transform_indices = #map}, {transform_indices = #map1}]} {
    %mul3A = arith.constant 2 : i32
    %mul3A_0 = arith.muli %arg1, %mul3A : i32
    %add3A = arith.addi %mul3A_0, %arg0 : i32
    %mul3A_1 = arith.constant 512 : i32
    %mul3A_2 = arith.muli %add3A, %mul3A_1 : i32
    "tpu.region"() ({
      %run_scoped3A = tpu.sem_alloc : memref<!tpu.dma_semaphore, #tpu.memory_space<semaphore_mem>>
      %dma_start3A_1345 = tpu.memref_slice %arg2[%mul3A_2] : memref<16384xi32, #tpu.memory_space<hbm>> -> memref<512xi32, #tpu.memory_space<hbm>>
      %dma_start3A_1346 = tpu.memref_slice %arg2[%mul3A_2] : memref<16384xi32, #tpu.memory_space<hbm>> -> memref<512xi32, #tpu.memory_space<hbm>>
      tpu.enqueue_dma source(%dma_start3A_1346 : memref<512xi32, #tpu.memory_space<hbm>>) target(%arg9 : memref<512xi32, #tpu.memory_space<vmem>>) target_semaphore(%run_scoped3A : memref<!tpu.dma_semaphore, #tpu.memory_space<semaphore_mem>>)
      %dma_wait3A_1347 = tpu.memref_slice %arg2[%mul3A_2] : memref<16384xi32, #tpu.memory_space<hbm>> -> memref<512xi32, #tpu.memory_space<hbm>>
      %dma_wait3A_1348 = tpu.memref_slice %arg2[%mul3A_2] : memref<16384xi32, #tpu.memory_space<hbm>> -> memref<512xi32, #tpu.memory_space<hbm>>
      tpu.wait_dma2 semaphore(%run_scoped3A : memref<!tpu.dma_semaphore, #tpu.memory_space<semaphore_mem>>) src(%dma_wait3A_1348 : memref<512xi32, #tpu.memory_space<hbm>>) dst(%arg9 : memref<512xi32, #tpu.memory_space<vmem>>)
      tpu.yield
    }) : () -> ()
    "tpu.region"() ({
      %run_scoped3A = tpu.sem_alloc : memref<!tpu.dma_semaphore, #tpu.memory_space<semaphore_mem>>
      %dma_start3A_1345 = tpu.memref_slice %arg4[%mul3A_2] : memref<16384xi32, #tpu.memory_space<hbm>> -> memref<512xi32, #tpu.memory_space<hbm>>
      %dma_start3A_1346 = tpu.memref_slice %arg4[%mul3A_2] : memref<16384xi32, #tpu.memory_space<hbm>> -> memref<512xi32, #tpu.memory_space<hbm>>
      tpu.enqueue_dma source(%dma_start3A_1346 : memref<512xi32, #tpu.memory_space<hbm>>) target(%arg10 : memref<512xi32, #tpu.memory_space<vmem>>) target_semaphore(%run_scoped3A : memref<!tpu.dma_semaphore, #tpu.memory_space<semaphore_mem>>)
      %dma_wait3A_1347 = tpu.memref_slice %arg4[%mul3A_2] : memref<16384xi32, #tpu.memory_space<hbm>> -> memref<512xi32, #tpu.memory_space<hbm>>
      %dma_wait3A_1348 = tpu.memref_slice %arg4[%mul3A_2] : memref<16384xi32, #tpu.memory_space<hbm>> -> memref<512xi32, #tpu.memory_space<hbm>>
      tpu.wait_dma2 semaphore(%run_scoped3A : memref<!tpu.dma_semaphore, #tpu.memory_space<semaphore_mem>>) src(%dma_wait3A_1348 : memref<512xi32, #tpu.memory_space<hbm>>) dst(%arg10 : memref<512xi32, #tpu.memory_space<vmem>>)
      tpu.yield
    }) : () -> ()
    "tpu.region"() ({
      %run_scoped3A = tpu.sem_alloc : memref<!tpu.dma_semaphore, #tpu.memory_space<semaphore_mem>>
      tpu.enqueue_dma source(%arg7 : memref<64xf32, #tpu.memory_space<hbm>>) target(%arg16 : memref<64xf32, #tpu.memory_space<vmem>>) target_semaphore(%run_scoped3A : memref<!tpu.dma_semaphore, #tpu.memory_space<semaphore_mem>>)
      tpu.wait_dma2 semaphore(%run_scoped3A : memref<!tpu.dma_semaphore, #tpu.memory_space<semaphore_mem>>) src(%arg7 : memref<64xf32, #tpu.memory_space<hbm>>) dst(%arg16 : memref<64xf32, #tpu.memory_space<vmem>>)
      tpu.yield
    }) : () -> ()
    %get3A = arith.constant 0 : index
    %get3A_3 = tpu.vector_load %arg10[%get3A] {strides = array<i32>} : memref<512xi32, #tpu.memory_space<vmem>>, vector<16xi32>,
    %get3A_4 = vector.shape_cast %get3A_3 : vector<16xi32> to vector<16xi32>
    %iota3A = tpu.iota {dimensions = array<i32: 0>} : vector<16xi32>
    %add3A_5 = arith.constant 0 : i32
    %add3A_6 = arith.addi %mul3A_2, %add3A_5 : i32
    %add3A_7 = vector.broadcast %add3A_6 : i32 to vector<16xi32>
    %add3A_8 = arith.addi %iota3A, %add3A_7 : vector<16xi32>
    %mul3A_9 = arith.constant 50 : i32
    %mul3A_10 = vector.broadcast %mul3A_9 : i32 to vector<16xi32>
    %mul3A_11 = arith.muli %add3A_8, %mul3A_10 : vector<16xi32>
    %add3A_12 = arith.addi %mul3A_11, %get3A_4 : vector<16xi32>
    %sub3A = arith.constant 1 : i32
    %sub3A_13 = vector.broadcast %sub3A : i32 to vector<16xi32>
    %sub3A_14 = arith.subi %add3A_12, %sub3A_13 : vector<16xi32>
    %swap3A = arith.constant 0 : index
    %swap3A_15 = tpu.vector_load %arg11[%swap3A] {strides = array<i32>} : memref<512xi32, #tpu.memory_space<vmem>>, vector<16xi32>,
    %swap3A_16 = vector.shape_cast %swap3A_15 : vector<16xi32> to vector<16xi32>
    %swap3A_17 = vector.shape_cast %sub3A_14 : vector<16xi32> to vector<16xi32>
    tpu.vector_store %arg11[%swap3A], %swap3A_17 {strides = array<i32>} : memref<512xi32, #tpu.memory_space<vmem>>, vector<16xi32>,
    %get3A_18 = arith.constant 16 : index
    %get3A_19 = tpu.vector_load %arg10[%get3A_18] {strides = array<i32>} : memref<512xi32, #tpu.memory_space<vmem>>, vector<16xi32>,
    %get3A_20 = vector.shape_cast %get3A_19 : vector<16xi32> to vector<16xi32>
    %iota3A_21 = tpu.iota {dimensions = array<i32: 0>} : vector<16xi32>
    %add3A_22 = arith.constant 16 : i32
    %add3A_23 = arith.addi %mul3A_2, %add3A_22 : i32
    %add3A_24 = vector.broadcast %add3A_23 : i32 to vector<16xi32>
    %add3A_25 = arith.addi %iota3A_21, %add3A_24 : vector<16xi32>
    %mul3A_26 = arith.constant 50 : i32
    %mul3A_27 = vector.broadcast %mul3A_26 : i32 to vector<16xi32>
    %mul3A_28 = arith.muli %add3A_25, %mul3A_27 : vector<16xi32>
    %add3A_29 = arith.addi %mul3A_28, %get3A_20 : vector<16xi32>
    %sub3A_30 = arith.constant 1 : i32
    %sub3A_31 = vector.broadcast %sub3A_30 : i32 to vector<16xi32>
    %sub3A_32 = arith.subi %add3A_29, %sub3A_31 : vector<16xi32>
    %swap3A_33 = arith.constant 16 : index
    %swap3A_34 = tpu.vector_load %arg11[%swap3A_33] {strides = array<i32>} : memref<512xi32, #tpu.memory_space<vmem>>, vector<16xi32>,
    %swap3A_35 = vector.shape_cast %swap3A_34 : vector<16xi32> to vector<16xi32>
    %swap3A_36 = vector.shape_cast %sub3A_32 : vector<16xi32> to vector<16xi32>
    tpu.vector_store %arg11[%swap3A_33], %swap3A_36 {strides = array<i32>} : memref<512xi32, #tpu.memory_space<vmem>>, vector<16xi32>,
    %get3A_37 = arith.constant 32 : index
    %get3A_38 = tpu.vector_load %arg10[%get3A_37] {strides = array<i32>} : memref<512xi32, #tpu.memory_space<vmem>>, vector<16xi32>,
    %get3A_39 = vector.shape_cast %get3A_38 : vector<16xi32> to vector<16xi32>
    %iota3A_40 = tpu.iota {dimensions = array<i32: 0>} : vector<16xi32>
    %add3A_41 = arith.constant 32 : i32
    %add3A_42 = arith.addi %mul3A_2, %add3A_41 : i32
    %add3A_43 = vector.broadcast %add3A_42 : i32 to vector<16xi32>
    %add3A_44 = arith.addi %iota3A_40, %add3A_43 : vector<16xi32>
    %mul3A_45 = arith.constant 50 : i32
    %mul3A_46 = vector.broadcast %mul3A_45 : i32 to vector<16xi32>
    %mul3A_47 = arith.muli %add3A_44, %mul3A_46 : vector<16xi32>
    %add3A_48 = arith.addi %mul3A_47, %get3A_39 : vector<16xi32>
    %sub3A_49 = arith.constant 1 : i32
    %sub3A_50 = vector.broadcast %sub3A_49 : i32 to vector<16xi32>
    %sub3A_51 = arith.subi %add3A_48, %sub3A_50 : vector<16xi32>
    %swap3A_52 = arith.constant 32 : index
    %swap3A_53 = tpu.vector_load %arg11[%swap3A_52] {strides = array<i32>} : memref<512xi32, #tpu.memory_space<vmem>>, vector<16xi32>,
    %swap3A_54 = vector.shape_cast %swap3A_53 : vector<16xi32> to vector<16xi32>
    %swap3A_55 = vector.shape_cast %sub3A_51 : vector<16xi32> to vector<16xi32>
    tpu.vector_store %arg11[%swap3A_52], %swap3A_55 {strides = array<i32>} : memref<512xi32, #tpu.memory_space<vmem>>, vector<16xi32>,
    %get3A_56 = arith.constant 48 : index
    %get3A_57 = tpu.vector_load %arg10[%get3A_56] {strides = array<i32>} : memref<512xi32, #tpu.memory_space<vmem>>, vector<16xi32>,
    %get3A_58 = vector.shape_cast %get3A_57 : vector<16xi32> to vector<16xi32>
    %iota3A_59 = tpu.iota {dimensions = array<i32: 0>} : vector<16xi32>
    %add3A_60 = arith.constant 48 : i32
    %add3A_61 = arith.addi %mul3A_2, %add3A_60 : i32
    %add3A_62 = vector.broadcast %add3A_61 : i32 to vector<16xi32>
    %add3A_63 = arith.addi %iota3A_59, %add3A_62 : vector<16xi32>
    %mul3A_64 = arith.constant 50 : i32
    %mul3A_65 = vector.broadcast %mul3A_64 : i32 to vector<16xi32>
    %mul3A_66 = arith.muli %add3A_63, %mul3A_65 : vector<16xi32>
    %add3A_67 = arith.addi %mul3A_66, %get3A_58 : vector<16xi32>
    %sub3A_68 = arith.constant 1 : i32
    %sub3A_69 = vector.broadcast %sub3A_68 : i32 to vector<16xi32>
    %sub3A_70 = arith.subi %add3A_67, %sub3A_69 : vector<16xi32>
    %swap3A_71 = arith.constant 48 : index
    %swap3A_72 = tpu.vector_load %arg11[%swap3A_71] {strides = array<i32>} : memref<512xi32, #tpu.memory_space<vmem>>, vector<16xi32>,
    %swap3A_73 = vector.shape_cast %swap3A_72 : vector<16xi32> to vector<16xi32>
    %swap3A_74 = vector.shape_cast %sub3A_70 : vector<16xi32> to vector<16xi32>
    tpu.vector_store %arg11[%swap3A_71], %swap3A_74 {strides = array<i32>} : memref<512xi32, #tpu.memory_space<vmem>>, vector<16xi32>,
    %get3A_75 = arith.constant 64 : index
    %get3A_76 = tpu.vector_load %arg10[%get3A_75] {strides = array<i32>} : memref<512xi32, #tpu.memory_space<vmem>>, vector<16xi32>,
    %get3A_77 = vector.shape_cast %get3A_76 : vector<16xi32> to vector<16xi32>
    %iota3A_78 = tpu.iota {dimensions = array<i32: 0>} : vector<16xi32>
    %add3A_79 = arith.constant 64 : i32
    %add3A_80 = arith.addi %mul3A_2, %add3A_79 : i32
    %add3A_81 = vector.broadcast %add3A_80 : i32 to vector<16xi32>
    %add3A_82 = arith.addi %iota3A_78, %add3A_81 : vector<16xi32>
    %mul3A_83 = arith.constant 50 : i32
    %mul3A_84 = vector.broadcast %mul3A_83 : i32 to vector<16xi32>
    %mul3A_85 = arith.muli %add3A_82, %mul3A_84 : vector<16xi32>
    %add3A_86 = arith.addi %mul3A_85, %get3A_77 : vector<16xi32>
    %sub3A_87 = arith.constant 1 : i32
    %sub3A_88 = vector.broadcast %sub3A_87 : i32 to vector<16xi32>
    %sub3A_89 = arith.subi %add3A_86, %sub3A_88 : vector<16xi32>
    %swap3A_90 = arith.constant 64 : index
    %swap3A_91 = tpu.vector_load %arg11[%swap3A_90] {strides = array<i32>} : memref<512xi32, #tpu.memory_space<vmem>>, vector<16xi32>,
    %swap3A_92 = vector.shape_cast %swap3A_91 : vector<16xi32> to vector<16xi32>
    %swap3A_93 = vector.shape_cast %sub3A_89 : vector<16xi32> to vector<16xi32>
    tpu.vector_store %arg11[%swap3A_90], %swap3A_93 {strides = array<i32>} : memref<512xi32, #tpu.memory_space<vmem>>, vector<16xi32>,
    %get3A_94 = arith.constant 80 : index
    %get3A_95 = tpu.vector_load %arg10[%get3A_94] {strides = array<i32>} : memref<512xi32, #tpu.memory_space<vmem>>, vector<16xi32>,
    %get3A_96 = vector.shape_cast %get3A_95 : vector<16xi32> to vector<16xi32>
    %iota3A_97 = tpu.iota {dimensions = array<i32: 0>} : vector<16xi32>
    %add3A_98 = arith.constant 80 : i32
    %add3A_99 = arith.addi %mul3A_2, %add3A_98 : i32
    %add3A_100 = vector.broadcast %add3A_99 : i32 to vector<16xi32>
    %add3A_101 = arith.addi %iota3A_97, %add3A_100 : vector<16xi32>
    %mul3A_102 = arith.constant 50 : i32
    %mul3A_103 = vector.broadcast %mul3A_102 : i32 to vector<16xi32>
    %mul3A_104 = arith.muli %add3A_101, %mul3A_103 : vector<16xi32>
    %add3A_105 = arith.addi %mul3A_104, %get3A_96 : vector<16xi32>
    %sub3A_106 = arith.constant 1 : i32
    %sub3A_107 = vector.broadcast %sub3A_106 : i32 to vector<16xi32>
    %sub3A_108 = arith.subi %add3A_105, %sub3A_107 : vector<16xi32>
    %swap3A_109 = arith.constant 80 : index
    %swap3A_110 = tpu.vector_load %arg11[%swap3A_109] {strides = array<i32>} : memref<512xi32, #tpu.memory_space<vmem>>, vector<16xi32>,
    %swap3A_111 = vector.shape_cast %swap3A_110 : vector<16xi32> to vector<16xi32>
    %swap3A_112 = vector.shape_cast %sub3A_108 : vector<16xi32> to vector<16xi32>
    tpu.vector_store %arg11[%swap3A_109], %swap3A_112 {strides = array<i32>} : memref<512xi32, #tpu.memory_space<vmem>>, vector<16xi32>,
    %get3A_113 = arith.constant 96 : index
    %get3A_114 = tpu.vector_load %arg10[%get3A_113] {strides = array<i32>} : memref<512xi32, #tpu.memory_space<vmem>>, vector<16xi32>,
    %get3A_115 = vector.shape_cast %get3A_114 : vector<16xi32> to vector<16xi32>
    %iota3A_116 = tpu.iota {dimensions = array<i32: 0>} : vector<16xi32>
    %add3A_117 = arith.constant 96 : i32
    %add3A_118 = arith.addi %mul3A_2, %add3A_117 : i32
    %add3A_119 = vector.broadcast %add3A_118 : i32 to vector<16xi32>
    %add3A_120 = arith.addi %iota3A_116, %add3A_119 : vector<16xi32>
    %mul3A_121 = arith.constant 50 : i32
    %mul3A_122 = vector.broadcast %mul3A_121 : i32 to vector<16xi32>
    %mul3A_123 = arith.muli %add3A_120, %mul3A_122 : vector<16xi32>
    %add3A_124 = arith.addi %mul3A_123, %get3A_115 : vector<16xi32>
    %sub3A_125 = arith.constant 1 : i32
    %sub3A_126 = vector.broadcast %sub3A_125 : i32 to vector<16xi32>
    %sub3A_127 = arith.subi %add3A_124, %sub3A_126 : vector<16xi32>
    %swap3A_128 = arith.constant 96 : index
    %swap3A_129 = tpu.vector_load %arg11[%swap3A_128] {strides = array<i32>} : memref<512xi32, #tpu.memory_space<vmem>>, vector<16xi32>,
    %swap3A_130 = vector.shape_cast %swap3A_129 : vector<16xi32> to vector<16xi32>
    %swap3A_131 = vector.shape_cast %sub3A_127 : vector<16xi32> to vector<16xi32>
    tpu.vector_store %arg11[%swap3A_128], %swap3A_131 {strides = array<i32>} : memref<512xi32, #tpu.memory_space<vmem>>, vector<16xi32>,
    %get3A_132 = arith.constant 112 : index
    %get3A_133 = tpu.vector_load %arg10[%get3A_132] {strides = array<i32>} : memref<512xi32, #tpu.memory_space<vmem>>, vector<16xi32>,
    %get3A_134 = vector.shape_cast %get3A_133 : vector<16xi32> to vector<16xi32>
    %iota3A_135 = tpu.iota {dimensions = array<i32: 0>} : vector<16xi32>
    %add3A_136 = arith.constant 112 : i32
    %add3A_137 = arith.addi %mul3A_2, %add3A_136 : i32
    %add3A_138 = vector.broadcast %add3A_137 : i32 to vector<16xi32>
    %add3A_139 = arith.addi %iota3A_135, %add3A_138 : vector<16xi32>
    %mul3A_140 = arith.constant 50 : i32
    %mul3A_141 = vector.broadcast %mul3A_140 : i32 to vector<16xi32>
    %mul3A_142 = arith.muli %add3A_139, %mul3A_141 : vector<16xi32>
    %add3A_143 = arith.addi %mul3A_142, %get3A_134 : vector<16xi32>
    %sub3A_144 = arith.constant 1 : i32
    %sub3A_145 = vector.broadcast %sub3A_144 : i32 to vector<16xi32>
    %sub3A_146 = arith.subi %add3A_143, %sub3A_145 : vector<16xi32>
    %swap3A_147 = arith.constant 112 : index
    %swap3A_148 = tpu.vector_load %arg11[%swap3A_147] {strides = array<i32>} : memref<512xi32, #tpu.memory_space<vmem>>, vector<16xi32>,
    %swap3A_149 = vector.shape_cast %swap3A_148 : vector<16xi32> to vector<16xi32>
    %swap3A_150 = vector.shape_cast %sub3A_146 : vector<16xi32> to vector<16xi32>
    tpu.vector_store %arg11[%swap3A_147], %swap3A_150 {strides = array<i32>} : memref<512xi32, #tpu.memory_space<vmem>>, vector<16xi32>,
    %get3A_151 = arith.constant 128 : index
    %get3A_152 = tpu.vector_load %arg10[%get3A_151] {strides = array<i32>} : memref<512xi32, #tpu.memory_space<vmem>>, vector<16xi32>,
    %get3A_153 = vector.shape_cast %get3A_152 : vector<16xi32> to vector<16xi32>
    %iota3A_154 = tpu.iota {dimensions = array<i32: 0>} : vector<16xi32>
    %add3A_155 = arith.constant 128 : i32
    %add3A_156 = arith.addi %mul3A_2, %add3A_155 : i32
    %add3A_157 = vector.broadcast %add3A_156 : i32 to vector<16xi32>
    %add3A_158 = arith.addi %iota3A_154, %add3A_157 : vector<16xi32>
    %mul3A_159 = arith.constant 50 : i32
    %mul3A_160 = vector.broadcast %mul3A_159 : i32 to vector<16xi32>
    %mul3A_161 = arith.muli %add3A_158, %mul3A_160 : vector<16xi32>
    %add3A_162 = arith.addi %mul3A_161, %get3A_153 : vector<16xi32>
    %sub3A_163 = arith.constant 1 : i32
    %sub3A_164 = vector.broadcast %sub3A_163 : i32 to vector<16xi32>
    %sub3A_165 = arith.subi %add3A_162, %sub3A_164 : vector<16xi32>
    %swap3A_166 = arith.constant 128 : index
    %swap3A_167 = tpu.vector_load %arg11[%swap3A_166] {strides = array<i32>} : memref<512xi32, #tpu.memory_space<vmem>>, vector<16xi32>,
    %swap3A_168 = vector.shape_cast %swap3A_167 : vector<16xi32> to vector<16xi32>
    %swap3A_169 = vector.shape_cast %sub3A_165 : vector<16xi32> to vector<16xi32>
    tpu.vector_store %arg11[%swap3A_166], %swap3A_169 {strides = array<i32>} : memref<512xi32, #tpu.memory_space<vmem>>, vector<16xi32>,
    %get3A_170 = arith.constant 144 : index
    %get3A_171 = tpu.vector_load %arg10[%get3A_170] {strides = array<i32>} : memref<512xi32, #tpu.memory_space<vmem>>, vector<16xi32>,
    %get3A_172 = vector.shape_cast %get3A_171 : vector<16xi32> to vector<16xi32>
    %iota3A_173 = tpu.iota {dimensions = array<i32: 0>} : vector<16xi32>
    %add3A_174 = arith.constant 144 : i32
    %add3A_175 = arith.addi %mul3A_2, %add3A_174 : i32
    %add3A_176 = vector.broadcast %add3A_175 : i32 to vector<16xi32>
    %add3A_177 = arith.addi %iota3A_173, %add3A_176 : vector<16xi32>
    %mul3A_178 = arith.constant 50 : i32
    %mul3A_179 = vector.broadcast %mul3A_178 : i32 to vector<16xi32>
    %mul3A_180 = arith.muli %add3A_177, %mul3A_179 : vector<16xi32>
    %add3A_181 = arith.addi %mul3A_180, %get3A_172 : vector<16xi32>
    %sub3A_182 = arith.constant 1 : i32
    %sub3A_183 = vector.broadcast %sub3A_182 : i32 to vector<16xi32>
    %sub3A_184 = arith.subi %add3A_181, %sub3A_183 : vector<16xi32>
    %swap3A_185 = arith.constant 144 : index
    %swap3A_186 = tpu.vector_load %arg11[%swap3A_185] {strides = array<i32>} : memref<512xi32, #tpu.memory_space<vmem>>, vector<16xi32>,
    %swap3A_187 = vector.shape_cast %swap3A_186 : vector<16xi32> to vector<16xi32>
    %swap3A_188 = vector.shape_cast %sub3A_184 : vector<16xi32> to vector<16xi32>
    tpu.vector_store %arg11[%swap3A_185], %swap3A_188 {strides = array<i32>} : memref<512xi32, #tpu.memory_space<vmem>>, vector<16xi32>,
    %get3A_189 = arith.constant 160 : index
    %get3A_190 = tpu.vector_load %arg10[%get3A_189] {strides = array<i32>} : memref<512xi32, #tpu.memory_space<vmem>>, vector<16xi32>,
    %get3A_191 = vector.shape_cast %get3A_190 : vector<16xi32> to vector<16xi32>
    %iota3A_192 = tpu.iota {dimensions = array<i32: 0>} : vector<16xi32>
    %add3A_193 = arith.constant 160 : i32
    %add3A_194 = arith.addi %mul3A_2, %add3A_193 : i32
    %add3A_195 = vector.broadcast %add3A_194 : i32 to vector<16xi32>
    %add3A_196 = arith.addi %iota3A_192, %add3A_195 : vector<16xi32>
    %mul3A_197 = arith.constant 50 : i32
    %mul3A_198 = vector.broadcast %mul3A_197 : i32 to vector<16xi32>
    %mul3A_199 = arith.muli %add3A_196, %mul3A_198 : vector<16xi32>
    %add3A_200 = arith.addi %mul3A_199, %get3A_191 : vector<16xi32>
    %sub3A_201 = arith.constant 1 : i32
    %sub3A_202 = vector.broadcast %sub3A_201 : i32 to vector<16xi32>
    %sub3A_203 = arith.subi %add3A_200, %sub3A_202 : vector<16xi32>
    %swap3A_204 = arith.constant 160 : index
    %swap3A_205 = tpu.vector_load %arg11[%swap3A_204] {strides = array<i32>} : memref<512xi32, #tpu.memory_space<vmem>>, vector<16xi32>,
    %swap3A_206 = vector.shape_cast %swap3A_205 : vector<16xi32> to vector<16xi32>
    %swap3A_207 = vector.shape_cast %sub3A_203 : vector<16xi32> to vector<16xi32>
    tpu.vector_store %arg11[%swap3A_204], %swap3A_207 {strides = array<i32>} : memref<512xi32, #tpu.memory_space<vmem>>, vector<16xi32>,
    %get3A_208 = arith.constant 176 : index
    %get3A_209 = tpu.vector_load %arg10[%get3A_208] {strides = array<i32>} : memref<512xi32, #tpu.memory_space<vmem>>, vector<16xi32>,
    %get3A_210 = vector.shape_cast %get3A_209 : vector<16xi32> to vector<16xi32>
    %iota3A_211 = tpu.iota {dimensions = array<i32: 0>} : vector<16xi32>
    %add3A_212 = arith.constant 176 : i32
    %add3A_213 = arith.addi %mul3A_2, %add3A_212 : i32
    %add3A_214 = vector.broadcast %add3A_213 : i32 to vector<16xi32>
    %add3A_215 = arith.addi %iota3A_211, %add3A_214 : vector<16xi32>
    %mul3A_216 = arith.constant 50 : i32
    %mul3A_217 = vector.broadcast %mul3A_216 : i32 to vector<16xi32>
    %mul3A_218 = arith.muli %add3A_215, %mul3A_217 : vector<16xi32>
    %add3A_219 = arith.addi %mul3A_218, %get3A_210 : vector<16xi32>
    %sub3A_220 = arith.constant 1 : i32
    %sub3A_221 = vector.broadcast %sub3A_220 : i32 to vector<16xi32>
    %sub3A_222 = arith.subi %add3A_219, %sub3A_221 : vector<16xi32>
    %swap3A_223 = arith.constant 176 : index
    %swap3A_224 = tpu.vector_load %arg11[%swap3A_223] {strides = array<i32>} : memref<512xi32, #tpu.memory_space<vmem>>, vector<16xi32>,
    %swap3A_225 = vector.shape_cast %swap3A_224 : vector<16xi32> to vector<16xi32>
    %swap3A_226 = vector.shape_cast %sub3A_222 : vector<16xi32> to vector<16xi32>
    tpu.vector_store %arg11[%swap3A_223], %swap3A_226 {strides = array<i32>} : memref<512xi32, #tpu.memory_space<vmem>>, vector<16xi32>,
    %get3A_227 = arith.constant 192 : index
    %get3A_228 = tpu.vector_load %arg10[%get3A_227] {strides = array<i32>} : memref<512xi32, #tpu.memory_space<vmem>>, vector<16xi32>,
    %get3A_229 = vector.shape_cast %get3A_228 : vector<16xi32> to vector<16xi32>
    %iota3A_230 = tpu.iota {dimensions = array<i32: 0>} : vector<16xi32>
    %add3A_231 = arith.constant 192 : i32
    %add3A_232 = arith.addi %mul3A_2, %add3A_231 : i32
    %add3A_233 = vector.broadcast %add3A_232 : i32 to vector<16xi32>
    %add3A_234 = arith.addi %iota3A_230, %add3A_233 : vector<16xi32>
    %mul3A_235 = arith.constant 50 : i32
    %mul3A_236 = vector.broadcast %mul3A_235 : i32 to vector<16xi32>
    %mul3A_237 = arith.muli %add3A_234, %mul3A_236 : vector<16xi32>
    %add3A_238 = arith.addi %mul3A_237, %get3A_229 : vector<16xi32>
    %sub3A_239 = arith.constant 1 : i32
    %sub3A_240 = vector.broadcast %sub3A_239 : i32 to vector<16xi32>
    %sub3A_241 = arith.subi %add3A_238, %sub3A_240 : vector<16xi32>
    %swap3A_242 = arith.constant 192 : index
    %swap3A_243 = tpu.vector_load %arg11[%swap3A_242] {strides = array<i32>} : memref<512xi32, #tpu.memory_space<vmem>>, vector<16xi32>,
    %swap3A_244 = vector.shape_cast %swap3A_243 : vector<16xi32> to vector<16xi32>
    %swap3A_245 = vector.shape_cast %sub3A_241 : vector<16xi32> to vector<16xi32>
    tpu.vector_store %arg11[%swap3A_242], %swap3A_245 {strides = array<i32>} : memref<512xi32, #tpu.memory_space<vmem>>, vector<16xi32>,
    %get3A_246 = arith.constant 208 : index
    %get3A_247 = tpu.vector_load %arg10[%get3A_246] {strides = array<i32>} : memref<512xi32, #tpu.memory_space<vmem>>, vector<16xi32>,
    %get3A_248 = vector.shape_cast %get3A_247 : vector<16xi32> to vector<16xi32>
    %iota3A_249 = tpu.iota {dimensions = array<i32: 0>} : vector<16xi32>
    %add3A_250 = arith.constant 208 : i32
    %add3A_251 = arith.addi %mul3A_2, %add3A_250 : i32
    %add3A_252 = vector.broadcast %add3A_251 : i32 to vector<16xi32>
    %add3A_253 = arith.addi %iota3A_249, %add3A_252 : vector<16xi32>
    %mul3A_254 = arith.constant 50 : i32
    %mul3A_255 = vector.broadcast %mul3A_254 : i32 to vector<16xi32>
    %mul3A_256 = arith.muli %add3A_253, %mul3A_255 : vector<16xi32>
    %add3A_257 = arith.addi %mul3A_256, %get3A_248 : vector<16xi32>
    %sub3A_258 = arith.constant 1 : i32
    %sub3A_259 = vector.broadcast %sub3A_258 : i32 to vector<16xi32>
    %sub3A_260 = arith.subi %add3A_257, %sub3A_259 : vector<16xi32>
    %swap3A_261 = arith.constant 208 : index
    %swap3A_262 = tpu.vector_load %arg11[%swap3A_261] {strides = array<i32>} : memref<512xi32, #tpu.memory_space<vmem>>, vector<16xi32>,
    %swap3A_263 = vector.shape_cast %swap3A_262 : vector<16xi32> to vector<16xi32>
    %swap3A_264 = vector.shape_cast %sub3A_260 : vector<16xi32> to vector<16xi32>
    tpu.vector_store %arg11[%swap3A_261], %swap3A_264 {strides = array<i32>} : memref<512xi32, #tpu.memory_space<vmem>>, vector<16xi32>,
    %get3A_265 = arith.constant 224 : index
    %get3A_266 = tpu.vector_load %arg10[%get3A_265] {strides = array<i32>} : memref<512xi32, #tpu.memory_space<vmem>>, vector<16xi32>,
    %get3A_267 = vector.shape_cast %get3A_266 : vector<16xi32> to vector<16xi32>
    %iota3A_268 = tpu.iota {dimensions = array<i32: 0>} : vector<16xi32>
    %add3A_269 = arith.constant 224 : i32
    %add3A_270 = arith.addi %mul3A_2, %add3A_269 : i32
    %add3A_271 = vector.broadcast %add3A_270 : i32 to vector<16xi32>
    %add3A_272 = arith.addi %iota3A_268, %add3A_271 : vector<16xi32>
    %mul3A_273 = arith.constant 50 : i32
    %mul3A_274 = vector.broadcast %mul3A_273 : i32 to vector<16xi32>
    %mul3A_275 = arith.muli %add3A_272, %mul3A_274 : vector<16xi32>
    %add3A_276 = arith.addi %mul3A_275, %get3A_267 : vector<16xi32>
    %sub3A_277 = arith.constant 1 : i32
    %sub3A_278 = vector.broadcast %sub3A_277 : i32 to vector<16xi32>
    %sub3A_279 = arith.subi %add3A_276, %sub3A_278 : vector<16xi32>
    %swap3A_280 = arith.constant 224 : index
    %swap3A_281 = tpu.vector_load %arg11[%swap3A_280] {strides = array<i32>} : memref<512xi32, #tpu.memory_space<vmem>>, vector<16xi32>,
    %swap3A_282 = vector.shape_cast %swap3A_281 : vector<16xi32> to vector<16xi32>
    %swap3A_283 = vector.shape_cast %sub3A_279 : vector<16xi32> to vector<16xi32>
    tpu.vector_store %arg11[%swap3A_280], %swap3A_283 {strides = array<i32>} : memref<512xi32, #tpu.memory_space<vmem>>, vector<16xi32>,
    %get3A_284 = arith.constant 240 : index
    %get3A_285 = tpu.vector_load %arg10[%get3A_284] {strides = array<i32>} : memref<512xi32, #tpu.memory_space<vmem>>, vector<16xi32>,
    %get3A_286 = vector.shape_cast %get3A_285 : vector<16xi32> to vector<16xi32>
    %iota3A_287 = tpu.iota {dimensions = array<i32: 0>} : vector<16xi32>
    %add3A_288 = arith.constant 240 : i32
    %add3A_289 = arith.addi %mul3A_2, %add3A_288 : i32
    %add3A_290 = vector.broadcast %add3A_289 : i32 to vector<16xi32>
    %add3A_291 = arith.addi %iota3A_287, %add3A_290 : vector<16xi32>
    %mul3A_292 = arith.constant 50 : i32
    %mul3A_293 = vector.broadcast %mul3A_292 : i32 to vector<16xi32>
    %mul3A_294 = arith.muli %add3A_291, %mul3A_293 : vector<16xi32>
    %add3A_295 = arith.addi %mul3A_294, %get3A_286 : vector<16xi32>
    %sub3A_296 = arith.constant 1 : i32
    %sub3A_297 = vector.broadcast %sub3A_296 : i32 to vector<16xi32>
    %sub3A_298 = arith.subi %add3A_295, %sub3A_297 : vector<16xi32>
    %swap3A_299 = arith.constant 240 : index
    %swap3A_300 = tpu.vector_load %arg11[%swap3A_299] {strides = array<i32>} : memref<512xi32, #tpu.memory_space<vmem>>, vector<16xi32>,
    %swap3A_301 = vector.shape_cast %swap3A_300 : vector<16xi32> to vector<16xi32>
    %swap3A_302 = vector.shape_cast %sub3A_298 : vector<16xi32> to vector<16xi32>
    tpu.vector_store %arg11[%swap3A_299], %swap3A_302 {strides = array<i32>} : memref<512xi32, #tpu.memory_space<vmem>>, vector<16xi32>,
    %get3A_303 = arith.constant 256 : index
    %get3A_304 = tpu.vector_load %arg10[%get3A_303] {strides = array<i32>} : memref<512xi32, #tpu.memory_space<vmem>>, vector<16xi32>,
    %get3A_305 = vector.shape_cast %get3A_304 : vector<16xi32> to vector<16xi32>
    %iota3A_306 = tpu.iota {dimensions = array<i32: 0>} : vector<16xi32>
    %add3A_307 = arith.constant 256 : i32
    %add3A_308 = arith.addi %mul3A_2, %add3A_307 : i32
    %add3A_309 = vector.broadcast %add3A_308 : i32 to vector<16xi32>
    %add3A_310 = arith.addi %iota3A_306, %add3A_309 : vector<16xi32>
    %mul3A_311 = arith.constant 50 : i32
    %mul3A_312 = vector.broadcast %mul3A_311 : i32 to vector<16xi32>
    %mul3A_313 = arith.muli %add3A_310, %mul3A_312 : vector<16xi32>
    %add3A_314 = arith.addi %mul3A_313, %get3A_305 : vector<16xi32>
    %sub3A_315 = arith.constant 1 : i32
    %sub3A_316 = vector.broadcast %sub3A_315 : i32 to vector<16xi32>
    %sub3A_317 = arith.subi %add3A_314, %sub3A_316 : vector<16xi32>
    %swap3A_318 = arith.constant 256 : index
    %swap3A_319 = tpu.vector_load %arg11[%swap3A_318] {strides = array<i32>} : memref<512xi32, #tpu.memory_space<vmem>>, vector<16xi32>,
    %swap3A_320 = vector.shape_cast %swap3A_319 : vector<16xi32> to vector<16xi32>
    %swap3A_321 = vector.shape_cast %sub3A_317 : vector<16xi32> to vector<16xi32>
    tpu.vector_store %arg11[%swap3A_318], %swap3A_321 {strides = array<i32>} : memref<512xi32, #tpu.memory_space<vmem>>, vector<16xi32>,
    %get3A_322 = arith.constant 272 : index
    %get3A_323 = tpu.vector_load %arg10[%get3A_322] {strides = array<i32>} : memref<512xi32, #tpu.memory_space<vmem>>, vector<16xi32>,
    %get3A_324 = vector.shape_cast %get3A_323 : vector<16xi32> to vector<16xi32>
    %iota3A_325 = tpu.iota {dimensions = array<i32: 0>} : vector<16xi32>
    %add3A_326 = arith.constant 272 : i32
    %add3A_327 = arith.addi %mul3A_2, %add3A_326 : i32
    %add3A_328 = vector.broadcast %add3A_327 : i32 to vector<16xi32>
    %add3A_329 = arith.addi %iota3A_325, %add3A_328 : vector<16xi32>
    %mul3A_330 = arith.constant 50 : i32
    %mul3A_331 = vector.broadcast %mul3A_330 : i32 to vector<16xi32>
    %mul3A_332 = arith.muli %add3A_329, %mul3A_331 : vector<16xi32>
    %add3A_333 = arith.addi %mul3A_332, %get3A_324 : vector<16xi32>
    %sub3A_334 = arith.constant 1 : i32
    %sub3A_335 = vector.broadcast %sub3A_334 : i32 to vector<16xi32>
    %sub3A_336 = arith.subi %add3A_333, %sub3A_335 : vector<16xi32>
    %swap3A_337 = arith.constant 272 : index
    %swap3A_338 = tpu.vector_load %arg11[%swap3A_337] {strides = array<i32>} : memref<512xi32, #tpu.memory_space<vmem>>, vector<16xi32>,
    %swap3A_339 = vector.shape_cast %swap3A_338 : vector<16xi32> to vector<16xi32>
    %swap3A_340 = vector.shape_cast %sub3A_336 : vector<16xi32> to vector<16xi32>
    tpu.vector_store %arg11[%swap3A_337], %swap3A_340 {strides = array<i32>} : memref<512xi32, #tpu.memory_space<vmem>>, vector<16xi32>,
    %get3A_341 = arith.constant 288 : index
    %get3A_342 = tpu.vector_load %arg10[%get3A_341] {strides = array<i32>} : memref<512xi32, #tpu.memory_space<vmem>>, vector<16xi32>,
    %get3A_343 = vector.shape_cast %get3A_342 : vector<16xi32> to vector<16xi32>
    %iota3A_344 = tpu.iota {dimensions = array<i32: 0>} : vector<16xi32>
    %add3A_345 = arith.constant 288 : i32
    %add3A_346 = arith.addi %mul3A_2, %add3A_345 : i32
    %add3A_347 = vector.broadcast %add3A_346 : i32 to vector<16xi32>
    %add3A_348 = arith.addi %iota3A_344, %add3A_347 : vector<16xi32>
    %mul3A_349 = arith.constant 50 : i32
    %mul3A_350 = vector.broadcast %mul3A_349 : i32 to vector<16xi32>
    %mul3A_351 = arith.muli %add3A_348, %mul3A_350 : vector<16xi32>
    %add3A_352 = arith.addi %mul3A_351, %get3A_343 : vector<16xi32>
    %sub3A_353 = arith.constant 1 : i32
    %sub3A_354 = vector.broadcast %sub3A_353 : i32 to vector<16xi32>
    %sub3A_355 = arith.subi %add3A_352, %sub3A_354 : vector<16xi32>
    %swap3A_356 = arith.constant 288 : index
    %swap3A_357 = tpu.vector_load %arg11[%swap3A_356] {strides = array<i32>} : memref<512xi32, #tpu.memory_space<vmem>>, vector<16xi32>,
    %swap3A_358 = vector.shape_cast %swap3A_357 : vector<16xi32> to vector<16xi32>
    %swap3A_359 = vector.shape_cast %sub3A_355 : vector<16xi32> to vector<16xi32>
    tpu.vector_store %arg11[%swap3A_356], %swap3A_359 {strides = array<i32>} : memref<512xi32, #tpu.memory_space<vmem>>, vector<16xi32>,
    %get3A_360 = arith.constant 304 : index
    %get3A_361 = tpu.vector_load %arg10[%get3A_360] {strides = array<i32>} : memref<512xi32, #tpu.memory_space<vmem>>, vector<16xi32>,
    %get3A_362 = vector.shape_cast %get3A_361 : vector<16xi32> to vector<16xi32>
    %iota3A_363 = tpu.iota {dimensions = array<i32: 0>} : vector<16xi32>
    %add3A_364 = arith.constant 304 : i32
    %add3A_365 = arith.addi %mul3A_2, %add3A_364 : i32
    %add3A_366 = vector.broadcast %add3A_365 : i32 to vector<16xi32>
    %add3A_367 = arith.addi %iota3A_363, %add3A_366 : vector<16xi32>
    %mul3A_368 = arith.constant 50 : i32
    %mul3A_369 = vector.broadcast %mul3A_368 : i32 to vector<16xi32>
    %mul3A_370 = arith.muli %add3A_367, %mul3A_369 : vector<16xi32>
    %add3A_371 = arith.addi %mul3A_370, %get3A_362 : vector<16xi32>
    %sub3A_372 = arith.constant 1 : i32
    %sub3A_373 = vector.broadcast %sub3A_372 : i32 to vector<16xi32>
    %sub3A_374 = arith.subi %add3A_371, %sub3A_373 : vector<16xi32>
    %swap3A_375 = arith.constant 304 : index
    %swap3A_376 = tpu.vector_load %arg11[%swap3A_375] {strides = array<i32>} : memref<512xi32, #tpu.memory_space<vmem>>, vector<16xi32>,
    %swap3A_377 = vector.shape_cast %swap3A_376 : vector<16xi32> to vector<16xi32>
    %swap3A_378 = vector.shape_cast %sub3A_374 : vector<16xi32> to vector<16xi32>
    tpu.vector_store %arg11[%swap3A_375], %swap3A_378 {strides = array<i32>} : memref<512xi32, #tpu.memory_space<vmem>>, vector<16xi32>,
    %get3A_379 = arith.constant 320 : index
    %get3A_380 = tpu.vector_load %arg10[%get3A_379] {strides = array<i32>} : memref<512xi32, #tpu.memory_space<vmem>>, vector<16xi32>,
    %get3A_381 = vector.shape_cast %get3A_380 : vector<16xi32> to vector<16xi32>
    %iota3A_382 = tpu.iota {dimensions = array<i32: 0>} : vector<16xi32>
    %add3A_383 = arith.constant 320 : i32
    %add3A_384 = arith.addi %mul3A_2, %add3A_383 : i32
    %add3A_385 = vector.broadcast %add3A_384 : i32 to vector<16xi32>
    %add3A_386 = arith.addi %iota3A_382, %add3A_385 : vector<16xi32>
    %mul3A_387 = arith.constant 50 : i32
    %mul3A_388 = vector.broadcast %mul3A_387 : i32 to vector<16xi32>
    %mul3A_389 = arith.muli %add3A_386, %mul3A_388 : vector<16xi32>
    %add3A_390 = arith.addi %mul3A_389, %get3A_381 : vector<16xi32>
    %sub3A_391 = arith.constant 1 : i32
    %sub3A_392 = vector.broadcast %sub3A_391 : i32 to vector<16xi32>
    %sub3A_393 = arith.subi %add3A_390, %sub3A_392 : vector<16xi32>
    %swap3A_394 = arith.constant 320 : index
    %swap3A_395 = tpu.vector_load %arg11[%swap3A_394] {strides = array<i32>} : memref<512xi32, #tpu.memory_space<vmem>>, vector<16xi32>,
    %swap3A_396 = vector.shape_cast %swap3A_395 : vector<16xi32> to vector<16xi32>
    %swap3A_397 = vector.shape_cast %sub3A_393 : vector<16xi32> to vector<16xi32>
    tpu.vector_store %arg11[%swap3A_394], %swap3A_397 {strides = array<i32>} : memref<512xi32, #tpu.memory_space<vmem>>, vector<16xi32>,
    %get3A_398 = arith.constant 336 : index
    %get3A_399 = tpu.vector_load %arg10[%get3A_398] {strides = array<i32>} : memref<512xi32, #tpu.memory_space<vmem>>, vector<16xi32>,
    %get3A_400 = vector.shape_cast %get3A_399 : vector<16xi32> to vector<16xi32>
    %iota3A_401 = tpu.iota {dimensions = array<i32: 0>} : vector<16xi32>
    %add3A_402 = arith.constant 336 : i32
    %add3A_403 = arith.addi %mul3A_2, %add3A_402 : i32
    %add3A_404 = vector.broadcast %add3A_403 : i32 to vector<16xi32>
    %add3A_405 = arith.addi %iota3A_401, %add3A_404 : vector<16xi32>
    %mul3A_406 = arith.constant 50 : i32
    %mul3A_407 = vector.broadcast %mul3A_406 : i32 to vector<16xi32>
    %mul3A_408 = arith.muli %add3A_405, %mul3A_407 : vector<16xi32>
    %add3A_409 = arith.addi %mul3A_408, %get3A_400 : vector<16xi32>
    %sub3A_410 = arith.constant 1 : i32
    %sub3A_411 = vector.broadcast %sub3A_410 : i32 to vector<16xi32>
    %sub3A_412 = arith.subi %add3A_409, %sub3A_411 : vector<16xi32>
    %swap3A_413 = arith.constant 336 : index
    %swap3A_414 = tpu.vector_load %arg11[%swap3A_413] {strides = array<i32>} : memref<512xi32, #tpu.memory_space<vmem>>, vector<16xi32>,
    %swap3A_415 = vector.shape_cast %swap3A_414 : vector<16xi32> to vector<16xi32>
    %swap3A_416 = vector.shape_cast %sub3A_412 : vector<16xi32> to vector<16xi32>
    tpu.vector_store %arg11[%swap3A_413], %swap3A_416 {strides = array<i32>} : memref<512xi32, #tpu.memory_space<vmem>>, vector<16xi32>,
    %get3A_417 = arith.constant 352 : index
    %get3A_418 = tpu.vector_load %arg10[%get3A_417] {strides = array<i32>} : memref<512xi32, #tpu.memory_space<vmem>>, vector<16xi32>,
    %get3A_419 = vector.shape_cast %get3A_418 : vector<16xi32> to vector<16xi32>
    %iota3A_420 = tpu.iota {dimensions = array<i32: 0>} : vector<16xi32>
    %add3A_421 = arith.constant 352 : i32
    %add3A_422 = arith.addi %mul3A_2, %add3A_421 : i32
    %add3A_423 = vector.broadcast %add3A_422 : i32 to vector<16xi32>
    %add3A_424 = arith.addi %iota3A_420, %add3A_423 : vector<16xi32>
    %mul3A_425 = arith.constant 50 : i32
    %mul3A_426 = vector.broadcast %mul3A_425 : i32 to vector<16xi32>
    %mul3A_427 = arith.muli %add3A_424, %mul3A_426 : vector<16xi32>
    %add3A_428 = arith.addi %mul3A_427, %get3A_419 : vector<16xi32>
    %sub3A_429 = arith.constant 1 : i32
    %sub3A_430 = vector.broadcast %sub3A_429 : i32 to vector<16xi32>
    %sub3A_431 = arith.subi %add3A_428, %sub3A_430 : vector<16xi32>
    %swap3A_432 = arith.constant 352 : index
    %swap3A_433 = tpu.vector_load %arg11[%swap3A_432] {strides = array<i32>} : memref<512xi32, #tpu.memory_space<vmem>>, vector<16xi32>,
    %swap3A_434 = vector.shape_cast %swap3A_433 : vector<16xi32> to vector<16xi32>
    %swap3A_435 = vector.shape_cast %sub3A_431 : vector<16xi32> to vector<16xi32>
    tpu.vector_store %arg11[%swap3A_432], %swap3A_435 {strides = array<i32>} : memref<512xi32, #tpu.memory_space<vmem>>, vector<16xi32>,
    %get3A_436 = arith.constant 368 : index
    %get3A_437 = tpu.vector_load %arg10[%get3A_436] {strides = array<i32>} : memref<512xi32, #tpu.memory_space<vmem>>, vector<16xi32>,
    %get3A_438 = vector.shape_cast %get3A_437 : vector<16xi32> to vector<16xi32>
    %iota3A_439 = tpu.iota {dimensions = array<i32: 0>} : vector<16xi32>
    %add3A_440 = arith.constant 368 : i32
    %add3A_441 = arith.addi %mul3A_2, %add3A_440 : i32
    %add3A_442 = vector.broadcast %add3A_441 : i32 to vector<16xi32>
    %add3A_443 = arith.addi %iota3A_439, %add3A_442 : vector<16xi32>
    %mul3A_444 = arith.constant 50 : i32
    %mul3A_445 = vector.broadcast %mul3A_444 : i32 to vector<16xi32>
    %mul3A_446 = arith.muli %add3A_443, %mul3A_445 : vector<16xi32>
    %add3A_447 = arith.addi %mul3A_446, %get3A_438 : vector<16xi32>
    %sub3A_448 = arith.constant 1 : i32
    %sub3A_449 = vector.broadcast %sub3A_448 : i32 to vector<16xi32>
    %sub3A_450 = arith.subi %add3A_447, %sub3A_449 : vector<16xi32>
    %swap3A_451 = arith.constant 368 : index
    %swap3A_452 = tpu.vector_load %arg11[%swap3A_451] {strides = array<i32>} : memref<512xi32, #tpu.memory_space<vmem>>, vector<16xi32>,
    %swap3A_453 = vector.shape_cast %swap3A_452 : vector<16xi32> to vector<16xi32>
    %swap3A_454 = vector.shape_cast %sub3A_450 : vector<16xi32> to vector<16xi32>
    tpu.vector_store %arg11[%swap3A_451], %swap3A_454 {strides = array<i32>} : memref<512xi32, #tpu.memory_space<vmem>>, vector<16xi32>,
    %get3A_455 = arith.constant 384 : index
    %get3A_456 = tpu.vector_load %arg10[%get3A_455] {strides = array<i32>} : memref<512xi32, #tpu.memory_space<vmem>>, vector<16xi32>,
    %get3A_457 = vector.shape_cast %get3A_456 : vector<16xi32> to vector<16xi32>
    %iota3A_458 = tpu.iota {dimensions = array<i32: 0>} : vector<16xi32>
    %add3A_459 = arith.constant 384 : i32
    %add3A_460 = arith.addi %mul3A_2, %add3A_459 : i32
    %add3A_461 = vector.broadcast %add3A_460 : i32 to vector<16xi32>
    %add3A_462 = arith.addi %iota3A_458, %add3A_461 : vector<16xi32>
    %mul3A_463 = arith.constant 50 : i32
    %mul3A_464 = vector.broadcast %mul3A_463 : i32 to vector<16xi32>
    %mul3A_465 = arith.muli %add3A_462, %mul3A_464 : vector<16xi32>
    %add3A_466 = arith.addi %mul3A_465, %get3A_457 : vector<16xi32>
    %sub3A_467 = arith.constant 1 : i32
    %sub3A_468 = vector.broadcast %sub3A_467 : i32 to vector<16xi32>
    %sub3A_469 = arith.subi %add3A_466, %sub3A_468 : vector<16xi32>
    %swap3A_470 = arith.constant 384 : index
    %swap3A_471 = tpu.vector_load %arg11[%swap3A_470] {strides = array<i32>} : memref<512xi32, #tpu.memory_space<vmem>>, vector<16xi32>,
    %swap3A_472 = vector.shape_cast %swap3A_471 : vector<16xi32> to vector<16xi32>
    %swap3A_473 = vector.shape_cast %sub3A_469 : vector<16xi32> to vector<16xi32>
    tpu.vector_store %arg11[%swap3A_470], %swap3A_473 {strides = array<i32>} : memref<512xi32, #tpu.memory_space<vmem>>, vector<16xi32>,
    %get3A_474 = arith.constant 400 : index
    %get3A_475 = tpu.vector_load %arg10[%get3A_474] {strides = array<i32>} : memref<512xi32, #tpu.memory_space<vmem>>, vector<16xi32>,
    %get3A_476 = vector.shape_cast %get3A_475 : vector<16xi32> to vector<16xi32>
    %iota3A_477 = tpu.iota {dimensions = array<i32: 0>} : vector<16xi32>
    %add3A_478 = arith.constant 400 : i32
    %add3A_479 = arith.addi %mul3A_2, %add3A_478 : i32
    %add3A_480 = vector.broadcast %add3A_479 : i32 to vector<16xi32>
    %add3A_481 = arith.addi %iota3A_477, %add3A_480 : vector<16xi32>
    %mul3A_482 = arith.constant 50 : i32
    %mul3A_483 = vector.broadcast %mul3A_482 : i32 to vector<16xi32>
    %mul3A_484 = arith.muli %add3A_481, %mul3A_483 : vector<16xi32>
    %add3A_485 = arith.addi %mul3A_484, %get3A_476 : vector<16xi32>
    %sub3A_486 = arith.constant 1 : i32
    %sub3A_487 = vector.broadcast %sub3A_486 : i32 to vector<16xi32>
    %sub3A_488 = arith.subi %add3A_485, %sub3A_487 : vector<16xi32>
    %swap3A_489 = arith.constant 400 : index
    %swap3A_490 = tpu.vector_load %arg11[%swap3A_489] {strides = array<i32>} : memref<512xi32, #tpu.memory_space<vmem>>, vector<16xi32>,
    %swap3A_491 = vector.shape_cast %swap3A_490 : vector<16xi32> to vector<16xi32>
    %swap3A_492 = vector.shape_cast %sub3A_488 : vector<16xi32> to vector<16xi32>
    tpu.vector_store %arg11[%swap3A_489], %swap3A_492 {strides = array<i32>} : memref<512xi32, #tpu.memory_space<vmem>>, vector<16xi32>,
    %get3A_493 = arith.constant 416 : index
    %get3A_494 = tpu.vector_load %arg10[%get3A_493] {strides = array<i32>} : memref<512xi32, #tpu.memory_space<vmem>>, vector<16xi32>,
    %get3A_495 = vector.shape_cast %get3A_494 : vector<16xi32> to vector<16xi32>
    %iota3A_496 = tpu.iota {dimensions = array<i32: 0>} : vector<16xi32>
    %add3A_497 = arith.constant 416 : i32
    %add3A_498 = arith.addi %mul3A_2, %add3A_497 : i32
    %add3A_499 = vector.broadcast %add3A_498 : i32 to vector<16xi32>
    %add3A_500 = arith.addi %iota3A_496, %add3A_499 : vector<16xi32>
    %mul3A_501 = arith.constant 50 : i32
    %mul3A_502 = vector.broadcast %mul3A_501 : i32 to vector<16xi32>
    %mul3A_503 = arith.muli %add3A_500, %mul3A_502 : vector<16xi32>
    %add3A_504 = arith.addi %mul3A_503, %get3A_495 : vector<16xi32>
    %sub3A_505 = arith.constant 1 : i32
    %sub3A_506 = vector.broadcast %sub3A_505 : i32 to vector<16xi32>
    %sub3A_507 = arith.subi %add3A_504, %sub3A_506 : vector<16xi32>
    %swap3A_508 = arith.constant 416 : index
    %swap3A_509 = tpu.vector_load %arg11[%swap3A_508] {strides = array<i32>} : memref<512xi32, #tpu.memory_space<vmem>>, vector<16xi32>,
    %swap3A_510 = vector.shape_cast %swap3A_509 : vector<16xi32> to vector<16xi32>
    %swap3A_511 = vector.shape_cast %sub3A_507 : vector<16xi32> to vector<16xi32>
    tpu.vector_store %arg11[%swap3A_508], %swap3A_511 {strides = array<i32>} : memref<512xi32, #tpu.memory_space<vmem>>, vector<16xi32>,
    %get3A_512 = arith.constant 432 : index
    %get3A_513 = tpu.vector_load %arg10[%get3A_512] {strides = array<i32>} : memref<512xi32, #tpu.memory_space<vmem>>, vector<16xi32>,
    %get3A_514 = vector.shape_cast %get3A_513 : vector<16xi32> to vector<16xi32>
    %iota3A_515 = tpu.iota {dimensions = array<i32: 0>} : vector<16xi32>
    %add3A_516 = arith.constant 432 : i32
    %add3A_517 = arith.addi %mul3A_2, %add3A_516 : i32
    %add3A_518 = vector.broadcast %add3A_517 : i32 to vector<16xi32>
    %add3A_519 = arith.addi %iota3A_515, %add3A_518 : vector<16xi32>
    %mul3A_520 = arith.constant 50 : i32
    %mul3A_521 = vector.broadcast %mul3A_520 : i32 to vector<16xi32>
    %mul3A_522 = arith.muli %add3A_519, %mul3A_521 : vector<16xi32>
    %add3A_523 = arith.addi %mul3A_522, %get3A_514 : vector<16xi32>
    %sub3A_524 = arith.constant 1 : i32
    %sub3A_525 = vector.broadcast %sub3A_524 : i32 to vector<16xi32>
    %sub3A_526 = arith.subi %add3A_523, %sub3A_525 : vector<16xi32>
    %swap3A_527 = arith.constant 432 : index
    %swap3A_528 = tpu.vector_load %arg11[%swap3A_527] {strides = array<i32>} : memref<512xi32, #tpu.memory_space<vmem>>, vector<16xi32>,
    %swap3A_529 = vector.shape_cast %swap3A_528 : vector<16xi32> to vector<16xi32>
    %swap3A_530 = vector.shape_cast %sub3A_526 : vector<16xi32> to vector<16xi32>
    tpu.vector_store %arg11[%swap3A_527], %swap3A_530 {strides = array<i32>} : memref<512xi32, #tpu.memory_space<vmem>>, vector<16xi32>,
    %get3A_531 = arith.constant 448 : index
    %get3A_532 = tpu.vector_load %arg10[%get3A_531] {strides = array<i32>} : memref<512xi32, #tpu.memory_space<vmem>>, vector<16xi32>,
    %get3A_533 = vector.shape_cast %get3A_532 : vector<16xi32> to vector<16xi32>
    %iota3A_534 = tpu.iota {dimensions = array<i32: 0>} : vector<16xi32>
    %add3A_535 = arith.constant 448 : i32
    %add3A_536 = arith.addi %mul3A_2, %add3A_535 : i32
    %add3A_537 = vector.broadcast %add3A_536 : i32 to vector<16xi32>
    %add3A_538 = arith.addi %iota3A_534, %add3A_537 : vector<16xi32>
    %mul3A_539 = arith.constant 50 : i32
    %mul3A_540 = vector.broadcast %mul3A_539 : i32 to vector<16xi32>
    %mul3A_541 = arith.muli %add3A_538, %mul3A_540 : vector<16xi32>
    %add3A_542 = arith.addi %mul3A_541, %get3A_533 : vector<16xi32>
    %sub3A_543 = arith.constant 1 : i32
    %sub3A_544 = vector.broadcast %sub3A_543 : i32 to vector<16xi32>
    %sub3A_545 = arith.subi %add3A_542, %sub3A_544 : vector<16xi32>
    %swap3A_546 = arith.constant 448 : index
    %swap3A_547 = tpu.vector_load %arg11[%swap3A_546] {strides = array<i32>} : memref<512xi32, #tpu.memory_space<vmem>>, vector<16xi32>,
    %swap3A_548 = vector.shape_cast %swap3A_547 : vector<16xi32> to vector<16xi32>
    %swap3A_549 = vector.shape_cast %sub3A_545 : vector<16xi32> to vector<16xi32>
    tpu.vector_store %arg11[%swap3A_546], %swap3A_549 {strides = array<i32>} : memref<512xi32, #tpu.memory_space<vmem>>, vector<16xi32>,
    %get3A_550 = arith.constant 464 : index
    %get3A_551 = tpu.vector_load %arg10[%get3A_550] {strides = array<i32>} : memref<512xi32, #tpu.memory_space<vmem>>, vector<16xi32>,
    %get3A_552 = vector.shape_cast %get3A_551 : vector<16xi32> to vector<16xi32>
    %iota3A_553 = tpu.iota {dimensions = array<i32: 0>} : vector<16xi32>
    %add3A_554 = arith.constant 464 : i32
    %add3A_555 = arith.addi %mul3A_2, %add3A_554 : i32
    %add3A_556 = vector.broadcast %add3A_555 : i32 to vector<16xi32>
    %add3A_557 = arith.addi %iota3A_553, %add3A_556 : vector<16xi32>
    %mul3A_558 = arith.constant 50 : i32
    %mul3A_559 = vector.broadcast %mul3A_558 : i32 to vector<16xi32>
    %mul3A_560 = arith.muli %add3A_557, %mul3A_559 : vector<16xi32>
    %add3A_561 = arith.addi %mul3A_560, %get3A_552 : vector<16xi32>
    %sub3A_562 = arith.constant 1 : i32
    %sub3A_563 = vector.broadcast %sub3A_562 : i32 to vector<16xi32>
    %sub3A_564 = arith.subi %add3A_561, %sub3A_563 : vector<16xi32>
    %swap3A_565 = arith.constant 464 : index
    %swap3A_566 = tpu.vector_load %arg11[%swap3A_565] {strides = array<i32>} : memref<512xi32, #tpu.memory_space<vmem>>, vector<16xi32>,
    %swap3A_567 = vector.shape_cast %swap3A_566 : vector<16xi32> to vector<16xi32>
    %swap3A_568 = vector.shape_cast %sub3A_564 : vector<16xi32> to vector<16xi32>
    tpu.vector_store %arg11[%swap3A_565], %swap3A_568 {strides = array<i32>} : memref<512xi32, #tpu.memory_space<vmem>>, vector<16xi32>,
    %get3A_569 = arith.constant 480 : index
    %get3A_570 = tpu.vector_load %arg10[%get3A_569] {strides = array<i32>} : memref<512xi32, #tpu.memory_space<vmem>>, vector<16xi32>,
    %get3A_571 = vector.shape_cast %get3A_570 : vector<16xi32> to vector<16xi32>
    %iota3A_572 = tpu.iota {dimensions = array<i32: 0>} : vector<16xi32>
    %add3A_573 = arith.constant 480 : i32
    %add3A_574 = arith.addi %mul3A_2, %add3A_573 : i32
    %add3A_575 = vector.broadcast %add3A_574 : i32 to vector<16xi32>
    %add3A_576 = arith.addi %iota3A_572, %add3A_575 : vector<16xi32>
    %mul3A_577 = arith.constant 50 : i32
    %mul3A_578 = vector.broadcast %mul3A_577 : i32 to vector<16xi32>
    %mul3A_579 = arith.muli %add3A_576, %mul3A_578 : vector<16xi32>
    %add3A_580 = arith.addi %mul3A_579, %get3A_571 : vector<16xi32>
    %sub3A_581 = arith.constant 1 : i32
    %sub3A_582 = vector.broadcast %sub3A_581 : i32 to vector<16xi32>
    %sub3A_583 = arith.subi %add3A_580, %sub3A_582 : vector<16xi32>
    %swap3A_584 = arith.constant 480 : index
    %swap3A_585 = tpu.vector_load %arg11[%swap3A_584] {strides = array<i32>} : memref<512xi32, #tpu.memory_space<vmem>>, vector<16xi32>,
    %swap3A_586 = vector.shape_cast %swap3A_585 : vector<16xi32> to vector<16xi32>
    %swap3A_587 = vector.shape_cast %sub3A_583 : vector<16xi32> to vector<16xi32>
    tpu.vector_store %arg11[%swap3A_584], %swap3A_587 {strides = array<i32>} : memref<512xi32, #tpu.memory_space<vmem>>, vector<16xi32>,
    %get3A_588 = arith.constant 496 : index
    %get3A_589 = tpu.vector_load %arg10[%get3A_588] {strides = array<i32>} : memref<512xi32, #tpu.memory_space<vmem>>, vector<16xi32>,
    %get3A_590 = vector.shape_cast %get3A_589 : vector<16xi32> to vector<16xi32>
    %iota3A_591 = tpu.iota {dimensions = array<i32: 0>} : vector<16xi32>
    %add3A_592 = arith.constant 496 : i32
    %add3A_593 = arith.addi %mul3A_2, %add3A_592 : i32
    %add3A_594 = vector.broadcast %add3A_593 : i32 to vector<16xi32>
    %add3A_595 = arith.addi %iota3A_591, %add3A_594 : vector<16xi32>
    %mul3A_596 = arith.constant 50 : i32
    %mul3A_597 = vector.broadcast %mul3A_596 : i32 to vector<16xi32>
    %mul3A_598 = arith.muli %add3A_595, %mul3A_597 : vector<16xi32>
    %add3A_599 = arith.addi %mul3A_598, %get3A_590 : vector<16xi32>
    %sub3A_600 = arith.constant 1 : i32
    %sub3A_601 = vector.broadcast %sub3A_600 : i32 to vector<16xi32>
    %sub3A_602 = arith.subi %add3A_599, %sub3A_601 : vector<16xi32>
    %swap3A_603 = arith.constant 496 : index
    %swap3A_604 = tpu.vector_load %arg11[%swap3A_603] {strides = array<i32>} : memref<512xi32, #tpu.memory_space<vmem>>, vector<16xi32>,
    %swap3A_605 = vector.shape_cast %swap3A_604 : vector<16xi32> to vector<16xi32>
    %swap3A_606 = vector.shape_cast %sub3A_602 : vector<16xi32> to vector<16xi32>
    tpu.vector_store %arg11[%swap3A_603], %swap3A_606 {strides = array<i32>} : memref<512xi32, #tpu.memory_space<vmem>>, vector<16xi32>,
    %dma_start3A = arith.constant 0 : i32
    %dma_start3A_607 = tpu.memref_slice %arg12[%dma_start3A] : memref<512xi32, #tpu.memory_space<vmem>> -> memref<128xi32, #tpu.memory_space<vmem>>
    %dma_start3A_608 = arith.constant 0 : i32
    %dma_start3A_609 = tpu.memref_slice %arg11[%dma_start3A_608] : memref<512xi32, #tpu.memory_space<vmem>> -> memref<128xi32, #tpu.memory_space<vmem>>
    %dma_start3A_610 = arith.constant 0 : i32
    %dma_start3A_611 = tpu.memref_slice %arg3[%dma_start3A_610] : memref<819200xi32, #tpu.memory_space<hbm>> -> memref<819200xi32, #tpu.memory_space<hbm>>
    tpu.enqueue_indirect_dma source(%dma_start3A_611 : memref<819200xi32, #tpu.memory_space<hbm>>) target(%dma_start3A_607 : memref<128xi32, #tpu.memory_space<vmem>>) offsets(%dma_start3A_609 : memref<128xi32, #tpu.memory_space<vmem>>) semaphore(%arg17 : memref<!tpu.dma_semaphore, #tpu.memory_space<semaphore_mem>>)
    %dma_start3A_612 = arith.constant 128 : i32
    %dma_start3A_613 = tpu.memref_slice %arg12[%dma_start3A_612] : memref<512xi32, #tpu.memory_space<vmem>> -> memref<128xi32, #tpu.memory_space<vmem>>
    %dma_start3A_614 = arith.constant 128 : i32
    %dma_start3A_615 = tpu.memref_slice %arg11[%dma_start3A_614] : memref<512xi32, #tpu.memory_space<vmem>> -> memref<128xi32, #tpu.memory_space<vmem>>
    %dma_start3A_616 = arith.constant 0 : i32
    %dma_start3A_617 = tpu.memref_slice %arg3[%dma_start3A_616] : memref<819200xi32, #tpu.memory_space<hbm>> -> memref<819200xi32, #tpu.memory_space<hbm>>
    tpu.enqueue_indirect_dma source(%dma_start3A_617 : memref<819200xi32, #tpu.memory_space<hbm>>) target(%dma_start3A_613 : memref<128xi32, #tpu.memory_space<vmem>>) offsets(%dma_start3A_615 : memref<128xi32, #tpu.memory_space<vmem>>) semaphore(%arg17 : memref<!tpu.dma_semaphore, #tpu.memory_space<semaphore_mem>>)
    %dma_start3A_618 = arith.constant 256 : i32
    %dma_start3A_619 = tpu.memref_slice %arg12[%dma_start3A_618] : memref<512xi32, #tpu.memory_space<vmem>> -> memref<128xi32, #tpu.memory_space<vmem>>
    %dma_start3A_620 = arith.constant 256 : i32
    %dma_start3A_621 = tpu.memref_slice %arg11[%dma_start3A_620] : memref<512xi32, #tpu.memory_space<vmem>> -> memref<128xi32, #tpu.memory_space<vmem>>
    %dma_start3A_622 = arith.constant 0 : i32
    %dma_start3A_623 = tpu.memref_slice %arg3[%dma_start3A_622] : memref<819200xi32, #tpu.memory_space<hbm>> -> memref<819200xi32, #tpu.memory_space<hbm>>
    tpu.enqueue_indirect_dma source(%dma_start3A_623 : memref<819200xi32, #tpu.memory_space<hbm>>) target(%dma_start3A_619 : memref<128xi32, #tpu.memory_space<vmem>>) offsets(%dma_start3A_621 : memref<128xi32, #tpu.memory_space<vmem>>) semaphore(%arg17 : memref<!tpu.dma_semaphore, #tpu.memory_space<semaphore_mem>>)
    %dma_start3A_624 = arith.constant 384 : i32
    %dma_start3A_625 = tpu.memref_slice %arg12[%dma_start3A_624] : memref<512xi32, #tpu.memory_space<vmem>> -> memref<128xi32, #tpu.memory_space<vmem>>
    %dma_start3A_626 = arith.constant 384 : i32
    %dma_start3A_627 = tpu.memref_slice %arg11[%dma_start3A_626] : memref<512xi32, #tpu.memory_space<vmem>> -> memref<128xi32, #tpu.memory_space<vmem>>
    %dma_start3A_628 = arith.constant 0 : i32
    %dma_start3A_629 = tpu.memref_slice %arg3[%dma_start3A_628] : memref<819200xi32, #tpu.memory_space<hbm>> -> memref<819200xi32, #tpu.memory_space<hbm>>
    tpu.enqueue_indirect_dma source(%dma_start3A_629 : memref<819200xi32, #tpu.memory_space<hbm>>) target(%dma_start3A_625 : memref<128xi32, #tpu.memory_space<vmem>>) offsets(%dma_start3A_627 : memref<128xi32, #tpu.memory_space<vmem>>) semaphore(%arg17 : memref<!tpu.dma_semaphore, #tpu.memory_space<semaphore_mem>>)
    %dma_wait3A = arith.constant 0 : i32
    %dma_wait3A_630 = tpu.memref_slice %arg12[%dma_wait3A] : memref<512xi32, #tpu.memory_space<vmem>> -> memref<128xi32, #tpu.memory_space<vmem>>
    %dma_wait3A_631 = arith.constant 0 : i32
    %dma_wait3A_632 = tpu.memref_slice %arg11[%dma_wait3A_631] : memref<512xi32, #tpu.memory_space<vmem>> -> memref<128xi32, #tpu.memory_space<vmem>>
    %dma_wait3A_633 = arith.constant 0 : i32
    %dma_wait3A_634 = tpu.memref_slice %arg3[%dma_wait3A_633] : memref<819200xi32, #tpu.memory_space<hbm>> -> memref<819200xi32, #tpu.memory_space<hbm>>
    tpu.wait_indirect_dma semaphore(%arg17 : memref<!tpu.dma_semaphore, #tpu.memory_space<semaphore_mem>>) src(%dma_wait3A_634 : memref<819200xi32, #tpu.memory_space<hbm>>) dst(%dma_wait3A_630 : memref<128xi32, #tpu.memory_space<vmem>>)
    %dma_wait3A_635 = arith.constant 128 : i32
    %dma_wait3A_636 = tpu.memref_slice %arg12[%dma_wait3A_635] : memref<512xi32, #tpu.memory_space<vmem>> -> memref<128xi32, #tpu.memory_space<vmem>>
    %dma_wait3A_637 = arith.constant 128 : i32
    %dma_wait3A_638 = tpu.memref_slice %arg11[%dma_wait3A_637] : memref<512xi32, #tpu.memory_space<vmem>> -> memref<128xi32, #tpu.memory_space<vmem>>
    %dma_wait3A_639 = arith.constant 0 : i32
    %dma_wait3A_640 = tpu.memref_slice %arg3[%dma_wait3A_639] : memref<819200xi32, #tpu.memory_space<hbm>> -> memref<819200xi32, #tpu.memory_space<hbm>>
    tpu.wait_indirect_dma semaphore(%arg17 : memref<!tpu.dma_semaphore, #tpu.memory_space<semaphore_mem>>) src(%dma_wait3A_640 : memref<819200xi32, #tpu.memory_space<hbm>>) dst(%dma_wait3A_636 : memref<128xi32, #tpu.memory_space<vmem>>)
    %dma_wait3A_641 = arith.constant 256 : i32
    %dma_wait3A_642 = tpu.memref_slice %arg12[%dma_wait3A_641] : memref<512xi32, #tpu.memory_space<vmem>> -> memref<128xi32, #tpu.memory_space<vmem>>
    %dma_wait3A_643 = arith.constant 256 : i32
    %dma_wait3A_644 = tpu.memref_slice %arg11[%dma_wait3A_643] : memref<512xi32, #tpu.memory_space<vmem>> -> memref<128xi32, #tpu.memory_space<vmem>>
    %dma_wait3A_645 = arith.constant 0 : i32
    %dma_wait3A_646 = tpu.memref_slice %arg3[%dma_wait3A_645] : memref<819200xi32, #tpu.memory_space<hbm>> -> memref<819200xi32, #tpu.memory_space<hbm>>
    tpu.wait_indirect_dma semaphore(%arg17 : memref<!tpu.dma_semaphore, #tpu.memory_space<semaphore_mem>>) src(%dma_wait3A_646 : memref<819200xi32, #tpu.memory_space<hbm>>) dst(%dma_wait3A_642 : memref<128xi32, #tpu.memory_space<vmem>>)
    %dma_wait3A_647 = arith.constant 384 : i32
    %dma_wait3A_648 = tpu.memref_slice %arg12[%dma_wait3A_647] : memref<512xi32, #tpu.memory_space<vmem>> -> memref<128xi32, #tpu.memory_space<vmem>>
    %dma_wait3A_649 = arith.constant 384 : i32
    %dma_wait3A_650 = tpu.memref_slice %arg11[%dma_wait3A_649] : memref<512xi32, #tpu.memory_space<vmem>> -> memref<128xi32, #tpu.memory_space<vmem>>
    %dma_wait3A_651 = arith.constant 0 : i32
    %dma_wait3A_652 = tpu.memref_slice %arg3[%dma_wait3A_651] : memref<819200xi32, #tpu.memory_space<hbm>> -> memref<819200xi32, #tpu.memory_space<hbm>>
    tpu.wait_indirect_dma semaphore(%arg17 : memref<!tpu.dma_semaphore, #tpu.memory_space<semaphore_mem>>) src(%dma_wait3A_652 : memref<819200xi32, #tpu.memory_space<hbm>>) dst(%dma_wait3A_648 : memref<128xi32, #tpu.memory_space<vmem>>)
    %get3A_653 = arith.constant 0 : index
    %get3A_654 = tpu.vector_load %arg16[%get3A_653] {strides = array<i32>} : memref<64xf32, #tpu.memory_space<vmem>>, vector<16xf32>,
    %get3A_655 = vector.shape_cast %get3A_654 : vector<16xf32> to vector<16xf32>
    %get3A_656 = arith.constant 16 : index
    %get3A_657 = tpu.vector_load %arg16[%get3A_656] {strides = array<i32>} : memref<64xf32, #tpu.memory_space<vmem>>, vector<16xf32>,
    %get3A_658 = vector.shape_cast %get3A_657 : vector<16xf32> to vector<16xf32>
    %get3A_659 = arith.constant 32 : index
    %get3A_660 = tpu.vector_load %arg16[%get3A_659] {strides = array<i32>} : memref<64xf32, #tpu.memory_space<vmem>>, vector<16xf32>,
    %get3A_661 = vector.shape_cast %get3A_660 : vector<16xf32> to vector<16xf32>
    %get3A_662 = arith.constant 48 : index
    %get3A_663 = tpu.vector_load %arg16[%get3A_662] {strides = array<i32>} : memref<64xf32, #tpu.memory_space<vmem>>, vector<16xf32>,
    %get3A_664 = vector.shape_cast %get3A_663 : vector<16xf32> to vector<16xf32>
    %get3A_665 = arith.constant 0 : index
    %get3A_666 = tpu.vector_load %arg9[%get3A_665] {strides = array<i32>} : memref<512xi32, #tpu.memory_space<vmem>>, vector<16xi32>,
    %get3A_667 = vector.shape_cast %get3A_666 : vector<16xi32> to vector<16xi32>
    %get3A_668 = arith.constant 0 : index
    %get3A_669 = tpu.vector_load %arg12[%get3A_668] {strides = array<i32>} : memref<512xi32, #tpu.memory_space<vmem>>, vector<16xi32>,
    %get3A_670 = vector.shape_cast %get3A_669 : vector<16xi32> to vector<16xi32>
    %slice3A = vector.extract_strided_slice %get3A_667 {offsets = [0], sizes = [1], strides = [1]} : vector<16xi32> to vector<1xi32>
    %squeeze3A = vector.extract %slice3A[0] : i32 from vector<1xi32>
    %shift_right_arithmetic3A = arith.constant 3 : i32
    %shift_right_arithmetic3A_671 = arith.shrsi %squeeze3A, %shift_right_arithmetic3A : i32
    %mul3A_672 = arith.constant 8 : i32
    %mul3A_673 = arith.muli %shift_right_arithmetic3A_671, %mul3A_672 : i32
    %multiple_of3A = tpu.assume_multiple %mul3A_673, 8 : i32
    %slice3A_674 = vector.extract_strided_slice %get3A_670 {offsets = [0], sizes = [1], strides = [1]} : vector<16xi32> to vector<1xi32>
    %squeeze3A_675 = vector.extract %slice3A_674[0] : i32 from vector<1xi32>
    %shift_right_arithmetic3A_676 = arith.constant 3 : i32
    %shift_right_arithmetic3A_677 = arith.shrsi %squeeze3A_675, %shift_right_arithmetic3A_676 : i32
    %mul3A_678 = arith.constant 8 : i32
    %mul3A_679 = arith.muli %shift_right_arithmetic3A_677, %mul3A_678 : i32
    %multiple_of3A_680 = tpu.assume_multiple %mul3A_679, 8 : i32
    %dma_start3A_681 = arith.constant 0 : i32
    %dma_start3A_682 = arith.constant 0 : i32
    %dma_start3A_683 = arith.constant 0 : i32
    %dma_start3A_684 = arith.constant 0 : i32
    %dma_start3A_685 = tpu.memref_slice %arg13[%dma_start3A_681, %dma_start3A_682, %dma_start3A_683, %dma_start3A_684] : memref<2x16x8x64xf32, #tpu.memory_space<vmem>> -> memref<1x1x8x64xf32, #tpu.memory_space<vmem>>
    %dma_start3A_686 = tpu.memref_squeeze %dma_start3A_685 : memref<1x1x8x64xf32, #tpu.memory_space<vmem>> -> memref<8x64xf32, #tpu.memory_space<vmem>>
    %dma_start3A_687 = arith.constant 0 : i32
    %dma_start3A_688 = tpu.memref_slice %arg5[%multiple_of3A, %dma_start3A_687] : memref<1000000x64xf32, #tpu.memory_space<hbm>> -> memref<8x64xf32, #tpu.memory_space<hbm>>
    %dma_start3A_689 = arith.constant 0 : i32
    %dma_start3A_690 = arith.constant 0 : i32
    %dma_start3A_691 = tpu.memref_slice %arg13[%dma_start3A_681, %dma_start3A_682, %dma_start3A_689, %dma_start3A_690] : memref<2x16x8x64xf32, #tpu.memory_space<vmem>> -> memref<1x1x8x64xf32, #tpu.memory_space<vmem>>
    %dma_start3A_692 = tpu.memref_squeeze %dma_start3A_691 : memref<1x1x8x64xf32, #tpu.memory_space<vmem>> -> memref<8x64xf32, #tpu.memory_space<vmem>>
    %dma_start3A_693 = arith.constant 0 : i32
    %dma_start3A_694 = tpu.memref_slice %arg5[%multiple_of3A, %dma_start3A_693] : memref<1000000x64xf32, #tpu.memory_space<hbm>> -> memref<8x64xf32, #tpu.memory_space<hbm>>
    tpu.enqueue_dma source(%dma_start3A_694 : memref<8x64xf32, #tpu.memory_space<hbm>>) target(%dma_start3A_692 : memref<8x64xf32, #tpu.memory_space<vmem>>) target_semaphore(%arg18 : memref<!tpu.dma_semaphore, #tpu.memory_space<semaphore_mem>>)
    %dma_start3A_695 = arith.constant 0 : i32
    %dma_start3A_696 = arith.constant 0 : i32
    %dma_start3A_697 = arith.constant 0 : i32
    %dma_start3A_698 = arith.constant 0 : i32
    %dma_start3A_699 = tpu.memref_slice %arg14[%dma_start3A_695, %dma_start3A_696, %dma_start3A_697, %dma_start3A_698] : memref<2x16x8x64xf32, #tpu.memory_space<vmem>> -> memref<1x1x8x64xf32, #tpu.memory_space<vmem>>
    %dma_start3A_700 = tpu.memref_squeeze %dma_start3A_699 : memref<1x1x8x64xf32, #tpu.memory_space<vmem>> -> memref<8x64xf32, #tpu.memory_space<vmem>>
    %dma_start3A_701 = arith.constant 0 : i32
    %dma_start3A_702 = tpu.memref_slice %arg6[%multiple_of3A_680, %dma_start3A_701] : memref<1000000x64xf32, #tpu.memory_space<hbm>> -> memref<8x64xf32, #tpu.memory_space<hbm>>
    %dma_start3A_703 = arith.constant 0 : i32
    %dma_start3A_704 = arith.constant 0 : i32
    %dma_start3A_705 = tpu.memref_slice %arg14[%dma_start3A_695, %dma_start3A_696, %dma_start3A_703, %dma_start3A_704] : memref<2x16x8x64xf32, #tpu.memory_space<vmem>> -> memref<1x1x8x64xf32, #tpu.memory_space<vmem>>
    %dma_start3A_706 = tpu.memref_squeeze %dma_start3A_705 : memref<1x1x8x64xf32, #tpu.memory_space<vmem>> -> memref<8x64xf32, #tpu.memory_space<vmem>>
    %dma_start3A_707 = arith.constant 0 : i32
    %dma_start3A_708 = tpu.memref_slice %arg6[%multiple_of3A_680, %dma_start3A_707] : memref<1000000x64xf32, #tpu.memory_space<hbm>> -> memref<8x64xf32, #tpu.memory_space<hbm>>
    tpu.enqueue_dma source(%dma_start3A_708 : memref<8x64xf32, #tpu.memory_space<hbm>>) target(%dma_start3A_706 : memref<8x64xf32, #tpu.memory_space<vmem>>) target_semaphore(%arg18 : memref<!tpu.dma_semaphore, #tpu.memory_space<semaphore_mem>>)
    %slice3A_709 = vector.extract_strided_slice %get3A_667 {offsets = [1], sizes = [1], strides = [1]} : vector<16xi32> to vector<1xi32>
    %squeeze3A_710 = vector.extract %slice3A_709[0] : i32 from vector<1xi32>
    %shift_right_arithmetic3A_711 = arith.constant 3 : i32
    %shift_right_arithmetic3A_712 = arith.shrsi %squeeze3A_710, %shift_right_arithmetic3A_711 : i32
    %mul3A_713 = arith.constant 8 : i32
    %mul3A_714 = arith.muli %shift_right_arithmetic3A_712, %mul3A_713 : i32
    %multiple_of3A_715 = tpu.assume_multiple %mul3A_714, 8 : i32
    %slice3A_716 = vector.extract_strided_slice %get3A_670 {offsets = [1], sizes = [1], strides = [1]} : vector<16xi32> to vector<1xi32>
    %squeeze3A_717 = vector.extract %slice3A_716[0] : i32 from vector<1xi32>
    %shift_right_arithmetic3A_718 = arith.constant 3 : i32
    %shift_right_arithmetic3A_719 = arith.shrsi %squeeze3A_717, %shift_right_arithmetic3A_718 : i32
    %mul3A_720 = arith.constant 8 : i32
    %mul3A_721 = arith.muli %shift_right_arithmetic3A_719, %mul3A_720 : i32
    %multiple_of3A_722 = tpu.assume_multiple %mul3A_721, 8 : i32
    %dma_start3A_723 = arith.constant 0 : i32
    %dma_start3A_724 = arith.constant 1 : i32
    %dma_start3A_725 = arith.constant 0 : i32
    %dma_start3A_726 = arith.constant 0 : i32
    %dma_start3A_727 = tpu.memref_slice %arg13[%dma_start3A_723, %dma_start3A_724, %dma_start3A_725, %dma_start3A_726] : memref<2x16x8x64xf32, #tpu.memory_space<vmem>> -> memref<1x1x8x64xf32, #tpu.memory_space<vmem>>
    %dma_start3A_728 = tpu.memref_squeeze %dma_start3A_727 : memref<1x1x8x64xf32, #tpu.memory_space<vmem>> -> memref<8x64xf32, #tpu.memory_space<vmem>>
    %dma_start3A_729 = arith.constant 0 : i32
    %dma_start3A_730 = tpu.memref_slice %arg5[%multiple_of3A_715, %dma_start3A_729] : memref<1000000x64xf32, #tpu.memory_space<hbm>> -> memref<8x64xf32, #tpu.memory_space<hbm>>
    %dma_start3A_731 = arith.constant 0 : i32
    %dma_start3A_732 = arith.constant 0 : i32
    %dma_start3A_733 = tpu.memref_slice %arg13[%dma_start3A_723, %dma_start3A_724, %dma_start3A_731, %dma_start3A_732] : memref<2x16x8x64xf32, #tpu.memory_space<vmem>> -> memref<1x1x8x64xf32, #tpu.memory_space<vmem>>
    %dma_start3A_734 = tpu.memref_squeeze %dma_start3A_733 : memref<1x1x8x64xf32, #tpu.memory_space<vmem>> -> memref<8x64xf32, #tpu.memory_space<vmem>>
    %dma_start3A_735 = arith.constant 0 : i32
    %dma_start3A_736 = tpu.memref_slice %arg5[%multiple_of3A_715, %dma_start3A_735] : memref<1000000x64xf32, #tpu.memory_space<hbm>> -> memref<8x64xf32, #tpu.memory_space<hbm>>
    tpu.enqueue_dma source(%dma_start3A_736 : memref<8x64xf32, #tpu.memory_space<hbm>>) target(%dma_start3A_734 : memref<8x64xf32, #tpu.memory_space<vmem>>) target_semaphore(%arg18 : memref<!tpu.dma_semaphore, #tpu.memory_space<semaphore_mem>>)
    %dma_start3A_737 = arith.constant 0 : i32
    %dma_start3A_738 = arith.constant 1 : i32
    %dma_start3A_739 = arith.constant 0 : i32
    %dma_start3A_740 = arith.constant 0 : i32
    %dma_start3A_741 = tpu.memref_slice %arg14[%dma_start3A_737, %dma_start3A_738, %dma_start3A_739, %dma_start3A_740] : memref<2x16x8x64xf32, #tpu.memory_space<vmem>> -> memref<1x1x8x64xf32, #tpu.memory_space<vmem>>
    %dma_start3A_742 = tpu.memref_squeeze %dma_start3A_741 : memref<1x1x8x64xf32, #tpu.memory_space<vmem>> -> memref<8x64xf32, #tpu.memory_space<vmem>>
    %dma_start3A_743 = arith.constant 0 : i32
    %dma_start3A_744 = tpu.memref_slice %arg6[%multiple_of3A_722, %dma_start3A_743] : memref<1000000x64xf32, #tpu.memory_space<hbm>> -> memref<8x64xf32, #tpu.memory_space<hbm>>
    %dma_start3A_745 = arith.constant 0 : i32
    %dma_start3A_746 = arith.constant 0 : i32
    %dma_start3A_747 = tpu.memref_slice %arg14[%dma_start3A_737, %dma_start3A_738, %dma_start3A_745, %dma_start3A_746] : memref<2x16x8x64xf32, #tpu.memory_space<vmem>> -> memref<1x1x8x64xf32, #tpu.memory_space<vmem>>
    %dma_start3A_748 = tpu.memref_squeeze %dma_start3A_747 : memref<1x1x8x64xf32, #tpu.memory_space<vmem>> -> memref<8x64xf32, #tpu.memory_space<vmem>>
    %dma_start3A_749 = arith.constant 0 : i32
    %dma_start3A_750 = tpu.memref_slice %arg6[%multiple_of3A_722, %dma_start3A_749] : memref<1000000x64xf32, #tpu.memory_space<hbm>> -> memref<8x64xf32, #tpu.memory_space<hbm>>
    tpu.enqueue_dma source(%dma_start3A_750 : memref<8x64xf32, #tpu.memory_space<hbm>>) target(%dma_start3A_748 : memref<8x64xf32, #tpu.memory_space<vmem>>) target_semaphore(%arg18 : memref<!tpu.dma_semaphore, #tpu.memory_space<semaphore_mem>>)
    %slice3A_751 = vector.extract_strided_slice %get3A_667 {offsets = [2], sizes = [1], strides = [1]} : vector<16xi32> to vector<1xi32>
    %squeeze3A_752 = vector.extract %slice3A_751[0] : i32 from vector<1xi32>
    %shift_right_arithmetic3A_753 = arith.constant 3 : i32
    %shift_right_arithmetic3A_754 = arith.shrsi %squeeze3A_752, %shift_right_arithmetic3A_753 : i32
    %mul3A_755 = arith.constant 8 : i32
    %mul3A_756 = arith.muli %shift_right_arithmetic3A_754, %mul3A_755 : i32
    %multiple_of3A_757 = tpu.assume_multiple %mul3A_756, 8 : i32
    %slice3A_758 = vector.extract_strided_slice %get3A_670 {offsets = [2], sizes = [1], strides = [1]} : vector<16xi32> to vector<1xi32>
    %squeeze3A_759 = vector.extract %slice3A_758[0] : i32 from vector<1xi32>
    %shift_right_arithmetic3A_760 = arith.constant 3 : i32
    %shift_right_arithmetic3A_761 = arith.shrsi %squeeze3A_759, %shift_right_arithmetic3A_760 : i32
    %mul3A_762 = arith.constant 8 : i32
    %mul3A_763 = arith.muli %shift_right_arithmetic3A_761, %mul3A_762 : i32
    %multiple_of3A_764 = tpu.assume_multiple %mul3A_763, 8 : i32
    %dma_start3A_765 = arith.constant 0 : i32
    %dma_start3A_766 = arith.constant 2 : i32
    %dma_start3A_767 = arith.constant 0 : i32
    %dma_start3A_768 = arith.constant 0 : i32
    %dma_start3A_769 = tpu.memref_slice %arg13[%dma_start3A_765, %dma_start3A_766, %dma_start3A_767, %dma_start3A_768] : memref<2x16x8x64xf32, #tpu.memory_space<vmem>> -> memref<1x1x8x64xf32, #tpu.memory_space<vmem>>
    %dma_start3A_770 = tpu.memref_squeeze %dma_start3A_769 : memref<1x1x8x64xf32, #tpu.memory_space<vmem>> -> memref<8x64xf32, #tpu.memory_space<vmem>>
    %dma_start3A_771 = arith.constant 0 : i32
    %dma_start3A_772 = tpu.memref_slice %arg5[%multiple_of3A_757, %dma_start3A_771] : memref<1000000x64xf32, #tpu.memory_space<hbm>> -> memref<8x64xf32, #tpu.memory_space<hbm>>
    %dma_start3A_773 = arith.constant 0 : i32
    %dma_start3A_774 = arith.constant 0 : i32
    %dma_start3A_775 = tpu.memref_slice %arg13[%dma_start3A_765, %dma_start3A_766, %dma_start3A_773, %dma_start3A_774] : memref<2x16x8x64xf32, #tpu.memory_space<vmem>> -> memref<1x1x8x64xf32, #tpu.memory_space<vmem>>
    %dma_start3A_776 = tpu.memref_squeeze %dma_start3A_775 : memref<1x1x8x64xf32, #tpu.memory_space<vmem>> -> memref<8x64xf32, #tpu.memory_space<vmem>>
    %dma_start3A_777 = arith.constant 0 : i32
    %dma_start3A_778 = tpu.memref_slice %arg5[%multiple_of3A_757, %dma_start3A_777] : memref<1000000x64xf32, #tpu.memory_space<hbm>> -> memref<8x64xf32, #tpu.memory_space<hbm>>
    tpu.enqueue_dma source(%dma_start3A_778 : memref<8x64xf32, #tpu.memory_space<hbm>>) target(%dma_start3A_776 : memref<8x64xf32, #tpu.memory_space<vmem>>) target_semaphore(%arg18 : memref<!tpu.dma_semaphore, #tpu.memory_space<semaphore_mem>>)
    %dma_start3A_779 = arith.constant 0 : i32
    %dma_start3A_780 = arith.constant 2 : i32
    %dma_start3A_781 = arith.constant 0 : i32
    %dma_start3A_782 = arith.constant 0 : i32
    %dma_start3A_783 = tpu.memref_slice %arg14[%dma_start3A_779, %dma_start3A_780, %dma_start3A_781, %dma_start3A_782] : memref<2x16x8x64xf32, #tpu.memory_space<vmem>> -> memref<1x1x8x64xf32, #tpu.memory_space<vmem>>
    %dma_start3A_784 = tpu.memref_squeeze %dma_start3A_783 : memref<1x1x8x64xf32, #tpu.memory_space<vmem>> -> memref<8x64xf32, #tpu.memory_space<vmem>>
    %dma_start3A_785 = arith.constant 0 : i32
    %dma_start3A_786 = tpu.memref_slice %arg6[%multiple_of3A_764, %dma_start3A_785] : memref<1000000x64xf32, #tpu.memory_space<hbm>> -> memref<8x64xf32, #tpu.memory_space<hbm>>
    %dma_start3A_787 = arith.constant 0 : i32
    %dma_start3A_788 = arith.constant 0 : i32
    %dma_start3A_789 = tpu.memref_slice %arg14[%dma_start3A_779, %dma_start3A_780, %dma_start3A_787, %dma_start3A_788] : memref<2x16x8x64xf32, #tpu.memory_space<vmem>> -> memref<1x1x8x64xf32, #tpu.memory_space<vmem>>
    %dma_start3A_790 = tpu.memref_squeeze %dma_start3A_789 : memref<1x1x8x64xf32, #tpu.memory_space<vmem>> -> memref<8x64xf32, #tpu.memory_space<vmem>>
    %dma_start3A_791 = arith.constant 0 : i32
    %dma_start3A_792 = tpu.memref_slice %arg6[%multiple_of3A_764, %dma_start3A_791] : memref<1000000x64xf32, #tpu.memory_space<hbm>> -> memref<8x64xf32, #tpu.memory_space<hbm>>
    tpu.enqueue_dma source(%dma_start3A_792 : memref<8x64xf32, #tpu.memory_space<hbm>>) target(%dma_start3A_790 : memref<8x64xf32, #tpu.memory_space<vmem>>) target_semaphore(%arg18 : memref<!tpu.dma_semaphore, #tpu.memory_space<semaphore_mem>>)
    %slice3A_793 = vector.extract_strided_slice %get3A_667 {offsets = [3], sizes = [1], strides = [1]} : vector<16xi32> to vector<1xi32>
    %squeeze3A_794 = vector.extract %slice3A_793[0] : i32 from vector<1xi32>
    %shift_right_arithmetic3A_795 = arith.constant 3 : i32
    %shift_right_arithmetic3A_796 = arith.shrsi %squeeze3A_794, %shift_right_arithmetic3A_795 : i32
    %mul3A_797 = arith.constant 8 : i32
    %mul3A_798 = arith.muli %shift_right_arithmetic3A_796, %mul3A_797 : i32
    %multiple_of3A_799 = tpu.assume_multiple %mul3A_798, 8 : i32
    %slice3A_800 = vector.extract_strided_slice %get3A_670 {offsets = [3], sizes = [1], strides = [1]} : vector<16xi32> to vector<1xi32>
    %squeeze3A_801 = vector.extract %slice3A_800[0] : i32 from vector<1xi32>
    %shift_right_arithmetic3A_802 = arith.constant 3 : i32
    %shift_right_arithmetic3A_803 = arith.shrsi %squeeze3A_801, %shift_right_arithmetic3A_802 : i32
    %mul3A_804 = arith.constant 8 : i32
    %mul3A_805 = arith.muli %shift_right_arithmetic3A_803, %mul3A_804 : i32
    %multiple_of3A_806 = tpu.assume_multiple %mul3A_805, 8 : i32
    %dma_start3A_807 = arith.constant 0 : i32
    %dma_start3A_808 = arith.constant 3 : i32
    %dma_start3A_809 = arith.constant 0 : i32
    %dma_start3A_810 = arith.constant 0 : i32
    %dma_start3A_811 = tpu.memref_slice %arg13[%dma_start3A_807, %dma_start3A_808, %dma_start3A_809, %dma_start3A_810] : memref<2x16x8x64xf32, #tpu.memory_space<vmem>> -> memref<1x1x8x64xf32, #tpu.memory_space<vmem>>
    %dma_start3A_812 = tpu.memref_squeeze %dma_start3A_811 : memref<1x1x8x64xf32, #tpu.memory_space<vmem>> -> memref<8x64xf32, #tpu.memory_space<vmem>>
    %dma_start3A_813 = arith.constant 0 : i32
    %dma_start3A_814 = tpu.memref_slice %arg5[%multiple_of3A_799, %dma_start3A_813] : memref<1000000x64xf32, #tpu.memory_space<hbm>> -> memref<8x64xf32, #tpu.memory_space<hbm>>
    %dma_start3A_815 = arith.constant 0 : i32
    %dma_start3A_816 = arith.constant 0 : i32
    %dma_start3A_817 = tpu.memref_slice %arg13[%dma_start3A_807, %dma_start3A_808, %dma_start3A_815, %dma_start3A_816] : memref<2x16x8x64xf32, #tpu.memory_space<vmem>> -> memref<1x1x8x64xf32, #tpu.memory_space<vmem>>
    %dma_start3A_818 = tpu.memref_squeeze %dma_start3A_817 : memref<1x1x8x64xf32, #tpu.memory_space<vmem>> -> memref<8x64xf32, #tpu.memory_space<vmem>>
    %dma_start3A_819 = arith.constant 0 : i32
    %dma_start3A_820 = tpu.memref_slice %arg5[%multiple_of3A_799, %dma_start3A_819] : memref<1000000x64xf32, #tpu.memory_space<hbm>> -> memref<8x64xf32, #tpu.memory_space<hbm>>
    tpu.enqueue_dma source(%dma_start3A_820 : memref<8x64xf32, #tpu.memory_space<hbm>>) target(%dma_start3A_818 : memref<8x64xf32, #tpu.memory_space<vmem>>) target_semaphore(%arg18 : memref<!tpu.dma_semaphore, #tpu.memory_space<semaphore_mem>>)
    %dma_start3A_821 = arith.constant 0 : i32
    %dma_start3A_822 = arith.constant 3 : i32
    %dma_start3A_823 = arith.constant 0 : i32
    %dma_start3A_824 = arith.constant 0 : i32
    %dma_start3A_825 = tpu.memref_slice %arg14[%dma_start3A_821, %dma_start3A_822, %dma_start3A_823, %dma_start3A_824] : memref<2x16x8x64xf32, #tpu.memory_space<vmem>> -> memref<1x1x8x64xf32, #tpu.memory_space<vmem>>
    %dma_start3A_826 = tpu.memref_squeeze %dma_start3A_825 : memref<1x1x8x64xf32, #tpu.memory_space<vmem>> -> memref<8x64xf32, #tpu.memory_space<vmem>>
    %dma_start3A_827 = arith.constant 0 : i32
    %dma_start3A_828 = tpu.memref_slice %arg6[%multiple_of3A_806, %dma_start3A_827] : memref<1000000x64xf32, #tpu.memory_space<hbm>> -> memref<8x64xf32, #tpu.memory_space<hbm>>
    %dma_start3A_829 = arith.constant 0 : i32
    %dma_start3A_830 = arith.constant 0 : i32
    %dma_start3A_831 = tpu.memref_slice %arg14[%dma_start3A_821, %dma_start3A_822, %dma_start3A_829, %dma_start3A_830] : memref<2x16x8x64xf32, #tpu.memory_space<vmem>> -> memref<1x1x8x64xf32, #tpu.memory_space<vmem>>
    %dma_start3A_832 = tpu.memref_squeeze %dma_start3A_831 : memref<1x1x8x64xf32, #tpu.memory_space<vmem>> -> memref<8x64xf32, #tpu.memory_space<vmem>>
    %dma_start3A_833 = arith.constant 0 : i32
    %dma_start3A_834 = tpu.memref_slice %arg6[%multiple_of3A_806, %dma_start3A_833] : memref<1000000x64xf32, #tpu.memory_space<hbm>> -> memref<8x64xf32, #tpu.memory_space<hbm>>
    tpu.enqueue_dma source(%dma_start3A_834 : memref<8x64xf32, #tpu.memory_space<hbm>>) target(%dma_start3A_832 : memref<8x64xf32, #tpu.memory_space<vmem>>) target_semaphore(%arg18 : memref<!tpu.dma_semaphore, #tpu.memory_space<semaphore_mem>>)
    %slice3A_835 = vector.extract_strided_slice %get3A_667 {offsets = [4], sizes = [1], strides = [1]} : vector<16xi32> to vector<1xi32>
    %squeeze3A_836 = vector.extract %slice3A_835[0] : i32 from vector<1xi32>
    %shift_right_arithmetic3A_837 = arith.constant 3 : i32
    %shift_right_arithmetic3A_838 = arith.shrsi %squeeze3A_836, %shift_right_arithmetic3A_837 : i32
    %mul3A_839 = arith.constant 8 : i32
    %mul3A_840 = arith.muli %shift_right_arithmetic3A_838, %mul3A_839 : i32
    %multiple_of3A_841 = tpu.assume_multiple %mul3A_840, 8 : i32
    %slice3A_842 = vector.extract_strided_slice %get3A_670 {offsets = [4], sizes = [1], strides = [1]} : vector<16xi32> to vector<1xi32>
    %squeeze3A_843 = vector.extract %slice3A_842[0] : i32 from vector<1xi32>
    %shift_right_arithmetic3A_844 = arith.constant 3 : i32
    %shift_right_arithmetic3A_845 = arith.shrsi %squeeze3A_843, %shift_right_arithmetic3A_844 : i32
    %mul3A_846 = arith.constant 8 : i32
    %mul3A_847 = arith.muli %shift_right_arithmetic3A_845, %mul3A_846 : i32
    %multiple_of3A_848 = tpu.assume_multiple %mul3A_847, 8 : i32
    %dma_start3A_849 = arith.constant 0 : i32
    %dma_start3A_850 = arith.constant 4 : i32
    %dma_start3A_851 = arith.constant 0 : i32
    %dma_start3A_852 = arith.constant 0 : i32
    %dma_start3A_853 = tpu.memref_slice %arg13[%dma_start3A_849, %dma_start3A_850, %dma_start3A_851, %dma_start3A_852] : memref<2x16x8x64xf32, #tpu.memory_space<vmem>> -> memref<1x1x8x64xf32, #tpu.memory_space<vmem>>
    %dma_start3A_854 = tpu.memref_squeeze %dma_start3A_853 : memref<1x1x8x64xf32, #tpu.memory_space<vmem>> -> memref<8x64xf32, #tpu.memory_space<vmem>>
    %dma_start3A_855 = arith.constant 0 : i32
    %dma_start3A_856 = tpu.memref_slice %arg5[%multiple_of3A_841, %dma_start3A_855] : memref<1000000x64xf32, #tpu.memory_space<hbm>> -> memref<8x64xf32, #tpu.memory_space<hbm>>
    %dma_start3A_857 = arith.constant 0 : i32
    %dma_start3A_858 = arith.constant 0 : i32
    %dma_start3A_859 = tpu.memref_slice %arg13[%dma_start3A_849, %dma_start3A_850, %dma_start3A_857, %dma_start3A_858] : memref<2x16x8x64xf32, #tpu.memory_space<vmem>> -> memref<1x1x8x64xf32, #tpu.memory_space<vmem>>
    %dma_start3A_860 = tpu.memref_squeeze %dma_start3A_859 : memref<1x1x8x64xf32, #tpu.memory_space<vmem>> -> memref<8x64xf32, #tpu.memory_space<vmem>>
    %dma_start3A_861 = arith.constant 0 : i32
    %dma_start3A_862 = tpu.memref_slice %arg5[%multiple_of3A_841, %dma_start3A_861] : memref<1000000x64xf32, #tpu.memory_space<hbm>> -> memref<8x64xf32, #tpu.memory_space<hbm>>
    tpu.enqueue_dma source(%dma_start3A_862 : memref<8x64xf32, #tpu.memory_space<hbm>>) target(%dma_start3A_860 : memref<8x64xf32, #tpu.memory_space<vmem>>) target_semaphore(%arg18 : memref<!tpu.dma_semaphore, #tpu.memory_space<semaphore_mem>>)
    %dma_start3A_863 = arith.constant 0 : i32
    %dma_start3A_864 = arith.constant 4 : i32
    %dma_start3A_865 = arith.constant 0 : i32
    %dma_start3A_866 = arith.constant 0 : i32
    %dma_start3A_867 = tpu.memref_slice %arg14[%dma_start3A_863, %dma_start3A_864, %dma_start3A_865, %dma_start3A_866] : memref<2x16x8x64xf32, #tpu.memory_space<vmem>> -> memref<1x1x8x64xf32, #tpu.memory_space<vmem>>
    %dma_start3A_868 = tpu.memref_squeeze %dma_start3A_867 : memref<1x1x8x64xf32, #tpu.memory_space<vmem>> -> memref<8x64xf32, #tpu.memory_space<vmem>>
    %dma_start3A_869 = arith.constant 0 : i32
    %dma_start3A_870 = tpu.memref_slice %arg6[%multiple_of3A_848, %dma_start3A_869] : memref<1000000x64xf32, #tpu.memory_space<hbm>> -> memref<8x64xf32, #tpu.memory_space<hbm>>
    %dma_start3A_871 = arith.constant 0 : i32
    %dma_start3A_872 = arith.constant 0 : i32
    %dma_start3A_873 = tpu.memref_slice %arg14[%dma_start3A_863, %dma_start3A_864, %dma_start3A_871, %dma_start3A_872] : memref<2x16x8x64xf32, #tpu.memory_space<vmem>> -> memref<1x1x8x64xf32, #tpu.memory_space<vmem>>
    %dma_start3A_874 = tpu.memref_squeeze %dma_start3A_873 : memref<1x1x8x64xf32, #tpu.memory_space<vmem>> -> memref<8x64xf32, #tpu.memory_space<vmem>>
    %dma_start3A_875 = arith.constant 0 : i32
    %dma_start3A_876 = tpu.memref_slice %arg6[%multiple_of3A_848, %dma_start3A_875] : memref<1000000x64xf32, #tpu.memory_space<hbm>> -> memref<8x64xf32, #tpu.memory_space<hbm>>
    tpu.enqueue_dma source(%dma_start3A_876 : memref<8x64xf32, #tpu.memory_space<hbm>>) target(%dma_start3A_874 : memref<8x64xf32, #tpu.memory_space<vmem>>) target_semaphore(%arg18 : memref<!tpu.dma_semaphore, #tpu.memory_space<semaphore_mem>>)
    %slice3A_877 = vector.extract_strided_slice %get3A_667 {offsets = [5], sizes = [1], strides = [1]} : vector<16xi32> to vector<1xi32>
    %squeeze3A_878 = vector.extract %slice3A_877[0] : i32 from vector<1xi32>
    %shift_right_arithmetic3A_879 = arith.constant 3 : i32
    %shift_right_arithmetic3A_880 = arith.shrsi %squeeze3A_878, %shift_right_arithmetic3A_879 : i32
    %mul3A_881 = arith.constant 8 : i32
    %mul3A_882 = arith.muli %shift_right_arithmetic3A_880, %mul3A_881 : i32
    %multiple_of3A_883 = tpu.assume_multiple %mul3A_882, 8 : i32
    %slice3A_884 = vector.extract_strided_slice %get3A_670 {offsets = [5], sizes = [1], strides = [1]} : vector<16xi32> to vector<1xi32>
    %squeeze3A_885 = vector.extract %slice3A_884[0] : i32 from vector<1xi32>
    %shift_right_arithmetic3A_886 = arith.constant 3 : i32
    %shift_right_arithmetic3A_887 = arith.shrsi %squeeze3A_885, %shift_right_arithmetic3A_886 : i32
    %mul3A_888 = arith.constant 8 : i32
    %mul3A_889 = arith.muli %shift_right_arithmetic3A_887, %mul3A_888 : i32
    %multiple_of3A_890 = tpu.assume_multiple %mul3A_889, 8 : i32
    %dma_start3A_891 = arith.constant 0 : i32
    %dma_start3A_892 = arith.constant 5 : i32
    %dma_start3A_893 = arith.constant 0 : i32
    %dma_start3A_894 = arith.constant 0 : i32
    %dma_start3A_895 = tpu.memref_slice %arg13[%dma_start3A_891, %dma_start3A_892, %dma_start3A_893, %dma_start3A_894] : memref<2x16x8x64xf32, #tpu.memory_space<vmem>> -> memref<1x1x8x64xf32, #tpu.memory_space<vmem>>
    %dma_start3A_896 = tpu.memref_squeeze %dma_start3A_895 : memref<1x1x8x64xf32, #tpu.memory_space<vmem>> -> memref<8x64xf32, #tpu.memory_space<vmem>>
    %dma_start3A_897 = arith.constant 0 : i32
    %dma_start3A_898 = tpu.memref_slice %arg5[%multiple_of3A_883, %dma_start3A_897] : memref<1000000x64xf32, #tpu.memory_space<hbm>> -> memref<8x64xf32, #tpu.memory_space<hbm>>
    %dma_start3A_899 = arith.constant 0 : i32
    %dma_start3A_900 = arith.constant 0 : i32
    %dma_start3A_901 = tpu.memref_slice %arg13[%dma_start3A_891, %dma_start3A_892, %dma_start3A_899, %dma_start3A_900] : memref<2x16x8x64xf32, #tpu.memory_space<vmem>> -> memref<1x1x8x64xf32, #tpu.memory_space<vmem>>
    %dma_start3A_902 = tpu.memref_squeeze %dma_start3A_901 : memref<1x1x8x64xf32, #tpu.memory_space<vmem>> -> memref<8x64xf32, #tpu.memory_space<vmem>>
    %dma_start3A_903 = arith.constant 0 : i32
    %dma_start3A_904 = tpu.memref_slice %arg5[%multiple_of3A_883, %dma_start3A_903] : memref<1000000x64xf32, #tpu.memory_space<hbm>> -> memref<8x64xf32, #tpu.memory_space<hbm>>
    tpu.enqueue_dma source(%dma_start3A_904 : memref<8x64xf32, #tpu.memory_space<hbm>>) target(%dma_start3A_902 : memref<8x64xf32, #tpu.memory_space<vmem>>) target_semaphore(%arg18 : memref<!tpu.dma_semaphore, #tpu.memory_space<semaphore_mem>>)
    %dma_start3A_905 = arith.constant 0 : i32
    %dma_start3A_906 = arith.constant 5 : i32
    %dma_start3A_907 = arith.constant 0 : i32
    %dma_start3A_908 = arith.constant 0 : i32
    %dma_start3A_909 = tpu.memref_slice %arg14[%dma_start3A_905, %dma_start3A_906, %dma_start3A_907, %dma_start3A_908] : memref<2x16x8x64xf32, #tpu.memory_space<vmem>> -> memref<1x1x8x64xf32, #tpu.memory_space<vmem>>
    %dma_start3A_910 = tpu.memref_squeeze %dma_start3A_909 : memref<1x1x8x64xf32, #tpu.memory_space<vmem>> -> memref<8x64xf32, #tpu.memory_space<vmem>>
    %dma_start3A_911 = arith.constant 0 : i32
    %dma_start3A_912 = tpu.memref_slice %arg6[%multiple_of3A_890, %dma_start3A_911] : memref<1000000x64xf32, #tpu.memory_space<hbm>> -> memref<8x64xf32, #tpu.memory_space<hbm>>
    %dma_start3A_913 = arith.constant 0 : i32
    %dma_start3A_914 = arith.constant 0 : i32
    %dma_start3A_915 = tpu.memref_slice %arg14[%dma_start3A_905, %dma_start3A_906, %dma_start3A_913, %dma_start3A_914] : memref<2x16x8x64xf32, #tpu.memory_space<vmem>> -> memref<1x1x8x64xf32, #tpu.memory_space<vmem>>
    %dma_start3A_916 = tpu.memref_squeeze %dma_start3A_915 : memref<1x1x8x64xf32, #tpu.memory_space<vmem>> -> memref<8x64xf32, #tpu.memory_space<vmem>>
    %dma_start3A_917 = arith.constant 0 : i32
    %dma_start3A_918 = tpu.memref_slice %arg6[%multiple_of3A_890, %dma_start3A_917] : memref<1000000x64xf32, #tpu.memory_space<hbm>> -> memref<8x64xf32, #tpu.memory_space<hbm>>
    tpu.enqueue_dma source(%dma_start3A_918 : memref<8x64xf32, #tpu.memory_space<hbm>>) target(%dma_start3A_916 : memref<8x64xf32, #tpu.memory_space<vmem>>) target_semaphore(%arg18 : memref<!tpu.dma_semaphore, #tpu.memory_space<semaphore_mem>>)
    %slice3A_919 = vector.extract_strided_slice %get3A_667 {offsets = [6], sizes = [1], strides = [1]} : vector<16xi32> to vector<1xi32>
    %squeeze3A_920 = vector.extract %slice3A_919[0] : i32 from vector<1xi32>
    %shift_right_arithmetic3A_921 = arith.constant 3 : i32
    %shift_right_arithmetic3A_922 = arith.shrsi %squeeze3A_920, %shift_right_arithmetic3A_921 : i32
    %mul3A_923 = arith.constant 8 : i32
    %mul3A_924 = arith.muli %shift_right_arithmetic3A_922, %mul3A_923 : i32
    %multiple_of3A_925 = tpu.assume_multiple %mul3A_924, 8 : i32
    %slice3A_926 = vector.extract_strided_slice %get3A_670 {offsets = [6], sizes = [1], strides = [1]} : vector<16xi32> to vector<1xi32>
    %squeeze3A_927 = vector.extract %slice3A_926[0] : i32 from vector<1xi32>
    %shift_right_arithmetic3A_928 = arith.constant 3 : i32
    %shift_right_arithmetic3A_929 = arith.shrsi %squeeze3A_927, %shift_right_arithmetic3A_928 : i32
    %mul3A_930 = arith.constant 8 : i32
    %mul3A_931 = arith.muli %shift_right_arithmetic3A_929, %mul3A_930 : i32
    %multiple_of3A_932 = tpu.assume_multiple %mul3A_931, 8 : i32
    %dma_start3A_933 = arith.constant 0 : i32
    %dma_start3A_934 = arith.constant 6 : i32
    %dma_start3A_935 = arith.constant 0 : i32
    %dma_start3A_936 = arith.constant 0 : i32
    %dma_start3A_937 = tpu.memref_slice %arg13[%dma_start3A_933, %dma_start3A_934, %dma_start3A_935, %dma_start3A_936] : memref<2x16x8x64xf32, #tpu.memory_space<vmem>> -> memref<1x1x8x64xf32, #tpu.memory_space<vmem>>
    %dma_start3A_938 = tpu.memref_squeeze %dma_start3A_937 : memref<1x1x8x64xf32, #tpu.memory_space<vmem>> -> memref<8x64xf32, #tpu.memory_space<vmem>>
    %dma_start3A_939 = arith.constant 0 : i32
    %dma_start3A_940 = tpu.memref_slice %arg5[%multiple_of3A_925, %dma_start3A_939] : memref<1000000x64xf32, #tpu.memory_space<hbm>> -> memref<8x64xf32, #tpu.memory_space<hbm>>
    %dma_start3A_941 = arith.constant 0 : i32
    %dma_start3A_942 = arith.constant 0 : i32
    %dma_start3A_943 = tpu.memref_slice %arg13[%dma_start3A_933, %dma_start3A_934, %dma_start3A_941, %dma_start3A_942] : memref<2x16x8x64xf32, #tpu.memory_space<vmem>> -> memref<1x1x8x64xf32, #tpu.memory_space<vmem>>
    %dma_start3A_944 = tpu.memref_squeeze %dma_start3A_943 : memref<1x1x8x64xf32, #tpu.memory_space<vmem>> -> memref<8x64xf32, #tpu.memory_space<vmem>>
    %dma_start3A_945 = arith.constant 0 : i32
    %dma_start3A_946 = tpu.memref_slice %arg5[%multiple_of3A_925, %dma_start3A_945] : memref<1000000x64xf32, #tpu.memory_space<hbm>> -> memref<8x64xf32, #tpu.memory_space<hbm>>
    tpu.enqueue_dma source(%dma_start3A_946 : memref<8x64xf32, #tpu.memory_space<hbm>>) target(%dma_start3A_944 : memref<8x64xf32, #tpu.memory_space<vmem>>) target_semaphore(%arg18 : memref<!tpu.dma_semaphore, #tpu.memory_space<semaphore_mem>>)
    %dma_start3A_947 = arith.constant 0 : i32
    %dma_start3A_948 = arith.constant 6 : i32
    %dma_start3A_949 = arith.constant 0 : i32
    %dma_start3A_950 = arith.constant 0 : i32
    %dma_start3A_951 = tpu.memref_slice %arg14[%dma_start3A_947, %dma_start3A_948, %dma_start3A_949, %dma_start3A_950] : memref<2x16x8x64xf32, #tpu.memory_space<vmem>> -> memref<1x1x8x64xf32, #tpu.memory_space<vmem>>
    %dma_start3A_952 = tpu.memref_squeeze %dma_start3A_951 : memref<1x1x8x64xf32, #tpu.memory_space<vmem>> -> memref<8x64xf32, #tpu.memory_space<vmem>>
    %dma_start3A_953 = arith.constant 0 : i32
    %dma_start3A_954 = tpu.memref_slice %arg6[%multiple_of3A_932, %dma_start3A_953] : memref<1000000x64xf32, #tpu.memory_space<hbm>> -> memref<8x64xf32, #tpu.memory_space<hbm>>
    %dma_start3A_955 = arith.constant 0 : i32
    %dma_start3A_956 = arith.constant 0 : i32
    %dma_start3A_957 = tpu.memref_slice %arg14[%dma_start3A_947, %dma_start3A_948, %dma_start3A_955, %dma_start3A_956] : memref<2x16x8x64xf32, #tpu.memory_space<vmem>> -> memref<1x1x8x64xf32, #tpu.memory_space<vmem>>
    %dma_start3A_958 = tpu.memref_squeeze %dma_start3A_957 : memref<1x1x8x64xf32, #tpu.memory_space<vmem>> -> memref<8x64xf32, #tpu.memory_space<vmem>>
    %dma_start3A_959 = arith.constant 0 : i32
    %dma_start3A_960 = tpu.memref_slice %arg6[%multiple_of3A_932, %dma_start3A_959] : memref<1000000x64xf32, #tpu.memory_space<hbm>> -> memref<8x64xf32, #tpu.memory_space<hbm>>
    tpu.enqueue_dma source(%dma_start3A_960 : memref<8x64xf32, #tpu.memory_space<hbm>>) target(%dma_start3A_958 : memref<8x64xf32, #tpu.memory_space<vmem>>) target_semaphore(%arg18 : memref<!tpu.dma_semaphore, #tpu.memory_space<semaphore_mem>>)
    %slice3A_961 = vector.extract_strided_slice %get3A_667 {offsets = [7], sizes = [1], strides = [1]} : vector<16xi32> to vector<1xi32>
    %squeeze3A_962 = vector.extract %slice3A_961[0] : i32 from vector<1xi32>
    %shift_right_arithmetic3A_963 = arith.constant 3 : i32
    %shift_right_arithmetic3A_964 = arith.shrsi %squeeze3A_962, %shift_right_arithmetic3A_963 : i32
    %mul3A_965 = arith.constant 8 : i32
    %mul3A_966 = arith.muli %shift_right_arithmetic3A_964, %mul3A_965 : i32
    %multiple_of3A_967 = tpu.assume_multiple %mul3A_966, 8 : i32
    %slice3A_968 = vector.extract_strided_slice %get3A_670 {offsets = [7], sizes = [1], strides = [1]} : vector<16xi32> to vector<1xi32>
    %squeeze3A_969 = vector.extract %slice3A_968[0] : i32 from vector<1xi32>
    %shift_right_arithmetic3A_970 = arith.constant 3 : i32
    %shift_right_arithmetic3A_971 = arith.shrsi %squeeze3A_969, %shift_right_arithmetic3A_970 : i32
    %mul3A_972 = arith.constant 8 : i32
    %mul3A_973 = arith.muli %shift_right_arithmetic3A_971, %mul3A_972 : i32
    %multiple_of3A_974 = tpu.assume_multiple %mul3A_973, 8 : i32
    %dma_start3A_975 = arith.constant 0 : i32
    %dma_start3A_976 = arith.constant 7 : i32
    %dma_start3A_977 = arith.constant 0 : i32
    %dma_start3A_978 = arith.constant 0 : i32
    %dma_start3A_979 = tpu.memref_slice %arg13[%dma_start3A_975, %dma_start3A_976, %dma_start3A_977, %dma_start3A_978] : memref<2x16x8x64xf32, #tpu.memory_space<vmem>> -> memref<1x1x8x64xf32, #tpu.memory_space<vmem>>
    %dma_start3A_980 = tpu.memref_squeeze %dma_start3A_979 : memref<1x1x8x64xf32, #tpu.memory_space<vmem>> -> memref<8x64xf32, #tpu.memory_space<vmem>>
    %dma_start3A_981 = arith.constant 0 : i32
    %dma_start3A_982 = tpu.memref_slice %arg5[%multiple_of3A_967, %dma_start3A_981] : memref<1000000x64xf32, #tpu.memory_space<hbm>> -> memref<8x64xf32, #tpu.memory_space<hbm>>
    %dma_start3A_983 = arith.constant 0 : i32
    %dma_start3A_984 = arith.constant 0 : i32
    %dma_start3A_985 = tpu.memref_slice %arg13[%dma_start3A_975, %dma_start3A_976, %dma_start3A_983, %dma_start3A_984] : memref<2x16x8x64xf32, #tpu.memory_space<vmem>> -> memref<1x1x8x64xf32, #tpu.memory_space<vmem>>
    %dma_start3A_986 = tpu.memref_squeeze %dma_start3A_985 : memref<1x1x8x64xf32, #tpu.memory_space<vmem>> -> memref<8x64xf32, #tpu.memory_space<vmem>>
    %dma_start3A_987 = arith.constant 0 : i32
    %dma_start3A_988 = tpu.memref_slice %arg5[%multiple_of3A_967, %dma_start3A_987] : memref<1000000x64xf32, #tpu.memory_space<hbm>> -> memref<8x64xf32, #tpu.memory_space<hbm>>
    tpu.enqueue_dma source(%dma_start3A_988 : memref<8x64xf32, #tpu.memory_space<hbm>>) target(%dma_start3A_986 : memref<8x64xf32, #tpu.memory_space<vmem>>) target_semaphore(%arg18 : memref<!tpu.dma_semaphore, #tpu.memory_space<semaphore_mem>>)
    %dma_start3A_989 = arith.constant 0 : i32
    %dma_start3A_990 = arith.constant 7 : i32
    %dma_start3A_991 = arith.constant 0 : i32
    %dma_start3A_992 = arith.constant 0 : i32
    %dma_start3A_993 = tpu.memref_slice %arg14[%dma_start3A_989, %dma_start3A_990, %dma_start3A_991, %dma_start3A_992] : memref<2x16x8x64xf32, #tpu.memory_space<vmem>> -> memref<1x1x8x64xf32, #tpu.memory_space<vmem>>
    %dma_start3A_994 = tpu.memref_squeeze %dma_start3A_993 : memref<1x1x8x64xf32, #tpu.memory_space<vmem>> -> memref<8x64xf32, #tpu.memory_space<vmem>>
    %dma_start3A_995 = arith.constant 0 : i32
    %dma_start3A_996 = tpu.memref_slice %arg6[%multiple_of3A_974, %dma_start3A_995] : memref<1000000x64xf32, #tpu.memory_space<hbm>> -> memref<8x64xf32, #tpu.memory_space<hbm>>
    %dma_start3A_997 = arith.constant 0 : i32
    %dma_start3A_998 = arith.constant 0 : i32
    %dma_start3A_999 = tpu.memref_slice %arg14[%dma_start3A_989, %dma_start3A_990, %dma_start3A_997, %dma_start3A_998] : memref<2x16x8x64xf32, #tpu.memory_space<vmem>> -> memref<1x1x8x64xf32, #tpu.memory_space<vmem>>
    %dma_start3A_1000 = tpu.memref_squeeze %dma_start3A_999 : memref<1x1x8x64xf32, #tpu.memory_space<vmem>> -> memref<8x64xf32, #tpu.memory_space<vmem>>
    %dma_start3A_1001 = arith.constant 0 : i32
    %dma_start3A_1002 = tpu.memref_slice %arg6[%multiple_of3A_974, %dma_start3A_1001] : memref<1000000x64xf32, #tpu.memory_space<hbm>> -> memref<8x64xf32, #tpu.memory_space<hbm>>
    tpu.enqueue_dma source(%dma_start3A_1002 : memref<8x64xf32, #tpu.memory_space<hbm>>) target(%dma_start3A_1000 : memref<8x64xf32, #tpu.memory_space<vmem>>) target_semaphore(%arg18 : memref<!tpu.dma_semaphore, #tpu.memory_space<semaphore_mem>>)
    %slice3A_1003 = vector.extract_strided_slice %get3A_667 {offsets = [8], sizes = [1], strides = [1]} : vector<16xi32> to vector<1xi32>
    %squeeze3A_1004 = vector.extract %slice3A_1003[0] : i32 from vector<1xi32>
    %shift_right_arithmetic3A_1005 = arith.constant 3 : i32
    %shift_right_arithmetic3A_1006 = arith.shrsi %squeeze3A_1004, %shift_right_arithmetic3A_1005 : i32
    %mul3A_1007 = arith.constant 8 : i32
    %mul3A_1008 = arith.muli %shift_right_arithmetic3A_1006, %mul3A_1007 : i32
    %multiple_of3A_1009 = tpu.assume_multiple %mul3A_1008, 8 : i32
    %slice3A_1010 = vector.extract_strided_slice %get3A_670 {offsets = [8], sizes = [1], strides = [1]} : vector<16xi32> to vector<1xi32>
    %squeeze3A_1011 = vector.extract %slice3A_1010[0] : i32 from vector<1xi32>
    %shift_right_arithmetic3A_1012 = arith.constant 3 : i32
    %shift_right_arithmetic3A_1013 = arith.shrsi %squeeze3A_1011, %shift_right_arithmetic3A_1012 : i32
    %mul3A_1014 = arith.constant 8 : i32
    %mul3A_1015 = arith.muli %shift_right_arithmetic3A_1013, %mul3A_1014 : i32
    %multiple_of3A_1016 = tpu.assume_multiple %mul3A_1015, 8 : i32
    %dma_start3A_1017 = arith.constant 0 : i32
    %dma_start3A_1018 = arith.constant 8 : i32
    %dma_start3A_1019 = arith.constant 0 : i32
    %dma_start3A_1020 = arith.constant 0 : i32
    %dma_start3A_1021 = tpu.memref_slice %arg13[%dma_start3A_1017, %dma_start3A_1018, %dma_start3A_1019, %dma_start3A_1020] : memref<2x16x8x64xf32, #tpu.memory_space<vmem>> -> memref<1x1x8x64xf32, #tpu.memory_space<vmem>>
    %dma_start3A_1022 = tpu.memref_squeeze %dma_start3A_1021 : memref<1x1x8x64xf32, #tpu.memory_space<vmem>> -> memref<8x64xf32, #tpu.memory_space<vmem>>
    %dma_start3A_1023 = arith.constant 0 : i32
    %dma_start3A_1024 = tpu.memref_slice %arg5[%multiple_of3A_1009, %dma_start3A_1023] : memref<1000000x64xf32, #tpu.memory_space<hbm>> -> memref<8x64xf32, #tpu.memory_space<hbm>>
    %dma_start3A_1025 = arith.constant 0 : i32
    %dma_start3A_1026 = arith.constant 0 : i32
    %dma_start3A_1027 = tpu.memref_slice %arg13[%dma_start3A_1017, %dma_start3A_1018, %dma_start3A_1025, %dma_start3A_1026] : memref<2x16x8x64xf32, #tpu.memory_space<vmem>> -> memref<1x1x8x64xf32, #tpu.memory_space<vmem>>
    %dma_start3A_1028 = tpu.memref_squeeze %dma_start3A_1027 : memref<1x1x8x64xf32, #tpu.memory_space<vmem>> -> memref<8x64xf32, #tpu.memory_space<vmem>>
    %dma_start3A_1029 = arith.constant 0 : i32
    %dma_start3A_1030 = tpu.memref_slice %arg5[%multiple_of3A_1009, %dma_start3A_1029] : memref<1000000x64xf32, #tpu.memory_space<hbm>> -> memref<8x64xf32, #tpu.memory_space<hbm>>
    tpu.enqueue_dma source(%dma_start3A_1030 : memref<8x64xf32, #tpu.memory_space<hbm>>) target(%dma_start3A_1028 : memref<8x64xf32, #tpu.memory_space<vmem>>) target_semaphore(%arg18 : memref<!tpu.dma_semaphore, #tpu.memory_space<semaphore_mem>>)
    %dma_start3A_1031 = arith.constant 0 : i32
    %dma_start3A_1032 = arith.constant 8 : i32
    %dma_start3A_1033 = arith.constant 0 : i32
    %dma_start3A_1034 = arith.constant 0 : i32
    %dma_start3A_1035 = tpu.memref_slice %arg14[%dma_start3A_1031, %dma_start3A_1032, %dma_start3A_1033, %dma_start3A_1034] : memref<2x16x8x64xf32, #tpu.memory_space<vmem>> -> memref<1x1x8x64xf32, #tpu.memory_space<vmem>>
    %dma_start3A_1036 = tpu.memref_squeeze %dma_start3A_1035 : memref<1x1x8x64xf32, #tpu.memory_space<vmem>> -> memref<8x64xf32, #tpu.memory_space<vmem>>
    %dma_start3A_1037 = arith.constant 0 : i32
    %dma_start3A_1038 = tpu.memref_slice %arg6[%multiple_of3A_1016, %dma_start3A_1037] : memref<1000000x64xf32, #tpu.memory_space<hbm>> -> memref<8x64xf32, #tpu.memory_space<hbm>>
    %dma_start3A_1039 = arith.constant 0 : i32
    %dma_start3A_1040 = arith.constant 0 : i32
    %dma_start3A_1041 = tpu.memref_slice %arg14[%dma_start3A_1031, %dma_start3A_1032, %dma_start3A_1039, %dma_start3A_1040] : memref<2x16x8x64xf32, #tpu.memory_space<vmem>> -> memref<1x1x8x64xf32, #tpu.memory_space<vmem>>
    %dma_start3A_1042 = tpu.memref_squeeze %dma_start3A_1041 : memref<1x1x8x64xf32, #tpu.memory_space<vmem>> -> memref<8x64xf32, #tpu.memory_space<vmem>>
    %dma_start3A_1043 = arith.constant 0 : i32
    %dma_start3A_1044 = tpu.memref_slice %arg6[%multiple_of3A_1016, %dma_start3A_1043] : memref<1000000x64xf32, #tpu.memory_space<hbm>> -> memref<8x64xf32, #tpu.memory_space<hbm>>
    tpu.enqueue_dma source(%dma_start3A_1044 : memref<8x64xf32, #tpu.memory_space<hbm>>) target(%dma_start3A_1042 : memref<8x64xf32, #tpu.memory_space<vmem>>) target_semaphore(%arg18 : memref<!tpu.dma_semaphore, #tpu.memory_space<semaphore_mem>>)
    %slice3A_1045 = vector.extract_strided_slice %get3A_667 {offsets = [9], sizes = [1], strides = [1]} : vector<16xi32> to vector<1xi32>
    %squeeze3A_1046 = vector.extract %slice3A_1045[0] : i32 from vector<1xi32>
    %shift_right_arithmetic3A_1047 = arith.constant 3 : i32
    %shift_right_arithmetic3A_1048 = arith.shrsi %squeeze3A_1046, %shift_right_arithmetic3A_1047 : i32
    %mul3A_1049 = arith.constant 8 : i32
    %mul3A_1050 = arith.muli %shift_right_arithmetic3A_1048, %mul3A_1049 : i32
    %multiple_of3A_1051 = tpu.assume_multiple %mul3A_1050, 8 : i32
    %slice3A_1052 = vector.extract_strided_slice %get3A_670 {offsets = [9], sizes = [1], strides = [1]} : vector<16xi32> to vector<1xi32>
    %squeeze3A_1053 = vector.extract %slice3A_1052[0] : i32 from vector<1xi32>
    %shift_right_arithmetic3A_1054 = arith.constant 3 : i32
    %shift_right_arithmetic3A_1055 = arith.shrsi %squeeze3A_1053, %shift_right_arithmetic3A_1054 : i32
    %mul3A_1056 = arith.constant 8 : i32
    %mul3A_1057 = arith.muli %shift_right_arithmetic3A_1055, %mul3A_1056 : i32
    %multiple_of3A_1058 = tpu.assume_multiple %mul3A_1057, 8 : i32
    %dma_start3A_1059 = arith.constant 0 : i32
    %dma_start3A_1060 = arith.constant 9 : i32
    %dma_start3A_1061 = arith.constant 0 : i32
    %dma_start3A_1062 = arith.constant 0 : i32
    %dma_start3A_1063 = tpu.memref_slice %arg13[%dma_start3A_1059, %dma_start3A_1060, %dma_start3A_1061, %dma_start3A_1062] : memref<2x16x8x64xf32, #tpu.memory_space<vmem>> -> memref<1x1x8x64xf32, #tpu.memory_space<vmem>>
    %dma_start3A_1064 = tpu.memref_squeeze %dma_start3A_1063 : memref<1x1x8x64xf32, #tpu.memory_space<vmem>> -> memref<8x64xf32, #tpu.memory_space<vmem>>
    %dma_start3A_1065 = arith.constant 0 : i32
    %dma_start3A_1066 = tpu.memref_slice %arg5[%multiple_of3A_1051, %dma_start3A_1065] : memref<1000000x64xf32, #tpu.memory_space<hbm>> -> memref<8x64xf32, #tpu.memory_space<hbm>>
    %dma_start3A_1067 = arith.constant 0 : i32
    %dma_start3A_1068 = arith.constant 0 : i32
    %dma_start3A_1069 = tpu.memref_slice %arg13[%dma_start3A_1059, %dma_start3A_1060, %dma_start3A_1067, %dma_start3A_1068] : memref<2x16x8x64xf32, #tpu.memory_space<vmem>> -> memref<1x1x8x64xf32, #tpu.memory_space<vmem>>
    %dma_start3A_1070 = tpu.memref_squeeze %dma_start3A_1069 : memref<1x1x8x64xf32, #tpu.memory_space<vmem>> -> memref<8x64xf32, #tpu.memory_space<vmem>>
    %dma_start3A_1071 = arith.constant 0 : i32
    %dma_start3A_1072 = tpu.memref_slice %arg5[%multiple_of3A_1051, %dma_start3A_1071] : memref<1000000x64xf32, #tpu.memory_space<hbm>> -> memref<8x64xf32, #tpu.memory_space<hbm>>
    tpu.enqueue_dma source(%dma_start3A_1072 : memref<8x64xf32, #tpu.memory_space<hbm>>) target(%dma_start3A_1070 : memref<8x64xf32, #tpu.memory_space<vmem>>) target_semaphore(%arg18 : memref<!tpu.dma_semaphore, #tpu.memory_space<semaphore_mem>>)
    %dma_start3A_1073 = arith.constant 0 : i32
    %dma_start3A_1074 = arith.constant 9 : i32
    %dma_start3A_1075 = arith.constant 0 : i32
    %dma_start3A_1076 = arith.constant 0 : i32
    %dma_start3A_1077 = tpu.memref_slice %arg14[%dma_start3A_1073, %dma_start3A_1074, %dma_start3A_1075, %dma_start3A_1076] : memref<2x16x8x64xf32, #tpu.memory_space<vmem>> -> memref<1x1x8x64xf32, #tpu.memory_space<vmem>>
    %dma_start3A_1078 = tpu.memref_squeeze %dma_start3A_1077 : memref<1x1x8x64xf32, #tpu.memory_space<vmem>> -> memref<8x64xf32, #tpu.memory_space<vmem>>
    %dma_start3A_1079 = arith.constant 0 : i32
    %dma_start3A_1080 = tpu.memref_slice %arg6[%multiple_of3A_1058, %dma_start3A_1079] : memref<1000000x64xf32, #tpu.memory_space<hbm>> -> memref<8x64xf32, #tpu.memory_space<hbm>>
    %dma_start3A_1081 = arith.constant 0 : i32
    %dma_start3A_1082 = arith.constant 0 : i32
    %dma_start3A_1083 = tpu.memref_slice %arg14[%dma_start3A_1073, %dma_start3A_1074, %dma_start3A_1081, %dma_start3A_1082] : memref<2x16x8x64xf32, #tpu.memory_space<vmem>> -> memref<1x1x8x64xf32, #tpu.memory_space<vmem>>
    %dma_start3A_1084 = tpu.memref_squeeze %dma_start3A_1083 : memref<1x1x8x64xf32, #tpu.memory_space<vmem>> -> memref<8x64xf32, #tpu.memory_space<vmem>>
    %dma_start3A_1085 = arith.constant 0 : i32
    %dma_start3A_1086 = tpu.memref_slice %arg6[%multiple_of3A_1058, %dma_start3A_1085] : memref<1000000x64xf32, #tpu.memory_space<hbm>> -> memref<8x64xf32, #tpu.memory_space<hbm>>
    tpu.enqueue_dma source(%dma_start3A_1086 : memref<8x64xf32, #tpu.memory_space<hbm>>) target(%dma_start3A_1084 : memref<8x64xf32, #tpu.memory_space<vmem>>) target_semaphore(%arg18 : memref<!tpu.dma_semaphore, #tpu.memory_space<semaphore_mem>>)
    %slice3A_1087 = vector.extract_strided_slice %get3A_667 {offsets = [10], sizes = [1], strides = [1]} : vector<16xi32> to vector<1xi32>
    %squeeze3A_1088 = vector.extract %slice3A_1087[0] : i32 from vector<1xi32>
    %shift_right_arithmetic3A_1089 = arith.constant 3 : i32
    %shift_right_arithmetic3A_1090 = arith.shrsi %squeeze3A_1088, %shift_right_arithmetic3A_1089 : i32
    %mul3A_1091 = arith.constant 8 : i32
    %mul3A_1092 = arith.muli %shift_right_arithmetic3A_1090, %mul3A_1091 : i32
    %multiple_of3A_1093 = tpu.assume_multiple %mul3A_1092, 8 : i32
    %slice3A_1094 = vector.extract_strided_slice %get3A_670 {offsets = [10], sizes = [1], strides = [1]} : vector<16xi32> to vector<1xi32>
    %squeeze3A_1095 = vector.extract %slice3A_1094[0] : i32 from vector<1xi32>
    %shift_right_arithmetic3A_1096 = arith.constant 3 : i32
    %shift_right_arithmetic3A_1097 = arith.shrsi %squeeze3A_1095, %shift_right_arithmetic3A_1096 : i32
    %mul3A_1098 = arith.constant 8 : i32
    %mul3A_1099 = arith.muli %shift_right_arithmetic3A_1097, %mul3A_1098 : i32
    %multiple_of3A_1100 = tpu.assume_multiple %mul3A_1099, 8 : i32
    %dma_start3A_1101 = arith.constant 0 : i32
    %dma_start3A_1102 = arith.constant 10 : i32
    %dma_start3A_1103 = arith.constant 0 : i32
    %dma_start3A_1104 = arith.constant 0 : i32
    %dma_start3A_1105 = tpu.memref_slice %arg13[%dma_start3A_1101, %dma_start3A_1102, %dma_start3A_1103, %dma_start3A_1104] : memref<2x16x8x64xf32, #tpu.memory_space<vmem>> -> memref<1x1x8x64xf32, #tpu.memory_space<vmem>>
    %dma_start3A_1106 = tpu.memref_squeeze %dma_start3A_1105 : memref<1x1x8x64xf32, #tpu.memory_space<vmem>> -> memref<8x64xf32, #tpu.memory_space<vmem>>
    %dma_start3A_1107 = arith.constant 0 : i32
    %dma_start3A_1108 = tpu.memref_slice %arg5[%multiple_of3A_1093, %dma_start3A_1107] : memref<1000000x64xf32, #tpu.memory_space<hbm>> -> memref<8x64xf32, #tpu.memory_space<hbm>>
    %dma_start3A_1109 = arith.constant 0 : i32
    %dma_start3A_1110 = arith.constant 0 : i32
    %dma_start3A_1111 = tpu.memref_slice %arg13[%dma_start3A_1101, %dma_start3A_1102, %dma_start3A_1109, %dma_start3A_1110] : memref<2x16x8x64xf32, #tpu.memory_space<vmem>> -> memref<1x1x8x64xf32, #tpu.memory_space<vmem>>
    %dma_start3A_1112 = tpu.memref_squeeze %dma_start3A_1111 : memref<1x1x8x64xf32, #tpu.memory_space<vmem>> -> memref<8x64xf32, #tpu.memory_space<vmem>>
    %dma_start3A_1113 = arith.constant 0 : i32
    %dma_start3A_1114 = tpu.memref_slice %arg5[%multiple_of3A_1093, %dma_start3A_1113] : memref<1000000x64xf32, #tpu.memory_space<hbm>> -> memref<8x64xf32, #tpu.memory_space<hbm>>
    tpu.enqueue_dma source(%dma_start3A_1114 : memref<8x64xf32, #tpu.memory_space<hbm>>) target(%dma_start3A_1112 : memref<8x64xf32, #tpu.memory_space<vmem>>) target_semaphore(%arg18 : memref<!tpu.dma_semaphore, #tpu.memory_space<semaphore_mem>>)
    %dma_start3A_1115 = arith.constant 0 : i32
    %dma_start3A_1116 = arith.constant 10 : i32
    %dma_start3A_1117 = arith.constant 0 : i32
    %dma_start3A_1118 = arith.constant 0 : i32
    %dma_start3A_1119 = tpu.memref_slice %arg14[%dma_start3A_1115, %dma_start3A_1116, %dma_start3A_1117, %dma_start3A_1118] : memref<2x16x8x64xf32, #tpu.memory_space<vmem>> -> memref<1x1x8x64xf32, #tpu.memory_space<vmem>>
    %dma_start3A_1120 = tpu.memref_squeeze %dma_start3A_1119 : memref<1x1x8x64xf32, #tpu.memory_space<vmem>> -> memref<8x64xf32, #tpu.memory_space<vmem>>
    %dma_start3A_1121 = arith.constant 0 : i32
    %dma_start3A_1122 = tpu.memref_slice %arg6[%multiple_of3A_1100, %dma_start3A_1121] : memref<1000000x64xf32, #tpu.memory_space<hbm>> -> memref<8x64xf32, #tpu.memory_space<hbm>>
    %dma_start3A_1123 = arith.constant 0 : i32
    %dma_start3A_1124 = arith.constant 0 : i32
    %dma_start3A_1125 = tpu.memref_slice %arg14[%dma_start3A_1115, %dma_start3A_1116, %dma_start3A_1123, %dma_start3A_1124] : memref<2x16x8x64xf32, #tpu.memory_space<vmem>> -> memref<1x1x8x64xf32, #tpu.memory_space<vmem>>
    %dma_start3A_1126 = tpu.memref_squeeze %dma_start3A_1125 : memref<1x1x8x64xf32, #tpu.memory_space<vmem>> -> memref<8x64xf32, #tpu.memory_space<vmem>>
    %dma_start3A_1127 = arith.constant 0 : i32
    %dma_start3A_1128 = tpu.memref_slice %arg6[%multiple_of3A_1100, %dma_start3A_1127] : memref<1000000x64xf32, #tpu.memory_space<hbm>> -> memref<8x64xf32, #tpu.memory_space<hbm>>
    tpu.enqueue_dma source(%dma_start3A_1128 : memref<8x64xf32, #tpu.memory_space<hbm>>) target(%dma_start3A_1126 : memref<8x64xf32, #tpu.memory_space<vmem>>) target_semaphore(%arg18 : memref<!tpu.dma_semaphore, #tpu.memory_space<semaphore_mem>>)
    %slice3A_1129 = vector.extract_strided_slice %get3A_667 {offsets = [11], sizes = [1], strides = [1]} : vector<16xi32> to vector<1xi32>
    %squeeze3A_1130 = vector.extract %slice3A_1129[0] : i32 from vector<1xi32>
    %shift_right_arithmetic3A_1131 = arith.constant 3 : i32
    %shift_right_arithmetic3A_1132 = arith.shrsi %squeeze3A_1130, %shift_right_arithmetic3A_1131 : i32
    %mul3A_1133 = arith.constant 8 : i32
    %mul3A_1134 = arith.muli %shift_right_arithmetic3A_1132, %mul3A_1133 : i32
    %multiple_of3A_1135 = tpu.assume_multiple %mul3A_1134, 8 : i32
    %slice3A_1136 = vector.extract_strided_slice %get3A_670 {offsets = [11], sizes = [1], strides = [1]} : vector<16xi32> to vector<1xi32>
    %squeeze3A_1137 = vector.extract %slice3A_1136[0] : i32 from vector<1xi32>
    %shift_right_arithmetic3A_1138 = arith.constant 3 : i32
    %shift_right_arithmetic3A_1139 = arith.shrsi %squeeze3A_1137, %shift_right_arithmetic3A_1138 : i32
    %mul3A_1140 = arith.constant 8 : i32
    %mul3A_1141 = arith.muli %shift_right_arithmetic3A_1139, %mul3A_1140 : i32
    %multiple_of3A_1142 = tpu.assume_multiple %mul3A_1141, 8 : i32
    %dma_start3A_1143 = arith.constant 0 : i32
    %dma_start3A_1144 = arith.constant 11 : i32
    %dma_start3A_1145 = arith.constant 0 : i32
    %dma_start3A_1146 = arith.constant 0 : i32
    %dma_start3A_1147 = tpu.memref_slice %arg13[%dma_start3A_1143, %dma_start3A_1144, %dma_start3A_1145, %dma_start3A_1146] : memref<2x16x8x64xf32, #tpu.memory_space<vmem>> -> memref<1x1x8x64xf32, #tpu.memory_space<vmem>>
    %dma_start3A_1148 = tpu.memref_squeeze %dma_start3A_1147 : memref<1x1x8x64xf32, #tpu.memory_space<vmem>> -> memref<8x64xf32, #tpu.memory_space<vmem>>
    %dma_start3A_1149 = arith.constant 0 : i32
    %dma_start3A_1150 = tpu.memref_slice %arg5[%multiple_of3A_1135, %dma_start3A_1149] : memref<1000000x64xf32, #tpu.memory_space<hbm>> -> memref<8x64xf32, #tpu.memory_space<hbm>>
    %dma_start3A_1151 = arith.constant 0 : i32
    %dma_start3A_1152 = arith.constant 0 : i32
    %dma_start3A_1153 = tpu.memref_slice %arg13[%dma_start3A_1143, %dma_start3A_1144, %dma_start3A_1151, %dma_start3A_1152] : memref<2x16x8x64xf32, #tpu.memory_space<vmem>> -> memref<1x1x8x64xf32, #tpu.memory_space<vmem>>
    %dma_start3A_1154 = tpu.memref_squeeze %dma_start3A_1153 : memref<1x1x8x64xf32, #tpu.memory_space<vmem>> -> memref<8x64xf32, #tpu.memory_space<vmem>>
    %dma_start3A_1155 = arith.constant 0 : i32
    %dma_start3A_1156 = tpu.memref_slice %arg5[%multiple_of3A_1135, %dma_start3A_1155] : memref<1000000x64xf32, #tpu.memory_space<hbm>> -> memref<8x64xf32, #tpu.memory_space<hbm>>
    tpu.enqueue_dma source(%dma_start3A_1156 : memref<8x64xf32, #tpu.memory_space<hbm>>) target(%dma_start3A_1154 : memref<8x64xf32, #tpu.memory_space<vmem>>) target_semaphore(%arg18 : memref<!tpu.dma_semaphore, #tpu.memory_space<semaphore_mem>>)
    %dma_start3A_1157 = arith.constant 0 : i32
    %dma_start3A_1158 = arith.constant 11 : i32
    %dma_start3A_1159 = arith.constant 0 : i32
    %dma_start3A_1160 = arith.constant 0 : i32
    %dma_start3A_1161 = tpu.memref_slice %arg14[%dma_start3A_1157, %dma_start3A_1158, %dma_start3A_1159, %dma_start3A_1160] : memref<2x16x8x64xf32, #tpu.memory_space<vmem>> -> memref<1x1x8x64xf32, #tpu.memory_space<vmem>>
    %dma_start3A_1162 = tpu.memref_squeeze %dma_start3A_1161 : memref<1x1x8x64xf32, #tpu.memory_space<vmem>> -> memref<8x64xf32, #tpu.memory_space<vmem>>
    %dma_start3A_1163 = arith.constant 0 : i32
    %dma_start3A_1164 = tpu.memref_slice %arg6[%multiple_of3A_1142, %dma_start3A_1163] : memref<1000000x64xf32, #tpu.memory_space<hbm>> -> memref<8x64xf32, #tpu.memory_space<hbm>>
    %dma_start3A_1165 = arith.constant 0 : i32
    %dma_start3A_1166 = arith.constant 0 : i32
    %dma_start3A_1167 = tpu.memref_slice %arg14[%dma_start3A_1157, %dma_start3A_1158, %dma_start3A_1165, %dma_start3A_1166] : memref<2x16x8x64xf32, #tpu.memory_space<vmem>> -> memref<1x1x8x64xf32, #tpu.memory_space<vmem>>
    %dma_start3A_1168 = tpu.memref_squeeze %dma_start3A_1167 : memref<1x1x8x64xf32, #tpu.memory_space<vmem>> -> memref<8x64xf32, #tpu.memory_space<vmem>>
    %dma_start3A_1169 = arith.constant 0 : i32
    %dma_start3A_1170 = tpu.memref_slice %arg6[%multiple_of3A_1142, %dma_start3A_1169] : memref<1000000x64xf32, #tpu.memory_space<hbm>> -> memref<8x64xf32, #tpu.memory_space<hbm>>
    tpu.enqueue_dma source(%dma_start3A_1170 : memref<8x64xf32, #tpu.memory_space<hbm>>) target(%dma_start3A_1168 : memref<8x64xf32, #tpu.memory_space<vmem>>) target_semaphore(%arg18 : memref<!tpu.dma_semaphore, #tpu.memory_space<semaphore_mem>>)
    %slice3A_1171 = vector.extract_strided_slice %get3A_667 {offsets = [12], sizes = [1], strides = [1]} : vector<16xi32> to vector<1xi32>
    %squeeze3A_1172 = vector.extract %slice3A_1171[0] : i32 from vector<1xi32>
    %shift_right_arithmetic3A_1173 = arith.constant 3 : i32
    %shift_right_arithmetic3A_1174 = arith.shrsi %squeeze3A_1172, %shift_right_arithmetic3A_1173 : i32
    %mul3A_1175 = arith.constant 8 : i32
    %mul3A_1176 = arith.muli %shift_right_arithmetic3A_1174, %mul3A_1175 : i32
    %multiple_of3A_1177 = tpu.assume_multiple %mul3A_1176, 8 : i32
    %slice3A_1178 = vector.extract_strided_slice %get3A_670 {offsets = [12], sizes = [1], strides = [1]} : vector<16xi32> to vector<1xi32>
    %squeeze3A_1179 = vector.extract %slice3A_1178[0] : i32 from vector<1xi32>
    %shift_right_arithmetic3A_1180 = arith.constant 3 : i32
    %shift_right_arithmetic3A_1181 = arith.shrsi %squeeze3A_1179, %shift_right_arithmetic3A_1180 : i32
    %mul3A_1182 = arith.constant 8 : i32
    %mul3A_1183 = arith.muli %shift_right_arithmetic3A_1181, %mul3A_1182 : i32
    %multiple_of3A_1184 = tpu.assume_multiple %mul3A_1183, 8 : i32
    %dma_start3A_1185 = arith.constant 0 : i32
    %dma_start3A_1186 = arith.constant 12 : i32
    %dma_start3A_1187 = arith.constant 0 : i32
    %dma_start3A_1188 = arith.constant 0 : i32
    %dma_start3A_1189 = tpu.memref_slice %arg13[%dma_start3A_1185, %dma_start3A_1186, %dma_start3A_1187, %dma_start3A_1188] : memref<2x16x8x64xf32, #tpu.memory_space<vmem>> -> memref<1x1x8x64xf32, #tpu.memory_space<vmem>>
    %dma_start3A_1190 = tpu.memref_squeeze %dma_start3A_1189 : memref<1x1x8x64xf32, #tpu.memory_space<vmem>> -> memref<8x64xf32, #tpu.memory_space<vmem>>
    %dma_start3A_1191 = arith.constant 0 : i32
    %dma_start3A_1192 = tpu.memref_slice %arg5[%multiple_of3A_1177, %dma_start3A_1191] : memref<1000000x64xf32, #tpu.memory_space<hbm>> -> memref<8x64xf32, #tpu.memory_space<hbm>>
    %dma_start3A_1193 = arith.constant 0 : i32
    %dma_start3A_1194 = arith.constant 0 : i32
    %dma_start3A_1195 = tpu.memref_slice %arg13[%dma_start3A_1185, %dma_start3A_1186, %dma_start3A_1193, %dma_start3A_1194] : memref<2x16x8x64xf32, #tpu.memory_space<vmem>> -> memref<1x1x8x64xf32, #tpu.memory_space<vmem>>
    %dma_start3A_1196 = tpu.memref_squeeze %dma_start3A_1195 : memref<1x1x8x64xf32, #tpu.memory_space<vmem>> -> memref<8x64xf32, #tpu.memory_space<vmem>>
    %dma_start3A_1197 = arith.constant 0 : i32
    %dma_start3A_1198 = tpu.memref_slice %arg5[%multiple_of3A_1177, %dma_start3A_1197] : memref<1000000x64xf32, #tpu.memory_space<hbm>> -> memref<8x64xf32, #tpu.memory_space<hbm>>
    tpu.enqueue_dma source(%dma_start3A_1198 : memref<8x64xf32, #tpu.memory_space<hbm>>) target(%dma_start3A_1196 : memref<8x64xf32, #tpu.memory_space<vmem>>) target_semaphore(%arg18 : memref<!tpu.dma_semaphore, #tpu.memory_space<semaphore_mem>>)
    %dma_start3A_1199 = arith.constant 0 : i32
    %dma_start3A_1200 = arith.constant 12 : i32
    %dma_start3A_1201 = arith.constant 0 : i32
    %dma_start3A_1202 = arith.constant 0 : i32
    %dma_start3A_1203 = tpu.memref_slice %arg14[%dma_start3A_1199, %dma_start3A_1200, %dma_start3A_1201, %dma_start3A_1202] : memref<2x16x8x64xf32, #tpu.memory_space<vmem>> -> memref<1x1x8x64xf32, #tpu.memory_space<vmem>>
    %dma_start3A_1204 = tpu.memref_squeeze %dma_start3A_1203 : memref<1x1x8x64xf32, #tpu.memory_space<vmem>> -> memref<8x64xf32, #tpu.memory_space<vmem>>
    %dma_start3A_1205 = arith.constant 0 : i32
    %dma_start3A_1206 = tpu.memref_slice %arg6[%multiple_of3A_1184, %dma_start3A_1205] : memref<1000000x64xf32, #tpu.memory_space<hbm>> -> memref<8x64xf32, #tpu.memory_space<hbm>>
    %dma_start3A_1207 = arith.constant 0 : i32
    %dma_start3A_1208 = arith.constant 0 : i32
    %dma_start3A_1209 = tpu.memref_slice %arg14[%dma_start3A_1199, %dma_start3A_1200, %dma_start3A_1207, %dma_start3A_1208] : memref<2x16x8x64xf32, #tpu.memory_space<vmem>> -> memref<1x1x8x64xf32, #tpu.memory_space<vmem>>
    %dma_start3A_1210 = tpu.memref_squeeze %dma_start3A_1209 : memref<1x1x8x64xf32, #tpu.memory_space<vmem>> -> memref<8x64xf32, #tpu.memory_space<vmem>>
    %dma_start3A_1211 = arith.constant 0 : i32
    %dma_start3A_1212 = tpu.memref_slice %arg6[%multiple_of3A_1184, %dma_start3A_1211] : memref<1000000x64xf32, #tpu.memory_space<hbm>> -> memref<8x64xf32, #tpu.memory_space<hbm>>
    tpu.enqueue_dma source(%dma_start3A_1212 : memref<8x64xf32, #tpu.memory_space<hbm>>) target(%dma_start3A_1210 : memref<8x64xf32, #tpu.memory_space<vmem>>) target_semaphore(%arg18 : memref<!tpu.dma_semaphore, #tpu.memory_space<semaphore_mem>>)
    %slice3A_1213 = vector.extract_strided_slice %get3A_667 {offsets = [13], sizes = [1], strides = [1]} : vector<16xi32> to vector<1xi32>
    %squeeze3A_1214 = vector.extract %slice3A_1213[0] : i32 from vector<1xi32>
    %shift_right_arithmetic3A_1215 = arith.constant 3 : i32
    %shift_right_arithmetic3A_1216 = arith.shrsi %squeeze3A_1214, %shift_right_arithmetic3A_1215 : i32
    %mul3A_1217 = arith.constant 8 : i32
    %mul3A_1218 = arith.muli %shift_right_arithmetic3A_1216, %mul3A_1217 : i32
    %multiple_of3A_1219 = tpu.assume_multiple %mul3A_1218, 8 : i32
    %slice3A_1220 = vector.extract_strided_slice %get3A_670 {offsets = [13], sizes = [1], strides = [1]} : vector<16xi32> to vector<1xi32>
    %squeeze3A_1221 = vector.extract %slice3A_1220[0] : i32 from vector<1xi32>
    %shift_right_arithmetic3A_1222 = arith.constant 3 : i32
    %shift_right_arithmetic3A_1223 = arith.shrsi %squeeze3A_1221, %shift_right_arithmetic3A_1222 : i32
    %mul3A_1224 = arith.constant 8 : i32
    %mul3A_1225 = arith.muli %shift_right_arithmetic3A_1223, %mul3A_1224 : i32
    %multiple_of3A_1226 = tpu.assume_multiple %mul3A_1225, 8 : i32
    %dma_start3A_1227 = arith.constant 0 : i32
    %dma_start3A_1228 = arith.constant 13 : i32
    %dma_start3A_1229 = arith.constant 0 : i32
    %dma_start3A_1230 = arith.constant 0 : i32
    %dma_start3A_1231 = tpu.memref_slice %arg13[%dma_start3A_1227, %dma_start3A_1228, %dma_start3A_1229, %dma_start3A_1230] : memref<2x16x8x64xf32, #tpu.memory_space<vmem>> -> memref<1x1x8x64xf32, #tpu.memory_space<vmem>>
    %dma_start3A_1232 = tpu.memref_squeeze %dma_start3A_1231 : memref<1x1x8x64xf32, #tpu.memory_space<vmem>> -> memref<8x64xf32, #tpu.memory_space<vmem>>
    %dma_start3A_1233 = arith.constant 0 : i32
    %dma_start3A_1234 = tpu.memref_slice %arg5[%multiple_of3A_1219, %dma_start3A_1233] : memref<1000000x64xf32, #tpu.memory_space<hbm>> -> memref<8x64xf32, #tpu.memory_space<hbm>>
    %dma_start3A_1235 = arith.constant 0 : i32
    %dma_start3A_1236 = arith.constant 0 : i32
    %dma_start3A_1237 = tpu.memref_slice %arg13[%dma_start3A_1227, %dma_start3A_1228, %dma_start3A_1235, %dma_start3A_1236] : memref<2x16x8x64xf32, #tpu.memory_space<vmem>> -> memref<1x1x8x64xf32, #tpu.memory_space<vmem>>
    %dma_start3A_1238 = tpu.memref_squeeze %dma_start3A_1237 : memref<1x1x8x64xf32, #tpu.memory_space<vmem>> -> memref<8x64xf32, #tpu.memory_space<vmem>>
    %dma_start3A_1239 = arith.constant 0 : i32
    %dma_start3A_1240 = tpu.memref_slice %arg5[%multiple_of3A_1219, %dma_start3A_1239] : memref<1000000x64xf32, #tpu.memory_space<hbm>> -> memref<8x64xf32, #tpu.memory_space<hbm>>
    tpu.enqueue_dma source(%dma_start3A_1240 : memref<8x64xf32, #tpu.memory_space<hbm>>) target(%dma_start3A_1238 : memref<8x64xf32, #tpu.memory_space<vmem>>) target_semaphore(%arg18 : memref<!tpu.dma_semaphore, #tpu.memory_space<semaphore_mem>>)
    %dma_start3A_1241 = arith.constant 0 : i32
    %dma_start3A_1242 = arith.constant 13 : i32
    %dma_start3A_1243 = arith.constant 0 : i32
    %dma_start3A_1244 = arith.constant 0 : i32
    %dma_start3A_1245 = tpu.memref_slice %arg14[%dma_start3A_1241, %dma_start3A_1242, %dma_start3A_1243, %dma_start3A_1244] : memref<2x16x8x64xf32, #tpu.memory_space<vmem>> -> memref<1x1x8x64xf32, #tpu.memory_space<vmem>>
    %dma_start3A_1246 = tpu.memref_squeeze %dma_start3A_1245 : memref<1x1x8x64xf32, #tpu.memory_space<vmem>> -> memref<8x64xf32, #tpu.memory_space<vmem>>
    %dma_start3A_1247 = arith.constant 0 : i32
    %dma_start3A_1248 = tpu.memref_slice %arg6[%multiple_of3A_1226, %dma_start3A_1247] : memref<1000000x64xf32, #tpu.memory_space<hbm>> -> memref<8x64xf32, #tpu.memory_space<hbm>>
    %dma_start3A_1249 = arith.constant 0 : i32
    %dma_start3A_1250 = arith.constant 0 : i32
    %dma_start3A_1251 = tpu.memref_slice %arg14[%dma_start3A_1241, %dma_start3A_1242, %dma_start3A_1249, %dma_start3A_1250] : memref<2x16x8x64xf32, #tpu.memory_space<vmem>> -> memref<1x1x8x64xf32, #tpu.memory_space<vmem>>
    %dma_start3A_1252 = tpu.memref_squeeze %dma_start3A_1251 : memref<1x1x8x64xf32, #tpu.memory_space<vmem>> -> memref<8x64xf32, #tpu.memory_space<vmem>>
    %dma_start3A_1253 = arith.constant 0 : i32
    %dma_start3A_1254 = tpu.memref_slice %arg6[%multiple_of3A_1226, %dma_start3A_1253] : memref<1000000x64xf32, #tpu.memory_space<hbm>> -> memref<8x64xf32, #tpu.memory_space<hbm>>
    tpu.enqueue_dma source(%dma_start3A_1254 : memref<8x64xf32, #tpu.memory_space<hbm>>) target(%dma_start3A_1252 : memref<8x64xf32, #tpu.memory_space<vmem>>) target_semaphore(%arg18 : memref<!tpu.dma_semaphore, #tpu.memory_space<semaphore_mem>>)
    %slice3A_1255 = vector.extract_strided_slice %get3A_667 {offsets = [14], sizes = [1], strides = [1]} : vector<16xi32> to vector<1xi32>
    %squeeze3A_1256 = vector.extract %slice3A_1255[0] : i32 from vector<1xi32>
    %shift_right_arithmetic3A_1257 = arith.constant 3 : i32
    %shift_right_arithmetic3A_1258 = arith.shrsi %squeeze3A_1256, %shift_right_arithmetic3A_1257 : i32
    %mul3A_1259 = arith.constant 8 : i32
    %mul3A_1260 = arith.muli %shift_right_arithmetic3A_1258, %mul3A_1259 : i32
    %multiple_of3A_1261 = tpu.assume_multiple %mul3A_1260, 8 : i32
    %slice3A_1262 = vector.extract_strided_slice %get3A_670 {offsets = [14], sizes = [1], strides = [1]} : vector<16xi32> to vector<1xi32>
    %squeeze3A_1263 = vector.extract %slice3A_1262[0] : i32 from vector<1xi32>
    %shift_right_arithmetic3A_1264 = arith.constant 3 : i32
    %shift_right_arithmetic3A_1265 = arith.shrsi %squeeze3A_1263, %shift_right_arithmetic3A_1264 : i32
    %mul3A_1266 = arith.constant 8 : i32
    %mul3A_1267 = arith.muli %shift_right_arithmetic3A_1265, %mul3A_1266 : i32
    %multiple_of3A_1268 = tpu.assume_multiple %mul3A_1267, 8 : i32
    %dma_start3A_1269 = arith.constant 0 : i32
    %dma_start3A_1270 = arith.constant 14 : i32
    %dma_start3A_1271 = arith.constant 0 : i32
    %dma_start3A_1272 = arith.constant 0 : i32
    %dma_start3A_1273 = tpu.memref_slice %arg13[%dma_start3A_1269, %dma_start3A_1270, %dma_start3A_1271, %dma_start3A_1272] : memref<2x16x8x64xf32, #tpu.memory_space<vmem>> -> memref<1x1x8x64xf32, #tpu.memory_space<vmem>>
    %dma_start3A_1274 = tpu.memref_squeeze %dma_start3A_1273 : memref<1x1x8x64xf32, #tpu.memory_space<vmem>> -> memref<8x64xf32, #tpu.memory_space<vmem>>
    %dma_start3A_1275 = arith.constant 0 : i32
    %dma_start3A_1276 = tpu.memref_slice %arg5[%multiple_of3A_1261, %dma_start3A_1275] : memref<1000000x64xf32, #tpu.memory_space<hbm>> -> memref<8x64xf32, #tpu.memory_space<hbm>>
    %dma_start3A_1277 = arith.constant 0 : i32
    %dma_start3A_1278 = arith.constant 0 : i32
    %dma_start3A_1279 = tpu.memref_slice %arg13[%dma_start3A_1269, %dma_start3A_1270, %dma_start3A_1277, %dma_start3A_1278] : memref<2x16x8x64xf32, #tpu.memory_space<vmem>> -> memref<1x1x8x64xf32, #tpu.memory_space<vmem>>
    %dma_start3A_1280 = tpu.memref_squeeze %dma_start3A_1279 : memref<1x1x8x64xf32, #tpu.memory_space<vmem>> -> memref<8x64xf32, #tpu.memory_space<vmem>>
    %dma_start3A_1281 = arith.constant 0 : i32
    %dma_start3A_1282 = tpu.memref_slice %arg5[%multiple_of3A_1261, %dma_start3A_1281] : memref<1000000x64xf32, #tpu.memory_space<hbm>> -> memref<8x64xf32, #tpu.memory_space<hbm>>
    tpu.enqueue_dma source(%dma_start3A_1282 : memref<8x64xf32, #tpu.memory_space<hbm>>) target(%dma_start3A_1280 : memref<8x64xf32, #tpu.memory_space<vmem>>) target_semaphore(%arg18 : memref<!tpu.dma_semaphore, #tpu.memory_space<semaphore_mem>>)
    %dma_start3A_1283 = arith.constant 0 : i32
    %dma_start3A_1284 = arith.constant 14 : i32
    %dma_start3A_1285 = arith.constant 0 : i32
    %dma_start3A_1286 = arith.constant 0 : i32
    %dma_start3A_1287 = tpu.memref_slice %arg14[%dma_start3A_1283, %dma_start3A_1284, %dma_start3A_1285, %dma_start3A_1286] : memref<2x16x8x64xf32, #tpu.memory_space<vmem>> -> memref<1x1x8x64xf32, #tpu.memory_space<vmem>>
    %dma_start3A_1288 = tpu.memref_squeeze %dma_start3A_1287 : memref<1x1x8x64xf32, #tpu.memory_space<vmem>> -> memref<8x64xf32, #tpu.memory_space<vmem>>
    %dma_start3A_1289 = arith.constant 0 : i32
    %dma_start3A_1290 = tpu.memref_slice %arg6[%multiple_of3A_1268, %dma_start3A_1289] : memref<1000000x64xf32, #tpu.memory_space<hbm>> -> memref<8x64xf32, #tpu.memory_space<hbm>>
    %dma_start3A_1291 = arith.constant 0 : i32
    %dma_start3A_1292 = arith.constant 0 : i32
    %dma_start3A_1293 = tpu.memref_slice %arg14[%dma_start3A_1283, %dma_start3A_1284, %dma_start3A_1291, %dma_start3A_1292] : memref<2x16x8x64xf32, #tpu.memory_space<vmem>> -> memref<1x1x8x64xf32, #tpu.memory_space<vmem>>
    %dma_start3A_1294 = tpu.memref_squeeze %dma_start3A_1293 : memref<1x1x8x64xf32, #tpu.memory_space<vmem>> -> memref<8x64xf32, #tpu.memory_space<vmem>>
    %dma_start3A_1295 = arith.constant 0 : i32
    %dma_start3A_1296 = tpu.memref_slice %arg6[%multiple_of3A_1268, %dma_start3A_1295] : memref<1000000x64xf32, #tpu.memory_space<hbm>> -> memref<8x64xf32, #tpu.memory_space<hbm>>
    tpu.enqueue_dma source(%dma_start3A_1296 : memref<8x64xf32, #tpu.memory_space<hbm>>) target(%dma_start3A_1294 : memref<8x64xf32, #tpu.memory_space<vmem>>) target_semaphore(%arg18 : memref<!tpu.dma_semaphore, #tpu.memory_space<semaphore_mem>>)
    %slice3A_1297 = vector.extract_strided_slice %get3A_667 {offsets = [15], sizes = [1], strides = [1]} : vector<16xi32> to vector<1xi32>
    %squeeze3A_1298 = vector.extract %slice3A_1297[0] : i32 from vector<1xi32>
    %shift_right_arithmetic3A_1299 = arith.constant 3 : i32
    %shift_right_arithmetic3A_1300 = arith.shrsi %squeeze3A_1298, %shift_right_arithmetic3A_1299 : i32
    %mul3A_1301 = arith.constant 8 : i32
    %mul3A_1302 = arith.muli %shift_right_arithmetic3A_1300, %mul3A_1301 : i32
    %multiple_of3A_1303 = tpu.assume_multiple %mul3A_1302, 8 : i32
    %slice3A_1304 = vector.extract_strided_slice %get3A_670 {offsets = [15], sizes = [1], strides = [1]} : vector<16xi32> to vector<1xi32>
    %squeeze3A_1305 = vector.extract %slice3A_1304[0] : i32 from vector<1xi32>
    %shift_right_arithmetic3A_1306 = arith.constant 3 : i32
    %shift_right_arithmetic3A_1307 = arith.shrsi %squeeze3A_1305, %shift_right_arithmetic3A_1306 : i32
    %mul3A_1308 = arith.constant 8 : i32
    %mul3A_1309 = arith.muli %shift_right_arithmetic3A_1307, %mul3A_1308 : i32
    %multiple_of3A_1310 = tpu.assume_multiple %mul3A_1309, 8 : i32
    %dma_start3A_1311 = arith.constant 0 : i32
    %dma_start3A_1312 = arith.constant 15 : i32
    %dma_start3A_1313 = arith.constant 0 : i32
    %dma_start3A_1314 = arith.constant 0 : i32
    %dma_start3A_1315 = tpu.memref_slice %arg13[%dma_start3A_1311, %dma_start3A_1312, %dma_start3A_1313, %dma_start3A_1314] : memref<2x16x8x64xf32, #tpu.memory_space<vmem>> -> memref<1x1x8x64xf32, #tpu.memory_space<vmem>>
    %dma_start3A_1316 = tpu.memref_squeeze %dma_start3A_1315 : memref<1x1x8x64xf32, #tpu.memory_space<vmem>> -> memref<8x64xf32, #tpu.memory_space<vmem>>
    %dma_start3A_1317 = arith.constant 0 : i32
    %dma_start3A_1318 = tpu.memref_slice %arg5[%multiple_of3A_1303, %dma_start3A_1317] : memref<1000000x64xf32, #tpu.memory_space<hbm>> -> memref<8x64xf32, #tpu.memory_space<hbm>>
    %dma_start3A_1319 = arith.constant 0 : i32
    %dma_start3A_1320 = arith.constant 0 : i32
    %dma_start3A_1321 = tpu.memref_slice %arg13[%dma_start3A_1311, %dma_start3A_1312, %dma_start3A_1319, %dma_start3A_1320] : memref<2x16x8x64xf32, #tpu.memory_space<vmem>> -> memref<1x1x8x64xf32, #tpu.memory_space<vmem>>
    %dma_start3A_1322 = tpu.memref_squeeze %dma_start3A_1321 : memref<1x1x8x64xf32, #tpu.memory_space<vmem>> -> memref<8x64xf32, #tpu.memory_space<vmem>>
    %dma_start3A_1323 = arith.constant 0 : i32
    %dma_start3A_1324 = tpu.memref_slice %arg5[%multiple_of3A_1303, %dma_start3A_1323] : memref<1000000x64xf32, #tpu.memory_space<hbm>> -> memref<8x64xf32, #tpu.memory_space<hbm>>
    tpu.enqueue_dma source(%dma_start3A_1324 : memref<8x64xf32, #tpu.memory_space<hbm>>) target(%dma_start3A_1322 : memref<8x64xf32, #tpu.memory_space<vmem>>) target_semaphore(%arg18 : memref<!tpu.dma_semaphore, #tpu.memory_space<semaphore_mem>>)
    %dma_start3A_1325 = arith.constant 0 : i32
    %dma_start3A_1326 = arith.constant 15 : i32
    %dma_start3A_1327 = arith.constant 0 : i32
    %dma_start3A_1328 = arith.constant 0 : i32
    %dma_start3A_1329 = tpu.memref_slice %arg14[%dma_start3A_1325, %dma_start3A_1326, %dma_start3A_1327, %dma_start3A_1328] : memref<2x16x8x64xf32, #tpu.memory_space<vmem>> -> memref<1x1x8x64xf32, #tpu.memory_space<vmem>>
    %dma_start3A_1330 = tpu.memref_squeeze %dma_start3A_1329 : memref<1x1x8x64xf32, #tpu.memory_space<vmem>> -> memref<8x64xf32, #tpu.memory_space<vmem>>
    %dma_start3A_1331 = arith.constant 0 : i32
    %dma_start3A_1332 = tpu.memref_slice %arg6[%multiple_of3A_1310, %dma_start3A_1331] : memref<1000000x64xf32, #tpu.memory_space<hbm>> -> memref<8x64xf32, #tpu.memory_space<hbm>>
    %dma_start3A_1333 = arith.constant 0 : i32
    %dma_start3A_1334 = arith.constant 0 : i32
    %dma_start3A_1335 = tpu.memref_slice %arg14[%dma_start3A_1325, %dma_start3A_1326, %dma_start3A_1333, %dma_start3A_1334] : memref<2x16x8x64xf32, #tpu.memory_space<vmem>> -> memref<1x1x8x64xf32, #tpu.memory_space<vmem>>
    %dma_start3A_1336 = tpu.memref_squeeze %dma_start3A_1335 : memref<1x1x8x64xf32, #tpu.memory_space<vmem>> -> memref<8x64xf32, #tpu.memory_space<vmem>>
    %dma_start3A_1337 = arith.constant 0 : i32
    %dma_start3A_1338 = tpu.memref_slice %arg6[%multiple_of3A_1310, %dma_start3A_1337] : memref<1000000x64xf32, #tpu.memory_space<hbm>> -> memref<8x64xf32, #tpu.memory_space<hbm>>
    tpu.enqueue_dma source(%dma_start3A_1338 : memref<8x64xf32, #tpu.memory_space<hbm>>) target(%dma_start3A_1336 : memref<8x64xf32, #tpu.memory_space<vmem>>) target_semaphore(%arg18 : memref<!tpu.dma_semaphore, #tpu.memory_space<semaphore_mem>>)
    %scan3A = arith.constant 0 : i32
    %scan3A_1339 = arith.constant 0 : i32
    %scan3A_1340 = arith.constant 32 : i32
    %scan3A_1341 = arith.addi %scan3A_1339, %scan3A_1340 : i32
    %scan3A_1342 = arith.constant 1 : i32
    %scan3A_1343 = scf.for %scan3A_1345 = %scan3A_1339 to %scan3A_1341 step %scan3A_1342 iter_args(%scan3A_1346 = %scan3A) -> (i32)  : i32 {
      %rem3A = arith.constant 2 : i32
      %rem3A_1347 = arith.remsi %scan3A_1345, %rem3A : i32
      %add3A_1348 = arith.constant 1 : i32
      %add3A_1349 = arith.addi %scan3A_1345, %add3A_1348 : i32
      %lt3A = arith.constant 32 : i32
      %lt3A_1350 = arith.cmpi slt, %add3A_1349, %lt3A : i32
      %convert_element_type3A = arith.extui %lt3A_1350 : i1 to i32
      %cond3A = arith.constant 0 : i32
      %cond3A_1351 = arith.cmpi ne, %convert_element_type3A, %cond3A : i32
      scf.if %cond3A_1351 {
        %add3A_3381 = arith.constant 1 : i32
        %add3A_3382 = arith.addi %scan3A_1345, %add3A_3381 : i32
        %sub3A_3383 = arith.constant 1 : i32
        %sub3A_3384 = arith.subi %sub3A_3383, %rem3A_1347 : i32
        %mul3A_3385 = arith.constant 16 : i32
        %mul3A_3386 = arith.muli %add3A_3382, %mul3A_3385 : i32
        %get3A_3387 = arith.index_cast %mul3A_3386 : i32 to index
        %get3A_3388 = tpu.vector_load %arg9[%get3A_3387] {strides = array<i32>} : memref<512xi32, #tpu.memory_space<vmem>>, vector<16xi32>,
        %get3A_3389 = vector.shape_cast %get3A_3388 : vector<16xi32> to vector<16xi32>
        %mul3A_3390 = arith.constant 16 : i32
        %mul3A_3391 = arith.muli %add3A_3382, %mul3A_3390 : i32
        %get3A_3392 = arith.index_cast %mul3A_3391 : i32 to index
        %get3A_3393 = tpu.vector_load %arg12[%get3A_3392] {strides = array<i32>} : memref<512xi32, #tpu.memory_space<vmem>>, vector<16xi32>,
        %get3A_3394 = vector.shape_cast %get3A_3393 : vector<16xi32> to vector<16xi32>
        %slice3A_3395 = vector.extract_strided_slice %get3A_3389 {offsets = [0], sizes = [1], strides = [1]} : vector<16xi32> to vector<1xi32>
        %squeeze3A_3396 = vector.extract %slice3A_3395[0] : i32 from vector<1xi32>
        %shift_right_arithmetic3A_3397 = arith.constant 3 : i32
        %shift_right_arithmetic3A_3398 = arith.shrsi %squeeze3A_3396, %shift_right_arithmetic3A_3397 : i32
        %mul3A_3399 = arith.constant 8 : i32
        %mul3A_3400 = arith.muli %shift_right_arithmetic3A_3398, %mul3A_3399 : i32
        %multiple_of3A_3401 = tpu.assume_multiple %mul3A_3400, 8 : i32
        %slice3A_3402 = vector.extract_strided_slice %get3A_3394 {offsets = [0], sizes = [1], strides = [1]} : vector<16xi32> to vector<1xi32>
        %squeeze3A_3403 = vector.extract %slice3A_3402[0] : i32 from vector<1xi32>
        %shift_right_arithmetic3A_3404 = arith.constant 3 : i32
        %shift_right_arithmetic3A_3405 = arith.shrsi %squeeze3A_3403, %shift_right_arithmetic3A_3404 : i32
        %mul3A_3406 = arith.constant 8 : i32
        %mul3A_3407 = arith.muli %shift_right_arithmetic3A_3405, %mul3A_3406 : i32
        %multiple_of3A_3408 = tpu.assume_multiple %mul3A_3407, 8 : i32
        %dma_start3A_3409 = arith.constant 0 : i32
        %dma_start3A_3410 = arith.constant 0 : i32
        %dma_start3A_3411 = arith.constant 0 : i32
        %dma_start3A_3412 = tpu.memref_slice %arg13[%sub3A_3384, %dma_start3A_3409, %dma_start3A_3410, %dma_start3A_3411] : memref<2x16x8x64xf32, #tpu.memory_space<vmem>> -> memref<1x1x8x64xf32, #tpu.memory_space<vmem>>
        %dma_start3A_3413 = tpu.memref_squeeze %dma_start3A_3412 : memref<1x1x8x64xf32, #tpu.memory_space<vmem>> -> memref<8x64xf32, #tpu.memory_space<vmem>>
        %dma_start3A_3414 = arith.constant 0 : i32
        %dma_start3A_3415 = tpu.memref_slice %arg5[%multiple_of3A_3401, %dma_start3A_3414] : memref<1000000x64xf32, #tpu.memory_space<hbm>> -> memref<8x64xf32, #tpu.memory_space<hbm>>
        %dma_start3A_3416 = arith.constant 0 : i32
        %dma_start3A_3417 = arith.constant 0 : i32
        %dma_start3A_3418 = tpu.memref_slice %arg13[%sub3A_3384, %dma_start3A_3409, %dma_start3A_3416, %dma_start3A_3417] : memref<2x16x8x64xf32, #tpu.memory_space<vmem>> -> memref<1x1x8x64xf32, #tpu.memory_space<vmem>>
        %dma_start3A_3419 = tpu.memref_squeeze %dma_start3A_3418 : memref<1x1x8x64xf32, #tpu.memory_space<vmem>> -> memref<8x64xf32, #tpu.memory_space<vmem>>
        %dma_start3A_3420 = arith.constant 0 : i32
        %dma_start3A_3421 = tpu.memref_slice %arg5[%multiple_of3A_3401, %dma_start3A_3420] : memref<1000000x64xf32, #tpu.memory_space<hbm>> -> memref<8x64xf32, #tpu.memory_space<hbm>>
        tpu.enqueue_dma source(%dma_start3A_3421 : memref<8x64xf32, #tpu.memory_space<hbm>>) target(%dma_start3A_3419 : memref<8x64xf32, #tpu.memory_space<vmem>>) target_semaphore(%arg18 : memref<!tpu.dma_semaphore, #tpu.memory_space<semaphore_mem>>)
        %dma_start3A_3422 = arith.constant 0 : i32
        %dma_start3A_3423 = arith.constant 0 : i32
        %dma_start3A_3424 = arith.constant 0 : i32
        %dma_start3A_3425 = tpu.memref_slice %arg14[%sub3A_3384, %dma_start3A_3422, %dma_start3A_3423, %dma_start3A_3424] : memref<2x16x8x64xf32, #tpu.memory_space<vmem>> -> memref<1x1x8x64xf32, #tpu.memory_space<vmem>>
        %dma_start3A_3426 = tpu.memref_squeeze %dma_start3A_3425 : memref<1x1x8x64xf32, #tpu.memory_space<vmem>> -> memref<8x64xf32, #tpu.memory_space<vmem>>
        %dma_start3A_3427 = arith.constant 0 : i32
        %dma_start3A_3428 = tpu.memref_slice %arg6[%multiple_of3A_3408, %dma_start3A_3427] : memref<1000000x64xf32, #tpu.memory_space<hbm>> -> memref<8x64xf32, #tpu.memory_space<hbm>>
        %dma_start3A_3429 = arith.constant 0 : i32
        %dma_start3A_3430 = arith.constant 0 : i32
        %dma_start3A_3431 = tpu.memref_slice %arg14[%sub3A_3384, %dma_start3A_3422, %dma_start3A_3429, %dma_start3A_3430] : memref<2x16x8x64xf32, #tpu.memory_space<vmem>> -> memref<1x1x8x64xf32, #tpu.memory_space<vmem>>
        %dma_start3A_3432 = tpu.memref_squeeze %dma_start3A_3431 : memref<1x1x8x64xf32, #tpu.memory_space<vmem>> -> memref<8x64xf32, #tpu.memory_space<vmem>>
        %dma_start3A_3433 = arith.constant 0 : i32
        %dma_start3A_3434 = tpu.memref_slice %arg6[%multiple_of3A_3408, %dma_start3A_3433] : memref<1000000x64xf32, #tpu.memory_space<hbm>> -> memref<8x64xf32, #tpu.memory_space<hbm>>
        tpu.enqueue_dma source(%dma_start3A_3434 : memref<8x64xf32, #tpu.memory_space<hbm>>) target(%dma_start3A_3432 : memref<8x64xf32, #tpu.memory_space<vmem>>) target_semaphore(%arg18 : memref<!tpu.dma_semaphore, #tpu.memory_space<semaphore_mem>>)
        %slice3A_3435 = vector.extract_strided_slice %get3A_3389 {offsets = [1], sizes = [1], strides = [1]} : vector<16xi32> to vector<1xi32>
        %squeeze3A_3436 = vector.extract %slice3A_3435[0] : i32 from vector<1xi32>
        %shift_right_arithmetic3A_3437 = arith.constant 3 : i32
        %shift_right_arithmetic3A_3438 = arith.shrsi %squeeze3A_3436, %shift_right_arithmetic3A_3437 : i32
        %mul3A_3439 = arith.constant 8 : i32
        %mul3A_3440 = arith.muli %shift_right_arithmetic3A_3438, %mul3A_3439 : i32
        %multiple_of3A_3441 = tpu.assume_multiple %mul3A_3440, 8 : i32
        %slice3A_3442 = vector.extract_strided_slice %get3A_3394 {offsets = [1], sizes = [1], strides = [1]} : vector<16xi32> to vector<1xi32>
        %squeeze3A_3443 = vector.extract %slice3A_3442[0] : i32 from vector<1xi32>
        %shift_right_arithmetic3A_3444 = arith.constant 3 : i32
        %shift_right_arithmetic3A_3445 = arith.shrsi %squeeze3A_3443, %shift_right_arithmetic3A_3444 : i32
        %mul3A_3446 = arith.constant 8 : i32
        %mul3A_3447 = arith.muli %shift_right_arithmetic3A_3445, %mul3A_3446 : i32
        %multiple_of3A_3448 = tpu.assume_multiple %mul3A_3447, 8 : i32
        %dma_start3A_3449 = arith.constant 1 : i32
        %dma_start3A_3450 = arith.constant 0 : i32
        %dma_start3A_3451 = arith.constant 0 : i32
        %dma_start3A_3452 = tpu.memref_slice %arg13[%sub3A_3384, %dma_start3A_3449, %dma_start3A_3450, %dma_start3A_3451] : memref<2x16x8x64xf32, #tpu.memory_space<vmem>> -> memref<1x1x8x64xf32, #tpu.memory_space<vmem>>
        %dma_start3A_3453 = tpu.memref_squeeze %dma_start3A_3452 : memref<1x1x8x64xf32, #tpu.memory_space<vmem>> -> memref<8x64xf32, #tpu.memory_space<vmem>>
        %dma_start3A_3454 = arith.constant 0 : i32
        %dma_start3A_3455 = tpu.memref_slice %arg5[%multiple_of3A_3441, %dma_start3A_3454] : memref<1000000x64xf32, #tpu.memory_space<hbm>> -> memref<8x64xf32, #tpu.memory_space<hbm>>
        %dma_start3A_3456 = arith.constant 0 : i32
        %dma_start3A_3457 = arith.constant 0 : i32
        %dma_start3A_3458 = tpu.memref_slice %arg13[%sub3A_3384, %dma_start3A_3449, %dma_start3A_3456, %dma_start3A_3457] : memref<2x16x8x64xf32, #tpu.memory_space<vmem>> -> memref<1x1x8x64xf32, #tpu.memory_space<vmem>>
        %dma_start3A_3459 = tpu.memref_squeeze %dma_start3A_3458 : memref<1x1x8x64xf32, #tpu.memory_space<vmem>> -> memref<8x64xf32, #tpu.memory_space<vmem>>
        %dma_start3A_3460 = arith.constant 0 : i32
        %dma_start3A_3461 = tpu.memref_slice %arg5[%multiple_of3A_3441, %dma_start3A_3460] : memref<1000000x64xf32, #tpu.memory_space<hbm>> -> memref<8x64xf32, #tpu.memory_space<hbm>>
        tpu.enqueue_dma source(%dma_start3A_3461 : memref<8x64xf32, #tpu.memory_space<hbm>>) target(%dma_start3A_3459 : memref<8x64xf32, #tpu.memory_space<vmem>>) target_semaphore(%arg18 : memref<!tpu.dma_semaphore, #tpu.memory_space<semaphore_mem>>)
        %dma_start3A_3462 = arith.constant 1 : i32
        %dma_start3A_3463 = arith.constant 0 : i32
        %dma_start3A_3464 = arith.constant 0 : i32
        %dma_start3A_3465 = tpu.memref_slice %arg14[%sub3A_3384, %dma_start3A_3462, %dma_start3A_3463, %dma_start3A_3464] : memref<2x16x8x64xf32, #tpu.memory_space<vmem>> -> memref<1x1x8x64xf32, #tpu.memory_space<vmem>>
        %dma_start3A_3466 = tpu.memref_squeeze %dma_start3A_3465 : memref<1x1x8x64xf32, #tpu.memory_space<vmem>> -> memref<8x64xf32, #tpu.memory_space<vmem>>
        %dma_start3A_3467 = arith.constant 0 : i32
        %dma_start3A_3468 = tpu.memref_slice %arg6[%multiple_of3A_3448, %dma_start3A_3467] : memref<1000000x64xf32, #tpu.memory_space<hbm>> -> memref<8x64xf32, #tpu.memory_space<hbm>>
        %dma_start3A_3469 = arith.constant 0 : i32
        %dma_start3A_3470 = arith.constant 0 : i32
        %dma_start3A_3471 = tpu.memref_slice %arg14[%sub3A_3384, %dma_start3A_3462, %dma_start3A_3469, %dma_start3A_3470] : memref<2x16x8x64xf32, #tpu.memory_space<vmem>> -> memref<1x1x8x64xf32, #tpu.memory_space<vmem>>
        %dma_start3A_3472 = tpu.memref_squeeze %dma_start3A_3471 : memref<1x1x8x64xf32, #tpu.memory_space<vmem>> -> memref<8x64xf32, #tpu.memory_space<vmem>>
        %dma_start3A_3473 = arith.constant 0 : i32
        %dma_start3A_3474 = tpu.memref_slice %arg6[%multiple_of3A_3448, %dma_start3A_3473] : memref<1000000x64xf32, #tpu.memory_space<hbm>> -> memref<8x64xf32, #tpu.memory_space<hbm>>
        tpu.enqueue_dma source(%dma_start3A_3474 : memref<8x64xf32, #tpu.memory_space<hbm>>) target(%dma_start3A_3472 : memref<8x64xf32, #tpu.memory_space<vmem>>) target_semaphore(%arg18 : memref<!tpu.dma_semaphore, #tpu.memory_space<semaphore_mem>>)
        %slice3A_3475 = vector.extract_strided_slice %get3A_3389 {offsets = [2], sizes = [1], strides = [1]} : vector<16xi32> to vector<1xi32>
        %squeeze3A_3476 = vector.extract %slice3A_3475[0] : i32 from vector<1xi32>
        %shift_right_arithmetic3A_3477 = arith.constant 3 : i32
        %shift_right_arithmetic3A_3478 = arith.shrsi %squeeze3A_3476, %shift_right_arithmetic3A_3477 : i32
        %mul3A_3479 = arith.constant 8 : i32
        %mul3A_3480 = arith.muli %shift_right_arithmetic3A_3478, %mul3A_3479 : i32
        %multiple_of3A_3481 = tpu.assume_multiple %mul3A_3480, 8 : i32
        %slice3A_3482 = vector.extract_strided_slice %get3A_3394 {offsets = [2], sizes = [1], strides = [1]} : vector<16xi32> to vector<1xi32>
        %squeeze3A_3483 = vector.extract %slice3A_3482[0] : i32 from vector<1xi32>
        %shift_right_arithmetic3A_3484 = arith.constant 3 : i32
        %shift_right_arithmetic3A_3485 = arith.shrsi %squeeze3A_3483, %shift_right_arithmetic3A_3484 : i32
        %mul3A_3486 = arith.constant 8 : i32
        %mul3A_3487 = arith.muli %shift_right_arithmetic3A_3485, %mul3A_3486 : i32
        %multiple_of3A_3488 = tpu.assume_multiple %mul3A_3487, 8 : i32
        %dma_start3A_3489 = arith.constant 2 : i32
        %dma_start3A_3490 = arith.constant 0 : i32
        %dma_start3A_3491 = arith.constant 0 : i32
        %dma_start3A_3492 = tpu.memref_slice %arg13[%sub3A_3384, %dma_start3A_3489, %dma_start3A_3490, %dma_start3A_3491] : memref<2x16x8x64xf32, #tpu.memory_space<vmem>> -> memref<1x1x8x64xf32, #tpu.memory_space<vmem>>
        %dma_start3A_3493 = tpu.memref_squeeze %dma_start3A_3492 : memref<1x1x8x64xf32, #tpu.memory_space<vmem>> -> memref<8x64xf32, #tpu.memory_space<vmem>>
        %dma_start3A_3494 = arith.constant 0 : i32
        %dma_start3A_3495 = tpu.memref_slice %arg5[%multiple_of3A_3481, %dma_start3A_3494] : memref<1000000x64xf32, #tpu.memory_space<hbm>> -> memref<8x64xf32, #tpu.memory_space<hbm>>
        %dma_start3A_3496 = arith.constant 0 : i32
        %dma_start3A_3497 = arith.constant 0 : i32
        %dma_start3A_3498 = tpu.memref_slice %arg13[%sub3A_3384, %dma_start3A_3489, %dma_start3A_3496, %dma_start3A_3497] : memref<2x16x8x64xf32, #tpu.memory_space<vmem>> -> memref<1x1x8x64xf32, #tpu.memory_space<vmem>>
        %dma_start3A_3499 = tpu.memref_squeeze %dma_start3A_3498 : memref<1x1x8x64xf32, #tpu.memory_space<vmem>> -> memref<8x64xf32, #tpu.memory_space<vmem>>
        %dma_start3A_3500 = arith.constant 0 : i32
        %dma_start3A_3501 = tpu.memref_slice %arg5[%multiple_of3A_3481, %dma_start3A_3500] : memref<1000000x64xf32, #tpu.memory_space<hbm>> -> memref<8x64xf32, #tpu.memory_space<hbm>>
        tpu.enqueue_dma source(%dma_start3A_3501 : memref<8x64xf32, #tpu.memory_space<hbm>>) target(%dma_start3A_3499 : memref<8x64xf32, #tpu.memory_space<vmem>>) target_semaphore(%arg18 : memref<!tpu.dma_semaphore, #tpu.memory_space<semaphore_mem>>)
        %dma_start3A_3502 = arith.constant 2 : i32
        %dma_start3A_3503 = arith.constant 0 : i32
        %dma_start3A_3504 = arith.constant 0 : i32
        %dma_start3A_3505 = tpu.memref_slice %arg14[%sub3A_3384, %dma_start3A_3502, %dma_start3A_3503, %dma_start3A_3504] : memref<2x16x8x64xf32, #tpu.memory_space<vmem>> -> memref<1x1x8x64xf32, #tpu.memory_space<vmem>>
        %dma_start3A_3506 = tpu.memref_squeeze %dma_start3A_3505 : memref<1x1x8x64xf32, #tpu.memory_space<vmem>> -> memref<8x64xf32, #tpu.memory_space<vmem>>
        %dma_start3A_3507 = arith.constant 0 : i32
        %dma_start3A_3508 = tpu.memref_slice %arg6[%multiple_of3A_3488, %dma_start3A_3507] : memref<1000000x64xf32, #tpu.memory_space<hbm>> -> memref<8x64xf32, #tpu.memory_space<hbm>>
        %dma_start3A_3509 = arith.constant 0 : i32
        %dma_start3A_3510 = arith.constant 0 : i32
        %dma_start3A_3511 = tpu.memref_slice %arg14[%sub3A_3384, %dma_start3A_3502, %dma_start3A_3509, %dma_start3A_3510] : memref<2x16x8x64xf32, #tpu.memory_space<vmem>> -> memref<1x1x8x64xf32, #tpu.memory_space<vmem>>
        %dma_start3A_3512 = tpu.memref_squeeze %dma_start3A_3511 : memref<1x1x8x64xf32, #tpu.memory_space<vmem>> -> memref<8x64xf32, #tpu.memory_space<vmem>>
        %dma_start3A_3513 = arith.constant 0 : i32
        %dma_start3A_3514 = tpu.memref_slice %arg6[%multiple_of3A_3488, %dma_start3A_3513] : memref<1000000x64xf32, #tpu.memory_space<hbm>> -> memref<8x64xf32, #tpu.memory_space<hbm>>
        tpu.enqueue_dma source(%dma_start3A_3514 : memref<8x64xf32, #tpu.memory_space<hbm>>) target(%dma_start3A_3512 : memref<8x64xf32, #tpu.memory_space<vmem>>) target_semaphore(%arg18 : memref<!tpu.dma_semaphore, #tpu.memory_space<semaphore_mem>>)
        %slice3A_3515 = vector.extract_strided_slice %get3A_3389 {offsets = [3], sizes = [1], strides = [1]} : vector<16xi32> to vector<1xi32>
        %squeeze3A_3516 = vector.extract %slice3A_3515[0] : i32 from vector<1xi32>
        %shift_right_arithmetic3A_3517 = arith.constant 3 : i32
        %shift_right_arithmetic3A_3518 = arith.shrsi %squeeze3A_3516, %shift_right_arithmetic3A_3517 : i32
        %mul3A_3519 = arith.constant 8 : i32
        %mul3A_3520 = arith.muli %shift_right_arithmetic3A_3518, %mul3A_3519 : i32
        %multiple_of3A_3521 = tpu.assume_multiple %mul3A_3520, 8 : i32
        %slice3A_3522 = vector.extract_strided_slice %get3A_3394 {offsets = [3], sizes = [1], strides = [1]} : vector<16xi32> to vector<1xi32>
        %squeeze3A_3523 = vector.extract %slice3A_3522[0] : i32 from vector<1xi32>
        %shift_right_arithmetic3A_3524 = arith.constant 3 : i32
        %shift_right_arithmetic3A_3525 = arith.shrsi %squeeze3A_3523, %shift_right_arithmetic3A_3524 : i32
        %mul3A_3526 = arith.constant 8 : i32
        %mul3A_3527 = arith.muli %shift_right_arithmetic3A_3525, %mul3A_3526 : i32
        %multiple_of3A_3528 = tpu.assume_multiple %mul3A_3527, 8 : i32
        %dma_start3A_3529 = arith.constant 3 : i32
        %dma_start3A_3530 = arith.constant 0 : i32
        %dma_start3A_3531 = arith.constant 0 : i32
        %dma_start3A_3532 = tpu.memref_slice %arg13[%sub3A_3384, %dma_start3A_3529, %dma_start3A_3530, %dma_start3A_3531] : memref<2x16x8x64xf32, #tpu.memory_space<vmem>> -> memref<1x1x8x64xf32, #tpu.memory_space<vmem>>
        %dma_start3A_3533 = tpu.memref_squeeze %dma_start3A_3532 : memref<1x1x8x64xf32, #tpu.memory_space<vmem>> -> memref<8x64xf32, #tpu.memory_space<vmem>>
        %dma_start3A_3534 = arith.constant 0 : i32
        %dma_start3A_3535 = tpu.memref_slice %arg5[%multiple_of3A_3521, %dma_start3A_3534] : memref<1000000x64xf32, #tpu.memory_space<hbm>> -> memref<8x64xf32, #tpu.memory_space<hbm>>
        %dma_start3A_3536 = arith.constant 0 : i32
        %dma_start3A_3537 = arith.constant 0 : i32
        %dma_start3A_3538 = tpu.memref_slice %arg13[%sub3A_3384, %dma_start3A_3529, %dma_start3A_3536, %dma_start3A_3537] : memref<2x16x8x64xf32, #tpu.memory_space<vmem>> -> memref<1x1x8x64xf32, #tpu.memory_space<vmem>>
        %dma_start3A_3539 = tpu.memref_squeeze %dma_start3A_3538 : memref<1x1x8x64xf32, #tpu.memory_space<vmem>> -> memref<8x64xf32, #tpu.memory_space<vmem>>
        %dma_start3A_3540 = arith.constant 0 : i32
        %dma_start3A_3541 = tpu.memref_slice %arg5[%multiple_of3A_3521, %dma_start3A_3540] : memref<1000000x64xf32, #tpu.memory_space<hbm>> -> memref<8x64xf32, #tpu.memory_space<hbm>>
        tpu.enqueue_dma source(%dma_start3A_3541 : memref<8x64xf32, #tpu.memory_space<hbm>>) target(%dma_start3A_3539 : memref<8x64xf32, #tpu.memory_space<vmem>>) target_semaphore(%arg18 : memref<!tpu.dma_semaphore, #tpu.memory_space<semaphore_mem>>)
        %dma_start3A_3542 = arith.constant 3 : i32
        %dma_start3A_3543 = arith.constant 0 : i32
        %dma_start3A_3544 = arith.constant 0 : i32
        %dma_start3A_3545 = tpu.memref_slice %arg14[%sub3A_3384, %dma_start3A_3542, %dma_start3A_3543, %dma_start3A_3544] : memref<2x16x8x64xf32, #tpu.memory_space<vmem>> -> memref<1x1x8x64xf32, #tpu.memory_space<vmem>>
        %dma_start3A_3546 = tpu.memref_squeeze %dma_start3A_3545 : memref<1x1x8x64xf32, #tpu.memory_space<vmem>> -> memref<8x64xf32, #tpu.memory_space<vmem>>
        %dma_start3A_3547 = arith.constant 0 : i32
        %dma_start3A_3548 = tpu.memref_slice %arg6[%multiple_of3A_3528, %dma_start3A_3547] : memref<1000000x64xf32, #tpu.memory_space<hbm>> -> memref<8x64xf32, #tpu.memory_space<hbm>>
        %dma_start3A_3549 = arith.constant 0 : i32
        %dma_start3A_3550 = arith.constant 0 : i32
        %dma_start3A_3551 = tpu.memref_slice %arg14[%sub3A_3384, %dma_start3A_3542, %dma_start3A_3549, %dma_start3A_3550] : memref<2x16x8x64xf32, #tpu.memory_space<vmem>> -> memref<1x1x8x64xf32, #tpu.memory_space<vmem>>
        %dma_start3A_3552 = tpu.memref_squeeze %dma_start3A_3551 : memref<1x1x8x64xf32, #tpu.memory_space<vmem>> -> memref<8x64xf32, #tpu.memory_space<vmem>>
        %dma_start3A_3553 = arith.constant 0 : i32
        %dma_start3A_3554 = tpu.memref_slice %arg6[%multiple_of3A_3528, %dma_start3A_3553] : memref<1000000x64xf32, #tpu.memory_space<hbm>> -> memref<8x64xf32, #tpu.memory_space<hbm>>
        tpu.enqueue_dma source(%dma_start3A_3554 : memref<8x64xf32, #tpu.memory_space<hbm>>) target(%dma_start3A_3552 : memref<8x64xf32, #tpu.memory_space<vmem>>) target_semaphore(%arg18 : memref<!tpu.dma_semaphore, #tpu.memory_space<semaphore_mem>>)
        %slice3A_3555 = vector.extract_strided_slice %get3A_3389 {offsets = [4], sizes = [1], strides = [1]} : vector<16xi32> to vector<1xi32>
        %squeeze3A_3556 = vector.extract %slice3A_3555[0] : i32 from vector<1xi32>
        %shift_right_arithmetic3A_3557 = arith.constant 3 : i32
        %shift_right_arithmetic3A_3558 = arith.shrsi %squeeze3A_3556, %shift_right_arithmetic3A_3557 : i32
        %mul3A_3559 = arith.constant 8 : i32
        %mul3A_3560 = arith.muli %shift_right_arithmetic3A_3558, %mul3A_3559 : i32
        %multiple_of3A_3561 = tpu.assume_multiple %mul3A_3560, 8 : i32
        %slice3A_3562 = vector.extract_strided_slice %get3A_3394 {offsets = [4], sizes = [1], strides = [1]} : vector<16xi32> to vector<1xi32>
        %squeeze3A_3563 = vector.extract %slice3A_3562[0] : i32 from vector<1xi32>
        %shift_right_arithmetic3A_3564 = arith.constant 3 : i32
        %shift_right_arithmetic3A_3565 = arith.shrsi %squeeze3A_3563, %shift_right_arithmetic3A_3564 : i32
        %mul3A_3566 = arith.constant 8 : i32
        %mul3A_3567 = arith.muli %shift_right_arithmetic3A_3565, %mul3A_3566 : i32
        %multiple_of3A_3568 = tpu.assume_multiple %mul3A_3567, 8 : i32
        %dma_start3A_3569 = arith.constant 4 : i32
        %dma_start3A_3570 = arith.constant 0 : i32
        %dma_start3A_3571 = arith.constant 0 : i32
        %dma_start3A_3572 = tpu.memref_slice %arg13[%sub3A_3384, %dma_start3A_3569, %dma_start3A_3570, %dma_start3A_3571] : memref<2x16x8x64xf32, #tpu.memory_space<vmem>> -> memref<1x1x8x64xf32, #tpu.memory_space<vmem>>
        %dma_start3A_3573 = tpu.memref_squeeze %dma_start3A_3572 : memref<1x1x8x64xf32, #tpu.memory_space<vmem>> -> memref<8x64xf32, #tpu.memory_space<vmem>>
        %dma_start3A_3574 = arith.constant 0 : i32
        %dma_start3A_3575 = tpu.memref_slice %arg5[%multiple_of3A_3561, %dma_start3A_3574] : memref<1000000x64xf32, #tpu.memory_space<hbm>> -> memref<8x64xf32, #tpu.memory_space<hbm>>
        %dma_start3A_3576 = arith.constant 0 : i32
        %dma_start3A_3577 = arith.constant 0 : i32
        %dma_start3A_3578 = tpu.memref_slice %arg13[%sub3A_3384, %dma_start3A_3569, %dma_start3A_3576, %dma_start3A_3577] : memref<2x16x8x64xf32, #tpu.memory_space<vmem>> -> memref<1x1x8x64xf32, #tpu.memory_space<vmem>>
        %dma_start3A_3579 = tpu.memref_squeeze %dma_start3A_3578 : memref<1x1x8x64xf32, #tpu.memory_space<vmem>> -> memref<8x64xf32, #tpu.memory_space<vmem>>
        %dma_start3A_3580 = arith.constant 0 : i32
        %dma_start3A_3581 = tpu.memref_slice %arg5[%multiple_of3A_3561, %dma_start3A_3580] : memref<1000000x64xf32, #tpu.memory_space<hbm>> -> memref<8x64xf32, #tpu.memory_space<hbm>>
        tpu.enqueue_dma source(%dma_start3A_3581 : memref<8x64xf32, #tpu.memory_space<hbm>>) target(%dma_start3A_3579 : memref<8x64xf32, #tpu.memory_space<vmem>>) target_semaphore(%arg18 : memref<!tpu.dma_semaphore, #tpu.memory_space<semaphore_mem>>)
        %dma_start3A_3582 = arith.constant 4 : i32
        %dma_start3A_3583 = arith.constant 0 : i32
        %dma_start3A_3584 = arith.constant 0 : i32
        %dma_start3A_3585 = tpu.memref_slice %arg14[%sub3A_3384, %dma_start3A_3582, %dma_start3A_3583, %dma_start3A_3584] : memref<2x16x8x64xf32, #tpu.memory_space<vmem>> -> memref<1x1x8x64xf32, #tpu.memory_space<vmem>>
        %dma_start3A_3586 = tpu.memref_squeeze %dma_start3A_3585 : memref<1x1x8x64xf32, #tpu.memory_space<vmem>> -> memref<8x64xf32, #tpu.memory_space<vmem>>
        %dma_start3A_3587 = arith.constant 0 : i32
        %dma_start3A_3588 = tpu.memref_slice %arg6[%multiple_of3A_3568, %dma_start3A_3587] : memref<1000000x64xf32, #tpu.memory_space<hbm>> -> memref<8x64xf32, #tpu.memory_space<hbm>>
        %dma_start3A_3589 = arith.constant 0 : i32
        %dma_start3A_3590 = arith.constant 0 : i32
        %dma_start3A_3591 = tpu.memref_slice %arg14[%sub3A_3384, %dma_start3A_3582, %dma_start3A_3589, %dma_start3A_3590] : memref<2x16x8x64xf32, #tpu.memory_space<vmem>> -> memref<1x1x8x64xf32, #tpu.memory_space<vmem>>
        %dma_start3A_3592 = tpu.memref_squeeze %dma_start3A_3591 : memref<1x1x8x64xf32, #tpu.memory_space<vmem>> -> memref<8x64xf32, #tpu.memory_space<vmem>>
        %dma_start3A_3593 = arith.constant 0 : i32
        %dma_start3A_3594 = tpu.memref_slice %arg6[%multiple_of3A_3568, %dma_start3A_3593] : memref<1000000x64xf32, #tpu.memory_space<hbm>> -> memref<8x64xf32, #tpu.memory_space<hbm>>
        tpu.enqueue_dma source(%dma_start3A_3594 : memref<8x64xf32, #tpu.memory_space<hbm>>) target(%dma_start3A_3592 : memref<8x64xf32, #tpu.memory_space<vmem>>) target_semaphore(%arg18 : memref<!tpu.dma_semaphore, #tpu.memory_space<semaphore_mem>>)
        %slice3A_3595 = vector.extract_strided_slice %get3A_3389 {offsets = [5], sizes = [1], strides = [1]} : vector<16xi32> to vector<1xi32>
        %squeeze3A_3596 = vector.extract %slice3A_3595[0] : i32 from vector<1xi32>
        %shift_right_arithmetic3A_3597 = arith.constant 3 : i32
        %shift_right_arithmetic3A_3598 = arith.shrsi %squeeze3A_3596, %shift_right_arithmetic3A_3597 : i32
        %mul3A_3599 = arith.constant 8 : i32
        %mul3A_3600 = arith.muli %shift_right_arithmetic3A_3598, %mul3A_3599 : i32
        %multiple_of3A_3601 = tpu.assume_multiple %mul3A_3600, 8 : i32
        %slice3A_3602 = vector.extract_strided_slice %get3A_3394 {offsets = [5], sizes = [1], strides = [1]} : vector<16xi32> to vector<1xi32>
        %squeeze3A_3603 = vector.extract %slice3A_3602[0] : i32 from vector<1xi32>
        %shift_right_arithmetic3A_3604 = arith.constant 3 : i32
        %shift_right_arithmetic3A_3605 = arith.shrsi %squeeze3A_3603, %shift_right_arithmetic3A_3604 : i32
        %mul3A_3606 = arith.constant 8 : i32
        %mul3A_3607 = arith.muli %shift_right_arithmetic3A_3605, %mul3A_3606 : i32
        %multiple_of3A_3608 = tpu.assume_multiple %mul3A_3607, 8 : i32
        %dma_start3A_3609 = arith.constant 5 : i32
        %dma_start3A_3610 = arith.constant 0 : i32
        %dma_start3A_3611 = arith.constant 0 : i32
        %dma_start3A_3612 = tpu.memref_slice %arg13[%sub3A_3384, %dma_start3A_3609, %dma_start3A_3610, %dma_start3A_3611] : memref<2x16x8x64xf32, #tpu.memory_space<vmem>> -> memref<1x1x8x64xf32, #tpu.memory_space<vmem>>
        %dma_start3A_3613 = tpu.memref_squeeze %dma_start3A_3612 : memref<1x1x8x64xf32, #tpu.memory_space<vmem>> -> memref<8x64xf32, #tpu.memory_space<vmem>>
        %dma_start3A_3614 = arith.constant 0 : i32
        %dma_start3A_3615 = tpu.memref_slice %arg5[%multiple_of3A_3601, %dma_start3A_3614] : memref<1000000x64xf32, #tpu.memory_space<hbm>> -> memref<8x64xf32, #tpu.memory_space<hbm>>
        %dma_start3A_3616 = arith.constant 0 : i32
        %dma_start3A_3617 = arith.constant 0 : i32
        %dma_start3A_3618 = tpu.memref_slice %arg13[%sub3A_3384, %dma_start3A_3609, %dma_start3A_3616, %dma_start3A_3617] : memref<2x16x8x64xf32, #tpu.memory_space<vmem>> -> memref<1x1x8x64xf32, #tpu.memory_space<vmem>>
        %dma_start3A_3619 = tpu.memref_squeeze %dma_start3A_3618 : memref<1x1x8x64xf32, #tpu.memory_space<vmem>> -> memref<8x64xf32, #tpu.memory_space<vmem>>
        %dma_start3A_3620 = arith.constant 0 : i32
        %dma_start3A_3621 = tpu.memref_slice %arg5[%multiple_of3A_3601, %dma_start3A_3620] : memref<1000000x64xf32, #tpu.memory_space<hbm>> -> memref<8x64xf32, #tpu.memory_space<hbm>>
        tpu.enqueue_dma source(%dma_start3A_3621 : memref<8x64xf32, #tpu.memory_space<hbm>>) target(%dma_start3A_3619 : memref<8x64xf32, #tpu.memory_space<vmem>>) target_semaphore(%arg18 : memref<!tpu.dma_semaphore, #tpu.memory_space<semaphore_mem>>)
        %dma_start3A_3622 = arith.constant 5 : i32
        %dma_start3A_3623 = arith.constant 0 : i32
        %dma_start3A_3624 = arith.constant 0 : i32
        %dma_start3A_3625 = tpu.memref_slice %arg14[%sub3A_3384, %dma_start3A_3622, %dma_start3A_3623, %dma_start3A_3624] : memref<2x16x8x64xf32, #tpu.memory_space<vmem>> -> memref<1x1x8x64xf32, #tpu.memory_space<vmem>>
        %dma_start3A_3626 = tpu.memref_squeeze %dma_start3A_3625 : memref<1x1x8x64xf32, #tpu.memory_space<vmem>> -> memref<8x64xf32, #tpu.memory_space<vmem>>
        %dma_start3A_3627 = arith.constant 0 : i32
        %dma_start3A_3628 = tpu.memref_slice %arg6[%multiple_of3A_3608, %dma_start3A_3627] : memref<1000000x64xf32, #tpu.memory_space<hbm>> -> memref<8x64xf32, #tpu.memory_space<hbm>>
        %dma_start3A_3629 = arith.constant 0 : i32
        %dma_start3A_3630 = arith.constant 0 : i32
        %dma_start3A_3631 = tpu.memref_slice %arg14[%sub3A_3384, %dma_start3A_3622, %dma_start3A_3629, %dma_start3A_3630] : memref<2x16x8x64xf32, #tpu.memory_space<vmem>> -> memref<1x1x8x64xf32, #tpu.memory_space<vmem>>
        %dma_start3A_3632 = tpu.memref_squeeze %dma_start3A_3631 : memref<1x1x8x64xf32, #tpu.memory_space<vmem>> -> memref<8x64xf32, #tpu.memory_space<vmem>>
        %dma_start3A_3633 = arith.constant 0 : i32
        %dma_start3A_3634 = tpu.memref_slice %arg6[%multiple_of3A_3608, %dma_start3A_3633] : memref<1000000x64xf32, #tpu.memory_space<hbm>> -> memref<8x64xf32, #tpu.memory_space<hbm>>
        tpu.enqueue_dma source(%dma_start3A_3634 : memref<8x64xf32, #tpu.memory_space<hbm>>) target(%dma_start3A_3632 : memref<8x64xf32, #tpu.memory_space<vmem>>) target_semaphore(%arg18 : memref<!tpu.dma_semaphore, #tpu.memory_space<semaphore_mem>>)
        %slice3A_3635 = vector.extract_strided_slice %get3A_3389 {offsets = [6], sizes = [1], strides = [1]} : vector<16xi32> to vector<1xi32>
        %squeeze3A_3636 = vector.extract %slice3A_3635[0] : i32 from vector<1xi32>
        %shift_right_arithmetic3A_3637 = arith.constant 3 : i32
        %shift_right_arithmetic3A_3638 = arith.shrsi %squeeze3A_3636, %shift_right_arithmetic3A_3637 : i32
        %mul3A_3639 = arith.constant 8 : i32
        %mul3A_3640 = arith.muli %shift_right_arithmetic3A_3638, %mul3A_3639 : i32
        %multiple_of3A_3641 = tpu.assume_multiple %mul3A_3640, 8 : i32
        %slice3A_3642 = vector.extract_strided_slice %get3A_3394 {offsets = [6], sizes = [1], strides = [1]} : vector<16xi32> to vector<1xi32>
        %squeeze3A_3643 = vector.extract %slice3A_3642[0] : i32 from vector<1xi32>
        %shift_right_arithmetic3A_3644 = arith.constant 3 : i32
        %shift_right_arithmetic3A_3645 = arith.shrsi %squeeze3A_3643, %shift_right_arithmetic3A_3644 : i32
        %mul3A_3646 = arith.constant 8 : i32
        %mul3A_3647 = arith.muli %shift_right_arithmetic3A_3645, %mul3A_3646 : i32
        %multiple_of3A_3648 = tpu.assume_multiple %mul3A_3647, 8 : i32
        %dma_start3A_3649 = arith.constant 6 : i32
        %dma_start3A_3650 = arith.constant 0 : i32
        %dma_start3A_3651 = arith.constant 0 : i32
        %dma_start3A_3652 = tpu.memref_slice %arg13[%sub3A_3384, %dma_start3A_3649, %dma_start3A_3650, %dma_start3A_3651] : memref<2x16x8x64xf32, #tpu.memory_space<vmem>> -> memref<1x1x8x64xf32, #tpu.memory_space<vmem>>
        %dma_start3A_3653 = tpu.memref_squeeze %dma_start3A_3652 : memref<1x1x8x64xf32, #tpu.memory_space<vmem>> -> memref<8x64xf32, #tpu.memory_space<vmem>>
        %dma_start3A_3654 = arith.constant 0 : i32
        %dma_start3A_3655 = tpu.memref_slice %arg5[%multiple_of3A_3641, %dma_start3A_3654] : memref<1000000x64xf32, #tpu.memory_space<hbm>> -> memref<8x64xf32, #tpu.memory_space<hbm>>
        %dma_start3A_3656 = arith.constant 0 : i32
        %dma_start3A_3657 = arith.constant 0 : i32
        %dma_start3A_3658 = tpu.memref_slice %arg13[%sub3A_3384, %dma_start3A_3649, %dma_start3A_3656, %dma_start3A_3657] : memref<2x16x8x64xf32, #tpu.memory_space<vmem>> -> memref<1x1x8x64xf32, #tpu.memory_space<vmem>>
        %dma_start3A_3659 = tpu.memref_squeeze %dma_start3A_3658 : memref<1x1x8x64xf32, #tpu.memory_space<vmem>> -> memref<8x64xf32, #tpu.memory_space<vmem>>
        %dma_start3A_3660 = arith.constant 0 : i32
        %dma_start3A_3661 = tpu.memref_slice %arg5[%multiple_of3A_3641, %dma_start3A_3660] : memref<1000000x64xf32, #tpu.memory_space<hbm>> -> memref<8x64xf32, #tpu.memory_space<hbm>>
        tpu.enqueue_dma source(%dma_start3A_3661 : memref<8x64xf32, #tpu.memory_space<hbm>>) target(%dma_start3A_3659 : memref<8x64xf32, #tpu.memory_space<vmem>>) target_semaphore(%arg18 : memref<!tpu.dma_semaphore, #tpu.memory_space<semaphore_mem>>)
        %dma_start3A_3662 = arith.constant 6 : i32
        %dma_start3A_3663 = arith.constant 0 : i32
        %dma_start3A_3664 = arith.constant 0 : i32
        %dma_start3A_3665 = tpu.memref_slice %arg14[%sub3A_3384, %dma_start3A_3662, %dma_start3A_3663, %dma_start3A_3664] : memref<2x16x8x64xf32, #tpu.memory_space<vmem>> -> memref<1x1x8x64xf32, #tpu.memory_space<vmem>>
        %dma_start3A_3666 = tpu.memref_squeeze %dma_start3A_3665 : memref<1x1x8x64xf32, #tpu.memory_space<vmem>> -> memref<8x64xf32, #tpu.memory_space<vmem>>
        %dma_start3A_3667 = arith.constant 0 : i32
        %dma_start3A_3668 = tpu.memref_slice %arg6[%multiple_of3A_3648, %dma_start3A_3667] : memref<1000000x64xf32, #tpu.memory_space<hbm>> -> memref<8x64xf32, #tpu.memory_space<hbm>>
        %dma_start3A_3669 = arith.constant 0 : i32
        %dma_start3A_3670 = arith.constant 0 : i32
        %dma_start3A_3671 = tpu.memref_slice %arg14[%sub3A_3384, %dma_start3A_3662, %dma_start3A_3669, %dma_start3A_3670] : memref<2x16x8x64xf32, #tpu.memory_space<vmem>> -> memref<1x1x8x64xf32, #tpu.memory_space<vmem>>
        %dma_start3A_3672 = tpu.memref_squeeze %dma_start3A_3671 : memref<1x1x8x64xf32, #tpu.memory_space<vmem>> -> memref<8x64xf32, #tpu.memory_space<vmem>>
        %dma_start3A_3673 = arith.constant 0 : i32
        %dma_start3A_3674 = tpu.memref_slice %arg6[%multiple_of3A_3648, %dma_start3A_3673] : memref<1000000x64xf32, #tpu.memory_space<hbm>> -> memref<8x64xf32, #tpu.memory_space<hbm>>
        tpu.enqueue_dma source(%dma_start3A_3674 : memref<8x64xf32, #tpu.memory_space<hbm>>) target(%dma_start3A_3672 : memref<8x64xf32, #tpu.memory_space<vmem>>) target_semaphore(%arg18 : memref<!tpu.dma_semaphore, #tpu.memory_space<semaphore_mem>>)
        %slice3A_3675 = vector.extract_strided_slice %get3A_3389 {offsets = [7], sizes = [1], strides = [1]} : vector<16xi32> to vector<1xi32>
        %squeeze3A_3676 = vector.extract %slice3A_3675[0] : i32 from vector<1xi32>
        %shift_right_arithmetic3A_3677 = arith.constant 3 : i32
        %shift_right_arithmetic3A_3678 = arith.shrsi %squeeze3A_3676, %shift_right_arithmetic3A_3677 : i32
        %mul3A_3679 = arith.constant 8 : i32
        %mul3A_3680 = arith.muli %shift_right_arithmetic3A_3678, %mul3A_3679 : i32
        %multiple_of3A_3681 = tpu.assume_multiple %mul3A_3680, 8 : i32
        %slice3A_3682 = vector.extract_strided_slice %get3A_3394 {offsets = [7], sizes = [1], strides = [1]} : vector<16xi32> to vector<1xi32>
        %squeeze3A_3683 = vector.extract %slice3A_3682[0] : i32 from vector<1xi32>
        %shift_right_arithmetic3A_3684 = arith.constant 3 : i32
        %shift_right_arithmetic3A_3685 = arith.shrsi %squeeze3A_3683, %shift_right_arithmetic3A_3684 : i32
        %mul3A_3686 = arith.constant 8 : i32
        %mul3A_3687 = arith.muli %shift_right_arithmetic3A_3685, %mul3A_3686 : i32
        %multiple_of3A_3688 = tpu.assume_multiple %mul3A_3687, 8 : i32
        %dma_start3A_3689 = arith.constant 7 : i32
        %dma_start3A_3690 = arith.constant 0 : i32
        %dma_start3A_3691 = arith.constant 0 : i32
        %dma_start3A_3692 = tpu.memref_slice %arg13[%sub3A_3384, %dma_start3A_3689, %dma_start3A_3690, %dma_start3A_3691] : memref<2x16x8x64xf32, #tpu.memory_space<vmem>> -> memref<1x1x8x64xf32, #tpu.memory_space<vmem>>
        %dma_start3A_3693 = tpu.memref_squeeze %dma_start3A_3692 : memref<1x1x8x64xf32, #tpu.memory_space<vmem>> -> memref<8x64xf32, #tpu.memory_space<vmem>>
        %dma_start3A_3694 = arith.constant 0 : i32
        %dma_start3A_3695 = tpu.memref_slice %arg5[%multiple_of3A_3681, %dma_start3A_3694] : memref<1000000x64xf32, #tpu.memory_space<hbm>> -> memref<8x64xf32, #tpu.memory_space<hbm>>
        %dma_start3A_3696 = arith.constant 0 : i32
        %dma_start3A_3697 = arith.constant 0 : i32
        %dma_start3A_3698 = tpu.memref_slice %arg13[%sub3A_3384, %dma_start3A_3689, %dma_start3A_3696, %dma_start3A_3697] : memref<2x16x8x64xf32, #tpu.memory_space<vmem>> -> memref<1x1x8x64xf32, #tpu.memory_space<vmem>>
        %dma_start3A_3699 = tpu.memref_squeeze %dma_start3A_3698 : memref<1x1x8x64xf32, #tpu.memory_space<vmem>> -> memref<8x64xf32, #tpu.memory_space<vmem>>
        %dma_start3A_3700 = arith.constant 0 : i32
        %dma_start3A_3701 = tpu.memref_slice %arg5[%multiple_of3A_3681, %dma_start3A_3700] : memref<1000000x64xf32, #tpu.memory_space<hbm>> -> memref<8x64xf32, #tpu.memory_space<hbm>>
        tpu.enqueue_dma source(%dma_start3A_3701 : memref<8x64xf32, #tpu.memory_space<hbm>>) target(%dma_start3A_3699 : memref<8x64xf32, #tpu.memory_space<vmem>>) target_semaphore(%arg18 : memref<!tpu.dma_semaphore, #tpu.memory_space<semaphore_mem>>)
        %dma_start3A_3702 = arith.constant 7 : i32
        %dma_start3A_3703 = arith.constant 0 : i32
        %dma_start3A_3704 = arith.constant 0 : i32
        %dma_start3A_3705 = tpu.memref_slice %arg14[%sub3A_3384, %dma_start3A_3702, %dma_start3A_3703, %dma_start3A_3704] : memref<2x16x8x64xf32, #tpu.memory_space<vmem>> -> memref<1x1x8x64xf32, #tpu.memory_space<vmem>>
        %dma_start3A_3706 = tpu.memref_squeeze %dma_start3A_3705 : memref<1x1x8x64xf32, #tpu.memory_space<vmem>> -> memref<8x64xf32, #tpu.memory_space<vmem>>
        %dma_start3A_3707 = arith.constant 0 : i32
        %dma_start3A_3708 = tpu.memref_slice %arg6[%multiple_of3A_3688, %dma_start3A_3707] : memref<1000000x64xf32, #tpu.memory_space<hbm>> -> memref<8x64xf32, #tpu.memory_space<hbm>>
        %dma_start3A_3709 = arith.constant 0 : i32
        %dma_start3A_3710 = arith.constant 0 : i32
        %dma_start3A_3711 = tpu.memref_slice %arg14[%sub3A_3384, %dma_start3A_3702, %dma_start3A_3709, %dma_start3A_3710] : memref<2x16x8x64xf32, #tpu.memory_space<vmem>> -> memref<1x1x8x64xf32, #tpu.memory_space<vmem>>
        %dma_start3A_3712 = tpu.memref_squeeze %dma_start3A_3711 : memref<1x1x8x64xf32, #tpu.memory_space<vmem>> -> memref<8x64xf32, #tpu.memory_space<vmem>>
        %dma_start3A_3713 = arith.constant 0 : i32
        %dma_start3A_3714 = tpu.memref_slice %arg6[%multiple_of3A_3688, %dma_start3A_3713] : memref<1000000x64xf32, #tpu.memory_space<hbm>> -> memref<8x64xf32, #tpu.memory_space<hbm>>
        tpu.enqueue_dma source(%dma_start3A_3714 : memref<8x64xf32, #tpu.memory_space<hbm>>) target(%dma_start3A_3712 : memref<8x64xf32, #tpu.memory_space<vmem>>) target_semaphore(%arg18 : memref<!tpu.dma_semaphore, #tpu.memory_space<semaphore_mem>>)
        %slice3A_3715 = vector.extract_strided_slice %get3A_3389 {offsets = [8], sizes = [1], strides = [1]} : vector<16xi32> to vector<1xi32>
        %squeeze3A_3716 = vector.extract %slice3A_3715[0] : i32 from vector<1xi32>
        %shift_right_arithmetic3A_3717 = arith.constant 3 : i32
        %shift_right_arithmetic3A_3718 = arith.shrsi %squeeze3A_3716, %shift_right_arithmetic3A_3717 : i32
        %mul3A_3719 = arith.constant 8 : i32
        %mul3A_3720 = arith.muli %shift_right_arithmetic3A_3718, %mul3A_3719 : i32
        %multiple_of3A_3721 = tpu.assume_multiple %mul3A_3720, 8 : i32
        %slice3A_3722 = vector.extract_strided_slice %get3A_3394 {offsets = [8], sizes = [1], strides = [1]} : vector<16xi32> to vector<1xi32>
        %squeeze3A_3723 = vector.extract %slice3A_3722[0] : i32 from vector<1xi32>
        %shift_right_arithmetic3A_3724 = arith.constant 3 : i32
        %shift_right_arithmetic3A_3725 = arith.shrsi %squeeze3A_3723, %shift_right_arithmetic3A_3724 : i32
        %mul3A_3726 = arith.constant 8 : i32
        %mul3A_3727 = arith.muli %shift_right_arithmetic3A_3725, %mul3A_3726 : i32
        %multiple_of3A_3728 = tpu.assume_multiple %mul3A_3727, 8 : i32
        %dma_start3A_3729 = arith.constant 8 : i32
        %dma_start3A_3730 = arith.constant 0 : i32
        %dma_start3A_3731 = arith.constant 0 : i32
        %dma_start3A_3732 = tpu.memref_slice %arg13[%sub3A_3384, %dma_start3A_3729, %dma_start3A_3730, %dma_start3A_3731] : memref<2x16x8x64xf32, #tpu.memory_space<vmem>> -> memref<1x1x8x64xf32, #tpu.memory_space<vmem>>
        %dma_start3A_3733 = tpu.memref_squeeze %dma_start3A_3732 : memref<1x1x8x64xf32, #tpu.memory_space<vmem>> -> memref<8x64xf32, #tpu.memory_space<vmem>>
        %dma_start3A_3734 = arith.constant 0 : i32
        %dma_start3A_3735 = tpu.memref_slice %arg5[%multiple_of3A_3721, %dma_start3A_3734] : memref<1000000x64xf32, #tpu.memory_space<hbm>> -> memref<8x64xf32, #tpu.memory_space<hbm>>
        %dma_start3A_3736 = arith.constant 0 : i32
        %dma_start3A_3737 = arith.constant 0 : i32
        %dma_start3A_3738 = tpu.memref_slice %arg13[%sub3A_3384, %dma_start3A_3729, %dma_start3A_3736, %dma_start3A_3737] : memref<2x16x8x64xf32, #tpu.memory_space<vmem>> -> memref<1x1x8x64xf32, #tpu.memory_space<vmem>>
        %dma_start3A_3739 = tpu.memref_squeeze %dma_start3A_3738 : memref<1x1x8x64xf32, #tpu.memory_space<vmem>> -> memref<8x64xf32, #tpu.memory_space<vmem>>
        %dma_start3A_3740 = arith.constant 0 : i32
        %dma_start3A_3741 = tpu.memref_slice %arg5[%multiple_of3A_3721, %dma_start3A_3740] : memref<1000000x64xf32, #tpu.memory_space<hbm>> -> memref<8x64xf32, #tpu.memory_space<hbm>>
        tpu.enqueue_dma source(%dma_start3A_3741 : memref<8x64xf32, #tpu.memory_space<hbm>>) target(%dma_start3A_3739 : memref<8x64xf32, #tpu.memory_space<vmem>>) target_semaphore(%arg18 : memref<!tpu.dma_semaphore, #tpu.memory_space<semaphore_mem>>)
        %dma_start3A_3742 = arith.constant 8 : i32
        %dma_start3A_3743 = arith.constant 0 : i32
        %dma_start3A_3744 = arith.constant 0 : i32
        %dma_start3A_3745 = tpu.memref_slice %arg14[%sub3A_3384, %dma_start3A_3742, %dma_start3A_3743, %dma_start3A_3744] : memref<2x16x8x64xf32, #tpu.memory_space<vmem>> -> memref<1x1x8x64xf32, #tpu.memory_space<vmem>>
        %dma_start3A_3746 = tpu.memref_squeeze %dma_start3A_3745 : memref<1x1x8x64xf32, #tpu.memory_space<vmem>> -> memref<8x64xf32, #tpu.memory_space<vmem>>
        %dma_start3A_3747 = arith.constant 0 : i32
        %dma_start3A_3748 = tpu.memref_slice %arg6[%multiple_of3A_3728, %dma_start3A_3747] : memref<1000000x64xf32, #tpu.memory_space<hbm>> -> memref<8x64xf32, #tpu.memory_space<hbm>>
        %dma_start3A_3749 = arith.constant 0 : i32
        %dma_start3A_3750 = arith.constant 0 : i32
        %dma_start3A_3751 = tpu.memref_slice %arg14[%sub3A_3384, %dma_start3A_3742, %dma_start3A_3749, %dma_start3A_3750] : memref<2x16x8x64xf32, #tpu.memory_space<vmem>> -> memref<1x1x8x64xf32, #tpu.memory_space<vmem>>
        %dma_start3A_3752 = tpu.memref_squeeze %dma_start3A_3751 : memref<1x1x8x64xf32, #tpu.memory_space<vmem>> -> memref<8x64xf32, #tpu.memory_space<vmem>>
        %dma_start3A_3753 = arith.constant 0 : i32
        %dma_start3A_3754 = tpu.memref_slice %arg6[%multiple_of3A_3728, %dma_start3A_3753] : memref<1000000x64xf32, #tpu.memory_space<hbm>> -> memref<8x64xf32, #tpu.memory_space<hbm>>
        tpu.enqueue_dma source(%dma_start3A_3754 : memref<8x64xf32, #tpu.memory_space<hbm>>) target(%dma_start3A_3752 : memref<8x64xf32, #tpu.memory_space<vmem>>) target_semaphore(%arg18 : memref<!tpu.dma_semaphore, #tpu.memory_space<semaphore_mem>>)
        %slice3A_3755 = vector.extract_strided_slice %get3A_3389 {offsets = [9], sizes = [1], strides = [1]} : vector<16xi32> to vector<1xi32>
        %squeeze3A_3756 = vector.extract %slice3A_3755[0] : i32 from vector<1xi32>
        %shift_right_arithmetic3A_3757 = arith.constant 3 : i32
        %shift_right_arithmetic3A_3758 = arith.shrsi %squeeze3A_3756, %shift_right_arithmetic3A_3757 : i32
        %mul3A_3759 = arith.constant 8 : i32
        %mul3A_3760 = arith.muli %shift_right_arithmetic3A_3758, %mul3A_3759 : i32
        %multiple_of3A_3761 = tpu.assume_multiple %mul3A_3760, 8 : i32
        %slice3A_3762 = vector.extract_strided_slice %get3A_3394 {offsets = [9], sizes = [1], strides = [1]} : vector<16xi32> to vector<1xi32>
        %squeeze3A_3763 = vector.extract %slice3A_3762[0] : i32 from vector<1xi32>
        %shift_right_arithmetic3A_3764 = arith.constant 3 : i32
        %shift_right_arithmetic3A_3765 = arith.shrsi %squeeze3A_3763, %shift_right_arithmetic3A_3764 : i32
        %mul3A_3766 = arith.constant 8 : i32
        %mul3A_3767 = arith.muli %shift_right_arithmetic3A_3765, %mul3A_3766 : i32
        %multiple_of3A_3768 = tpu.assume_multiple %mul3A_3767, 8 : i32
        %dma_start3A_3769 = arith.constant 9 : i32
        %dma_start3A_3770 = arith.constant 0 : i32
        %dma_start3A_3771 = arith.constant 0 : i32
        %dma_start3A_3772 = tpu.memref_slice %arg13[%sub3A_3384, %dma_start3A_3769, %dma_start3A_3770, %dma_start3A_3771] : memref<2x16x8x64xf32, #tpu.memory_space<vmem>> -> memref<1x1x8x64xf32, #tpu.memory_space<vmem>>
        %dma_start3A_3773 = tpu.memref_squeeze %dma_start3A_3772 : memref<1x1x8x64xf32, #tpu.memory_space<vmem>> -> memref<8x64xf32, #tpu.memory_space<vmem>>
        %dma_start3A_3774 = arith.constant 0 : i32
        %dma_start3A_3775 = tpu.memref_slice %arg5[%multiple_of3A_3761, %dma_start3A_3774] : memref<1000000x64xf32, #tpu.memory_space<hbm>> -> memref<8x64xf32, #tpu.memory_space<hbm>>
        %dma_start3A_3776 = arith.constant 0 : i32
        %dma_start3A_3777 = arith.constant 0 : i32
        %dma_start3A_3778 = tpu.memref_slice %arg13[%sub3A_3384, %dma_start3A_3769, %dma_start3A_3776, %dma_start3A_3777] : memref<2x16x8x64xf32, #tpu.memory_space<vmem>> -> memref<1x1x8x64xf32, #tpu.memory_space<vmem>>
        %dma_start3A_3779 = tpu.memref_squeeze %dma_start3A_3778 : memref<1x1x8x64xf32, #tpu.memory_space<vmem>> -> memref<8x64xf32, #tpu.memory_space<vmem>>
        %dma_start3A_3780 = arith.constant 0 : i32
        %dma_start3A_3781 = tpu.memref_slice %arg5[%multiple_of3A_3761, %dma_start3A_3780] : memref<1000000x64xf32, #tpu.memory_space<hbm>> -> memref<8x64xf32, #tpu.memory_space<hbm>>
        tpu.enqueue_dma source(%dma_start3A_3781 : memref<8x64xf32, #tpu.memory_space<hbm>>) target(%dma_start3A_3779 : memref<8x64xf32, #tpu.memory_space<vmem>>) target_semaphore(%arg18 : memref<!tpu.dma_semaphore, #tpu.memory_space<semaphore_mem>>)
        %dma_start3A_3782 = arith.constant 9 : i32
        %dma_start3A_3783 = arith.constant 0 : i32
        %dma_start3A_3784 = arith.constant 0 : i32
        %dma_start3A_3785 = tpu.memref_slice %arg14[%sub3A_3384, %dma_start3A_3782, %dma_start3A_3783, %dma_start3A_3784] : memref<2x16x8x64xf32, #tpu.memory_space<vmem>> -> memref<1x1x8x64xf32, #tpu.memory_space<vmem>>
        %dma_start3A_3786 = tpu.memref_squeeze %dma_start3A_3785 : memref<1x1x8x64xf32, #tpu.memory_space<vmem>> -> memref<8x64xf32, #tpu.memory_space<vmem>>
        %dma_start3A_3787 = arith.constant 0 : i32
        %dma_start3A_3788 = tpu.memref_slice %arg6[%multiple_of3A_3768, %dma_start3A_3787] : memref<1000000x64xf32, #tpu.memory_space<hbm>> -> memref<8x64xf32, #tpu.memory_space<hbm>>
        %dma_start3A_3789 = arith.constant 0 : i32
        %dma_start3A_3790 = arith.constant 0 : i32
        %dma_start3A_3791 = tpu.memref_slice %arg14[%sub3A_3384, %dma_start3A_3782, %dma_start3A_3789, %dma_start3A_3790] : memref<2x16x8x64xf32, #tpu.memory_space<vmem>> -> memref<1x1x8x64xf32, #tpu.memory_space<vmem>>
        %dma_start3A_3792 = tpu.memref_squeeze %dma_start3A_3791 : memref<1x1x8x64xf32, #tpu.memory_space<vmem>> -> memref<8x64xf32, #tpu.memory_space<vmem>>
        %dma_start3A_3793 = arith.constant 0 : i32
        %dma_start3A_3794 = tpu.memref_slice %arg6[%multiple_of3A_3768, %dma_start3A_3793] : memref<1000000x64xf32, #tpu.memory_space<hbm>> -> memref<8x64xf32, #tpu.memory_space<hbm>>
        tpu.enqueue_dma source(%dma_start3A_3794 : memref<8x64xf32, #tpu.memory_space<hbm>>) target(%dma_start3A_3792 : memref<8x64xf32, #tpu.memory_space<vmem>>) target_semaphore(%arg18 : memref<!tpu.dma_semaphore, #tpu.memory_space<semaphore_mem>>)
        %slice3A_3795 = vector.extract_strided_slice %get3A_3389 {offsets = [10], sizes = [1], strides = [1]} : vector<16xi32> to vector<1xi32>
        %squeeze3A_3796 = vector.extract %slice3A_3795[0] : i32 from vector<1xi32>
        %shift_right_arithmetic3A_3797 = arith.constant 3 : i32
        %shift_right_arithmetic3A_3798 = arith.shrsi %squeeze3A_3796, %shift_right_arithmetic3A_3797 : i32
        %mul3A_3799 = arith.constant 8 : i32
        %mul3A_3800 = arith.muli %shift_right_arithmetic3A_3798, %mul3A_3799 : i32
        %multiple_of3A_3801 = tpu.assume_multiple %mul3A_3800, 8 : i32
        %slice3A_3802 = vector.extract_strided_slice %get3A_3394 {offsets = [10], sizes = [1], strides = [1]} : vector<16xi32> to vector<1xi32>
        %squeeze3A_3803 = vector.extract %slice3A_3802[0] : i32 from vector<1xi32>
        %shift_right_arithmetic3A_3804 = arith.constant 3 : i32
        %shift_right_arithmetic3A_3805 = arith.shrsi %squeeze3A_3803, %shift_right_arithmetic3A_3804 : i32
        %mul3A_3806 = arith.constant 8 : i32
        %mul3A_3807 = arith.muli %shift_right_arithmetic3A_3805, %mul3A_3806 : i32
        %multiple_of3A_3808 = tpu.assume_multiple %mul3A_3807, 8 : i32
        %dma_start3A_3809 = arith.constant 10 : i32
        %dma_start3A_3810 = arith.constant 0 : i32
        %dma_start3A_3811 = arith.constant 0 : i32
        %dma_start3A_3812 = tpu.memref_slice %arg13[%sub3A_3384, %dma_start3A_3809, %dma_start3A_3810, %dma_start3A_3811] : memref<2x16x8x64xf32, #tpu.memory_space<vmem>> -> memref<1x1x8x64xf32, #tpu.memory_space<vmem>>
        %dma_start3A_3813 = tpu.memref_squeeze %dma_start3A_3812 : memref<1x1x8x64xf32, #tpu.memory_space<vmem>> -> memref<8x64xf32, #tpu.memory_space<vmem>>
        %dma_start3A_3814 = arith.constant 0 : i32
        %dma_start3A_3815 = tpu.memref_slice %arg5[%multiple_of3A_3801, %dma_start3A_3814] : memref<1000000x64xf32, #tpu.memory_space<hbm>> -> memref<8x64xf32, #tpu.memory_space<hbm>>
        %dma_start3A_3816 = arith.constant 0 : i32
        %dma_start3A_3817 = arith.constant 0 : i32
        %dma_start3A_3818 = tpu.memref_slice %arg13[%sub3A_3384, %dma_start3A_3809, %dma_start3A_3816, %dma_start3A_3817] : memref<2x16x8x64xf32, #tpu.memory_space<vmem>> -> memref<1x1x8x64xf32, #tpu.memory_space<vmem>>
        %dma_start3A_3819 = tpu.memref_squeeze %dma_start3A_3818 : memref<1x1x8x64xf32, #tpu.memory_space<vmem>> -> memref<8x64xf32, #tpu.memory_space<vmem>>
        %dma_start3A_3820 = arith.constant 0 : i32
        %dma_start3A_3821 = tpu.memref_slice %arg5[%multiple_of3A_3801, %dma_start3A_3820] : memref<1000000x64xf32, #tpu.memory_space<hbm>> -> memref<8x64xf32, #tpu.memory_space<hbm>>
        tpu.enqueue_dma source(%dma_start3A_3821 : memref<8x64xf32, #tpu.memory_space<hbm>>) target(%dma_start3A_3819 : memref<8x64xf32, #tpu.memory_space<vmem>>) target_semaphore(%arg18 : memref<!tpu.dma_semaphore, #tpu.memory_space<semaphore_mem>>)
        %dma_start3A_3822 = arith.constant 10 : i32
        %dma_start3A_3823 = arith.constant 0 : i32
        %dma_start3A_3824 = arith.constant 0 : i32
        %dma_start3A_3825 = tpu.memref_slice %arg14[%sub3A_3384, %dma_start3A_3822, %dma_start3A_3823, %dma_start3A_3824] : memref<2x16x8x64xf32, #tpu.memory_space<vmem>> -> memref<1x1x8x64xf32, #tpu.memory_space<vmem>>
        %dma_start3A_3826 = tpu.memref_squeeze %dma_start3A_3825 : memref<1x1x8x64xf32, #tpu.memory_space<vmem>> -> memref<8x64xf32, #tpu.memory_space<vmem>>
        %dma_start3A_3827 = arith.constant 0 : i32
        %dma_start3A_3828 = tpu.memref_slice %arg6[%multiple_of3A_3808, %dma_start3A_3827] : memref<1000000x64xf32, #tpu.memory_space<hbm>> -> memref<8x64xf32, #tpu.memory_space<hbm>>
        %dma_start3A_3829 = arith.constant 0 : i32
        %dma_start3A_3830 = arith.constant 0 : i32
        %dma_start3A_3831 = tpu.memref_slice %arg14[%sub3A_3384, %dma_start3A_3822, %dma_start3A_3829, %dma_start3A_3830] : memref<2x16x8x64xf32, #tpu.memory_space<vmem>> -> memref<1x1x8x64xf32, #tpu.memory_space<vmem>>
        %dma_start3A_3832 = tpu.memref_squeeze %dma_start3A_3831 : memref<1x1x8x64xf32, #tpu.memory_space<vmem>> -> memref<8x64xf32, #tpu.memory_space<vmem>>
        %dma_start3A_3833 = arith.constant 0 : i32
        %dma_start3A_3834 = tpu.memref_slice %arg6[%multiple_of3A_3808, %dma_start3A_3833] : memref<1000000x64xf32, #tpu.memory_space<hbm>> -> memref<8x64xf32, #tpu.memory_space<hbm>>
        tpu.enqueue_dma source(%dma_start3A_3834 : memref<8x64xf32, #tpu.memory_space<hbm>>) target(%dma_start3A_3832 : memref<8x64xf32, #tpu.memory_space<vmem>>) target_semaphore(%arg18 : memref<!tpu.dma_semaphore, #tpu.memory_space<semaphore_mem>>)
        %slice3A_3835 = vector.extract_strided_slice %get3A_3389 {offsets = [11], sizes = [1], strides = [1]} : vector<16xi32> to vector<1xi32>
        %squeeze3A_3836 = vector.extract %slice3A_3835[0] : i32 from vector<1xi32>
        %shift_right_arithmetic3A_3837 = arith.constant 3 : i32
        %shift_right_arithmetic3A_3838 = arith.shrsi %squeeze3A_3836, %shift_right_arithmetic3A_3837 : i32
        %mul3A_3839 = arith.constant 8 : i32
        %mul3A_3840 = arith.muli %shift_right_arithmetic3A_3838, %mul3A_3839 : i32
        %multiple_of3A_3841 = tpu.assume_multiple %mul3A_3840, 8 : i32
        %slice3A_3842 = vector.extract_strided_slice %get3A_3394 {offsets = [11], sizes = [1], strides = [1]} : vector<16xi32> to vector<1xi32>
        %squeeze3A_3843 = vector.extract %slice3A_3842[0] : i32 from vector<1xi32>
        %shift_right_arithmetic3A_3844 = arith.constant 3 : i32
        %shift_right_arithmetic3A_3845 = arith.shrsi %squeeze3A_3843, %shift_right_arithmetic3A_3844 : i32
        %mul3A_3846 = arith.constant 8 : i32
        %mul3A_3847 = arith.muli %shift_right_arithmetic3A_3845, %mul3A_3846 : i32
        %multiple_of3A_3848 = tpu.assume_multiple %mul3A_3847, 8 : i32
        %dma_start3A_3849 = arith.constant 11 : i32
        %dma_start3A_3850 = arith.constant 0 : i32
        %dma_start3A_3851 = arith.constant 0 : i32
        %dma_start3A_3852 = tpu.memref_slice %arg13[%sub3A_3384, %dma_start3A_3849, %dma_start3A_3850, %dma_start3A_3851] : memref<2x16x8x64xf32, #tpu.memory_space<vmem>> -> memref<1x1x8x64xf32, #tpu.memory_space<vmem>>
        %dma_start3A_3853 = tpu.memref_squeeze %dma_start3A_3852 : memref<1x1x8x64xf32, #tpu.memory_space<vmem>> -> memref<8x64xf32, #tpu.memory_space<vmem>>
        %dma_start3A_3854 = arith.constant 0 : i32
        %dma_start3A_3855 = tpu.memref_slice %arg5[%multiple_of3A_3841, %dma_start3A_3854] : memref<1000000x64xf32, #tpu.memory_space<hbm>> -> memref<8x64xf32, #tpu.memory_space<hbm>>
        %dma_start3A_3856 = arith.constant 0 : i32
        %dma_start3A_3857 = arith.constant 0 : i32
        %dma_start3A_3858 = tpu.memref_slice %arg13[%sub3A_3384, %dma_start3A_3849, %dma_start3A_3856, %dma_start3A_3857] : memref<2x16x8x64xf32, #tpu.memory_space<vmem>> -> memref<1x1x8x64xf32, #tpu.memory_space<vmem>>
        %dma_start3A_3859 = tpu.memref_squeeze %dma_start3A_3858 : memref<1x1x8x64xf32, #tpu.memory_space<vmem>> -> memref<8x64xf32, #tpu.memory_space<vmem>>
        %dma_start3A_3860 = arith.constant 0 : i32
        %dma_start3A_3861 = tpu.memref_slice %arg5[%multiple_of3A_3841, %dma_start3A_3860] : memref<1000000x64xf32, #tpu.memory_space<hbm>> -> memref<8x64xf32, #tpu.memory_space<hbm>>
        tpu.enqueue_dma source(%dma_start3A_3861 : memref<8x64xf32, #tpu.memory_space<hbm>>) target(%dma_start3A_3859 : memref<8x64xf32, #tpu.memory_space<vmem>>) target_semaphore(%arg18 : memref<!tpu.dma_semaphore, #tpu.memory_space<semaphore_mem>>)
        %dma_start3A_3862 = arith.constant 11 : i32
        %dma_start3A_3863 = arith.constant 0 : i32
        %dma_start3A_3864 = arith.constant 0 : i32
        %dma_start3A_3865 = tpu.memref_slice %arg14[%sub3A_3384, %dma_start3A_3862, %dma_start3A_3863, %dma_start3A_3864] : memref<2x16x8x64xf32, #tpu.memory_space<vmem>> -> memref<1x1x8x64xf32, #tpu.memory_space<vmem>>
        %dma_start3A_3866 = tpu.memref_squeeze %dma_start3A_3865 : memref<1x1x8x64xf32, #tpu.memory_space<vmem>> -> memref<8x64xf32, #tpu.memory_space<vmem>>
        %dma_start3A_3867 = arith.constant 0 : i32
        %dma_start3A_3868 = tpu.memref_slice %arg6[%multiple_of3A_3848, %dma_start3A_3867] : memref<1000000x64xf32, #tpu.memory_space<hbm>> -> memref<8x64xf32, #tpu.memory_space<hbm>>
        %dma_start3A_3869 = arith.constant 0 : i32
        %dma_start3A_3870 = arith.constant 0 : i32
        %dma_start3A_3871 = tpu.memref_slice %arg14[%sub3A_3384, %dma_start3A_3862, %dma_start3A_3869, %dma_start3A_3870] : memref<2x16x8x64xf32, #tpu.memory_space<vmem>> -> memref<1x1x8x64xf32, #tpu.memory_space<vmem>>
        %dma_start3A_3872 = tpu.memref_squeeze %dma_start3A_3871 : memref<1x1x8x64xf32, #tpu.memory_space<vmem>> -> memref<8x64xf32, #tpu.memory_space<vmem>>
        %dma_start3A_3873 = arith.constant 0 : i32
        %dma_start3A_3874 = tpu.memref_slice %arg6[%multiple_of3A_3848, %dma_start3A_3873] : memref<1000000x64xf32, #tpu.memory_space<hbm>> -> memref<8x64xf32, #tpu.memory_space<hbm>>
        tpu.enqueue_dma source(%dma_start3A_3874 : memref<8x64xf32, #tpu.memory_space<hbm>>) target(%dma_start3A_3872 : memref<8x64xf32, #tpu.memory_space<vmem>>) target_semaphore(%arg18 : memref<!tpu.dma_semaphore, #tpu.memory_space<semaphore_mem>>)
        %slice3A_3875 = vector.extract_strided_slice %get3A_3389 {offsets = [12], sizes = [1], strides = [1]} : vector<16xi32> to vector<1xi32>
        %squeeze3A_3876 = vector.extract %slice3A_3875[0] : i32 from vector<1xi32>
        %shift_right_arithmetic3A_3877 = arith.constant 3 : i32
        %shift_right_arithmetic3A_3878 = arith.shrsi %squeeze3A_3876, %shift_right_arithmetic3A_3877 : i32
        %mul3A_3879 = arith.constant 8 : i32
        %mul3A_3880 = arith.muli %shift_right_arithmetic3A_3878, %mul3A_3879 : i32
        %multiple_of3A_3881 = tpu.assume_multiple %mul3A_3880, 8 : i32
        %slice3A_3882 = vector.extract_strided_slice %get3A_3394 {offsets = [12], sizes = [1], strides = [1]} : vector<16xi32> to vector<1xi32>
        %squeeze3A_3883 = vector.extract %slice3A_3882[0] : i32 from vector<1xi32>
        %shift_right_arithmetic3A_3884 = arith.constant 3 : i32
        %shift_right_arithmetic3A_3885 = arith.shrsi %squeeze3A_3883, %shift_right_arithmetic3A_3884 : i32
        %mul3A_3886 = arith.constant 8 : i32
        %mul3A_3887 = arith.muli %shift_right_arithmetic3A_3885, %mul3A_3886 : i32
        %multiple_of3A_3888 = tpu.assume_multiple %mul3A_3887, 8 : i32
        %dma_start3A_3889 = arith.constant 12 : i32
        %dma_start3A_3890 = arith.constant 0 : i32
        %dma_start3A_3891 = arith.constant 0 : i32
        %dma_start3A_3892 = tpu.memref_slice %arg13[%sub3A_3384, %dma_start3A_3889, %dma_start3A_3890, %dma_start3A_3891] : memref<2x16x8x64xf32, #tpu.memory_space<vmem>> -> memref<1x1x8x64xf32, #tpu.memory_space<vmem>>
        %dma_start3A_3893 = tpu.memref_squeeze %dma_start3A_3892 : memref<1x1x8x64xf32, #tpu.memory_space<vmem>> -> memref<8x64xf32, #tpu.memory_space<vmem>>
        %dma_start3A_3894 = arith.constant 0 : i32
        %dma_start3A_3895 = tpu.memref_slice %arg5[%multiple_of3A_3881, %dma_start3A_3894] : memref<1000000x64xf32, #tpu.memory_space<hbm>> -> memref<8x64xf32, #tpu.memory_space<hbm>>
        %dma_start3A_3896 = arith.constant 0 : i32
        %dma_start3A_3897 = arith.constant 0 : i32
        %dma_start3A_3898 = tpu.memref_slice %arg13[%sub3A_3384, %dma_start3A_3889, %dma_start3A_3896, %dma_start3A_3897] : memref<2x16x8x64xf32, #tpu.memory_space<vmem>> -> memref<1x1x8x64xf32, #tpu.memory_space<vmem>>
        %dma_start3A_3899 = tpu.memref_squeeze %dma_start3A_3898 : memref<1x1x8x64xf32, #tpu.memory_space<vmem>> -> memref<8x64xf32, #tpu.memory_space<vmem>>
        %dma_start3A_3900 = arith.constant 0 : i32
        %dma_start3A_3901 = tpu.memref_slice %arg5[%multiple_of3A_3881, %dma_start3A_3900] : memref<1000000x64xf32, #tpu.memory_space<hbm>> -> memref<8x64xf32, #tpu.memory_space<hbm>>
        tpu.enqueue_dma source(%dma_start3A_3901 : memref<8x64xf32, #tpu.memory_space<hbm>>) target(%dma_start3A_3899 : memref<8x64xf32, #tpu.memory_space<vmem>>) target_semaphore(%arg18 : memref<!tpu.dma_semaphore, #tpu.memory_space<semaphore_mem>>)
        %dma_start3A_3902 = arith.constant 12 : i32
        %dma_start3A_3903 = arith.constant 0 : i32
        %dma_start3A_3904 = arith.constant 0 : i32
        %dma_start3A_3905 = tpu.memref_slice %arg14[%sub3A_3384, %dma_start3A_3902, %dma_start3A_3903, %dma_start3A_3904] : memref<2x16x8x64xf32, #tpu.memory_space<vmem>> -> memref<1x1x8x64xf32, #tpu.memory_space<vmem>>
        %dma_start3A_3906 = tpu.memref_squeeze %dma_start3A_3905 : memref<1x1x8x64xf32, #tpu.memory_space<vmem>> -> memref<8x64xf32, #tpu.memory_space<vmem>>
        %dma_start3A_3907 = arith.constant 0 : i32
        %dma_start3A_3908 = tpu.memref_slice %arg6[%multiple_of3A_3888, %dma_start3A_3907] : memref<1000000x64xf32, #tpu.memory_space<hbm>> -> memref<8x64xf32, #tpu.memory_space<hbm>>
        %dma_start3A_3909 = arith.constant 0 : i32
        %dma_start3A_3910 = arith.constant 0 : i32
        %dma_start3A_3911 = tpu.memref_slice %arg14[%sub3A_3384, %dma_start3A_3902, %dma_start3A_3909, %dma_start3A_3910] : memref<2x16x8x64xf32, #tpu.memory_space<vmem>> -> memref<1x1x8x64xf32, #tpu.memory_space<vmem>>
        %dma_start3A_3912 = tpu.memref_squeeze %dma_start3A_3911 : memref<1x1x8x64xf32, #tpu.memory_space<vmem>> -> memref<8x64xf32, #tpu.memory_space<vmem>>
        %dma_start3A_3913 = arith.constant 0 : i32
        %dma_start3A_3914 = tpu.memref_slice %arg6[%multiple_of3A_3888, %dma_start3A_3913] : memref<1000000x64xf32, #tpu.memory_space<hbm>> -> memref<8x64xf32, #tpu.memory_space<hbm>>
        tpu.enqueue_dma source(%dma_start3A_3914 : memref<8x64xf32, #tpu.memory_space<hbm>>) target(%dma_start3A_3912 : memref<8x64xf32, #tpu.memory_space<vmem>>) target_semaphore(%arg18 : memref<!tpu.dma_semaphore, #tpu.memory_space<semaphore_mem>>)
        %slice3A_3915 = vector.extract_strided_slice %get3A_3389 {offsets = [13], sizes = [1], strides = [1]} : vector<16xi32> to vector<1xi32>
        %squeeze3A_3916 = vector.extract %slice3A_3915[0] : i32 from vector<1xi32>
        %shift_right_arithmetic3A_3917 = arith.constant 3 : i32
        %shift_right_arithmetic3A_3918 = arith.shrsi %squeeze3A_3916, %shift_right_arithmetic3A_3917 : i32
        %mul3A_3919 = arith.constant 8 : i32
        %mul3A_3920 = arith.muli %shift_right_arithmetic3A_3918, %mul3A_3919 : i32
        %multiple_of3A_3921 = tpu.assume_multiple %mul3A_3920, 8 : i32
        %slice3A_3922 = vector.extract_strided_slice %get3A_3394 {offsets = [13], sizes = [1], strides = [1]} : vector<16xi32> to vector<1xi32>
        %squeeze3A_3923 = vector.extract %slice3A_3922[0] : i32 from vector<1xi32>
        %shift_right_arithmetic3A_3924 = arith.constant 3 : i32
        %shift_right_arithmetic3A_3925 = arith.shrsi %squeeze3A_3923, %shift_right_arithmetic3A_3924 : i32
        %mul3A_3926 = arith.constant 8 : i32
        %mul3A_3927 = arith.muli %shift_right_arithmetic3A_3925, %mul3A_3926 : i32
        %multiple_of3A_3928 = tpu.assume_multiple %mul3A_3927, 8 : i32
        %dma_start3A_3929 = arith.constant 13 : i32
        %dma_start3A_3930 = arith.constant 0 : i32
        %dma_start3A_3931 = arith.constant 0 : i32
        %dma_start3A_3932 = tpu.memref_slice %arg13[%sub3A_3384, %dma_start3A_3929, %dma_start3A_3930, %dma_start3A_3931] : memref<2x16x8x64xf32, #tpu.memory_space<vmem>> -> memref<1x1x8x64xf32, #tpu.memory_space<vmem>>
        %dma_start3A_3933 = tpu.memref_squeeze %dma_start3A_3932 : memref<1x1x8x64xf32, #tpu.memory_space<vmem>> -> memref<8x64xf32, #tpu.memory_space<vmem>>
        %dma_start3A_3934 = arith.constant 0 : i32
        %dma_start3A_3935 = tpu.memref_slice %arg5[%multiple_of3A_3921, %dma_start3A_3934] : memref<1000000x64xf32, #tpu.memory_space<hbm>> -> memref<8x64xf32, #tpu.memory_space<hbm>>
        %dma_start3A_3936 = arith.constant 0 : i32
        %dma_start3A_3937 = arith.constant 0 : i32
        %dma_start3A_3938 = tpu.memref_slice %arg13[%sub3A_3384, %dma_start3A_3929, %dma_start3A_3936, %dma_start3A_3937] : memref<2x16x8x64xf32, #tpu.memory_space<vmem>> -> memref<1x1x8x64xf32, #tpu.memory_space<vmem>>
        %dma_start3A_3939 = tpu.memref_squeeze %dma_start3A_3938 : memref<1x1x8x64xf32, #tpu.memory_space<vmem>> -> memref<8x64xf32, #tpu.memory_space<vmem>>
        %dma_start3A_3940 = arith.constant 0 : i32
        %dma_start3A_3941 = tpu.memref_slice %arg5[%multiple_of3A_3921, %dma_start3A_3940] : memref<1000000x64xf32, #tpu.memory_space<hbm>> -> memref<8x64xf32, #tpu.memory_space<hbm>>
        tpu.enqueue_dma source(%dma_start3A_3941 : memref<8x64xf32, #tpu.memory_space<hbm>>) target(%dma_start3A_3939 : memref<8x64xf32, #tpu.memory_space<vmem>>) target_semaphore(%arg18 : memref<!tpu.dma_semaphore, #tpu.memory_space<semaphore_mem>>)
        %dma_start3A_3942 = arith.constant 13 : i32
        %dma_start3A_3943 = arith.constant 0 : i32
        %dma_start3A_3944 = arith.constant 0 : i32
        %dma_start3A_3945 = tpu.memref_slice %arg14[%sub3A_3384, %dma_start3A_3942, %dma_start3A_3943, %dma_start3A_3944] : memref<2x16x8x64xf32, #tpu.memory_space<vmem>> -> memref<1x1x8x64xf32, #tpu.memory_space<vmem>>
        %dma_start3A_3946 = tpu.memref_squeeze %dma_start3A_3945 : memref<1x1x8x64xf32, #tpu.memory_space<vmem>> -> memref<8x64xf32, #tpu.memory_space<vmem>>
        %dma_start3A_3947 = arith.constant 0 : i32
        %dma_start3A_3948 = tpu.memref_slice %arg6[%multiple_of3A_3928, %dma_start3A_3947] : memref<1000000x64xf32, #tpu.memory_space<hbm>> -> memref<8x64xf32, #tpu.memory_space<hbm>>
        %dma_start3A_3949 = arith.constant 0 : i32
        %dma_start3A_3950 = arith.constant 0 : i32
        %dma_start3A_3951 = tpu.memref_slice %arg14[%sub3A_3384, %dma_start3A_3942, %dma_start3A_3949, %dma_start3A_3950] : memref<2x16x8x64xf32, #tpu.memory_space<vmem>> -> memref<1x1x8x64xf32, #tpu.memory_space<vmem>>
        %dma_start3A_3952 = tpu.memref_squeeze %dma_start3A_3951 : memref<1x1x8x64xf32, #tpu.memory_space<vmem>> -> memref<8x64xf32, #tpu.memory_space<vmem>>
        %dma_start3A_3953 = arith.constant 0 : i32
        %dma_start3A_3954 = tpu.memref_slice %arg6[%multiple_of3A_3928, %dma_start3A_3953] : memref<1000000x64xf32, #tpu.memory_space<hbm>> -> memref<8x64xf32, #tpu.memory_space<hbm>>
        tpu.enqueue_dma source(%dma_start3A_3954 : memref<8x64xf32, #tpu.memory_space<hbm>>) target(%dma_start3A_3952 : memref<8x64xf32, #tpu.memory_space<vmem>>) target_semaphore(%arg18 : memref<!tpu.dma_semaphore, #tpu.memory_space<semaphore_mem>>)
        %slice3A_3955 = vector.extract_strided_slice %get3A_3389 {offsets = [14], sizes = [1], strides = [1]} : vector<16xi32> to vector<1xi32>
        %squeeze3A_3956 = vector.extract %slice3A_3955[0] : i32 from vector<1xi32>
        %shift_right_arithmetic3A_3957 = arith.constant 3 : i32
        %shift_right_arithmetic3A_3958 = arith.shrsi %squeeze3A_3956, %shift_right_arithmetic3A_3957 : i32
        %mul3A_3959 = arith.constant 8 : i32
        %mul3A_3960 = arith.muli %shift_right_arithmetic3A_3958, %mul3A_3959 : i32
        %multiple_of3A_3961 = tpu.assume_multiple %mul3A_3960, 8 : i32
        %slice3A_3962 = vector.extract_strided_slice %get3A_3394 {offsets = [14], sizes = [1], strides = [1]} : vector<16xi32> to vector<1xi32>
        %squeeze3A_3963 = vector.extract %slice3A_3962[0] : i32 from vector<1xi32>
        %shift_right_arithmetic3A_3964 = arith.constant 3 : i32
        %shift_right_arithmetic3A_3965 = arith.shrsi %squeeze3A_3963, %shift_right_arithmetic3A_3964 : i32
        %mul3A_3966 = arith.constant 8 : i32
        %mul3A_3967 = arith.muli %shift_right_arithmetic3A_3965, %mul3A_3966 : i32
        %multiple_of3A_3968 = tpu.assume_multiple %mul3A_3967, 8 : i32
        %dma_start3A_3969 = arith.constant 14 : i32
        %dma_start3A_3970 = arith.constant 0 : i32
        %dma_start3A_3971 = arith.constant 0 : i32
        %dma_start3A_3972 = tpu.memref_slice %arg13[%sub3A_3384, %dma_start3A_3969, %dma_start3A_3970, %dma_start3A_3971] : memref<2x16x8x64xf32, #tpu.memory_space<vmem>> -> memref<1x1x8x64xf32, #tpu.memory_space<vmem>>
        %dma_start3A_3973 = tpu.memref_squeeze %dma_start3A_3972 : memref<1x1x8x64xf32, #tpu.memory_space<vmem>> -> memref<8x64xf32, #tpu.memory_space<vmem>>
        %dma_start3A_3974 = arith.constant 0 : i32
        %dma_start3A_3975 = tpu.memref_slice %arg5[%multiple_of3A_3961, %dma_start3A_3974] : memref<1000000x64xf32, #tpu.memory_space<hbm>> -> memref<8x64xf32, #tpu.memory_space<hbm>>
        %dma_start3A_3976 = arith.constant 0 : i32
        %dma_start3A_3977 = arith.constant 0 : i32
        %dma_start3A_3978 = tpu.memref_slice %arg13[%sub3A_3384, %dma_start3A_3969, %dma_start3A_3976, %dma_start3A_3977] : memref<2x16x8x64xf32, #tpu.memory_space<vmem>> -> memref<1x1x8x64xf32, #tpu.memory_space<vmem>>
        %dma_start3A_3979 = tpu.memref_squeeze %dma_start3A_3978 : memref<1x1x8x64xf32, #tpu.memory_space<vmem>> -> memref<8x64xf32, #tpu.memory_space<vmem>>
        %dma_start3A_3980 = arith.constant 0 : i32
        %dma_start3A_3981 = tpu.memref_slice %arg5[%multiple_of3A_3961, %dma_start3A_3980] : memref<1000000x64xf32, #tpu.memory_space<hbm>> -> memref<8x64xf32, #tpu.memory_space<hbm>>
        tpu.enqueue_dma source(%dma_start3A_3981 : memref<8x64xf32, #tpu.memory_space<hbm>>) target(%dma_start3A_3979 : memref<8x64xf32, #tpu.memory_space<vmem>>) target_semaphore(%arg18 : memref<!tpu.dma_semaphore, #tpu.memory_space<semaphore_mem>>)
        %dma_start3A_3982 = arith.constant 14 : i32
        %dma_start3A_3983 = arith.constant 0 : i32
        %dma_start3A_3984 = arith.constant 0 : i32
        %dma_start3A_3985 = tpu.memref_slice %arg14[%sub3A_3384, %dma_start3A_3982, %dma_start3A_3983, %dma_start3A_3984] : memref<2x16x8x64xf32, #tpu.memory_space<vmem>> -> memref<1x1x8x64xf32, #tpu.memory_space<vmem>>
        %dma_start3A_3986 = tpu.memref_squeeze %dma_start3A_3985 : memref<1x1x8x64xf32, #tpu.memory_space<vmem>> -> memref<8x64xf32, #tpu.memory_space<vmem>>
        %dma_start3A_3987 = arith.constant 0 : i32
        %dma_start3A_3988 = tpu.memref_slice %arg6[%multiple_of3A_3968, %dma_start3A_3987] : memref<1000000x64xf32, #tpu.memory_space<hbm>> -> memref<8x64xf32, #tpu.memory_space<hbm>>
        %dma_start3A_3989 = arith.constant 0 : i32
        %dma_start3A_3990 = arith.constant 0 : i32
        %dma_start3A_3991 = tpu.memref_slice %arg14[%sub3A_3384, %dma_start3A_3982, %dma_start3A_3989, %dma_start3A_3990] : memref<2x16x8x64xf32, #tpu.memory_space<vmem>> -> memref<1x1x8x64xf32, #tpu.memory_space<vmem>>
        %dma_start3A_3992 = tpu.memref_squeeze %dma_start3A_3991 : memref<1x1x8x64xf32, #tpu.memory_space<vmem>> -> memref<8x64xf32, #tpu.memory_space<vmem>>
        %dma_start3A_3993 = arith.constant 0 : i32
        %dma_start3A_3994 = tpu.memref_slice %arg6[%multiple_of3A_3968, %dma_start3A_3993] : memref<1000000x64xf32, #tpu.memory_space<hbm>> -> memref<8x64xf32, #tpu.memory_space<hbm>>
        tpu.enqueue_dma source(%dma_start3A_3994 : memref<8x64xf32, #tpu.memory_space<hbm>>) target(%dma_start3A_3992 : memref<8x64xf32, #tpu.memory_space<vmem>>) target_semaphore(%arg18 : memref<!tpu.dma_semaphore, #tpu.memory_space<semaphore_mem>>)
        %slice3A_3995 = vector.extract_strided_slice %get3A_3389 {offsets = [15], sizes = [1], strides = [1]} : vector<16xi32> to vector<1xi32>
        %squeeze3A_3996 = vector.extract %slice3A_3995[0] : i32 from vector<1xi32>
        %shift_right_arithmetic3A_3997 = arith.constant 3 : i32
        %shift_right_arithmetic3A_3998 = arith.shrsi %squeeze3A_3996, %shift_right_arithmetic3A_3997 : i32
        %mul3A_3999 = arith.constant 8 : i32
        %mul3A_4000 = arith.muli %shift_right_arithmetic3A_3998, %mul3A_3999 : i32
        %multiple_of3A_4001 = tpu.assume_multiple %mul3A_4000, 8 : i32
        %slice3A_4002 = vector.extract_strided_slice %get3A_3394 {offsets = [15], sizes = [1], strides = [1]} : vector<16xi32> to vector<1xi32>
        %squeeze3A_4003 = vector.extract %slice3A_4002[0] : i32 from vector<1xi32>
        %shift_right_arithmetic3A_4004 = arith.constant 3 : i32
        %shift_right_arithmetic3A_4005 = arith.shrsi %squeeze3A_4003, %shift_right_arithmetic3A_4004 : i32
        %mul3A_4006 = arith.constant 8 : i32
        %mul3A_4007 = arith.muli %shift_right_arithmetic3A_4005, %mul3A_4006 : i32
        %multiple_of3A_4008 = tpu.assume_multiple %mul3A_4007, 8 : i32
        %dma_start3A_4009 = arith.constant 15 : i32
        %dma_start3A_4010 = arith.constant 0 : i32
        %dma_start3A_4011 = arith.constant 0 : i32
        %dma_start3A_4012 = tpu.memref_slice %arg13[%sub3A_3384, %dma_start3A_4009, %dma_start3A_4010, %dma_start3A_4011] : memref<2x16x8x64xf32, #tpu.memory_space<vmem>> -> memref<1x1x8x64xf32, #tpu.memory_space<vmem>>
        %dma_start3A_4013 = tpu.memref_squeeze %dma_start3A_4012 : memref<1x1x8x64xf32, #tpu.memory_space<vmem>> -> memref<8x64xf32, #tpu.memory_space<vmem>>
        %dma_start3A_4014 = arith.constant 0 : i32
        %dma_start3A_4015 = tpu.memref_slice %arg5[%multiple_of3A_4001, %dma_start3A_4014] : memref<1000000x64xf32, #tpu.memory_space<hbm>> -> memref<8x64xf32, #tpu.memory_space<hbm>>
        %dma_start3A_4016 = arith.constant 0 : i32
        %dma_start3A_4017 = arith.constant 0 : i32
        %dma_start3A_4018 = tpu.memref_slice %arg13[%sub3A_3384, %dma_start3A_4009, %dma_start3A_4016, %dma_start3A_4017] : memref<2x16x8x64xf32, #tpu.memory_space<vmem>> -> memref<1x1x8x64xf32, #tpu.memory_space<vmem>>
        %dma_start3A_4019 = tpu.memref_squeeze %dma_start3A_4018 : memref<1x1x8x64xf32, #tpu.memory_space<vmem>> -> memref<8x64xf32, #tpu.memory_space<vmem>>
        %dma_start3A_4020 = arith.constant 0 : i32
        %dma_start3A_4021 = tpu.memref_slice %arg5[%multiple_of3A_4001, %dma_start3A_4020] : memref<1000000x64xf32, #tpu.memory_space<hbm>> -> memref<8x64xf32, #tpu.memory_space<hbm>>
        tpu.enqueue_dma source(%dma_start3A_4021 : memref<8x64xf32, #tpu.memory_space<hbm>>) target(%dma_start3A_4019 : memref<8x64xf32, #tpu.memory_space<vmem>>) target_semaphore(%arg18 : memref<!tpu.dma_semaphore, #tpu.memory_space<semaphore_mem>>)
        %dma_start3A_4022 = arith.constant 15 : i32
        %dma_start3A_4023 = arith.constant 0 : i32
        %dma_start3A_4024 = arith.constant 0 : i32
        %dma_start3A_4025 = tpu.memref_slice %arg14[%sub3A_3384, %dma_start3A_4022, %dma_start3A_4023, %dma_start3A_4024] : memref<2x16x8x64xf32, #tpu.memory_space<vmem>> -> memref<1x1x8x64xf32, #tpu.memory_space<vmem>>
        %dma_start3A_4026 = tpu.memref_squeeze %dma_start3A_4025 : memref<1x1x8x64xf32, #tpu.memory_space<vmem>> -> memref<8x64xf32, #tpu.memory_space<vmem>>
        %dma_start3A_4027 = arith.constant 0 : i32
        %dma_start3A_4028 = tpu.memref_slice %arg6[%multiple_of3A_4008, %dma_start3A_4027] : memref<1000000x64xf32, #tpu.memory_space<hbm>> -> memref<8x64xf32, #tpu.memory_space<hbm>>
        %dma_start3A_4029 = arith.constant 0 : i32
        %dma_start3A_4030 = arith.constant 0 : i32
        %dma_start3A_4031 = tpu.memref_slice %arg14[%sub3A_3384, %dma_start3A_4022, %dma_start3A_4029, %dma_start3A_4030] : memref<2x16x8x64xf32, #tpu.memory_space<vmem>> -> memref<1x1x8x64xf32, #tpu.memory_space<vmem>>
        %dma_start3A_4032 = tpu.memref_squeeze %dma_start3A_4031 : memref<1x1x8x64xf32, #tpu.memory_space<vmem>> -> memref<8x64xf32, #tpu.memory_space<vmem>>
        %dma_start3A_4033 = arith.constant 0 : i32
        %dma_start3A_4034 = tpu.memref_slice %arg6[%multiple_of3A_4008, %dma_start3A_4033] : memref<1000000x64xf32, #tpu.memory_space<hbm>> -> memref<8x64xf32, #tpu.memory_space<hbm>>
        tpu.enqueue_dma source(%dma_start3A_4034 : memref<8x64xf32, #tpu.memory_space<hbm>>) target(%dma_start3A_4032 : memref<8x64xf32, #tpu.memory_space<vmem>>) target_semaphore(%arg18 : memref<!tpu.dma_semaphore, #tpu.memory_space<semaphore_mem>>)
      } else {
      }
      %dma_wait3A_1352 = arith.constant 0 : i32
      %dma_wait3A_1353 = arith.constant 0 : i32
      %dma_wait3A_1354 = arith.constant 0 : i32
      %dma_wait3A_1355 = tpu.memref_slice %arg13[%rem3A_1347, %dma_wait3A_1352, %dma_wait3A_1353, %dma_wait3A_1354] : memref<2x16x8x64xf32, #tpu.memory_space<vmem>> -> memref<1x1x8x64xf32, #tpu.memory_space<vmem>>
      %dma_wait3A_1356 = tpu.memref_squeeze %dma_wait3A_1355 : memref<1x1x8x64xf32, #tpu.memory_space<vmem>> -> memref<8x64xf32, #tpu.memory_space<vmem>>
      %dma_wait3A_1357 = arith.constant 0 : i32
      %dma_wait3A_1358 = arith.constant 0 : i32
      %dma_wait3A_1359 = tpu.memref_slice %arg5[%dma_wait3A_1357, %dma_wait3A_1358] : memref<1000000x64xf32, #tpu.memory_space<hbm>> -> memref<8x64xf32, #tpu.memory_space<hbm>>
      %dma_wait3A_1360 = arith.constant 0 : i32
      %dma_wait3A_1361 = arith.constant 0 : i32
      %dma_wait3A_1362 = tpu.memref_slice %arg13[%rem3A_1347, %dma_wait3A_1352, %dma_wait3A_1360, %dma_wait3A_1361] : memref<2x16x8x64xf32, #tpu.memory_space<vmem>> -> memref<1x1x8x64xf32, #tpu.memory_space<vmem>>
      %dma_wait3A_1363 = tpu.memref_squeeze %dma_wait3A_1362 : memref<1x1x8x64xf32, #tpu.memory_space<vmem>> -> memref<8x64xf32, #tpu.memory_space<vmem>>
      %dma_wait3A_1364 = arith.constant 0 : i32
      %dma_wait3A_1365 = arith.constant 0 : i32
      %dma_wait3A_1366 = tpu.memref_slice %arg5[%dma_wait3A_1364, %dma_wait3A_1365] : memref<1000000x64xf32, #tpu.memory_space<hbm>> -> memref<8x64xf32, #tpu.memory_space<hbm>>
      tpu.wait_dma2 semaphore(%arg18 : memref<!tpu.dma_semaphore, #tpu.memory_space<semaphore_mem>>) src(%dma_wait3A_1366 : memref<8x64xf32, #tpu.memory_space<hbm>>) dst(%dma_wait3A_1363 : memref<8x64xf32, #tpu.memory_space<vmem>>)
      %dma_wait3A_1367 = arith.constant 0 : i32
      %dma_wait3A_1368 = arith.constant 0 : i32
      %dma_wait3A_1369 = arith.constant 0 : i32
      %dma_wait3A_1370 = tpu.memref_slice %arg14[%rem3A_1347, %dma_wait3A_1367, %dma_wait3A_1368, %dma_wait3A_1369] : memref<2x16x8x64xf32, #tpu.memory_space<vmem>> -> memref<1x1x8x64xf32, #tpu.memory_space<vmem>>
      %dma_wait3A_1371 = tpu.memref_squeeze %dma_wait3A_1370 : memref<1x1x8x64xf32, #tpu.memory_space<vmem>> -> memref<8x64xf32, #tpu.memory_space<vmem>>
      %dma_wait3A_1372 = arith.constant 0 : i32
      %dma_wait3A_1373 = arith.constant 0 : i32
      %dma_wait3A_1374 = tpu.memref_slice %arg6[%dma_wait3A_1372, %dma_wait3A_1373] : memref<1000000x64xf32, #tpu.memory_space<hbm>> -> memref<8x64xf32, #tpu.memory_space<hbm>>
      %dma_wait3A_1375 = arith.constant 0 : i32
      %dma_wait3A_1376 = arith.constant 0 : i32
      %dma_wait3A_1377 = tpu.memref_slice %arg14[%rem3A_1347, %dma_wait3A_1367, %dma_wait3A_1375, %dma_wait3A_1376] : memref<2x16x8x64xf32, #tpu.memory_space<vmem>> -> memref<1x1x8x64xf32, #tpu.memory_space<vmem>>
      %dma_wait3A_1378 = tpu.memref_squeeze %dma_wait3A_1377 : memref<1x1x8x64xf32, #tpu.memory_space<vmem>> -> memref<8x64xf32, #tpu.memory_space<vmem>>
      %dma_wait3A_1379 = arith.constant 0 : i32
      %dma_wait3A_1380 = arith.constant 0 : i32
      %dma_wait3A_1381 = tpu.memref_slice %arg6[%dma_wait3A_1379, %dma_wait3A_1380] : memref<1000000x64xf32, #tpu.memory_space<hbm>> -> memref<8x64xf32, #tpu.memory_space<hbm>>
      tpu.wait_dma2 semaphore(%arg18 : memref<!tpu.dma_semaphore, #tpu.memory_space<semaphore_mem>>) src(%dma_wait3A_1381 : memref<8x64xf32, #tpu.memory_space<hbm>>) dst(%dma_wait3A_1378 : memref<8x64xf32, #tpu.memory_space<vmem>>)
      %dma_wait3A_1382 = arith.constant 1 : i32
      %dma_wait3A_1383 = arith.constant 0 : i32
      %dma_wait3A_1384 = arith.constant 0 : i32
      %dma_wait3A_1385 = tpu.memref_slice %arg13[%rem3A_1347, %dma_wait3A_1382, %dma_wait3A_1383, %dma_wait3A_1384] : memref<2x16x8x64xf32, #tpu.memory_space<vmem>> -> memref<1x1x8x64xf32, #tpu.memory_space<vmem>>
      %dma_wait3A_1386 = tpu.memref_squeeze %dma_wait3A_1385 : memref<1x1x8x64xf32, #tpu.memory_space<vmem>> -> memref<8x64xf32, #tpu.memory_space<vmem>>
      %dma_wait3A_1387 = arith.constant 0 : i32
      %dma_wait3A_1388 = arith.constant 0 : i32
      %dma_wait3A_1389 = tpu.memref_slice %arg5[%dma_wait3A_1387, %dma_wait3A_1388] : memref<1000000x64xf32, #tpu.memory_space<hbm>> -> memref<8x64xf32, #tpu.memory_space<hbm>>
      %dma_wait3A_1390 = arith.constant 0 : i32
      %dma_wait3A_1391 = arith.constant 0 : i32
      %dma_wait3A_1392 = tpu.memref_slice %arg13[%rem3A_1347, %dma_wait3A_1382, %dma_wait3A_1390, %dma_wait3A_1391] : memref<2x16x8x64xf32, #tpu.memory_space<vmem>> -> memref<1x1x8x64xf32, #tpu.memory_space<vmem>>
      %dma_wait3A_1393 = tpu.memref_squeeze %dma_wait3A_1392 : memref<1x1x8x64xf32, #tpu.memory_space<vmem>> -> memref<8x64xf32, #tpu.memory_space<vmem>>
      %dma_wait3A_1394 = arith.constant 0 : i32
      %dma_wait3A_1395 = arith.constant 0 : i32
      %dma_wait3A_1396 = tpu.memref_slice %arg5[%dma_wait3A_1394, %dma_wait3A_1395] : memref<1000000x64xf32, #tpu.memory_space<hbm>> -> memref<8x64xf32, #tpu.memory_space<hbm>>
      tpu.wait_dma2 semaphore(%arg18 : memref<!tpu.dma_semaphore, #tpu.memory_space<semaphore_mem>>) src(%dma_wait3A_1396 : memref<8x64xf32, #tpu.memory_space<hbm>>) dst(%dma_wait3A_1393 : memref<8x64xf32, #tpu.memory_space<vmem>>)
      %dma_wait3A_1397 = arith.constant 1 : i32
      %dma_wait3A_1398 = arith.constant 0 : i32
      %dma_wait3A_1399 = arith.constant 0 : i32
      %dma_wait3A_1400 = tpu.memref_slice %arg14[%rem3A_1347, %dma_wait3A_1397, %dma_wait3A_1398, %dma_wait3A_1399] : memref<2x16x8x64xf32, #tpu.memory_space<vmem>> -> memref<1x1x8x64xf32, #tpu.memory_space<vmem>>
      %dma_wait3A_1401 = tpu.memref_squeeze %dma_wait3A_1400 : memref<1x1x8x64xf32, #tpu.memory_space<vmem>> -> memref<8x64xf32, #tpu.memory_space<vmem>>
      %dma_wait3A_1402 = arith.constant 0 : i32
      %dma_wait3A_1403 = arith.constant 0 : i32
      %dma_wait3A_1404 = tpu.memref_slice %arg6[%dma_wait3A_1402, %dma_wait3A_1403] : memref<1000000x64xf32, #tpu.memory_space<hbm>> -> memref<8x64xf32, #tpu.memory_space<hbm>>
      %dma_wait3A_1405 = arith.constant 0 : i32
      %dma_wait3A_1406 = arith.constant 0 : i32
      %dma_wait3A_1407 = tpu.memref_slice %arg14[%rem3A_1347, %dma_wait3A_1397, %dma_wait3A_1405, %dma_wait3A_1406] : memref<2x16x8x64xf32, #tpu.memory_space<vmem>> -> memref<1x1x8x64xf32, #tpu.memory_space<vmem>>
      %dma_wait3A_1408 = tpu.memref_squeeze %dma_wait3A_1407 : memref<1x1x8x64xf32, #tpu.memory_space<vmem>> -> memref<8x64xf32, #tpu.memory_space<vmem>>
      %dma_wait3A_1409 = arith.constant 0 : i32
      %dma_wait3A_1410 = arith.constant 0 : i32
      %dma_wait3A_1411 = tpu.memref_slice %arg6[%dma_wait3A_1409, %dma_wait3A_1410] : memref<1000000x64xf32, #tpu.memory_space<hbm>> -> memref<8x64xf32, #tpu.memory_space<hbm>>
      tpu.wait_dma2 semaphore(%arg18 : memref<!tpu.dma_semaphore, #tpu.memory_space<semaphore_mem>>) src(%dma_wait3A_1411 : memref<8x64xf32, #tpu.memory_space<hbm>>) dst(%dma_wait3A_1408 : memref<8x64xf32, #tpu.memory_space<vmem>>)
      %dma_wait3A_1412 = arith.constant 2 : i32
      %dma_wait3A_1413 = arith.constant 0 : i32
      %dma_wait3A_1414 = arith.constant 0 : i32
      %dma_wait3A_1415 = tpu.memref_slice %arg13[%rem3A_1347, %dma_wait3A_1412, %dma_wait3A_1413, %dma_wait3A_1414] : memref<2x16x8x64xf32, #tpu.memory_space<vmem>> -> memref<1x1x8x64xf32, #tpu.memory_space<vmem>>
      %dma_wait3A_1416 = tpu.memref_squeeze %dma_wait3A_1415 : memref<1x1x8x64xf32, #tpu.memory_space<vmem>> -> memref<8x64xf32, #tpu.memory_space<vmem>>
      %dma_wait3A_1417 = arith.constant 0 : i32
      %dma_wait3A_1418 = arith.constant 0 : i32
      %dma_wait3A_1419 = tpu.memref_slice %arg5[%dma_wait3A_1417, %dma_wait3A_1418] : memref<1000000x64xf32, #tpu.memory_space<hbm>> -> memref<8x64xf32, #tpu.memory_space<hbm>>
      %dma_wait3A_1420 = arith.constant 0 : i32
      %dma_wait3A_1421 = arith.constant 0 : i32
      %dma_wait3A_1422 = tpu.memref_slice %arg13[%rem3A_1347, %dma_wait3A_1412, %dma_wait3A_1420, %dma_wait3A_1421] : memref<2x16x8x64xf32, #tpu.memory_space<vmem>> -> memref<1x1x8x64xf32, #tpu.memory_space<vmem>>
      %dma_wait3A_1423 = tpu.memref_squeeze %dma_wait3A_1422 : memref<1x1x8x64xf32, #tpu.memory_space<vmem>> -> memref<8x64xf32, #tpu.memory_space<vmem>>
      %dma_wait3A_1424 = arith.constant 0 : i32
      %dma_wait3A_1425 = arith.constant 0 : i32
      %dma_wait3A_1426 = tpu.memref_slice %arg5[%dma_wait3A_1424, %dma_wait3A_1425] : memref<1000000x64xf32, #tpu.memory_space<hbm>> -> memref<8x64xf32, #tpu.memory_space<hbm>>
      tpu.wait_dma2 semaphore(%arg18 : memref<!tpu.dma_semaphore, #tpu.memory_space<semaphore_mem>>) src(%dma_wait3A_1426 : memref<8x64xf32, #tpu.memory_space<hbm>>) dst(%dma_wait3A_1423 : memref<8x64xf32, #tpu.memory_space<vmem>>)
      %dma_wait3A_1427 = arith.constant 2 : i32
      %dma_wait3A_1428 = arith.constant 0 : i32
      %dma_wait3A_1429 = arith.constant 0 : i32
      %dma_wait3A_1430 = tpu.memref_slice %arg14[%rem3A_1347, %dma_wait3A_1427, %dma_wait3A_1428, %dma_wait3A_1429] : memref<2x16x8x64xf32, #tpu.memory_space<vmem>> -> memref<1x1x8x64xf32, #tpu.memory_space<vmem>>
      %dma_wait3A_1431 = tpu.memref_squeeze %dma_wait3A_1430 : memref<1x1x8x64xf32, #tpu.memory_space<vmem>> -> memref<8x64xf32, #tpu.memory_space<vmem>>
      %dma_wait3A_1432 = arith.constant 0 : i32
      %dma_wait3A_1433 = arith.constant 0 : i32
      %dma_wait3A_1434 = tpu.memref_slice %arg6[%dma_wait3A_1432, %dma_wait3A_1433] : memref<1000000x64xf32, #tpu.memory_space<hbm>> -> memref<8x64xf32, #tpu.memory_space<hbm>>
      %dma_wait3A_1435 = arith.constant 0 : i32
      %dma_wait3A_1436 = arith.constant 0 : i32
      %dma_wait3A_1437 = tpu.memref_slice %arg14[%rem3A_1347, %dma_wait3A_1427, %dma_wait3A_1435, %dma_wait3A_1436] : memref<2x16x8x64xf32, #tpu.memory_space<vmem>> -> memref<1x1x8x64xf32, #tpu.memory_space<vmem>>
      %dma_wait3A_1438 = tpu.memref_squeeze %dma_wait3A_1437 : memref<1x1x8x64xf32, #tpu.memory_space<vmem>> -> memref<8x64xf32, #tpu.memory_space<vmem>>
      %dma_wait3A_1439 = arith.constant 0 : i32
      %dma_wait3A_1440 = arith.constant 0 : i32
      %dma_wait3A_1441 = tpu.memref_slice %arg6[%dma_wait3A_1439, %dma_wait3A_1440] : memref<1000000x64xf32, #tpu.memory_space<hbm>> -> memref<8x64xf32, #tpu.memory_space<hbm>>
      tpu.wait_dma2 semaphore(%arg18 : memref<!tpu.dma_semaphore, #tpu.memory_space<semaphore_mem>>) src(%dma_wait3A_1441 : memref<8x64xf32, #tpu.memory_space<hbm>>) dst(%dma_wait3A_1438 : memref<8x64xf32, #tpu.memory_space<vmem>>)
      %dma_wait3A_1442 = arith.constant 3 : i32
      %dma_wait3A_1443 = arith.constant 0 : i32
      %dma_wait3A_1444 = arith.constant 0 : i32
      %dma_wait3A_1445 = tpu.memref_slice %arg13[%rem3A_1347, %dma_wait3A_1442, %dma_wait3A_1443, %dma_wait3A_1444] : memref<2x16x8x64xf32, #tpu.memory_space<vmem>> -> memref<1x1x8x64xf32, #tpu.memory_space<vmem>>
      %dma_wait3A_1446 = tpu.memref_squeeze %dma_wait3A_1445 : memref<1x1x8x64xf32, #tpu.memory_space<vmem>> -> memref<8x64xf32, #tpu.memory_space<vmem>>
      %dma_wait3A_1447 = arith.constant 0 : i32
      %dma_wait3A_1448 = arith.constant 0 : i32
      %dma_wait3A_1449 = tpu.memref_slice %arg5[%dma_wait3A_1447, %dma_wait3A_1448] : memref<1000000x64xf32, #tpu.memory_space<hbm>> -> memref<8x64xf32, #tpu.memory_space<hbm>>
      %dma_wait3A_1450 = arith.constant 0 : i32
      %dma_wait3A_1451 = arith.constant 0 : i32
      %dma_wait3A_1452 = tpu.memref_slice %arg13[%rem3A_1347, %dma_wait3A_1442, %dma_wait3A_1450, %dma_wait3A_1451] : memref<2x16x8x64xf32, #tpu.memory_space<vmem>> -> memref<1x1x8x64xf32, #tpu.memory_space<vmem>>
      %dma_wait3A_1453 = tpu.memref_squeeze %dma_wait3A_1452 : memref<1x1x8x64xf32, #tpu.memory_space<vmem>> -> memref<8x64xf32, #tpu.memory_space<vmem>>
      %dma_wait3A_1454 = arith.constant 0 : i32
      %dma_wait3A_1455 = arith.constant 0 : i32
      %dma_wait3A_1456 = tpu.memref_slice %arg5[%dma_wait3A_1454, %dma_wait3A_1455] : memref<1000000x64xf32, #tpu.memory_space<hbm>> -> memref<8x64xf32, #tpu.memory_space<hbm>>
      tpu.wait_dma2 semaphore(%arg18 : memref<!tpu.dma_semaphore, #tpu.memory_space<semaphore_mem>>) src(%dma_wait3A_1456 : memref<8x64xf32, #tpu.memory_space<hbm>>) dst(%dma_wait3A_1453 : memref<8x64xf32, #tpu.memory_space<vmem>>)
      %dma_wait3A_1457 = arith.constant 3 : i32
      %dma_wait3A_1458 = arith.constant 0 : i32
      %dma_wait3A_1459 = arith.constant 0 : i32
      %dma_wait3A_1460 = tpu.memref_slice %arg14[%rem3A_1347, %dma_wait3A_1457, %dma_wait3A_1458, %dma_wait3A_1459] : memref<2x16x8x64xf32, #tpu.memory_space<vmem>> -> memref<1x1x8x64xf32, #tpu.memory_space<vmem>>
      %dma_wait3A_1461 = tpu.memref_squeeze %dma_wait3A_1460 : memref<1x1x8x64xf32, #tpu.memory_space<vmem>> -> memref<8x64xf32, #tpu.memory_space<vmem>>
      %dma_wait3A_1462 = arith.constant 0 : i32
      %dma_wait3A_1463 = arith.constant 0 : i32
      %dma_wait3A_1464 = tpu.memref_slice %arg6[%dma_wait3A_1462, %dma_wait3A_1463] : memref<1000000x64xf32, #tpu.memory_space<hbm>> -> memref<8x64xf32, #tpu.memory_space<hbm>>
      %dma_wait3A_1465 = arith.constant 0 : i32
      %dma_wait3A_1466 = arith.constant 0 : i32
      %dma_wait3A_1467 = tpu.memref_slice %arg14[%rem3A_1347, %dma_wait3A_1457, %dma_wait3A_1465, %dma_wait3A_1466] : memref<2x16x8x64xf32, #tpu.memory_space<vmem>> -> memref<1x1x8x64xf32, #tpu.memory_space<vmem>>
      %dma_wait3A_1468 = tpu.memref_squeeze %dma_wait3A_1467 : memref<1x1x8x64xf32, #tpu.memory_space<vmem>> -> memref<8x64xf32, #tpu.memory_space<vmem>>
      %dma_wait3A_1469 = arith.constant 0 : i32
      %dma_wait3A_1470 = arith.constant 0 : i32
      %dma_wait3A_1471 = tpu.memref_slice %arg6[%dma_wait3A_1469, %dma_wait3A_1470] : memref<1000000x64xf32, #tpu.memory_space<hbm>> -> memref<8x64xf32, #tpu.memory_space<hbm>>
      tpu.wait_dma2 semaphore(%arg18 : memref<!tpu.dma_semaphore, #tpu.memory_space<semaphore_mem>>) src(%dma_wait3A_1471 : memref<8x64xf32, #tpu.memory_space<hbm>>) dst(%dma_wait3A_1468 : memref<8x64xf32, #tpu.memory_space<vmem>>)
      %dma_wait3A_1472 = arith.constant 4 : i32
      %dma_wait3A_1473 = arith.constant 0 : i32
      %dma_wait3A_1474 = arith.constant 0 : i32
      %dma_wait3A_1475 = tpu.memref_slice %arg13[%rem3A_1347, %dma_wait3A_1472, %dma_wait3A_1473, %dma_wait3A_1474] : memref<2x16x8x64xf32, #tpu.memory_space<vmem>> -> memref<1x1x8x64xf32, #tpu.memory_space<vmem>>
      %dma_wait3A_1476 = tpu.memref_squeeze %dma_wait3A_1475 : memref<1x1x8x64xf32, #tpu.memory_space<vmem>> -> memref<8x64xf32, #tpu.memory_space<vmem>>
      %dma_wait3A_1477 = arith.constant 0 : i32
      %dma_wait3A_1478 = arith.constant 0 : i32
      %dma_wait3A_1479 = tpu.memref_slice %arg5[%dma_wait3A_1477, %dma_wait3A_1478] : memref<1000000x64xf32, #tpu.memory_space<hbm>> -> memref<8x64xf32, #tpu.memory_space<hbm>>
      %dma_wait3A_1480 = arith.constant 0 : i32
      %dma_wait3A_1481 = arith.constant 0 : i32
      %dma_wait3A_1482 = tpu.memref_slice %arg13[%rem3A_1347, %dma_wait3A_1472, %dma_wait3A_1480, %dma_wait3A_1481] : memref<2x16x8x64xf32, #tpu.memory_space<vmem>> -> memref<1x1x8x64xf32, #tpu.memory_space<vmem>>
      %dma_wait3A_1483 = tpu.memref_squeeze %dma_wait3A_1482 : memref<1x1x8x64xf32, #tpu.memory_space<vmem>> -> memref<8x64xf32, #tpu.memory_space<vmem>>
      %dma_wait3A_1484 = arith.constant 0 : i32
      %dma_wait3A_1485 = arith.constant 0 : i32
      %dma_wait3A_1486 = tpu.memref_slice %arg5[%dma_wait3A_1484, %dma_wait3A_1485] : memref<1000000x64xf32, #tpu.memory_space<hbm>> -> memref<8x64xf32, #tpu.memory_space<hbm>>
      tpu.wait_dma2 semaphore(%arg18 : memref<!tpu.dma_semaphore, #tpu.memory_space<semaphore_mem>>) src(%dma_wait3A_1486 : memref<8x64xf32, #tpu.memory_space<hbm>>) dst(%dma_wait3A_1483 : memref<8x64xf32, #tpu.memory_space<vmem>>)
      %dma_wait3A_1487 = arith.constant 4 : i32
      %dma_wait3A_1488 = arith.constant 0 : i32
      %dma_wait3A_1489 = arith.constant 0 : i32
      %dma_wait3A_1490 = tpu.memref_slice %arg14[%rem3A_1347, %dma_wait3A_1487, %dma_wait3A_1488, %dma_wait3A_1489] : memref<2x16x8x64xf32, #tpu.memory_space<vmem>> -> memref<1x1x8x64xf32, #tpu.memory_space<vmem>>
      %dma_wait3A_1491 = tpu.memref_squeeze %dma_wait3A_1490 : memref<1x1x8x64xf32, #tpu.memory_space<vmem>> -> memref<8x64xf32, #tpu.memory_space<vmem>>
      %dma_wait3A_1492 = arith.constant 0 : i32
      %dma_wait3A_1493 = arith.constant 0 : i32
      %dma_wait3A_1494 = tpu.memref_slice %arg6[%dma_wait3A_1492, %dma_wait3A_1493] : memref<1000000x64xf32, #tpu.memory_space<hbm>> -> memref<8x64xf32, #tpu.memory_space<hbm>>
      %dma_wait3A_1495 = arith.constant 0 : i32
      %dma_wait3A_1496 = arith.constant 0 : i32
      %dma_wait3A_1497 = tpu.memref_slice %arg14[%rem3A_1347, %dma_wait3A_1487, %dma_wait3A_1495, %dma_wait3A_1496] : memref<2x16x8x64xf32, #tpu.memory_space<vmem>> -> memref<1x1x8x64xf32, #tpu.memory_space<vmem>>
      %dma_wait3A_1498 = tpu.memref_squeeze %dma_wait3A_1497 : memref<1x1x8x64xf32, #tpu.memory_space<vmem>> -> memref<8x64xf32, #tpu.memory_space<vmem>>
      %dma_wait3A_1499 = arith.constant 0 : i32
      %dma_wait3A_1500 = arith.constant 0 : i32
      %dma_wait3A_1501 = tpu.memref_slice %arg6[%dma_wait3A_1499, %dma_wait3A_1500] : memref<1000000x64xf32, #tpu.memory_space<hbm>> -> memref<8x64xf32, #tpu.memory_space<hbm>>
      tpu.wait_dma2 semaphore(%arg18 : memref<!tpu.dma_semaphore, #tpu.memory_space<semaphore_mem>>) src(%dma_wait3A_1501 : memref<8x64xf32, #tpu.memory_space<hbm>>) dst(%dma_wait3A_1498 : memref<8x64xf32, #tpu.memory_space<vmem>>)
      %dma_wait3A_1502 = arith.constant 5 : i32
      %dma_wait3A_1503 = arith.constant 0 : i32
      %dma_wait3A_1504 = arith.constant 0 : i32
      %dma_wait3A_1505 = tpu.memref_slice %arg13[%rem3A_1347, %dma_wait3A_1502, %dma_wait3A_1503, %dma_wait3A_1504] : memref<2x16x8x64xf32, #tpu.memory_space<vmem>> -> memref<1x1x8x64xf32, #tpu.memory_space<vmem>>
      %dma_wait3A_1506 = tpu.memref_squeeze %dma_wait3A_1505 : memref<1x1x8x64xf32, #tpu.memory_space<vmem>> -> memref<8x64xf32, #tpu.memory_space<vmem>>
      %dma_wait3A_1507 = arith.constant 0 : i32
      %dma_wait3A_1508 = arith.constant 0 : i32
      %dma_wait3A_1509 = tpu.memref_slice %arg5[%dma_wait3A_1507, %dma_wait3A_1508] : memref<1000000x64xf32, #tpu.memory_space<hbm>> -> memref<8x64xf32, #tpu.memory_space<hbm>>
      %dma_wait3A_1510 = arith.constant 0 : i32
      %dma_wait3A_1511 = arith.constant 0 : i32
      %dma_wait3A_1512 = tpu.memref_slice %arg13[%rem3A_1347, %dma_wait3A_1502, %dma_wait3A_1510, %dma_wait3A_1511] : memref<2x16x8x64xf32, #tpu.memory_space<vmem>> -> memref<1x1x8x64xf32, #tpu.memory_space<vmem>>
      %dma_wait3A_1513 = tpu.memref_squeeze %dma_wait3A_1512 : memref<1x1x8x64xf32, #tpu.memory_space<vmem>> -> memref<8x64xf32, #tpu.memory_space<vmem>>
      %dma_wait3A_1514 = arith.constant 0 : i32
      %dma_wait3A_1515 = arith.constant 0 : i32
      %dma_wait3A_1516 = tpu.memref_slice %arg5[%dma_wait3A_1514, %dma_wait3A_1515] : memref<1000000x64xf32, #tpu.memory_space<hbm>> -> memref<8x64xf32, #tpu.memory_space<hbm>>
      tpu.wait_dma2 semaphore(%arg18 : memref<!tpu.dma_semaphore, #tpu.memory_space<semaphore_mem>>) src(%dma_wait3A_1516 : memref<8x64xf32, #tpu.memory_space<hbm>>) dst(%dma_wait3A_1513 : memref<8x64xf32, #tpu.memory_space<vmem>>)
      %dma_wait3A_1517 = arith.constant 5 : i32
      %dma_wait3A_1518 = arith.constant 0 : i32
      %dma_wait3A_1519 = arith.constant 0 : i32
      %dma_wait3A_1520 = tpu.memref_slice %arg14[%rem3A_1347, %dma_wait3A_1517, %dma_wait3A_1518, %dma_wait3A_1519] : memref<2x16x8x64xf32, #tpu.memory_space<vmem>> -> memref<1x1x8x64xf32, #tpu.memory_space<vmem>>
      %dma_wait3A_1521 = tpu.memref_squeeze %dma_wait3A_1520 : memref<1x1x8x64xf32, #tpu.memory_space<vmem>> -> memref<8x64xf32, #tpu.memory_space<vmem>>
      %dma_wait3A_1522 = arith.constant 0 : i32
      %dma_wait3A_1523 = arith.constant 0 : i32
      %dma_wait3A_1524 = tpu.memref_slice %arg6[%dma_wait3A_1522, %dma_wait3A_1523] : memref<1000000x64xf32, #tpu.memory_space<hbm>> -> memref<8x64xf32, #tpu.memory_space<hbm>>
      %dma_wait3A_1525 = arith.constant 0 : i32
      %dma_wait3A_1526 = arith.constant 0 : i32
      %dma_wait3A_1527 = tpu.memref_slice %arg14[%rem3A_1347, %dma_wait3A_1517, %dma_wait3A_1525, %dma_wait3A_1526] : memref<2x16x8x64xf32, #tpu.memory_space<vmem>> -> memref<1x1x8x64xf32, #tpu.memory_space<vmem>>
      %dma_wait3A_1528 = tpu.memref_squeeze %dma_wait3A_1527 : memref<1x1x8x64xf32, #tpu.memory_space<vmem>> -> memref<8x64xf32, #tpu.memory_space<vmem>>
      %dma_wait3A_1529 = arith.constant 0 : i32
      %dma_wait3A_1530 = arith.constant 0 : i32
      %dma_wait3A_1531 = tpu.memref_slice %arg6[%dma_wait3A_1529, %dma_wait3A_1530] : memref<1000000x64xf32, #tpu.memory_space<hbm>> -> memref<8x64xf32, #tpu.memory_space<hbm>>
      tpu.wait_dma2 semaphore(%arg18 : memref<!tpu.dma_semaphore, #tpu.memory_space<semaphore_mem>>) src(%dma_wait3A_1531 : memref<8x64xf32, #tpu.memory_space<hbm>>) dst(%dma_wait3A_1528 : memref<8x64xf32, #tpu.memory_space<vmem>>)
      %dma_wait3A_1532 = arith.constant 6 : i32
      %dma_wait3A_1533 = arith.constant 0 : i32
      %dma_wait3A_1534 = arith.constant 0 : i32
      %dma_wait3A_1535 = tpu.memref_slice %arg13[%rem3A_1347, %dma_wait3A_1532, %dma_wait3A_1533, %dma_wait3A_1534] : memref<2x16x8x64xf32, #tpu.memory_space<vmem>> -> memref<1x1x8x64xf32, #tpu.memory_space<vmem>>
      %dma_wait3A_1536 = tpu.memref_squeeze %dma_wait3A_1535 : memref<1x1x8x64xf32, #tpu.memory_space<vmem>> -> memref<8x64xf32, #tpu.memory_space<vmem>>
      %dma_wait3A_1537 = arith.constant 0 : i32
      %dma_wait3A_1538 = arith.constant 0 : i32
      %dma_wait3A_1539 = tpu.memref_slice %arg5[%dma_wait3A_1537, %dma_wait3A_1538] : memref<1000000x64xf32, #tpu.memory_space<hbm>> -> memref<8x64xf32, #tpu.memory_space<hbm>>
      %dma_wait3A_1540 = arith.constant 0 : i32
      %dma_wait3A_1541 = arith.constant 0 : i32
      %dma_wait3A_1542 = tpu.memref_slice %arg13[%rem3A_1347, %dma_wait3A_1532, %dma_wait3A_1540, %dma_wait3A_1541] : memref<2x16x8x64xf32, #tpu.memory_space<vmem>> -> memref<1x1x8x64xf32, #tpu.memory_space<vmem>>
      %dma_wait3A_1543 = tpu.memref_squeeze %dma_wait3A_1542 : memref<1x1x8x64xf32, #tpu.memory_space<vmem>> -> memref<8x64xf32, #tpu.memory_space<vmem>>
      %dma_wait3A_1544 = arith.constant 0 : i32
      %dma_wait3A_1545 = arith.constant 0 : i32
      %dma_wait3A_1546 = tpu.memref_slice %arg5[%dma_wait3A_1544, %dma_wait3A_1545] : memref<1000000x64xf32, #tpu.memory_space<hbm>> -> memref<8x64xf32, #tpu.memory_space<hbm>>
      tpu.wait_dma2 semaphore(%arg18 : memref<!tpu.dma_semaphore, #tpu.memory_space<semaphore_mem>>) src(%dma_wait3A_1546 : memref<8x64xf32, #tpu.memory_space<hbm>>) dst(%dma_wait3A_1543 : memref<8x64xf32, #tpu.memory_space<vmem>>)
      %dma_wait3A_1547 = arith.constant 6 : i32
      %dma_wait3A_1548 = arith.constant 0 : i32
      %dma_wait3A_1549 = arith.constant 0 : i32
      %dma_wait3A_1550 = tpu.memref_slice %arg14[%rem3A_1347, %dma_wait3A_1547, %dma_wait3A_1548, %dma_wait3A_1549] : memref<2x16x8x64xf32, #tpu.memory_space<vmem>> -> memref<1x1x8x64xf32, #tpu.memory_space<vmem>>
      %dma_wait3A_1551 = tpu.memref_squeeze %dma_wait3A_1550 : memref<1x1x8x64xf32, #tpu.memory_space<vmem>> -> memref<8x64xf32, #tpu.memory_space<vmem>>
      %dma_wait3A_1552 = arith.constant 0 : i32
      %dma_wait3A_1553 = arith.constant 0 : i32
      %dma_wait3A_1554 = tpu.memref_slice %arg6[%dma_wait3A_1552, %dma_wait3A_1553] : memref<1000000x64xf32, #tpu.memory_space<hbm>> -> memref<8x64xf32, #tpu.memory_space<hbm>>
      %dma_wait3A_1555 = arith.constant 0 : i32
      %dma_wait3A_1556 = arith.constant 0 : i32
      %dma_wait3A_1557 = tpu.memref_slice %arg14[%rem3A_1347, %dma_wait3A_1547, %dma_wait3A_1555, %dma_wait3A_1556] : memref<2x16x8x64xf32, #tpu.memory_space<vmem>> -> memref<1x1x8x64xf32, #tpu.memory_space<vmem>>
      %dma_wait3A_1558 = tpu.memref_squeeze %dma_wait3A_1557 : memref<1x1x8x64xf32, #tpu.memory_space<vmem>> -> memref<8x64xf32, #tpu.memory_space<vmem>>
      %dma_wait3A_1559 = arith.constant 0 : i32
      %dma_wait3A_1560 = arith.constant 0 : i32
      %dma_wait3A_1561 = tpu.memref_slice %arg6[%dma_wait3A_1559, %dma_wait3A_1560] : memref<1000000x64xf32, #tpu.memory_space<hbm>> -> memref<8x64xf32, #tpu.memory_space<hbm>>
      tpu.wait_dma2 semaphore(%arg18 : memref<!tpu.dma_semaphore, #tpu.memory_space<semaphore_mem>>) src(%dma_wait3A_1561 : memref<8x64xf32, #tpu.memory_space<hbm>>) dst(%dma_wait3A_1558 : memref<8x64xf32, #tpu.memory_space<vmem>>)
      %dma_wait3A_1562 = arith.constant 7 : i32
      %dma_wait3A_1563 = arith.constant 0 : i32
      %dma_wait3A_1564 = arith.constant 0 : i32
      %dma_wait3A_1565 = tpu.memref_slice %arg13[%rem3A_1347, %dma_wait3A_1562, %dma_wait3A_1563, %dma_wait3A_1564] : memref<2x16x8x64xf32, #tpu.memory_space<vmem>> -> memref<1x1x8x64xf32, #tpu.memory_space<vmem>>
      %dma_wait3A_1566 = tpu.memref_squeeze %dma_wait3A_1565 : memref<1x1x8x64xf32, #tpu.memory_space<vmem>> -> memref<8x64xf32, #tpu.memory_space<vmem>>
      %dma_wait3A_1567 = arith.constant 0 : i32
      %dma_wait3A_1568 = arith.constant 0 : i32
      %dma_wait3A_1569 = tpu.memref_slice %arg5[%dma_wait3A_1567, %dma_wait3A_1568] : memref<1000000x64xf32, #tpu.memory_space<hbm>> -> memref<8x64xf32, #tpu.memory_space<hbm>>
      %dma_wait3A_1570 = arith.constant 0 : i32
      %dma_wait3A_1571 = arith.constant 0 : i32
      %dma_wait3A_1572 = tpu.memref_slice %arg13[%rem3A_1347, %dma_wait3A_1562, %dma_wait3A_1570, %dma_wait3A_1571] : memref<2x16x8x64xf32, #tpu.memory_space<vmem>> -> memref<1x1x8x64xf32, #tpu.memory_space<vmem>>
      %dma_wait3A_1573 = tpu.memref_squeeze %dma_wait3A_1572 : memref<1x1x8x64xf32, #tpu.memory_space<vmem>> -> memref<8x64xf32, #tpu.memory_space<vmem>>
      %dma_wait3A_1574 = arith.constant 0 : i32
      %dma_wait3A_1575 = arith.constant 0 : i32
      %dma_wait3A_1576 = tpu.memref_slice %arg5[%dma_wait3A_1574, %dma_wait3A_1575] : memref<1000000x64xf32, #tpu.memory_space<hbm>> -> memref<8x64xf32, #tpu.memory_space<hbm>>
      tpu.wait_dma2 semaphore(%arg18 : memref<!tpu.dma_semaphore, #tpu.memory_space<semaphore_mem>>) src(%dma_wait3A_1576 : memref<8x64xf32, #tpu.memory_space<hbm>>) dst(%dma_wait3A_1573 : memref<8x64xf32, #tpu.memory_space<vmem>>)
      %dma_wait3A_1577 = arith.constant 7 : i32
      %dma_wait3A_1578 = arith.constant 0 : i32
      %dma_wait3A_1579 = arith.constant 0 : i32
      %dma_wait3A_1580 = tpu.memref_slice %arg14[%rem3A_1347, %dma_wait3A_1577, %dma_wait3A_1578, %dma_wait3A_1579] : memref<2x16x8x64xf32, #tpu.memory_space<vmem>> -> memref<1x1x8x64xf32, #tpu.memory_space<vmem>>
      %dma_wait3A_1581 = tpu.memref_squeeze %dma_wait3A_1580 : memref<1x1x8x64xf32, #tpu.memory_space<vmem>> -> memref<8x64xf32, #tpu.memory_space<vmem>>
      %dma_wait3A_1582 = arith.constant 0 : i32
      %dma_wait3A_1583 = arith.constant 0 : i32
      %dma_wait3A_1584 = tpu.memref_slice %arg6[%dma_wait3A_1582, %dma_wait3A_1583] : memref<1000000x64xf32, #tpu.memory_space<hbm>> -> memref<8x64xf32, #tpu.memory_space<hbm>>
      %dma_wait3A_1585 = arith.constant 0 : i32
      %dma_wait3A_1586 = arith.constant 0 : i32
      %dma_wait3A_1587 = tpu.memref_slice %arg14[%rem3A_1347, %dma_wait3A_1577, %dma_wait3A_1585, %dma_wait3A_1586] : memref<2x16x8x64xf32, #tpu.memory_space<vmem>> -> memref<1x1x8x64xf32, #tpu.memory_space<vmem>>
      %dma_wait3A_1588 = tpu.memref_squeeze %dma_wait3A_1587 : memref<1x1x8x64xf32, #tpu.memory_space<vmem>> -> memref<8x64xf32, #tpu.memory_space<vmem>>
      %dma_wait3A_1589 = arith.constant 0 : i32
      %dma_wait3A_1590 = arith.constant 0 : i32
      %dma_wait3A_1591 = tpu.memref_slice %arg6[%dma_wait3A_1589, %dma_wait3A_1590] : memref<1000000x64xf32, #tpu.memory_space<hbm>> -> memref<8x64xf32, #tpu.memory_space<hbm>>
      tpu.wait_dma2 semaphore(%arg18 : memref<!tpu.dma_semaphore, #tpu.memory_space<semaphore_mem>>) src(%dma_wait3A_1591 : memref<8x64xf32, #tpu.memory_space<hbm>>) dst(%dma_wait3A_1588 : memref<8x64xf32, #tpu.memory_space<vmem>>)
      %dma_wait3A_1592 = arith.constant 8 : i32
      %dma_wait3A_1593 = arith.constant 0 : i32
      %dma_wait3A_1594 = arith.constant 0 : i32
      %dma_wait3A_1595 = tpu.memref_slice %arg13[%rem3A_1347, %dma_wait3A_1592, %dma_wait3A_1593, %dma_wait3A_1594] : memref<2x16x8x64xf32, #tpu.memory_space<vmem>> -> memref<1x1x8x64xf32, #tpu.memory_space<vmem>>
      %dma_wait3A_1596 = tpu.memref_squeeze %dma_wait3A_1595 : memref<1x1x8x64xf32, #tpu.memory_space<vmem>> -> memref<8x64xf32, #tpu.memory_space<vmem>>
      %dma_wait3A_1597 = arith.constant 0 : i32
      %dma_wait3A_1598 = arith.constant 0 : i32
      %dma_wait3A_1599 = tpu.memref_slice %arg5[%dma_wait3A_1597, %dma_wait3A_1598] : memref<1000000x64xf32, #tpu.memory_space<hbm>> -> memref<8x64xf32, #tpu.memory_space<hbm>>
      %dma_wait3A_1600 = arith.constant 0 : i32
      %dma_wait3A_1601 = arith.constant 0 : i32
      %dma_wait3A_1602 = tpu.memref_slice %arg13[%rem3A_1347, %dma_wait3A_1592, %dma_wait3A_1600, %dma_wait3A_1601] : memref<2x16x8x64xf32, #tpu.memory_space<vmem>> -> memref<1x1x8x64xf32, #tpu.memory_space<vmem>>
      %dma_wait3A_1603 = tpu.memref_squeeze %dma_wait3A_1602 : memref<1x1x8x64xf32, #tpu.memory_space<vmem>> -> memref<8x64xf32, #tpu.memory_space<vmem>>
      %dma_wait3A_1604 = arith.constant 0 : i32
      %dma_wait3A_1605 = arith.constant 0 : i32
      %dma_wait3A_1606 = tpu.memref_slice %arg5[%dma_wait3A_1604, %dma_wait3A_1605] : memref<1000000x64xf32, #tpu.memory_space<hbm>> -> memref<8x64xf32, #tpu.memory_space<hbm>>
      tpu.wait_dma2 semaphore(%arg18 : memref<!tpu.dma_semaphore, #tpu.memory_space<semaphore_mem>>) src(%dma_wait3A_1606 : memref<8x64xf32, #tpu.memory_space<hbm>>) dst(%dma_wait3A_1603 : memref<8x64xf32, #tpu.memory_space<vmem>>)
      %dma_wait3A_1607 = arith.constant 8 : i32
      %dma_wait3A_1608 = arith.constant 0 : i32
      %dma_wait3A_1609 = arith.constant 0 : i32
      %dma_wait3A_1610 = tpu.memref_slice %arg14[%rem3A_1347, %dma_wait3A_1607, %dma_wait3A_1608, %dma_wait3A_1609] : memref<2x16x8x64xf32, #tpu.memory_space<vmem>> -> memref<1x1x8x64xf32, #tpu.memory_space<vmem>>
      %dma_wait3A_1611 = tpu.memref_squeeze %dma_wait3A_1610 : memref<1x1x8x64xf32, #tpu.memory_space<vmem>> -> memref<8x64xf32, #tpu.memory_space<vmem>>
      %dma_wait3A_1612 = arith.constant 0 : i32
      %dma_wait3A_1613 = arith.constant 0 : i32
      %dma_wait3A_1614 = tpu.memref_slice %arg6[%dma_wait3A_1612, %dma_wait3A_1613] : memref<1000000x64xf32, #tpu.memory_space<hbm>> -> memref<8x64xf32, #tpu.memory_space<hbm>>
      %dma_wait3A_1615 = arith.constant 0 : i32
      %dma_wait3A_1616 = arith.constant 0 : i32
      %dma_wait3A_1617 = tpu.memref_slice %arg14[%rem3A_1347, %dma_wait3A_1607, %dma_wait3A_1615, %dma_wait3A_1616] : memref<2x16x8x64xf32, #tpu.memory_space<vmem>> -> memref<1x1x8x64xf32, #tpu.memory_space<vmem>>
      %dma_wait3A_1618 = tpu.memref_squeeze %dma_wait3A_1617 : memref<1x1x8x64xf32, #tpu.memory_space<vmem>> -> memref<8x64xf32, #tpu.memory_space<vmem>>
      %dma_wait3A_1619 = arith.constant 0 : i32
      %dma_wait3A_1620 = arith.constant 0 : i32
      %dma_wait3A_1621 = tpu.memref_slice %arg6[%dma_wait3A_1619, %dma_wait3A_1620] : memref<1000000x64xf32, #tpu.memory_space<hbm>> -> memref<8x64xf32, #tpu.memory_space<hbm>>
      tpu.wait_dma2 semaphore(%arg18 : memref<!tpu.dma_semaphore, #tpu.memory_space<semaphore_mem>>) src(%dma_wait3A_1621 : memref<8x64xf32, #tpu.memory_space<hbm>>) dst(%dma_wait3A_1618 : memref<8x64xf32, #tpu.memory_space<vmem>>)
      %dma_wait3A_1622 = arith.constant 9 : i32
      %dma_wait3A_1623 = arith.constant 0 : i32
      %dma_wait3A_1624 = arith.constant 0 : i32
      %dma_wait3A_1625 = tpu.memref_slice %arg13[%rem3A_1347, %dma_wait3A_1622, %dma_wait3A_1623, %dma_wait3A_1624] : memref<2x16x8x64xf32, #tpu.memory_space<vmem>> -> memref<1x1x8x64xf32, #tpu.memory_space<vmem>>
      %dma_wait3A_1626 = tpu.memref_squeeze %dma_wait3A_1625 : memref<1x1x8x64xf32, #tpu.memory_space<vmem>> -> memref<8x64xf32, #tpu.memory_space<vmem>>
      %dma_wait3A_1627 = arith.constant 0 : i32
      %dma_wait3A_1628 = arith.constant 0 : i32
      %dma_wait3A_1629 = tpu.memref_slice %arg5[%dma_wait3A_1627, %dma_wait3A_1628] : memref<1000000x64xf32, #tpu.memory_space<hbm>> -> memref<8x64xf32, #tpu.memory_space<hbm>>
      %dma_wait3A_1630 = arith.constant 0 : i32
      %dma_wait3A_1631 = arith.constant 0 : i32
      %dma_wait3A_1632 = tpu.memref_slice %arg13[%rem3A_1347, %dma_wait3A_1622, %dma_wait3A_1630, %dma_wait3A_1631] : memref<2x16x8x64xf32, #tpu.memory_space<vmem>> -> memref<1x1x8x64xf32, #tpu.memory_space<vmem>>
      %dma_wait3A_1633 = tpu.memref_squeeze %dma_wait3A_1632 : memref<1x1x8x64xf32, #tpu.memory_space<vmem>> -> memref<8x64xf32, #tpu.memory_space<vmem>>
      %dma_wait3A_1634 = arith.constant 0 : i32
      %dma_wait3A_1635 = arith.constant 0 : i32
      %dma_wait3A_1636 = tpu.memref_slice %arg5[%dma_wait3A_1634, %dma_wait3A_1635] : memref<1000000x64xf32, #tpu.memory_space<hbm>> -> memref<8x64xf32, #tpu.memory_space<hbm>>
      tpu.wait_dma2 semaphore(%arg18 : memref<!tpu.dma_semaphore, #tpu.memory_space<semaphore_mem>>) src(%dma_wait3A_1636 : memref<8x64xf32, #tpu.memory_space<hbm>>) dst(%dma_wait3A_1633 : memref<8x64xf32, #tpu.memory_space<vmem>>)
      %dma_wait3A_1637 = arith.constant 9 : i32
      %dma_wait3A_1638 = arith.constant 0 : i32
      %dma_wait3A_1639 = arith.constant 0 : i32
      %dma_wait3A_1640 = tpu.memref_slice %arg14[%rem3A_1347, %dma_wait3A_1637, %dma_wait3A_1638, %dma_wait3A_1639] : memref<2x16x8x64xf32, #tpu.memory_space<vmem>> -> memref<1x1x8x64xf32, #tpu.memory_space<vmem>>
      %dma_wait3A_1641 = tpu.memref_squeeze %dma_wait3A_1640 : memref<1x1x8x64xf32, #tpu.memory_space<vmem>> -> memref<8x64xf32, #tpu.memory_space<vmem>>
      %dma_wait3A_1642 = arith.constant 0 : i32
      %dma_wait3A_1643 = arith.constant 0 : i32
      %dma_wait3A_1644 = tpu.memref_slice %arg6[%dma_wait3A_1642, %dma_wait3A_1643] : memref<1000000x64xf32, #tpu.memory_space<hbm>> -> memref<8x64xf32, #tpu.memory_space<hbm>>
      %dma_wait3A_1645 = arith.constant 0 : i32
      %dma_wait3A_1646 = arith.constant 0 : i32
      %dma_wait3A_1647 = tpu.memref_slice %arg14[%rem3A_1347, %dma_wait3A_1637, %dma_wait3A_1645, %dma_wait3A_1646] : memref<2x16x8x64xf32, #tpu.memory_space<vmem>> -> memref<1x1x8x64xf32, #tpu.memory_space<vmem>>
      %dma_wait3A_1648 = tpu.memref_squeeze %dma_wait3A_1647 : memref<1x1x8x64xf32, #tpu.memory_space<vmem>> -> memref<8x64xf32, #tpu.memory_space<vmem>>
      %dma_wait3A_1649 = arith.constant 0 : i32
      %dma_wait3A_1650 = arith.constant 0 : i32
      %dma_wait3A_1651 = tpu.memref_slice %arg6[%dma_wait3A_1649, %dma_wait3A_1650] : memref<1000000x64xf32, #tpu.memory_space<hbm>> -> memref<8x64xf32, #tpu.memory_space<hbm>>
      tpu.wait_dma2 semaphore(%arg18 : memref<!tpu.dma_semaphore, #tpu.memory_space<semaphore_mem>>) src(%dma_wait3A_1651 : memref<8x64xf32, #tpu.memory_space<hbm>>) dst(%dma_wait3A_1648 : memref<8x64xf32, #tpu.memory_space<vmem>>)
      %dma_wait3A_1652 = arith.constant 10 : i32
      %dma_wait3A_1653 = arith.constant 0 : i32
      %dma_wait3A_1654 = arith.constant 0 : i32
      %dma_wait3A_1655 = tpu.memref_slice %arg13[%rem3A_1347, %dma_wait3A_1652, %dma_wait3A_1653, %dma_wait3A_1654] : memref<2x16x8x64xf32, #tpu.memory_space<vmem>> -> memref<1x1x8x64xf32, #tpu.memory_space<vmem>>
      %dma_wait3A_1656 = tpu.memref_squeeze %dma_wait3A_1655 : memref<1x1x8x64xf32, #tpu.memory_space<vmem>> -> memref<8x64xf32, #tpu.memory_space<vmem>>
      %dma_wait3A_1657 = arith.constant 0 : i32
      %dma_wait3A_1658 = arith.constant 0 : i32
      %dma_wait3A_1659 = tpu.memref_slice %arg5[%dma_wait3A_1657, %dma_wait3A_1658] : memref<1000000x64xf32, #tpu.memory_space<hbm>> -> memref<8x64xf32, #tpu.memory_space<hbm>>
      %dma_wait3A_1660 = arith.constant 0 : i32
      %dma_wait3A_1661 = arith.constant 0 : i32
      %dma_wait3A_1662 = tpu.memref_slice %arg13[%rem3A_1347, %dma_wait3A_1652, %dma_wait3A_1660, %dma_wait3A_1661] : memref<2x16x8x64xf32, #tpu.memory_space<vmem>> -> memref<1x1x8x64xf32, #tpu.memory_space<vmem>>
      %dma_wait3A_1663 = tpu.memref_squeeze %dma_wait3A_1662 : memref<1x1x8x64xf32, #tpu.memory_space<vmem>> -> memref<8x64xf32, #tpu.memory_space<vmem>>
      %dma_wait3A_1664 = arith.constant 0 : i32
      %dma_wait3A_1665 = arith.constant 0 : i32
      %dma_wait3A_1666 = tpu.memref_slice %arg5[%dma_wait3A_1664, %dma_wait3A_1665] : memref<1000000x64xf32, #tpu.memory_space<hbm>> -> memref<8x64xf32, #tpu.memory_space<hbm>>
      tpu.wait_dma2 semaphore(%arg18 : memref<!tpu.dma_semaphore, #tpu.memory_space<semaphore_mem>>) src(%dma_wait3A_1666 : memref<8x64xf32, #tpu.memory_space<hbm>>) dst(%dma_wait3A_1663 : memref<8x64xf32, #tpu.memory_space<vmem>>)
      %dma_wait3A_1667 = arith.constant 10 : i32
      %dma_wait3A_1668 = arith.constant 0 : i32
      %dma_wait3A_1669 = arith.constant 0 : i32
      %dma_wait3A_1670 = tpu.memref_slice %arg14[%rem3A_1347, %dma_wait3A_1667, %dma_wait3A_1668, %dma_wait3A_1669] : memref<2x16x8x64xf32, #tpu.memory_space<vmem>> -> memref<1x1x8x64xf32, #tpu.memory_space<vmem>>
      %dma_wait3A_1671 = tpu.memref_squeeze %dma_wait3A_1670 : memref<1x1x8x64xf32, #tpu.memory_space<vmem>> -> memref<8x64xf32, #tpu.memory_space<vmem>>
      %dma_wait3A_1672 = arith.constant 0 : i32
      %dma_wait3A_1673 = arith.constant 0 : i32
      %dma_wait3A_1674 = tpu.memref_slice %arg6[%dma_wait3A_1672, %dma_wait3A_1673] : memref<1000000x64xf32, #tpu.memory_space<hbm>> -> memref<8x64xf32, #tpu.memory_space<hbm>>
      %dma_wait3A_1675 = arith.constant 0 : i32
      %dma_wait3A_1676 = arith.constant 0 : i32
      %dma_wait3A_1677 = tpu.memref_slice %arg14[%rem3A_1347, %dma_wait3A_1667, %dma_wait3A_1675, %dma_wait3A_1676] : memref<2x16x8x64xf32, #tpu.memory_space<vmem>> -> memref<1x1x8x64xf32, #tpu.memory_space<vmem>>
      %dma_wait3A_1678 = tpu.memref_squeeze %dma_wait3A_1677 : memref<1x1x8x64xf32, #tpu.memory_space<vmem>> -> memref<8x64xf32, #tpu.memory_space<vmem>>
      %dma_wait3A_1679 = arith.constant 0 : i32
      %dma_wait3A_1680 = arith.constant 0 : i32
      %dma_wait3A_1681 = tpu.memref_slice %arg6[%dma_wait3A_1679, %dma_wait3A_1680] : memref<1000000x64xf32, #tpu.memory_space<hbm>> -> memref<8x64xf32, #tpu.memory_space<hbm>>
      tpu.wait_dma2 semaphore(%arg18 : memref<!tpu.dma_semaphore, #tpu.memory_space<semaphore_mem>>) src(%dma_wait3A_1681 : memref<8x64xf32, #tpu.memory_space<hbm>>) dst(%dma_wait3A_1678 : memref<8x64xf32, #tpu.memory_space<vmem>>)
      %dma_wait3A_1682 = arith.constant 11 : i32
      %dma_wait3A_1683 = arith.constant 0 : i32
      %dma_wait3A_1684 = arith.constant 0 : i32
      %dma_wait3A_1685 = tpu.memref_slice %arg13[%rem3A_1347, %dma_wait3A_1682, %dma_wait3A_1683, %dma_wait3A_1684] : memref<2x16x8x64xf32, #tpu.memory_space<vmem>> -> memref<1x1x8x64xf32, #tpu.memory_space<vmem>>
      %dma_wait3A_1686 = tpu.memref_squeeze %dma_wait3A_1685 : memref<1x1x8x64xf32, #tpu.memory_space<vmem>> -> memref<8x64xf32, #tpu.memory_space<vmem>>
      %dma_wait3A_1687 = arith.constant 0 : i32
      %dma_wait3A_1688 = arith.constant 0 : i32
      %dma_wait3A_1689 = tpu.memref_slice %arg5[%dma_wait3A_1687, %dma_wait3A_1688] : memref<1000000x64xf32, #tpu.memory_space<hbm>> -> memref<8x64xf32, #tpu.memory_space<hbm>>
      %dma_wait3A_1690 = arith.constant 0 : i32
      %dma_wait3A_1691 = arith.constant 0 : i32
      %dma_wait3A_1692 = tpu.memref_slice %arg13[%rem3A_1347, %dma_wait3A_1682, %dma_wait3A_1690, %dma_wait3A_1691] : memref<2x16x8x64xf32, #tpu.memory_space<vmem>> -> memref<1x1x8x64xf32, #tpu.memory_space<vmem>>
      %dma_wait3A_1693 = tpu.memref_squeeze %dma_wait3A_1692 : memref<1x1x8x64xf32, #tpu.memory_space<vmem>> -> memref<8x64xf32, #tpu.memory_space<vmem>>
      %dma_wait3A_1694 = arith.constant 0 : i32
      %dma_wait3A_1695 = arith.constant 0 : i32
      %dma_wait3A_1696 = tpu.memref_slice %arg5[%dma_wait3A_1694, %dma_wait3A_1695] : memref<1000000x64xf32, #tpu.memory_space<hbm>> -> memref<8x64xf32, #tpu.memory_space<hbm>>
      tpu.wait_dma2 semaphore(%arg18 : memref<!tpu.dma_semaphore, #tpu.memory_space<semaphore_mem>>) src(%dma_wait3A_1696 : memref<8x64xf32, #tpu.memory_space<hbm>>) dst(%dma_wait3A_1693 : memref<8x64xf32, #tpu.memory_space<vmem>>)
      %dma_wait3A_1697 = arith.constant 11 : i32
      %dma_wait3A_1698 = arith.constant 0 : i32
      %dma_wait3A_1699 = arith.constant 0 : i32
      %dma_wait3A_1700 = tpu.memref_slice %arg14[%rem3A_1347, %dma_wait3A_1697, %dma_wait3A_1698, %dma_wait3A_1699] : memref<2x16x8x64xf32, #tpu.memory_space<vmem>> -> memref<1x1x8x64xf32, #tpu.memory_space<vmem>>
      %dma_wait3A_1701 = tpu.memref_squeeze %dma_wait3A_1700 : memref<1x1x8x64xf32, #tpu.memory_space<vmem>> -> memref<8x64xf32, #tpu.memory_space<vmem>>
      %dma_wait3A_1702 = arith.constant 0 : i32
      %dma_wait3A_1703 = arith.constant 0 : i32
      %dma_wait3A_1704 = tpu.memref_slice %arg6[%dma_wait3A_1702, %dma_wait3A_1703] : memref<1000000x64xf32, #tpu.memory_space<hbm>> -> memref<8x64xf32, #tpu.memory_space<hbm>>
      %dma_wait3A_1705 = arith.constant 0 : i32
      %dma_wait3A_1706 = arith.constant 0 : i32
      %dma_wait3A_1707 = tpu.memref_slice %arg14[%rem3A_1347, %dma_wait3A_1697, %dma_wait3A_1705, %dma_wait3A_1706] : memref<2x16x8x64xf32, #tpu.memory_space<vmem>> -> memref<1x1x8x64xf32, #tpu.memory_space<vmem>>
      %dma_wait3A_1708 = tpu.memref_squeeze %dma_wait3A_1707 : memref<1x1x8x64xf32, #tpu.memory_space<vmem>> -> memref<8x64xf32, #tpu.memory_space<vmem>>
      %dma_wait3A_1709 = arith.constant 0 : i32
      %dma_wait3A_1710 = arith.constant 0 : i32
      %dma_wait3A_1711 = tpu.memref_slice %arg6[%dma_wait3A_1709, %dma_wait3A_1710] : memref<1000000x64xf32, #tpu.memory_space<hbm>> -> memref<8x64xf32, #tpu.memory_space<hbm>>
      tpu.wait_dma2 semaphore(%arg18 : memref<!tpu.dma_semaphore, #tpu.memory_space<semaphore_mem>>) src(%dma_wait3A_1711 : memref<8x64xf32, #tpu.memory_space<hbm>>) dst(%dma_wait3A_1708 : memref<8x64xf32, #tpu.memory_space<vmem>>)
      %dma_wait3A_1712 = arith.constant 12 : i32
      %dma_wait3A_1713 = arith.constant 0 : i32
      %dma_wait3A_1714 = arith.constant 0 : i32
      %dma_wait3A_1715 = tpu.memref_slice %arg13[%rem3A_1347, %dma_wait3A_1712, %dma_wait3A_1713, %dma_wait3A_1714] : memref<2x16x8x64xf32, #tpu.memory_space<vmem>> -> memref<1x1x8x64xf32, #tpu.memory_space<vmem>>
      %dma_wait3A_1716 = tpu.memref_squeeze %dma_wait3A_1715 : memref<1x1x8x64xf32, #tpu.memory_space<vmem>> -> memref<8x64xf32, #tpu.memory_space<vmem>>
      %dma_wait3A_1717 = arith.constant 0 : i32
      %dma_wait3A_1718 = arith.constant 0 : i32
      %dma_wait3A_1719 = tpu.memref_slice %arg5[%dma_wait3A_1717, %dma_wait3A_1718] : memref<1000000x64xf32, #tpu.memory_space<hbm>> -> memref<8x64xf32, #tpu.memory_space<hbm>>
      %dma_wait3A_1720 = arith.constant 0 : i32
      %dma_wait3A_1721 = arith.constant 0 : i32
      %dma_wait3A_1722 = tpu.memref_slice %arg13[%rem3A_1347, %dma_wait3A_1712, %dma_wait3A_1720, %dma_wait3A_1721] : memref<2x16x8x64xf32, #tpu.memory_space<vmem>> -> memref<1x1x8x64xf32, #tpu.memory_space<vmem>>
      %dma_wait3A_1723 = tpu.memref_squeeze %dma_wait3A_1722 : memref<1x1x8x64xf32, #tpu.memory_space<vmem>> -> memref<8x64xf32, #tpu.memory_space<vmem>>
      %dma_wait3A_1724 = arith.constant 0 : i32
      %dma_wait3A_1725 = arith.constant 0 : i32
      %dma_wait3A_1726 = tpu.memref_slice %arg5[%dma_wait3A_1724, %dma_wait3A_1725] : memref<1000000x64xf32, #tpu.memory_space<hbm>> -> memref<8x64xf32, #tpu.memory_space<hbm>>
      tpu.wait_dma2 semaphore(%arg18 : memref<!tpu.dma_semaphore, #tpu.memory_space<semaphore_mem>>) src(%dma_wait3A_1726 : memref<8x64xf32, #tpu.memory_space<hbm>>) dst(%dma_wait3A_1723 : memref<8x64xf32, #tpu.memory_space<vmem>>)
      %dma_wait3A_1727 = arith.constant 12 : i32
      %dma_wait3A_1728 = arith.constant 0 : i32
      %dma_wait3A_1729 = arith.constant 0 : i32
      %dma_wait3A_1730 = tpu.memref_slice %arg14[%rem3A_1347, %dma_wait3A_1727, %dma_wait3A_1728, %dma_wait3A_1729] : memref<2x16x8x64xf32, #tpu.memory_space<vmem>> -> memref<1x1x8x64xf32, #tpu.memory_space<vmem>>
      %dma_wait3A_1731 = tpu.memref_squeeze %dma_wait3A_1730 : memref<1x1x8x64xf32, #tpu.memory_space<vmem>> -> memref<8x64xf32, #tpu.memory_space<vmem>>
      %dma_wait3A_1732 = arith.constant 0 : i32
      %dma_wait3A_1733 = arith.constant 0 : i32
      %dma_wait3A_1734 = tpu.memref_slice %arg6[%dma_wait3A_1732, %dma_wait3A_1733] : memref<1000000x64xf32, #tpu.memory_space<hbm>> -> memref<8x64xf32, #tpu.memory_space<hbm>>
      %dma_wait3A_1735 = arith.constant 0 : i32
      %dma_wait3A_1736 = arith.constant 0 : i32
      %dma_wait3A_1737 = tpu.memref_slice %arg14[%rem3A_1347, %dma_wait3A_1727, %dma_wait3A_1735, %dma_wait3A_1736] : memref<2x16x8x64xf32, #tpu.memory_space<vmem>> -> memref<1x1x8x64xf32, #tpu.memory_space<vmem>>
      %dma_wait3A_1738 = tpu.memref_squeeze %dma_wait3A_1737 : memref<1x1x8x64xf32, #tpu.memory_space<vmem>> -> memref<8x64xf32, #tpu.memory_space<vmem>>
      %dma_wait3A_1739 = arith.constant 0 : i32
      %dma_wait3A_1740 = arith.constant 0 : i32
      %dma_wait3A_1741 = tpu.memref_slice %arg6[%dma_wait3A_1739, %dma_wait3A_1740] : memref<1000000x64xf32, #tpu.memory_space<hbm>> -> memref<8x64xf32, #tpu.memory_space<hbm>>
      tpu.wait_dma2 semaphore(%arg18 : memref<!tpu.dma_semaphore, #tpu.memory_space<semaphore_mem>>) src(%dma_wait3A_1741 : memref<8x64xf32, #tpu.memory_space<hbm>>) dst(%dma_wait3A_1738 : memref<8x64xf32, #tpu.memory_space<vmem>>)
      %dma_wait3A_1742 = arith.constant 13 : i32
      %dma_wait3A_1743 = arith.constant 0 : i32
      %dma_wait3A_1744 = arith.constant 0 : i32
      %dma_wait3A_1745 = tpu.memref_slice %arg13[%rem3A_1347, %dma_wait3A_1742, %dma_wait3A_1743, %dma_wait3A_1744] : memref<2x16x8x64xf32, #tpu.memory_space<vmem>> -> memref<1x1x8x64xf32, #tpu.memory_space<vmem>>
      %dma_wait3A_1746 = tpu.memref_squeeze %dma_wait3A_1745 : memref<1x1x8x64xf32, #tpu.memory_space<vmem>> -> memref<8x64xf32, #tpu.memory_space<vmem>>
      %dma_wait3A_1747 = arith.constant 0 : i32
      %dma_wait3A_1748 = arith.constant 0 : i32
      %dma_wait3A_1749 = tpu.memref_slice %arg5[%dma_wait3A_1747, %dma_wait3A_1748] : memref<1000000x64xf32, #tpu.memory_space<hbm>> -> memref<8x64xf32, #tpu.memory_space<hbm>>
      %dma_wait3A_1750 = arith.constant 0 : i32
      %dma_wait3A_1751 = arith.constant 0 : i32
      %dma_wait3A_1752 = tpu.memref_slice %arg13[%rem3A_1347, %dma_wait3A_1742, %dma_wait3A_1750, %dma_wait3A_1751] : memref<2x16x8x64xf32, #tpu.memory_space<vmem>> -> memref<1x1x8x64xf32, #tpu.memory_space<vmem>>
      %dma_wait3A_1753 = tpu.memref_squeeze %dma_wait3A_1752 : memref<1x1x8x64xf32, #tpu.memory_space<vmem>> -> memref<8x64xf32, #tpu.memory_space<vmem>>
      %dma_wait3A_1754 = arith.constant 0 : i32
      %dma_wait3A_1755 = arith.constant 0 : i32
      %dma_wait3A_1756 = tpu.memref_slice %arg5[%dma_wait3A_1754, %dma_wait3A_1755] : memref<1000000x64xf32, #tpu.memory_space<hbm>> -> memref<8x64xf32, #tpu.memory_space<hbm>>
      tpu.wait_dma2 semaphore(%arg18 : memref<!tpu.dma_semaphore, #tpu.memory_space<semaphore_mem>>) src(%dma_wait3A_1756 : memref<8x64xf32, #tpu.memory_space<hbm>>) dst(%dma_wait3A_1753 : memref<8x64xf32, #tpu.memory_space<vmem>>)
      %dma_wait3A_1757 = arith.constant 13 : i32
      %dma_wait3A_1758 = arith.constant 0 : i32
      %dma_wait3A_1759 = arith.constant 0 : i32
      %dma_wait3A_1760 = tpu.memref_slice %arg14[%rem3A_1347, %dma_wait3A_1757, %dma_wait3A_1758, %dma_wait3A_1759] : memref<2x16x8x64xf32, #tpu.memory_space<vmem>> -> memref<1x1x8x64xf32, #tpu.memory_space<vmem>>
      %dma_wait3A_1761 = tpu.memref_squeeze %dma_wait3A_1760 : memref<1x1x8x64xf32, #tpu.memory_space<vmem>> -> memref<8x64xf32, #tpu.memory_space<vmem>>
      %dma_wait3A_1762 = arith.constant 0 : i32
      %dma_wait3A_1763 = arith.constant 0 : i32
      %dma_wait3A_1764 = tpu.memref_slice %arg6[%dma_wait3A_1762, %dma_wait3A_1763] : memref<1000000x64xf32, #tpu.memory_space<hbm>> -> memref<8x64xf32, #tpu.memory_space<hbm>>
      %dma_wait3A_1765 = arith.constant 0 : i32
      %dma_wait3A_1766 = arith.constant 0 : i32
      %dma_wait3A_1767 = tpu.memref_slice %arg14[%rem3A_1347, %dma_wait3A_1757, %dma_wait3A_1765, %dma_wait3A_1766] : memref<2x16x8x64xf32, #tpu.memory_space<vmem>> -> memref<1x1x8x64xf32, #tpu.memory_space<vmem>>
      %dma_wait3A_1768 = tpu.memref_squeeze %dma_wait3A_1767 : memref<1x1x8x64xf32, #tpu.memory_space<vmem>> -> memref<8x64xf32, #tpu.memory_space<vmem>>
      %dma_wait3A_1769 = arith.constant 0 : i32
      %dma_wait3A_1770 = arith.constant 0 : i32
      %dma_wait3A_1771 = tpu.memref_slice %arg6[%dma_wait3A_1769, %dma_wait3A_1770] : memref<1000000x64xf32, #tpu.memory_space<hbm>> -> memref<8x64xf32, #tpu.memory_space<hbm>>
      tpu.wait_dma2 semaphore(%arg18 : memref<!tpu.dma_semaphore, #tpu.memory_space<semaphore_mem>>) src(%dma_wait3A_1771 : memref<8x64xf32, #tpu.memory_space<hbm>>) dst(%dma_wait3A_1768 : memref<8x64xf32, #tpu.memory_space<vmem>>)
      %dma_wait3A_1772 = arith.constant 14 : i32
      %dma_wait3A_1773 = arith.constant 0 : i32
      %dma_wait3A_1774 = arith.constant 0 : i32
      %dma_wait3A_1775 = tpu.memref_slice %arg13[%rem3A_1347, %dma_wait3A_1772, %dma_wait3A_1773, %dma_wait3A_1774] : memref<2x16x8x64xf32, #tpu.memory_space<vmem>> -> memref<1x1x8x64xf32, #tpu.memory_space<vmem>>
      %dma_wait3A_1776 = tpu.memref_squeeze %dma_wait3A_1775 : memref<1x1x8x64xf32, #tpu.memory_space<vmem>> -> memref<8x64xf32, #tpu.memory_space<vmem>>
      %dma_wait3A_1777 = arith.constant 0 : i32
      %dma_wait3A_1778 = arith.constant 0 : i32
      %dma_wait3A_1779 = tpu.memref_slice %arg5[%dma_wait3A_1777, %dma_wait3A_1778] : memref<1000000x64xf32, #tpu.memory_space<hbm>> -> memref<8x64xf32, #tpu.memory_space<hbm>>
      %dma_wait3A_1780 = arith.constant 0 : i32
      %dma_wait3A_1781 = arith.constant 0 : i32
      %dma_wait3A_1782 = tpu.memref_slice %arg13[%rem3A_1347, %dma_wait3A_1772, %dma_wait3A_1780, %dma_wait3A_1781] : memref<2x16x8x64xf32, #tpu.memory_space<vmem>> -> memref<1x1x8x64xf32, #tpu.memory_space<vmem>>
      %dma_wait3A_1783 = tpu.memref_squeeze %dma_wait3A_1782 : memref<1x1x8x64xf32, #tpu.memory_space<vmem>> -> memref<8x64xf32, #tpu.memory_space<vmem>>
      %dma_wait3A_1784 = arith.constant 0 : i32
      %dma_wait3A_1785 = arith.constant 0 : i32
      %dma_wait3A_1786 = tpu.memref_slice %arg5[%dma_wait3A_1784, %dma_wait3A_1785] : memref<1000000x64xf32, #tpu.memory_space<hbm>> -> memref<8x64xf32, #tpu.memory_space<hbm>>
      tpu.wait_dma2 semaphore(%arg18 : memref<!tpu.dma_semaphore, #tpu.memory_space<semaphore_mem>>) src(%dma_wait3A_1786 : memref<8x64xf32, #tpu.memory_space<hbm>>) dst(%dma_wait3A_1783 : memref<8x64xf32, #tpu.memory_space<vmem>>)
      %dma_wait3A_1787 = arith.constant 14 : i32
      %dma_wait3A_1788 = arith.constant 0 : i32
      %dma_wait3A_1789 = arith.constant 0 : i32
      %dma_wait3A_1790 = tpu.memref_slice %arg14[%rem3A_1347, %dma_wait3A_1787, %dma_wait3A_1788, %dma_wait3A_1789] : memref<2x16x8x64xf32, #tpu.memory_space<vmem>> -> memref<1x1x8x64xf32, #tpu.memory_space<vmem>>
      %dma_wait3A_1791 = tpu.memref_squeeze %dma_wait3A_1790 : memref<1x1x8x64xf32, #tpu.memory_space<vmem>> -> memref<8x64xf32, #tpu.memory_space<vmem>>
      %dma_wait3A_1792 = arith.constant 0 : i32
      %dma_wait3A_1793 = arith.constant 0 : i32
      %dma_wait3A_1794 = tpu.memref_slice %arg6[%dma_wait3A_1792, %dma_wait3A_1793] : memref<1000000x64xf32, #tpu.memory_space<hbm>> -> memref<8x64xf32, #tpu.memory_space<hbm>>
      %dma_wait3A_1795 = arith.constant 0 : i32
      %dma_wait3A_1796 = arith.constant 0 : i32
      %dma_wait3A_1797 = tpu.memref_slice %arg14[%rem3A_1347, %dma_wait3A_1787, %dma_wait3A_1795, %dma_wait3A_1796] : memref<2x16x8x64xf32, #tpu.memory_space<vmem>> -> memref<1x1x8x64xf32, #tpu.memory_space<vmem>>
      %dma_wait3A_1798 = tpu.memref_squeeze %dma_wait3A_1797 : memref<1x1x8x64xf32, #tpu.memory_space<vmem>> -> memref<8x64xf32, #tpu.memory_space<vmem>>
      %dma_wait3A_1799 = arith.constant 0 : i32
      %dma_wait3A_1800 = arith.constant 0 : i32
      %dma_wait3A_1801 = tpu.memref_slice %arg6[%dma_wait3A_1799, %dma_wait3A_1800] : memref<1000000x64xf32, #tpu.memory_space<hbm>> -> memref<8x64xf32, #tpu.memory_space<hbm>>
      tpu.wait_dma2 semaphore(%arg18 : memref<!tpu.dma_semaphore, #tpu.memory_space<semaphore_mem>>) src(%dma_wait3A_1801 : memref<8x64xf32, #tpu.memory_space<hbm>>) dst(%dma_wait3A_1798 : memref<8x64xf32, #tpu.memory_space<vmem>>)
      %dma_wait3A_1802 = arith.constant 15 : i32
      %dma_wait3A_1803 = arith.constant 0 : i32
      %dma_wait3A_1804 = arith.constant 0 : i32
      %dma_wait3A_1805 = tpu.memref_slice %arg13[%rem3A_1347, %dma_wait3A_1802, %dma_wait3A_1803, %dma_wait3A_1804] : memref<2x16x8x64xf32, #tpu.memory_space<vmem>> -> memref<1x1x8x64xf32, #tpu.memory_space<vmem>>
      %dma_wait3A_1806 = tpu.memref_squeeze %dma_wait3A_1805 : memref<1x1x8x64xf32, #tpu.memory_space<vmem>> -> memref<8x64xf32, #tpu.memory_space<vmem>>
      %dma_wait3A_1807 = arith.constant 0 : i32
      %dma_wait3A_1808 = arith.constant 0 : i32
      %dma_wait3A_1809 = tpu.memref_slice %arg5[%dma_wait3A_1807, %dma_wait3A_1808] : memref<1000000x64xf32, #tpu.memory_space<hbm>> -> memref<8x64xf32, #tpu.memory_space<hbm>>
      %dma_wait3A_1810 = arith.constant 0 : i32
      %dma_wait3A_1811 = arith.constant 0 : i32
      %dma_wait3A_1812 = tpu.memref_slice %arg13[%rem3A_1347, %dma_wait3A_1802, %dma_wait3A_1810, %dma_wait3A_1811] : memref<2x16x8x64xf32, #tpu.memory_space<vmem>> -> memref<1x1x8x64xf32, #tpu.memory_space<vmem>>
      %dma_wait3A_1813 = tpu.memref_squeeze %dma_wait3A_1812 : memref<1x1x8x64xf32, #tpu.memory_space<vmem>> -> memref<8x64xf32, #tpu.memory_space<vmem>>
      %dma_wait3A_1814 = arith.constant 0 : i32
      %dma_wait3A_1815 = arith.constant 0 : i32
      %dma_wait3A_1816 = tpu.memref_slice %arg5[%dma_wait3A_1814, %dma_wait3A_1815] : memref<1000000x64xf32, #tpu.memory_space<hbm>> -> memref<8x64xf32, #tpu.memory_space<hbm>>
      tpu.wait_dma2 semaphore(%arg18 : memref<!tpu.dma_semaphore, #tpu.memory_space<semaphore_mem>>) src(%dma_wait3A_1816 : memref<8x64xf32, #tpu.memory_space<hbm>>) dst(%dma_wait3A_1813 : memref<8x64xf32, #tpu.memory_space<vmem>>)
      %dma_wait3A_1817 = arith.constant 15 : i32
      %dma_wait3A_1818 = arith.constant 0 : i32
      %dma_wait3A_1819 = arith.constant 0 : i32
      %dma_wait3A_1820 = tpu.memref_slice %arg14[%rem3A_1347, %dma_wait3A_1817, %dma_wait3A_1818, %dma_wait3A_1819] : memref<2x16x8x64xf32, #tpu.memory_space<vmem>> -> memref<1x1x8x64xf32, #tpu.memory_space<vmem>>
      %dma_wait3A_1821 = tpu.memref_squeeze %dma_wait3A_1820 : memref<1x1x8x64xf32, #tpu.memory_space<vmem>> -> memref<8x64xf32, #tpu.memory_space<vmem>>
      %dma_wait3A_1822 = arith.constant 0 : i32
      %dma_wait3A_1823 = arith.constant 0 : i32
      %dma_wait3A_1824 = tpu.memref_slice %arg6[%dma_wait3A_1822, %dma_wait3A_1823] : memref<1000000x64xf32, #tpu.memory_space<hbm>> -> memref<8x64xf32, #tpu.memory_space<hbm>>
      %dma_wait3A_1825 = arith.constant 0 : i32
      %dma_wait3A_1826 = arith.constant 0 : i32
      %dma_wait3A_1827 = tpu.memref_slice %arg14[%rem3A_1347, %dma_wait3A_1817, %dma_wait3A_1825, %dma_wait3A_1826] : memref<2x16x8x64xf32, #tpu.memory_space<vmem>> -> memref<1x1x8x64xf32, #tpu.memory_space<vmem>>
      %dma_wait3A_1828 = tpu.memref_squeeze %dma_wait3A_1827 : memref<1x1x8x64xf32, #tpu.memory_space<vmem>> -> memref<8x64xf32, #tpu.memory_space<vmem>>
      %dma_wait3A_1829 = arith.constant 0 : i32
      %dma_wait3A_1830 = arith.constant 0 : i32
      %dma_wait3A_1831 = tpu.memref_slice %arg6[%dma_wait3A_1829, %dma_wait3A_1830] : memref<1000000x64xf32, #tpu.memory_space<hbm>> -> memref<8x64xf32, #tpu.memory_space<hbm>>
      tpu.wait_dma2 semaphore(%arg18 : memref<!tpu.dma_semaphore, #tpu.memory_space<semaphore_mem>>) src(%dma_wait3A_1831 : memref<8x64xf32, #tpu.memory_space<hbm>>) dst(%dma_wait3A_1828 : memref<8x64xf32, #tpu.memory_space<vmem>>)
      %mul3A_1832 = arith.constant 16 : i32
      %mul3A_1833 = arith.muli %scan3A_1345, %mul3A_1832 : i32
      %get3A_1834 = arith.index_cast %mul3A_1833 : i32 to index
      %get3A_1835 = tpu.vector_load %arg9[%get3A_1834] {strides = array<i32>} : memref<512xi32, #tpu.memory_space<vmem>>, vector<16xi32>,
      %get3A_1836 = vector.shape_cast %get3A_1835 : vector<16xi32> to vector<16xi32>
      %mul3A_1837 = arith.constant 16 : i32
      %mul3A_1838 = arith.muli %scan3A_1345, %mul3A_1837 : i32
      %get3A_1839 = arith.index_cast %mul3A_1838 : i32 to index
      %get3A_1840 = tpu.vector_load %arg12[%get3A_1839] {strides = array<i32>} : memref<512xi32, #tpu.memory_space<vmem>>, vector<16xi32>,
      %get3A_1841 = vector.shape_cast %get3A_1840 : vector<16xi32> to vector<16xi32>
      %slice3A_1842 = vector.extract_strided_slice %get3A_1836 {offsets = [0], sizes = [1], strides = [1]} : vector<16xi32> to vector<1xi32>
      %squeeze3A_1843 = vector.extract %slice3A_1842[0] : i32 from vector<1xi32>
      %and3A = arith.constant 7 : i32
      %and3A_1844 = arith.andi %squeeze3A_1843, %and3A : i32
      %slice3A_1845 = vector.extract_strided_slice %get3A_1841 {offsets = [0], sizes = [1], strides = [1]} : vector<16xi32> to vector<1xi32>
      %squeeze3A_1846 = vector.extract %slice3A_1845[0] : i32 from vector<1xi32>
      %and3A_1847 = arith.constant 7 : i32
      %and3A_1848 = arith.andi %squeeze3A_1846, %and3A_1847 : i32
      %get3A_1849 = arith.constant 0 : i32
      %get3A_1850 = arith.index_cast %rem3A_1347 : i32 to index
      %get3A_1851 = arith.index_cast %get3A_1849 : i32 to index
      %get3A_1852 = arith.index_cast %and3A_1844 : i32 to index
      %get3A_1853 = arith.constant 0 : index
      %get3A_1854 = tpu.vector_load %arg13[%get3A_1850, %get3A_1851, %get3A_1852, %get3A_1853] {strides = array<i32>} : memref<2x16x8x64xf32, #tpu.memory_space<vmem>>, vector<1x1x1x16xf32>,
      %get3A_1855 = vector.shape_cast %get3A_1854 : vector<1x1x1x16xf32> to vector<16xf32>
      %get3A_1856 = arith.constant 0 : i32
      %get3A_1857 = arith.index_cast %rem3A_1347 : i32 to index
      %get3A_1858 = arith.index_cast %get3A_1856 : i32 to index
      %get3A_1859 = arith.index_cast %and3A_1848 : i32 to index
      %get3A_1860 = arith.constant 0 : index
      %get3A_1861 = tpu.vector_load %arg14[%get3A_1857, %get3A_1858, %get3A_1859, %get3A_1860] {strides = array<i32>} : memref<2x16x8x64xf32, #tpu.memory_space<vmem>>, vector<1x1x1x16xf32>,
      %get3A_1862 = vector.shape_cast %get3A_1861 : vector<1x1x1x16xf32> to vector<16xf32>
      %add3A_1863 = arith.addf %get3A_1855, %get3A_1862 : vector<16xf32>
      %add3A_1864 = arith.addf %add3A_1863, %get3A_655 : vector<16xf32>
      %swap3A_1865 = arith.constant 0 : i32
      %swap3A_1866 = arith.index_cast %swap3A_1865 : i32 to index
      %swap3A_1867 = arith.constant 0 : index
      %swap3A_1868 = tpu.vector_load %arg15[%swap3A_1866, %swap3A_1867] {strides = array<i32>} : memref<16x64xf32, #tpu.memory_space<vmem>>, vector<1x16xf32>,
      %swap3A_1869 = vector.shape_cast %swap3A_1868 : vector<1x16xf32> to vector<16xf32>
      %swap3A_1870 = vector.shape_cast %add3A_1864 : vector<16xf32> to vector<1x16xf32>
      tpu.vector_store %arg15[%swap3A_1866, %swap3A_1867], %swap3A_1870 {strides = array<i32>} : memref<16x64xf32, #tpu.memory_space<vmem>>, vector<1x16xf32>,
      %get3A_1871 = arith.constant 0 : i32
      %get3A_1872 = arith.index_cast %rem3A_1347 : i32 to index
      %get3A_1873 = arith.index_cast %get3A_1871 : i32 to index
      %get3A_1874 = arith.index_cast %and3A_1844 : i32 to index
      %get3A_1875 = arith.constant 16 : index
      %get3A_1876 = tpu.vector_load %arg13[%get3A_1872, %get3A_1873, %get3A_1874, %get3A_1875] {strides = array<i32>} : memref<2x16x8x64xf32, #tpu.memory_space<vmem>>, vector<1x1x1x16xf32>,
      %get3A_1877 = vector.shape_cast %get3A_1876 : vector<1x1x1x16xf32> to vector<16xf32>
      %get3A_1878 = arith.constant 0 : i32
      %get3A_1879 = arith.index_cast %rem3A_1347 : i32 to index
      %get3A_1880 = arith.index_cast %get3A_1878 : i32 to index
      %get3A_1881 = arith.index_cast %and3A_1848 : i32 to index
      %get3A_1882 = arith.constant 16 : index
      %get3A_1883 = tpu.vector_load %arg14[%get3A_1879, %get3A_1880, %get3A_1881, %get3A_1882] {strides = array<i32>} : memref<2x16x8x64xf32, #tpu.memory_space<vmem>>, vector<1x1x1x16xf32>,
      %get3A_1884 = vector.shape_cast %get3A_1883 : vector<1x1x1x16xf32> to vector<16xf32>
      %add3A_1885 = arith.addf %get3A_1877, %get3A_1884 : vector<16xf32>
      %add3A_1886 = arith.addf %add3A_1885, %get3A_658 : vector<16xf32>
      %swap3A_1887 = arith.constant 0 : i32
      %swap3A_1888 = arith.index_cast %swap3A_1887 : i32 to index
      %swap3A_1889 = arith.constant 16 : index
      %swap3A_1890 = tpu.vector_load %arg15[%swap3A_1888, %swap3A_1889] {strides = array<i32>} : memref<16x64xf32, #tpu.memory_space<vmem>>, vector<1x16xf32>,
      %swap3A_1891 = vector.shape_cast %swap3A_1890 : vector<1x16xf32> to vector<16xf32>
      %swap3A_1892 = vector.shape_cast %add3A_1886 : vector<16xf32> to vector<1x16xf32>
      tpu.vector_store %arg15[%swap3A_1888, %swap3A_1889], %swap3A_1892 {strides = array<i32>} : memref<16x64xf32, #tpu.memory_space<vmem>>, vector<1x16xf32>,
      %get3A_1893 = arith.constant 0 : i32
      %get3A_1894 = arith.index_cast %rem3A_1347 : i32 to index
      %get3A_1895 = arith.index_cast %get3A_1893 : i32 to index
      %get3A_1896 = arith.index_cast %and3A_1844 : i32 to index
      %get3A_1897 = arith.constant 32 : index
      %get3A_1898 = tpu.vector_load %arg13[%get3A_1894, %get3A_1895, %get3A_1896, %get3A_1897] {strides = array<i32>} : memref<2x16x8x64xf32, #tpu.memory_space<vmem>>, vector<1x1x1x16xf32>,
      %get3A_1899 = vector.shape_cast %get3A_1898 : vector<1x1x1x16xf32> to vector<16xf32>
      %get3A_1900 = arith.constant 0 : i32
      %get3A_1901 = arith.index_cast %rem3A_1347 : i32 to index
      %get3A_1902 = arith.index_cast %get3A_1900 : i32 to index
      %get3A_1903 = arith.index_cast %and3A_1848 : i32 to index
      %get3A_1904 = arith.constant 32 : index
      %get3A_1905 = tpu.vector_load %arg14[%get3A_1901, %get3A_1902, %get3A_1903, %get3A_1904] {strides = array<i32>} : memref<2x16x8x64xf32, #tpu.memory_space<vmem>>, vector<1x1x1x16xf32>,
      %get3A_1906 = vector.shape_cast %get3A_1905 : vector<1x1x1x16xf32> to vector<16xf32>
      %add3A_1907 = arith.addf %get3A_1899, %get3A_1906 : vector<16xf32>
      %add3A_1908 = arith.addf %add3A_1907, %get3A_661 : vector<16xf32>
      %swap3A_1909 = arith.constant 0 : i32
      %swap3A_1910 = arith.index_cast %swap3A_1909 : i32 to index
      %swap3A_1911 = arith.constant 32 : index
      %swap3A_1912 = tpu.vector_load %arg15[%swap3A_1910, %swap3A_1911] {strides = array<i32>} : memref<16x64xf32, #tpu.memory_space<vmem>>, vector<1x16xf32>,
      %swap3A_1913 = vector.shape_cast %swap3A_1912 : vector<1x16xf32> to vector<16xf32>
      %swap3A_1914 = vector.shape_cast %add3A_1908 : vector<16xf32> to vector<1x16xf32>
      tpu.vector_store %arg15[%swap3A_1910, %swap3A_1911], %swap3A_1914 {strides = array<i32>} : memref<16x64xf32, #tpu.memory_space<vmem>>, vector<1x16xf32>,
      %get3A_1915 = arith.constant 0 : i32
      %get3A_1916 = arith.index_cast %rem3A_1347 : i32 to index
      %get3A_1917 = arith.index_cast %get3A_1915 : i32 to index
      %get3A_1918 = arith.index_cast %and3A_1844 : i32 to index
      %get3A_1919 = arith.constant 48 : index
      %get3A_1920 = tpu.vector_load %arg13[%get3A_1916, %get3A_1917, %get3A_1918, %get3A_1919] {strides = array<i32>} : memref<2x16x8x64xf32, #tpu.memory_space<vmem>>, vector<1x1x1x16xf32>,
      %get3A_1921 = vector.shape_cast %get3A_1920 : vector<1x1x1x16xf32> to vector<16xf32>
      %get3A_1922 = arith.constant 0 : i32
      %get3A_1923 = arith.index_cast %rem3A_1347 : i32 to index
      %get3A_1924 = arith.index_cast %get3A_1922 : i32 to index
      %get3A_1925 = arith.index_cast %and3A_1848 : i32 to index
      %get3A_1926 = arith.constant 48 : index
      %get3A_1927 = tpu.vector_load %arg14[%get3A_1923, %get3A_1924, %get3A_1925, %get3A_1926] {strides = array<i32>} : memref<2x16x8x64xf32, #tpu.memory_space<vmem>>, vector<1x1x1x16xf32>,
      %get3A_1928 = vector.shape_cast %get3A_1927 : vector<1x1x1x16xf32> to vector<16xf32>
      %add3A_1929 = arith.addf %get3A_1921, %get3A_1928 : vector<16xf32>
      %add3A_1930 = arith.addf %add3A_1929, %get3A_664 : vector<16xf32>
      %swap3A_1931 = arith.constant 0 : i32
      %swap3A_1932 = arith.index_cast %swap3A_1931 : i32 to index
      %swap3A_1933 = arith.constant 48 : index
      %swap3A_1934 = tpu.vector_load %arg15[%swap3A_1932, %swap3A_1933] {strides = array<i32>} : memref<16x64xf32, #tpu.memory_space<vmem>>, vector<1x16xf32>,
      %swap3A_1935 = vector.shape_cast %swap3A_1934 : vector<1x16xf32> to vector<16xf32>
      %swap3A_1936 = vector.shape_cast %add3A_1930 : vector<16xf32> to vector<1x16xf32>
      tpu.vector_store %arg15[%swap3A_1932, %swap3A_1933], %swap3A_1936 {strides = array<i32>} : memref<16x64xf32, #tpu.memory_space<vmem>>, vector<1x16xf32>,
      %slice3A_1937 = vector.extract_strided_slice %get3A_1836 {offsets = [1], sizes = [1], strides = [1]} : vector<16xi32> to vector<1xi32>
      %squeeze3A_1938 = vector.extract %slice3A_1937[0] : i32 from vector<1xi32>
      %and3A_1939 = arith.constant 7 : i32
      %and3A_1940 = arith.andi %squeeze3A_1938, %and3A_1939 : i32
      %slice3A_1941 = vector.extract_strided_slice %get3A_1841 {offsets = [1], sizes = [1], strides = [1]} : vector<16xi32> to vector<1xi32>
      %squeeze3A_1942 = vector.extract %slice3A_1941[0] : i32 from vector<1xi32>
      %and3A_1943 = arith.constant 7 : i32
      %and3A_1944 = arith.andi %squeeze3A_1942, %and3A_1943 : i32
      %get3A_1945 = arith.constant 1 : i32
      %get3A_1946 = arith.index_cast %rem3A_1347 : i32 to index
      %get3A_1947 = arith.index_cast %get3A_1945 : i32 to index
      %get3A_1948 = arith.index_cast %and3A_1940 : i32 to index
      %get3A_1949 = arith.constant 0 : index
      %get3A_1950 = tpu.vector_load %arg13[%get3A_1946, %get3A_1947, %get3A_1948, %get3A_1949] {strides = array<i32>} : memref<2x16x8x64xf32, #tpu.memory_space<vmem>>, vector<1x1x1x16xf32>,
      %get3A_1951 = vector.shape_cast %get3A_1950 : vector<1x1x1x16xf32> to vector<16xf32>
      %get3A_1952 = arith.constant 1 : i32
      %get3A_1953 = arith.index_cast %rem3A_1347 : i32 to index
      %get3A_1954 = arith.index_cast %get3A_1952 : i32 to index
      %get3A_1955 = arith.index_cast %and3A_1944 : i32 to index
      %get3A_1956 = arith.constant 0 : index
      %get3A_1957 = tpu.vector_load %arg14[%get3A_1953, %get3A_1954, %get3A_1955, %get3A_1956] {strides = array<i32>} : memref<2x16x8x64xf32, #tpu.memory_space<vmem>>, vector<1x1x1x16xf32>,
      %get3A_1958 = vector.shape_cast %get3A_1957 : vector<1x1x1x16xf32> to vector<16xf32>
      %add3A_1959 = arith.addf %get3A_1951, %get3A_1958 : vector<16xf32>
      %add3A_1960 = arith.addf %add3A_1959, %get3A_655 : vector<16xf32>
      %swap3A_1961 = arith.constant 1 : i32
      %swap3A_1962 = arith.index_cast %swap3A_1961 : i32 to index
      %swap3A_1963 = arith.constant 0 : index
      %swap3A_1964 = tpu.vector_load %arg15[%swap3A_1962, %swap3A_1963] {strides = array<i32>} : memref<16x64xf32, #tpu.memory_space<vmem>>, vector<1x16xf32>,
      %swap3A_1965 = vector.shape_cast %swap3A_1964 : vector<1x16xf32> to vector<16xf32>
      %swap3A_1966 = vector.shape_cast %add3A_1960 : vector<16xf32> to vector<1x16xf32>
      tpu.vector_store %arg15[%swap3A_1962, %swap3A_1963], %swap3A_1966 {strides = array<i32>} : memref<16x64xf32, #tpu.memory_space<vmem>>, vector<1x16xf32>,
      %get3A_1967 = arith.constant 1 : i32
      %get3A_1968 = arith.index_cast %rem3A_1347 : i32 to index
      %get3A_1969 = arith.index_cast %get3A_1967 : i32 to index
      %get3A_1970 = arith.index_cast %and3A_1940 : i32 to index
      %get3A_1971 = arith.constant 16 : index
      %get3A_1972 = tpu.vector_load %arg13[%get3A_1968, %get3A_1969, %get3A_1970, %get3A_1971] {strides = array<i32>} : memref<2x16x8x64xf32, #tpu.memory_space<vmem>>, vector<1x1x1x16xf32>,
      %get3A_1973 = vector.shape_cast %get3A_1972 : vector<1x1x1x16xf32> to vector<16xf32>
      %get3A_1974 = arith.constant 1 : i32
      %get3A_1975 = arith.index_cast %rem3A_1347 : i32 to index
      %get3A_1976 = arith.index_cast %get3A_1974 : i32 to index
      %get3A_1977 = arith.index_cast %and3A_1944 : i32 to index
      %get3A_1978 = arith.constant 16 : index
      %get3A_1979 = tpu.vector_load %arg14[%get3A_1975, %get3A_1976, %get3A_1977, %get3A_1978] {strides = array<i32>} : memref<2x16x8x64xf32, #tpu.memory_space<vmem>>, vector<1x1x1x16xf32>,
      %get3A_1980 = vector.shape_cast %get3A_1979 : vector<1x1x1x16xf32> to vector<16xf32>
      %add3A_1981 = arith.addf %get3A_1973, %get3A_1980 : vector<16xf32>
      %add3A_1982 = arith.addf %add3A_1981, %get3A_658 : vector<16xf32>
      %swap3A_1983 = arith.constant 1 : i32
      %swap3A_1984 = arith.index_cast %swap3A_1983 : i32 to index
      %swap3A_1985 = arith.constant 16 : index
      %swap3A_1986 = tpu.vector_load %arg15[%swap3A_1984, %swap3A_1985] {strides = array<i32>} : memref<16x64xf32, #tpu.memory_space<vmem>>, vector<1x16xf32>,
      %swap3A_1987 = vector.shape_cast %swap3A_1986 : vector<1x16xf32> to vector<16xf32>
      %swap3A_1988 = vector.shape_cast %add3A_1982 : vector<16xf32> to vector<1x16xf32>
      tpu.vector_store %arg15[%swap3A_1984, %swap3A_1985], %swap3A_1988 {strides = array<i32>} : memref<16x64xf32, #tpu.memory_space<vmem>>, vector<1x16xf32>,
      %get3A_1989 = arith.constant 1 : i32
      %get3A_1990 = arith.index_cast %rem3A_1347 : i32 to index
      %get3A_1991 = arith.index_cast %get3A_1989 : i32 to index
      %get3A_1992 = arith.index_cast %and3A_1940 : i32 to index
      %get3A_1993 = arith.constant 32 : index
      %get3A_1994 = tpu.vector_load %arg13[%get3A_1990, %get3A_1991, %get3A_1992, %get3A_1993] {strides = array<i32>} : memref<2x16x8x64xf32, #tpu.memory_space<vmem>>, vector<1x1x1x16xf32>,
      %get3A_1995 = vector.shape_cast %get3A_1994 : vector<1x1x1x16xf32> to vector<16xf32>
      %get3A_1996 = arith.constant 1 : i32
      %get3A_1997 = arith.index_cast %rem3A_1347 : i32 to index
      %get3A_1998 = arith.index_cast %get3A_1996 : i32 to index
      %get3A_1999 = arith.index_cast %and3A_1944 : i32 to index
      %get3A_2000 = arith.constant 32 : index
      %get3A_2001 = tpu.vector_load %arg14[%get3A_1997, %get3A_1998, %get3A_1999, %get3A_2000] {strides = array<i32>} : memref<2x16x8x64xf32, #tpu.memory_space<vmem>>, vector<1x1x1x16xf32>,
      %get3A_2002 = vector.shape_cast %get3A_2001 : vector<1x1x1x16xf32> to vector<16xf32>
      %add3A_2003 = arith.addf %get3A_1995, %get3A_2002 : vector<16xf32>
      %add3A_2004 = arith.addf %add3A_2003, %get3A_661 : vector<16xf32>
      %swap3A_2005 = arith.constant 1 : i32
      %swap3A_2006 = arith.index_cast %swap3A_2005 : i32 to index
      %swap3A_2007 = arith.constant 32 : index
      %swap3A_2008 = tpu.vector_load %arg15[%swap3A_2006, %swap3A_2007] {strides = array<i32>} : memref<16x64xf32, #tpu.memory_space<vmem>>, vector<1x16xf32>,
      %swap3A_2009 = vector.shape_cast %swap3A_2008 : vector<1x16xf32> to vector<16xf32>
      %swap3A_2010 = vector.shape_cast %add3A_2004 : vector<16xf32> to vector<1x16xf32>
      tpu.vector_store %arg15[%swap3A_2006, %swap3A_2007], %swap3A_2010 {strides = array<i32>} : memref<16x64xf32, #tpu.memory_space<vmem>>, vector<1x16xf32>,
      %get3A_2011 = arith.constant 1 : i32
      %get3A_2012 = arith.index_cast %rem3A_1347 : i32 to index
      %get3A_2013 = arith.index_cast %get3A_2011 : i32 to index
      %get3A_2014 = arith.index_cast %and3A_1940 : i32 to index
      %get3A_2015 = arith.constant 48 : index
      %get3A_2016 = tpu.vector_load %arg13[%get3A_2012, %get3A_2013, %get3A_2014, %get3A_2015] {strides = array<i32>} : memref<2x16x8x64xf32, #tpu.memory_space<vmem>>, vector<1x1x1x16xf32>,
      %get3A_2017 = vector.shape_cast %get3A_2016 : vector<1x1x1x16xf32> to vector<16xf32>
      %get3A_2018 = arith.constant 1 : i32
      %get3A_2019 = arith.index_cast %rem3A_1347 : i32 to index
      %get3A_2020 = arith.index_cast %get3A_2018 : i32 to index
      %get3A_2021 = arith.index_cast %and3A_1944 : i32 to index
      %get3A_2022 = arith.constant 48 : index
      %get3A_2023 = tpu.vector_load %arg14[%get3A_2019, %get3A_2020, %get3A_2021, %get3A_2022] {strides = array<i32>} : memref<2x16x8x64xf32, #tpu.memory_space<vmem>>, vector<1x1x1x16xf32>,
      %get3A_2024 = vector.shape_cast %get3A_2023 : vector<1x1x1x16xf32> to vector<16xf32>
      %add3A_2025 = arith.addf %get3A_2017, %get3A_2024 : vector<16xf32>
      %add3A_2026 = arith.addf %add3A_2025, %get3A_664 : vector<16xf32>
      %swap3A_2027 = arith.constant 1 : i32
      %swap3A_2028 = arith.index_cast %swap3A_2027 : i32 to index
      %swap3A_2029 = arith.constant 48 : index
      %swap3A_2030 = tpu.vector_load %arg15[%swap3A_2028, %swap3A_2029] {strides = array<i32>} : memref<16x64xf32, #tpu.memory_space<vmem>>, vector<1x16xf32>,
      %swap3A_2031 = vector.shape_cast %swap3A_2030 : vector<1x16xf32> to vector<16xf32>
      %swap3A_2032 = vector.shape_cast %add3A_2026 : vector<16xf32> to vector<1x16xf32>
      tpu.vector_store %arg15[%swap3A_2028, %swap3A_2029], %swap3A_2032 {strides = array<i32>} : memref<16x64xf32, #tpu.memory_space<vmem>>, vector<1x16xf32>,
      %slice3A_2033 = vector.extract_strided_slice %get3A_1836 {offsets = [2], sizes = [1], strides = [1]} : vector<16xi32> to vector<1xi32>
      %squeeze3A_2034 = vector.extract %slice3A_2033[0] : i32 from vector<1xi32>
      %and3A_2035 = arith.constant 7 : i32
      %and3A_2036 = arith.andi %squeeze3A_2034, %and3A_2035 : i32
      %slice3A_2037 = vector.extract_strided_slice %get3A_1841 {offsets = [2], sizes = [1], strides = [1]} : vector<16xi32> to vector<1xi32>
      %squeeze3A_2038 = vector.extract %slice3A_2037[0] : i32 from vector<1xi32>
      %and3A_2039 = arith.constant 7 : i32
      %and3A_2040 = arith.andi %squeeze3A_2038, %and3A_2039 : i32
      %get3A_2041 = arith.constant 2 : i32
      %get3A_2042 = arith.index_cast %rem3A_1347 : i32 to index
      %get3A_2043 = arith.index_cast %get3A_2041 : i32 to index
      %get3A_2044 = arith.index_cast %and3A_2036 : i32 to index
      %get3A_2045 = arith.constant 0 : index
      %get3A_2046 = tpu.vector_load %arg13[%get3A_2042, %get3A_2043, %get3A_2044, %get3A_2045] {strides = array<i32>} : memref<2x16x8x64xf32, #tpu.memory_space<vmem>>, vector<1x1x1x16xf32>,
      %get3A_2047 = vector.shape_cast %get3A_2046 : vector<1x1x1x16xf32> to vector<16xf32>
      %get3A_2048 = arith.constant 2 : i32
      %get3A_2049 = arith.index_cast %rem3A_1347 : i32 to index
      %get3A_2050 = arith.index_cast %get3A_2048 : i32 to index
      %get3A_2051 = arith.index_cast %and3A_2040 : i32 to index
      %get3A_2052 = arith.constant 0 : index
      %get3A_2053 = tpu.vector_load %arg14[%get3A_2049, %get3A_2050, %get3A_2051, %get3A_2052] {strides = array<i32>} : memref<2x16x8x64xf32, #tpu.memory_space<vmem>>, vector<1x1x1x16xf32>,
      %get3A_2054 = vector.shape_cast %get3A_2053 : vector<1x1x1x16xf32> to vector<16xf32>
      %add3A_2055 = arith.addf %get3A_2047, %get3A_2054 : vector<16xf32>
      %add3A_2056 = arith.addf %add3A_2055, %get3A_655 : vector<16xf32>
      %swap3A_2057 = arith.constant 2 : i32
      %swap3A_2058 = arith.index_cast %swap3A_2057 : i32 to index
      %swap3A_2059 = arith.constant 0 : index
      %swap3A_2060 = tpu.vector_load %arg15[%swap3A_2058, %swap3A_2059] {strides = array<i32>} : memref<16x64xf32, #tpu.memory_space<vmem>>, vector<1x16xf32>,
      %swap3A_2061 = vector.shape_cast %swap3A_2060 : vector<1x16xf32> to vector<16xf32>
      %swap3A_2062 = vector.shape_cast %add3A_2056 : vector<16xf32> to vector<1x16xf32>
      tpu.vector_store %arg15[%swap3A_2058, %swap3A_2059], %swap3A_2062 {strides = array<i32>} : memref<16x64xf32, #tpu.memory_space<vmem>>, vector<1x16xf32>,
      %get3A_2063 = arith.constant 2 : i32
      %get3A_2064 = arith.index_cast %rem3A_1347 : i32 to index
      %get3A_2065 = arith.index_cast %get3A_2063 : i32 to index
      %get3A_2066 = arith.index_cast %and3A_2036 : i32 to index
      %get3A_2067 = arith.constant 16 : index
      %get3A_2068 = tpu.vector_load %arg13[%get3A_2064, %get3A_2065, %get3A_2066, %get3A_2067] {strides = array<i32>} : memref<2x16x8x64xf32, #tpu.memory_space<vmem>>, vector<1x1x1x16xf32>,
      %get3A_2069 = vector.shape_cast %get3A_2068 : vector<1x1x1x16xf32> to vector<16xf32>
      %get3A_2070 = arith.constant 2 : i32
      %get3A_2071 = arith.index_cast %rem3A_1347 : i32 to index
      %get3A_2072 = arith.index_cast %get3A_2070 : i32 to index
      %get3A_2073 = arith.index_cast %and3A_2040 : i32 to index
      %get3A_2074 = arith.constant 16 : index
      %get3A_2075 = tpu.vector_load %arg14[%get3A_2071, %get3A_2072, %get3A_2073, %get3A_2074] {strides = array<i32>} : memref<2x16x8x64xf32, #tpu.memory_space<vmem>>, vector<1x1x1x16xf32>,
      %get3A_2076 = vector.shape_cast %get3A_2075 : vector<1x1x1x16xf32> to vector<16xf32>
      %add3A_2077 = arith.addf %get3A_2069, %get3A_2076 : vector<16xf32>
      %add3A_2078 = arith.addf %add3A_2077, %get3A_658 : vector<16xf32>
      %swap3A_2079 = arith.constant 2 : i32
      %swap3A_2080 = arith.index_cast %swap3A_2079 : i32 to index
      %swap3A_2081 = arith.constant 16 : index
      %swap3A_2082 = tpu.vector_load %arg15[%swap3A_2080, %swap3A_2081] {strides = array<i32>} : memref<16x64xf32, #tpu.memory_space<vmem>>, vector<1x16xf32>,
      %swap3A_2083 = vector.shape_cast %swap3A_2082 : vector<1x16xf32> to vector<16xf32>
      %swap3A_2084 = vector.shape_cast %add3A_2078 : vector<16xf32> to vector<1x16xf32>
      tpu.vector_store %arg15[%swap3A_2080, %swap3A_2081], %swap3A_2084 {strides = array<i32>} : memref<16x64xf32, #tpu.memory_space<vmem>>, vector<1x16xf32>,
      %get3A_2085 = arith.constant 2 : i32
      %get3A_2086 = arith.index_cast %rem3A_1347 : i32 to index
      %get3A_2087 = arith.index_cast %get3A_2085 : i32 to index
      %get3A_2088 = arith.index_cast %and3A_2036 : i32 to index
      %get3A_2089 = arith.constant 32 : index
      %get3A_2090 = tpu.vector_load %arg13[%get3A_2086, %get3A_2087, %get3A_2088, %get3A_2089] {strides = array<i32>} : memref<2x16x8x64xf32, #tpu.memory_space<vmem>>, vector<1x1x1x16xf32>,
      %get3A_2091 = vector.shape_cast %get3A_2090 : vector<1x1x1x16xf32> to vector<16xf32>
      %get3A_2092 = arith.constant 2 : i32
      %get3A_2093 = arith.index_cast %rem3A_1347 : i32 to index
      %get3A_2094 = arith.index_cast %get3A_2092 : i32 to index
      %get3A_2095 = arith.index_cast %and3A_2040 : i32 to index
      %get3A_2096 = arith.constant 32 : index
      %get3A_2097 = tpu.vector_load %arg14[%get3A_2093, %get3A_2094, %get3A_2095, %get3A_2096] {strides = array<i32>} : memref<2x16x8x64xf32, #tpu.memory_space<vmem>>, vector<1x1x1x16xf32>,
      %get3A_2098 = vector.shape_cast %get3A_2097 : vector<1x1x1x16xf32> to vector<16xf32>
      %add3A_2099 = arith.addf %get3A_2091, %get3A_2098 : vector<16xf32>
      %add3A_2100 = arith.addf %add3A_2099, %get3A_661 : vector<16xf32>
      %swap3A_2101 = arith.constant 2 : i32
      %swap3A_2102 = arith.index_cast %swap3A_2101 : i32 to index
      %swap3A_2103 = arith.constant 32 : index
      %swap3A_2104 = tpu.vector_load %arg15[%swap3A_2102, %swap3A_2103] {strides = array<i32>} : memref<16x64xf32, #tpu.memory_space<vmem>>, vector<1x16xf32>,
      %swap3A_2105 = vector.shape_cast %swap3A_2104 : vector<1x16xf32> to vector<16xf32>
      %swap3A_2106 = vector.shape_cast %add3A_2100 : vector<16xf32> to vector<1x16xf32>
      tpu.vector_store %arg15[%swap3A_2102, %swap3A_2103], %swap3A_2106 {strides = array<i32>} : memref<16x64xf32, #tpu.memory_space<vmem>>, vector<1x16xf32>,
      %get3A_2107 = arith.constant 2 : i32
      %get3A_2108 = arith.index_cast %rem3A_1347 : i32 to index
      %get3A_2109 = arith.index_cast %get3A_2107 : i32 to index
      %get3A_2110 = arith.index_cast %and3A_2036 : i32 to index
      %get3A_2111 = arith.constant 48 : index
      %get3A_2112 = tpu.vector_load %arg13[%get3A_2108, %get3A_2109, %get3A_2110, %get3A_2111] {strides = array<i32>} : memref<2x16x8x64xf32, #tpu.memory_space<vmem>>, vector<1x1x1x16xf32>,
      %get3A_2113 = vector.shape_cast %get3A_2112 : vector<1x1x1x16xf32> to vector<16xf32>
      %get3A_2114 = arith.constant 2 : i32
      %get3A_2115 = arith.index_cast %rem3A_1347 : i32 to index
      %get3A_2116 = arith.index_cast %get3A_2114 : i32 to index
      %get3A_2117 = arith.index_cast %and3A_2040 : i32 to index
      %get3A_2118 = arith.constant 48 : index
      %get3A_2119 = tpu.vector_load %arg14[%get3A_2115, %get3A_2116, %get3A_2117, %get3A_2118] {strides = array<i32>} : memref<2x16x8x64xf32, #tpu.memory_space<vmem>>, vector<1x1x1x16xf32>,
      %get3A_2120 = vector.shape_cast %get3A_2119 : vector<1x1x1x16xf32> to vector<16xf32>
      %add3A_2121 = arith.addf %get3A_2113, %get3A_2120 : vector<16xf32>
      %add3A_2122 = arith.addf %add3A_2121, %get3A_664 : vector<16xf32>
      %swap3A_2123 = arith.constant 2 : i32
      %swap3A_2124 = arith.index_cast %swap3A_2123 : i32 to index
      %swap3A_2125 = arith.constant 48 : index
      %swap3A_2126 = tpu.vector_load %arg15[%swap3A_2124, %swap3A_2125] {strides = array<i32>} : memref<16x64xf32, #tpu.memory_space<vmem>>, vector<1x16xf32>,
      %swap3A_2127 = vector.shape_cast %swap3A_2126 : vector<1x16xf32> to vector<16xf32>
      %swap3A_2128 = vector.shape_cast %add3A_2122 : vector<16xf32> to vector<1x16xf32>
      tpu.vector_store %arg15[%swap3A_2124, %swap3A_2125], %swap3A_2128 {strides = array<i32>} : memref<16x64xf32, #tpu.memory_space<vmem>>, vector<1x16xf32>,
      %slice3A_2129 = vector.extract_strided_slice %get3A_1836 {offsets = [3], sizes = [1], strides = [1]} : vector<16xi32> to vector<1xi32>
      %squeeze3A_2130 = vector.extract %slice3A_2129[0] : i32 from vector<1xi32>
      %and3A_2131 = arith.constant 7 : i32
      %and3A_2132 = arith.andi %squeeze3A_2130, %and3A_2131 : i32
      %slice3A_2133 = vector.extract_strided_slice %get3A_1841 {offsets = [3], sizes = [1], strides = [1]} : vector<16xi32> to vector<1xi32>
      %squeeze3A_2134 = vector.extract %slice3A_2133[0] : i32 from vector<1xi32>
      %and3A_2135 = arith.constant 7 : i32
      %and3A_2136 = arith.andi %squeeze3A_2134, %and3A_2135 : i32
      %get3A_2137 = arith.constant 3 : i32
      %get3A_2138 = arith.index_cast %rem3A_1347 : i32 to index
      %get3A_2139 = arith.index_cast %get3A_2137 : i32 to index
      %get3A_2140 = arith.index_cast %and3A_2132 : i32 to index
      %get3A_2141 = arith.constant 0 : index
      %get3A_2142 = tpu.vector_load %arg13[%get3A_2138, %get3A_2139, %get3A_2140, %get3A_2141] {strides = array<i32>} : memref<2x16x8x64xf32, #tpu.memory_space<vmem>>, vector<1x1x1x16xf32>,
      %get3A_2143 = vector.shape_cast %get3A_2142 : vector<1x1x1x16xf32> to vector<16xf32>
      %get3A_2144 = arith.constant 3 : i32
      %get3A_2145 = arith.index_cast %rem3A_1347 : i32 to index
      %get3A_2146 = arith.index_cast %get3A_2144 : i32 to index
      %get3A_2147 = arith.index_cast %and3A_2136 : i32 to index
      %get3A_2148 = arith.constant 0 : index
      %get3A_2149 = tpu.vector_load %arg14[%get3A_2145, %get3A_2146, %get3A_2147, %get3A_2148] {strides = array<i32>} : memref<2x16x8x64xf32, #tpu.memory_space<vmem>>, vector<1x1x1x16xf32>,
      %get3A_2150 = vector.shape_cast %get3A_2149 : vector<1x1x1x16xf32> to vector<16xf32>
      %add3A_2151 = arith.addf %get3A_2143, %get3A_2150 : vector<16xf32>
      %add3A_2152 = arith.addf %add3A_2151, %get3A_655 : vector<16xf32>
      %swap3A_2153 = arith.constant 3 : i32
      %swap3A_2154 = arith.index_cast %swap3A_2153 : i32 to index
      %swap3A_2155 = arith.constant 0 : index
      %swap3A_2156 = tpu.vector_load %arg15[%swap3A_2154, %swap3A_2155] {strides = array<i32>} : memref<16x64xf32, #tpu.memory_space<vmem>>, vector<1x16xf32>,
      %swap3A_2157 = vector.shape_cast %swap3A_2156 : vector<1x16xf32> to vector<16xf32>
      %swap3A_2158 = vector.shape_cast %add3A_2152 : vector<16xf32> to vector<1x16xf32>
      tpu.vector_store %arg15[%swap3A_2154, %swap3A_2155], %swap3A_2158 {strides = array<i32>} : memref<16x64xf32, #tpu.memory_space<vmem>>, vector<1x16xf32>,
      %get3A_2159 = arith.constant 3 : i32
      %get3A_2160 = arith.index_cast %rem3A_1347 : i32 to index
      %get3A_2161 = arith.index_cast %get3A_2159 : i32 to index
      %get3A_2162 = arith.index_cast %and3A_2132 : i32 to index
      %get3A_2163 = arith.constant 16 : index
      %get3A_2164 = tpu.vector_load %arg13[%get3A_2160, %get3A_2161, %get3A_2162, %get3A_2163] {strides = array<i32>} : memref<2x16x8x64xf32, #tpu.memory_space<vmem>>, vector<1x1x1x16xf32>,
      %get3A_2165 = vector.shape_cast %get3A_2164 : vector<1x1x1x16xf32> to vector<16xf32>
      %get3A_2166 = arith.constant 3 : i32
      %get3A_2167 = arith.index_cast %rem3A_1347 : i32 to index
      %get3A_2168 = arith.index_cast %get3A_2166 : i32 to index
      %get3A_2169 = arith.index_cast %and3A_2136 : i32 to index
      %get3A_2170 = arith.constant 16 : index
      %get3A_2171 = tpu.vector_load %arg14[%get3A_2167, %get3A_2168, %get3A_2169, %get3A_2170] {strides = array<i32>} : memref<2x16x8x64xf32, #tpu.memory_space<vmem>>, vector<1x1x1x16xf32>,
      %get3A_2172 = vector.shape_cast %get3A_2171 : vector<1x1x1x16xf32> to vector<16xf32>
      %add3A_2173 = arith.addf %get3A_2165, %get3A_2172 : vector<16xf32>
      %add3A_2174 = arith.addf %add3A_2173, %get3A_658 : vector<16xf32>
      %swap3A_2175 = arith.constant 3 : i32
      %swap3A_2176 = arith.index_cast %swap3A_2175 : i32 to index
      %swap3A_2177 = arith.constant 16 : index
      %swap3A_2178 = tpu.vector_load %arg15[%swap3A_2176, %swap3A_2177] {strides = array<i32>} : memref<16x64xf32, #tpu.memory_space<vmem>>, vector<1x16xf32>,
      %swap3A_2179 = vector.shape_cast %swap3A_2178 : vector<1x16xf32> to vector<16xf32>
      %swap3A_2180 = vector.shape_cast %add3A_2174 : vector<16xf32> to vector<1x16xf32>
      tpu.vector_store %arg15[%swap3A_2176, %swap3A_2177], %swap3A_2180 {strides = array<i32>} : memref<16x64xf32, #tpu.memory_space<vmem>>, vector<1x16xf32>,
      %get3A_2181 = arith.constant 3 : i32
      %get3A_2182 = arith.index_cast %rem3A_1347 : i32 to index
      %get3A_2183 = arith.index_cast %get3A_2181 : i32 to index
      %get3A_2184 = arith.index_cast %and3A_2132 : i32 to index
      %get3A_2185 = arith.constant 32 : index
      %get3A_2186 = tpu.vector_load %arg13[%get3A_2182, %get3A_2183, %get3A_2184, %get3A_2185] {strides = array<i32>} : memref<2x16x8x64xf32, #tpu.memory_space<vmem>>, vector<1x1x1x16xf32>,
      %get3A_2187 = vector.shape_cast %get3A_2186 : vector<1x1x1x16xf32> to vector<16xf32>
      %get3A_2188 = arith.constant 3 : i32
      %get3A_2189 = arith.index_cast %rem3A_1347 : i32 to index
      %get3A_2190 = arith.index_cast %get3A_2188 : i32 to index
      %get3A_2191 = arith.index_cast %and3A_2136 : i32 to index
      %get3A_2192 = arith.constant 32 : index
      %get3A_2193 = tpu.vector_load %arg14[%get3A_2189, %get3A_2190, %get3A_2191, %get3A_2192] {strides = array<i32>} : memref<2x16x8x64xf32, #tpu.memory_space<vmem>>, vector<1x1x1x16xf32>,
      %get3A_2194 = vector.shape_cast %get3A_2193 : vector<1x1x1x16xf32> to vector<16xf32>
      %add3A_2195 = arith.addf %get3A_2187, %get3A_2194 : vector<16xf32>
      %add3A_2196 = arith.addf %add3A_2195, %get3A_661 : vector<16xf32>
      %swap3A_2197 = arith.constant 3 : i32
      %swap3A_2198 = arith.index_cast %swap3A_2197 : i32 to index
      %swap3A_2199 = arith.constant 32 : index
      %swap3A_2200 = tpu.vector_load %arg15[%swap3A_2198, %swap3A_2199] {strides = array<i32>} : memref<16x64xf32, #tpu.memory_space<vmem>>, vector<1x16xf32>,
      %swap3A_2201 = vector.shape_cast %swap3A_2200 : vector<1x16xf32> to vector<16xf32>
      %swap3A_2202 = vector.shape_cast %add3A_2196 : vector<16xf32> to vector<1x16xf32>
      tpu.vector_store %arg15[%swap3A_2198, %swap3A_2199], %swap3A_2202 {strides = array<i32>} : memref<16x64xf32, #tpu.memory_space<vmem>>, vector<1x16xf32>,
      %get3A_2203 = arith.constant 3 : i32
      %get3A_2204 = arith.index_cast %rem3A_1347 : i32 to index
      %get3A_2205 = arith.index_cast %get3A_2203 : i32 to index
      %get3A_2206 = arith.index_cast %and3A_2132 : i32 to index
      %get3A_2207 = arith.constant 48 : index
      %get3A_2208 = tpu.vector_load %arg13[%get3A_2204, %get3A_2205, %get3A_2206, %get3A_2207] {strides = array<i32>} : memref<2x16x8x64xf32, #tpu.memory_space<vmem>>, vector<1x1x1x16xf32>,
      %get3A_2209 = vector.shape_cast %get3A_2208 : vector<1x1x1x16xf32> to vector<16xf32>
      %get3A_2210 = arith.constant 3 : i32
      %get3A_2211 = arith.index_cast %rem3A_1347 : i32 to index
      %get3A_2212 = arith.index_cast %get3A_2210 : i32 to index
      %get3A_2213 = arith.index_cast %and3A_2136 : i32 to index
      %get3A_2214 = arith.constant 48 : index
      %get3A_2215 = tpu.vector_load %arg14[%get3A_2211, %get3A_2212, %get3A_2213, %get3A_2214] {strides = array<i32>} : memref<2x16x8x64xf32, #tpu.memory_space<vmem>>, vector<1x1x1x16xf32>,
      %get3A_2216 = vector.shape_cast %get3A_2215 : vector<1x1x1x16xf32> to vector<16xf32>
      %add3A_2217 = arith.addf %get3A_2209, %get3A_2216 : vector<16xf32>
      %add3A_2218 = arith.addf %add3A_2217, %get3A_664 : vector<16xf32>
      %swap3A_2219 = arith.constant 3 : i32
      %swap3A_2220 = arith.index_cast %swap3A_2219 : i32 to index
      %swap3A_2221 = arith.constant 48 : index
      %swap3A_2222 = tpu.vector_load %arg15[%swap3A_2220, %swap3A_2221] {strides = array<i32>} : memref<16x64xf32, #tpu.memory_space<vmem>>, vector<1x16xf32>,
      %swap3A_2223 = vector.shape_cast %swap3A_2222 : vector<1x16xf32> to vector<16xf32>
      %swap3A_2224 = vector.shape_cast %add3A_2218 : vector<16xf32> to vector<1x16xf32>
      tpu.vector_store %arg15[%swap3A_2220, %swap3A_2221], %swap3A_2224 {strides = array<i32>} : memref<16x64xf32, #tpu.memory_space<vmem>>, vector<1x16xf32>,
      %slice3A_2225 = vector.extract_strided_slice %get3A_1836 {offsets = [4], sizes = [1], strides = [1]} : vector<16xi32> to vector<1xi32>
      %squeeze3A_2226 = vector.extract %slice3A_2225[0] : i32 from vector<1xi32>
      %and3A_2227 = arith.constant 7 : i32
      %and3A_2228 = arith.andi %squeeze3A_2226, %and3A_2227 : i32
      %slice3A_2229 = vector.extract_strided_slice %get3A_1841 {offsets = [4], sizes = [1], strides = [1]} : vector<16xi32> to vector<1xi32>
      %squeeze3A_2230 = vector.extract %slice3A_2229[0] : i32 from vector<1xi32>
      %and3A_2231 = arith.constant 7 : i32
      %and3A_2232 = arith.andi %squeeze3A_2230, %and3A_2231 : i32
      %get3A_2233 = arith.constant 4 : i32
      %get3A_2234 = arith.index_cast %rem3A_1347 : i32 to index
      %get3A_2235 = arith.index_cast %get3A_2233 : i32 to index
      %get3A_2236 = arith.index_cast %and3A_2228 : i32 to index
      %get3A_2237 = arith.constant 0 : index
      %get3A_2238 = tpu.vector_load %arg13[%get3A_2234, %get3A_2235, %get3A_2236, %get3A_2237] {strides = array<i32>} : memref<2x16x8x64xf32, #tpu.memory_space<vmem>>, vector<1x1x1x16xf32>,
      %get3A_2239 = vector.shape_cast %get3A_2238 : vector<1x1x1x16xf32> to vector<16xf32>
      %get3A_2240 = arith.constant 4 : i32
      %get3A_2241 = arith.index_cast %rem3A_1347 : i32 to index
      %get3A_2242 = arith.index_cast %get3A_2240 : i32 to index
      %get3A_2243 = arith.index_cast %and3A_2232 : i32 to index
      %get3A_2244 = arith.constant 0 : index
      %get3A_2245 = tpu.vector_load %arg14[%get3A_2241, %get3A_2242, %get3A_2243, %get3A_2244] {strides = array<i32>} : memref<2x16x8x64xf32, #tpu.memory_space<vmem>>, vector<1x1x1x16xf32>,
      %get3A_2246 = vector.shape_cast %get3A_2245 : vector<1x1x1x16xf32> to vector<16xf32>
      %add3A_2247 = arith.addf %get3A_2239, %get3A_2246 : vector<16xf32>
      %add3A_2248 = arith.addf %add3A_2247, %get3A_655 : vector<16xf32>
      %swap3A_2249 = arith.constant 4 : i32
      %swap3A_2250 = arith.index_cast %swap3A_2249 : i32 to index
      %swap3A_2251 = arith.constant 0 : index
      %swap3A_2252 = tpu.vector_load %arg15[%swap3A_2250, %swap3A_2251] {strides = array<i32>} : memref<16x64xf32, #tpu.memory_space<vmem>>, vector<1x16xf32>,
      %swap3A_2253 = vector.shape_cast %swap3A_2252 : vector<1x16xf32> to vector<16xf32>
      %swap3A_2254 = vector.shape_cast %add3A_2248 : vector<16xf32> to vector<1x16xf32>
      tpu.vector_store %arg15[%swap3A_2250, %swap3A_2251], %swap3A_2254 {strides = array<i32>} : memref<16x64xf32, #tpu.memory_space<vmem>>, vector<1x16xf32>,
      %get3A_2255 = arith.constant 4 : i32
      %get3A_2256 = arith.index_cast %rem3A_1347 : i32 to index
      %get3A_2257 = arith.index_cast %get3A_2255 : i32 to index
      %get3A_2258 = arith.index_cast %and3A_2228 : i32 to index
      %get3A_2259 = arith.constant 16 : index
      %get3A_2260 = tpu.vector_load %arg13[%get3A_2256, %get3A_2257, %get3A_2258, %get3A_2259] {strides = array<i32>} : memref<2x16x8x64xf32, #tpu.memory_space<vmem>>, vector<1x1x1x16xf32>,
      %get3A_2261 = vector.shape_cast %get3A_2260 : vector<1x1x1x16xf32> to vector<16xf32>
      %get3A_2262 = arith.constant 4 : i32
      %get3A_2263 = arith.index_cast %rem3A_1347 : i32 to index
      %get3A_2264 = arith.index_cast %get3A_2262 : i32 to index
      %get3A_2265 = arith.index_cast %and3A_2232 : i32 to index
      %get3A_2266 = arith.constant 16 : index
      %get3A_2267 = tpu.vector_load %arg14[%get3A_2263, %get3A_2264, %get3A_2265, %get3A_2266] {strides = array<i32>} : memref<2x16x8x64xf32, #tpu.memory_space<vmem>>, vector<1x1x1x16xf32>,
      %get3A_2268 = vector.shape_cast %get3A_2267 : vector<1x1x1x16xf32> to vector<16xf32>
      %add3A_2269 = arith.addf %get3A_2261, %get3A_2268 : vector<16xf32>
      %add3A_2270 = arith.addf %add3A_2269, %get3A_658 : vector<16xf32>
      %swap3A_2271 = arith.constant 4 : i32
      %swap3A_2272 = arith.index_cast %swap3A_2271 : i32 to index
      %swap3A_2273 = arith.constant 16 : index
      %swap3A_2274 = tpu.vector_load %arg15[%swap3A_2272, %swap3A_2273] {strides = array<i32>} : memref<16x64xf32, #tpu.memory_space<vmem>>, vector<1x16xf32>,
      %swap3A_2275 = vector.shape_cast %swap3A_2274 : vector<1x16xf32> to vector<16xf32>
      %swap3A_2276 = vector.shape_cast %add3A_2270 : vector<16xf32> to vector<1x16xf32>
      tpu.vector_store %arg15[%swap3A_2272, %swap3A_2273], %swap3A_2276 {strides = array<i32>} : memref<16x64xf32, #tpu.memory_space<vmem>>, vector<1x16xf32>,
      %get3A_2277 = arith.constant 4 : i32
      %get3A_2278 = arith.index_cast %rem3A_1347 : i32 to index
      %get3A_2279 = arith.index_cast %get3A_2277 : i32 to index
      %get3A_2280 = arith.index_cast %and3A_2228 : i32 to index
      %get3A_2281 = arith.constant 32 : index
      %get3A_2282 = tpu.vector_load %arg13[%get3A_2278, %get3A_2279, %get3A_2280, %get3A_2281] {strides = array<i32>} : memref<2x16x8x64xf32, #tpu.memory_space<vmem>>, vector<1x1x1x16xf32>,
      %get3A_2283 = vector.shape_cast %get3A_2282 : vector<1x1x1x16xf32> to vector<16xf32>
      %get3A_2284 = arith.constant 4 : i32
      %get3A_2285 = arith.index_cast %rem3A_1347 : i32 to index
      %get3A_2286 = arith.index_cast %get3A_2284 : i32 to index
      %get3A_2287 = arith.index_cast %and3A_2232 : i32 to index
      %get3A_2288 = arith.constant 32 : index
      %get3A_2289 = tpu.vector_load %arg14[%get3A_2285, %get3A_2286, %get3A_2287, %get3A_2288] {strides = array<i32>} : memref<2x16x8x64xf32, #tpu.memory_space<vmem>>, vector<1x1x1x16xf32>,
      %get3A_2290 = vector.shape_cast %get3A_2289 : vector<1x1x1x16xf32> to vector<16xf32>
      %add3A_2291 = arith.addf %get3A_2283, %get3A_2290 : vector<16xf32>
      %add3A_2292 = arith.addf %add3A_2291, %get3A_661 : vector<16xf32>
      %swap3A_2293 = arith.constant 4 : i32
      %swap3A_2294 = arith.index_cast %swap3A_2293 : i32 to index
      %swap3A_2295 = arith.constant 32 : index
      %swap3A_2296 = tpu.vector_load %arg15[%swap3A_2294, %swap3A_2295] {strides = array<i32>} : memref<16x64xf32, #tpu.memory_space<vmem>>, vector<1x16xf32>,
      %swap3A_2297 = vector.shape_cast %swap3A_2296 : vector<1x16xf32> to vector<16xf32>
      %swap3A_2298 = vector.shape_cast %add3A_2292 : vector<16xf32> to vector<1x16xf32>
      tpu.vector_store %arg15[%swap3A_2294, %swap3A_2295], %swap3A_2298 {strides = array<i32>} : memref<16x64xf32, #tpu.memory_space<vmem>>, vector<1x16xf32>,
      %get3A_2299 = arith.constant 4 : i32
      %get3A_2300 = arith.index_cast %rem3A_1347 : i32 to index
      %get3A_2301 = arith.index_cast %get3A_2299 : i32 to index
      %get3A_2302 = arith.index_cast %and3A_2228 : i32 to index
      %get3A_2303 = arith.constant 48 : index
      %get3A_2304 = tpu.vector_load %arg13[%get3A_2300, %get3A_2301, %get3A_2302, %get3A_2303] {strides = array<i32>} : memref<2x16x8x64xf32, #tpu.memory_space<vmem>>, vector<1x1x1x16xf32>,
      %get3A_2305 = vector.shape_cast %get3A_2304 : vector<1x1x1x16xf32> to vector<16xf32>
      %get3A_2306 = arith.constant 4 : i32
      %get3A_2307 = arith.index_cast %rem3A_1347 : i32 to index
      %get3A_2308 = arith.index_cast %get3A_2306 : i32 to index
      %get3A_2309 = arith.index_cast %and3A_2232 : i32 to index
      %get3A_2310 = arith.constant 48 : index
      %get3A_2311 = tpu.vector_load %arg14[%get3A_2307, %get3A_2308, %get3A_2309, %get3A_2310] {strides = array<i32>} : memref<2x16x8x64xf32, #tpu.memory_space<vmem>>, vector<1x1x1x16xf32>,
      %get3A_2312 = vector.shape_cast %get3A_2311 : vector<1x1x1x16xf32> to vector<16xf32>
      %add3A_2313 = arith.addf %get3A_2305, %get3A_2312 : vector<16xf32>
      %add3A_2314 = arith.addf %add3A_2313, %get3A_664 : vector<16xf32>
      %swap3A_2315 = arith.constant 4 : i32
      %swap3A_2316 = arith.index_cast %swap3A_2315 : i32 to index
      %swap3A_2317 = arith.constant 48 : index
      %swap3A_2318 = tpu.vector_load %arg15[%swap3A_2316, %swap3A_2317] {strides = array<i32>} : memref<16x64xf32, #tpu.memory_space<vmem>>, vector<1x16xf32>,
      %swap3A_2319 = vector.shape_cast %swap3A_2318 : vector<1x16xf32> to vector<16xf32>
      %swap3A_2320 = vector.shape_cast %add3A_2314 : vector<16xf32> to vector<1x16xf32>
      tpu.vector_store %arg15[%swap3A_2316, %swap3A_2317], %swap3A_2320 {strides = array<i32>} : memref<16x64xf32, #tpu.memory_space<vmem>>, vector<1x16xf32>,
      %slice3A_2321 = vector.extract_strided_slice %get3A_1836 {offsets = [5], sizes = [1], strides = [1]} : vector<16xi32> to vector<1xi32>
      %squeeze3A_2322 = vector.extract %slice3A_2321[0] : i32 from vector<1xi32>
      %and3A_2323 = arith.constant 7 : i32
      %and3A_2324 = arith.andi %squeeze3A_2322, %and3A_2323 : i32
      %slice3A_2325 = vector.extract_strided_slice %get3A_1841 {offsets = [5], sizes = [1], strides = [1]} : vector<16xi32> to vector<1xi32>
      %squeeze3A_2326 = vector.extract %slice3A_2325[0] : i32 from vector<1xi32>
      %and3A_2327 = arith.constant 7 : i32
      %and3A_2328 = arith.andi %squeeze3A_2326, %and3A_2327 : i32
      %get3A_2329 = arith.constant 5 : i32
      %get3A_2330 = arith.index_cast %rem3A_1347 : i32 to index
      %get3A_2331 = arith.index_cast %get3A_2329 : i32 to index
      %get3A_2332 = arith.index_cast %and3A_2324 : i32 to index
      %get3A_2333 = arith.constant 0 : index
      %get3A_2334 = tpu.vector_load %arg13[%get3A_2330, %get3A_2331, %get3A_2332, %get3A_2333] {strides = array<i32>} : memref<2x16x8x64xf32, #tpu.memory_space<vmem>>, vector<1x1x1x16xf32>,
      %get3A_2335 = vector.shape_cast %get3A_2334 : vector<1x1x1x16xf32> to vector<16xf32>
      %get3A_2336 = arith.constant 5 : i32
      %get3A_2337 = arith.index_cast %rem3A_1347 : i32 to index
      %get3A_2338 = arith.index_cast %get3A_2336 : i32 to index
      %get3A_2339 = arith.index_cast %and3A_2328 : i32 to index
      %get3A_2340 = arith.constant 0 : index
      %get3A_2341 = tpu.vector_load %arg14[%get3A_2337, %get3A_2338, %get3A_2339, %get3A_2340] {strides = array<i32>} : memref<2x16x8x64xf32, #tpu.memory_space<vmem>>, vector<1x1x1x16xf32>,
      %get3A_2342 = vector.shape_cast %get3A_2341 : vector<1x1x1x16xf32> to vector<16xf32>
      %add3A_2343 = arith.addf %get3A_2335, %get3A_2342 : vector<16xf32>
      %add3A_2344 = arith.addf %add3A_2343, %get3A_655 : vector<16xf32>
      %swap3A_2345 = arith.constant 5 : i32
      %swap3A_2346 = arith.index_cast %swap3A_2345 : i32 to index
      %swap3A_2347 = arith.constant 0 : index
      %swap3A_2348 = tpu.vector_load %arg15[%swap3A_2346, %swap3A_2347] {strides = array<i32>} : memref<16x64xf32, #tpu.memory_space<vmem>>, vector<1x16xf32>,
      %swap3A_2349 = vector.shape_cast %swap3A_2348 : vector<1x16xf32> to vector<16xf32>
      %swap3A_2350 = vector.shape_cast %add3A_2344 : vector<16xf32> to vector<1x16xf32>
      tpu.vector_store %arg15[%swap3A_2346, %swap3A_2347], %swap3A_2350 {strides = array<i32>} : memref<16x64xf32, #tpu.memory_space<vmem>>, vector<1x16xf32>,
      %get3A_2351 = arith.constant 5 : i32
      %get3A_2352 = arith.index_cast %rem3A_1347 : i32 to index
      %get3A_2353 = arith.index_cast %get3A_2351 : i32 to index
      %get3A_2354 = arith.index_cast %and3A_2324 : i32 to index
      %get3A_2355 = arith.constant 16 : index
      %get3A_2356 = tpu.vector_load %arg13[%get3A_2352, %get3A_2353, %get3A_2354, %get3A_2355] {strides = array<i32>} : memref<2x16x8x64xf32, #tpu.memory_space<vmem>>, vector<1x1x1x16xf32>,
      %get3A_2357 = vector.shape_cast %get3A_2356 : vector<1x1x1x16xf32> to vector<16xf32>
      %get3A_2358 = arith.constant 5 : i32
      %get3A_2359 = arith.index_cast %rem3A_1347 : i32 to index
      %get3A_2360 = arith.index_cast %get3A_2358 : i32 to index
      %get3A_2361 = arith.index_cast %and3A_2328 : i32 to index
      %get3A_2362 = arith.constant 16 : index
      %get3A_2363 = tpu.vector_load %arg14[%get3A_2359, %get3A_2360, %get3A_2361, %get3A_2362] {strides = array<i32>} : memref<2x16x8x64xf32, #tpu.memory_space<vmem>>, vector<1x1x1x16xf32>,
      %get3A_2364 = vector.shape_cast %get3A_2363 : vector<1x1x1x16xf32> to vector<16xf32>
      %add3A_2365 = arith.addf %get3A_2357, %get3A_2364 : vector<16xf32>
      %add3A_2366 = arith.addf %add3A_2365, %get3A_658 : vector<16xf32>
      %swap3A_2367 = arith.constant 5 : i32
      %swap3A_2368 = arith.index_cast %swap3A_2367 : i32 to index
      %swap3A_2369 = arith.constant 16 : index
      %swap3A_2370 = tpu.vector_load %arg15[%swap3A_2368, %swap3A_2369] {strides = array<i32>} : memref<16x64xf32, #tpu.memory_space<vmem>>, vector<1x16xf32>,
      %swap3A_2371 = vector.shape_cast %swap3A_2370 : vector<1x16xf32> to vector<16xf32>
      %swap3A_2372 = vector.shape_cast %add3A_2366 : vector<16xf32> to vector<1x16xf32>
      tpu.vector_store %arg15[%swap3A_2368, %swap3A_2369], %swap3A_2372 {strides = array<i32>} : memref<16x64xf32, #tpu.memory_space<vmem>>, vector<1x16xf32>,
      %get3A_2373 = arith.constant 5 : i32
      %get3A_2374 = arith.index_cast %rem3A_1347 : i32 to index
      %get3A_2375 = arith.index_cast %get3A_2373 : i32 to index
      %get3A_2376 = arith.index_cast %and3A_2324 : i32 to index
      %get3A_2377 = arith.constant 32 : index
      %get3A_2378 = tpu.vector_load %arg13[%get3A_2374, %get3A_2375, %get3A_2376, %get3A_2377] {strides = array<i32>} : memref<2x16x8x64xf32, #tpu.memory_space<vmem>>, vector<1x1x1x16xf32>,
      %get3A_2379 = vector.shape_cast %get3A_2378 : vector<1x1x1x16xf32> to vector<16xf32>
      %get3A_2380 = arith.constant 5 : i32
      %get3A_2381 = arith.index_cast %rem3A_1347 : i32 to index
      %get3A_2382 = arith.index_cast %get3A_2380 : i32 to index
      %get3A_2383 = arith.index_cast %and3A_2328 : i32 to index
      %get3A_2384 = arith.constant 32 : index
      %get3A_2385 = tpu.vector_load %arg14[%get3A_2381, %get3A_2382, %get3A_2383, %get3A_2384] {strides = array<i32>} : memref<2x16x8x64xf32, #tpu.memory_space<vmem>>, vector<1x1x1x16xf32>,
      %get3A_2386 = vector.shape_cast %get3A_2385 : vector<1x1x1x16xf32> to vector<16xf32>
      %add3A_2387 = arith.addf %get3A_2379, %get3A_2386 : vector<16xf32>
      %add3A_2388 = arith.addf %add3A_2387, %get3A_661 : vector<16xf32>
      %swap3A_2389 = arith.constant 5 : i32
      %swap3A_2390 = arith.index_cast %swap3A_2389 : i32 to index
      %swap3A_2391 = arith.constant 32 : index
      %swap3A_2392 = tpu.vector_load %arg15[%swap3A_2390, %swap3A_2391] {strides = array<i32>} : memref<16x64xf32, #tpu.memory_space<vmem>>, vector<1x16xf32>,
      %swap3A_2393 = vector.shape_cast %swap3A_2392 : vector<1x16xf32> to vector<16xf32>
      %swap3A_2394 = vector.shape_cast %add3A_2388 : vector<16xf32> to vector<1x16xf32>
      tpu.vector_store %arg15[%swap3A_2390, %swap3A_2391], %swap3A_2394 {strides = array<i32>} : memref<16x64xf32, #tpu.memory_space<vmem>>, vector<1x16xf32>,
      %get3A_2395 = arith.constant 5 : i32
      %get3A_2396 = arith.index_cast %rem3A_1347 : i32 to index
      %get3A_2397 = arith.index_cast %get3A_2395 : i32 to index
      %get3A_2398 = arith.index_cast %and3A_2324 : i32 to index
      %get3A_2399 = arith.constant 48 : index
      %get3A_2400 = tpu.vector_load %arg13[%get3A_2396, %get3A_2397, %get3A_2398, %get3A_2399] {strides = array<i32>} : memref<2x16x8x64xf32, #tpu.memory_space<vmem>>, vector<1x1x1x16xf32>,
      %get3A_2401 = vector.shape_cast %get3A_2400 : vector<1x1x1x16xf32> to vector<16xf32>
      %get3A_2402 = arith.constant 5 : i32
      %get3A_2403 = arith.index_cast %rem3A_1347 : i32 to index
      %get3A_2404 = arith.index_cast %get3A_2402 : i32 to index
      %get3A_2405 = arith.index_cast %and3A_2328 : i32 to index
      %get3A_2406 = arith.constant 48 : index
      %get3A_2407 = tpu.vector_load %arg14[%get3A_2403, %get3A_2404, %get3A_2405, %get3A_2406] {strides = array<i32>} : memref<2x16x8x64xf32, #tpu.memory_space<vmem>>, vector<1x1x1x16xf32>,
      %get3A_2408 = vector.shape_cast %get3A_2407 : vector<1x1x1x16xf32> to vector<16xf32>
      %add3A_2409 = arith.addf %get3A_2401, %get3A_2408 : vector<16xf32>
      %add3A_2410 = arith.addf %add3A_2409, %get3A_664 : vector<16xf32>
      %swap3A_2411 = arith.constant 5 : i32
      %swap3A_2412 = arith.index_cast %swap3A_2411 : i32 to index
      %swap3A_2413 = arith.constant 48 : index
      %swap3A_2414 = tpu.vector_load %arg15[%swap3A_2412, %swap3A_2413] {strides = array<i32>} : memref<16x64xf32, #tpu.memory_space<vmem>>, vector<1x16xf32>,
      %swap3A_2415 = vector.shape_cast %swap3A_2414 : vector<1x16xf32> to vector<16xf32>
      %swap3A_2416 = vector.shape_cast %add3A_2410 : vector<16xf32> to vector<1x16xf32>
      tpu.vector_store %arg15[%swap3A_2412, %swap3A_2413], %swap3A_2416 {strides = array<i32>} : memref<16x64xf32, #tpu.memory_space<vmem>>, vector<1x16xf32>,
      %slice3A_2417 = vector.extract_strided_slice %get3A_1836 {offsets = [6], sizes = [1], strides = [1]} : vector<16xi32> to vector<1xi32>
      %squeeze3A_2418 = vector.extract %slice3A_2417[0] : i32 from vector<1xi32>
      %and3A_2419 = arith.constant 7 : i32
      %and3A_2420 = arith.andi %squeeze3A_2418, %and3A_2419 : i32
      %slice3A_2421 = vector.extract_strided_slice %get3A_1841 {offsets = [6], sizes = [1], strides = [1]} : vector<16xi32> to vector<1xi32>
      %squeeze3A_2422 = vector.extract %slice3A_2421[0] : i32 from vector<1xi32>
      %and3A_2423 = arith.constant 7 : i32
      %and3A_2424 = arith.andi %squeeze3A_2422, %and3A_2423 : i32
      %get3A_2425 = arith.constant 6 : i32
      %get3A_2426 = arith.index_cast %rem3A_1347 : i32 to index
      %get3A_2427 = arith.index_cast %get3A_2425 : i32 to index
      %get3A_2428 = arith.index_cast %and3A_2420 : i32 to index
      %get3A_2429 = arith.constant 0 : index
      %get3A_2430 = tpu.vector_load %arg13[%get3A_2426, %get3A_2427, %get3A_2428, %get3A_2429] {strides = array<i32>} : memref<2x16x8x64xf32, #tpu.memory_space<vmem>>, vector<1x1x1x16xf32>,
      %get3A_2431 = vector.shape_cast %get3A_2430 : vector<1x1x1x16xf32> to vector<16xf32>
      %get3A_2432 = arith.constant 6 : i32
      %get3A_2433 = arith.index_cast %rem3A_1347 : i32 to index
      %get3A_2434 = arith.index_cast %get3A_2432 : i32 to index
      %get3A_2435 = arith.index_cast %and3A_2424 : i32 to index
      %get3A_2436 = arith.constant 0 : index
      %get3A_2437 = tpu.vector_load %arg14[%get3A_2433, %get3A_2434, %get3A_2435, %get3A_2436] {strides = array<i32>} : memref<2x16x8x64xf32, #tpu.memory_space<vmem>>, vector<1x1x1x16xf32>,
      %get3A_2438 = vector.shape_cast %get3A_2437 : vector<1x1x1x16xf32> to vector<16xf32>
      %add3A_2439 = arith.addf %get3A_2431, %get3A_2438 : vector<16xf32>
      %add3A_2440 = arith.addf %add3A_2439, %get3A_655 : vector<16xf32>
      %swap3A_2441 = arith.constant 6 : i32
      %swap3A_2442 = arith.index_cast %swap3A_2441 : i32 to index
      %swap3A_2443 = arith.constant 0 : index
      %swap3A_2444 = tpu.vector_load %arg15[%swap3A_2442, %swap3A_2443] {strides = array<i32>} : memref<16x64xf32, #tpu.memory_space<vmem>>, vector<1x16xf32>,
      %swap3A_2445 = vector.shape_cast %swap3A_2444 : vector<1x16xf32> to vector<16xf32>
      %swap3A_2446 = vector.shape_cast %add3A_2440 : vector<16xf32> to vector<1x16xf32>
      tpu.vector_store %arg15[%swap3A_2442, %swap3A_2443], %swap3A_2446 {strides = array<i32>} : memref<16x64xf32, #tpu.memory_space<vmem>>, vector<1x16xf32>,
      %get3A_2447 = arith.constant 6 : i32
      %get3A_2448 = arith.index_cast %rem3A_1347 : i32 to index
      %get3A_2449 = arith.index_cast %get3A_2447 : i32 to index
      %get3A_2450 = arith.index_cast %and3A_2420 : i32 to index
      %get3A_2451 = arith.constant 16 : index
      %get3A_2452 = tpu.vector_load %arg13[%get3A_2448, %get3A_2449, %get3A_2450, %get3A_2451] {strides = array<i32>} : memref<2x16x8x64xf32, #tpu.memory_space<vmem>>, vector<1x1x1x16xf32>,
      %get3A_2453 = vector.shape_cast %get3A_2452 : vector<1x1x1x16xf32> to vector<16xf32>
      %get3A_2454 = arith.constant 6 : i32
      %get3A_2455 = arith.index_cast %rem3A_1347 : i32 to index
      %get3A_2456 = arith.index_cast %get3A_2454 : i32 to index
      %get3A_2457 = arith.index_cast %and3A_2424 : i32 to index
      %get3A_2458 = arith.constant 16 : index
      %get3A_2459 = tpu.vector_load %arg14[%get3A_2455, %get3A_2456, %get3A_2457, %get3A_2458] {strides = array<i32>} : memref<2x16x8x64xf32, #tpu.memory_space<vmem>>, vector<1x1x1x16xf32>,
      %get3A_2460 = vector.shape_cast %get3A_2459 : vector<1x1x1x16xf32> to vector<16xf32>
      %add3A_2461 = arith.addf %get3A_2453, %get3A_2460 : vector<16xf32>
      %add3A_2462 = arith.addf %add3A_2461, %get3A_658 : vector<16xf32>
      %swap3A_2463 = arith.constant 6 : i32
      %swap3A_2464 = arith.index_cast %swap3A_2463 : i32 to index
      %swap3A_2465 = arith.constant 16 : index
      %swap3A_2466 = tpu.vector_load %arg15[%swap3A_2464, %swap3A_2465] {strides = array<i32>} : memref<16x64xf32, #tpu.memory_space<vmem>>, vector<1x16xf32>,
      %swap3A_2467 = vector.shape_cast %swap3A_2466 : vector<1x16xf32> to vector<16xf32>
      %swap3A_2468 = vector.shape_cast %add3A_2462 : vector<16xf32> to vector<1x16xf32>
      tpu.vector_store %arg15[%swap3A_2464, %swap3A_2465], %swap3A_2468 {strides = array<i32>} : memref<16x64xf32, #tpu.memory_space<vmem>>, vector<1x16xf32>,
      %get3A_2469 = arith.constant 6 : i32
      %get3A_2470 = arith.index_cast %rem3A_1347 : i32 to index
      %get3A_2471 = arith.index_cast %get3A_2469 : i32 to index
      %get3A_2472 = arith.index_cast %and3A_2420 : i32 to index
      %get3A_2473 = arith.constant 32 : index
      %get3A_2474 = tpu.vector_load %arg13[%get3A_2470, %get3A_2471, %get3A_2472, %get3A_2473] {strides = array<i32>} : memref<2x16x8x64xf32, #tpu.memory_space<vmem>>, vector<1x1x1x16xf32>,
      %get3A_2475 = vector.shape_cast %get3A_2474 : vector<1x1x1x16xf32> to vector<16xf32>
      %get3A_2476 = arith.constant 6 : i32
      %get3A_2477 = arith.index_cast %rem3A_1347 : i32 to index
      %get3A_2478 = arith.index_cast %get3A_2476 : i32 to index
      %get3A_2479 = arith.index_cast %and3A_2424 : i32 to index
      %get3A_2480 = arith.constant 32 : index
      %get3A_2481 = tpu.vector_load %arg14[%get3A_2477, %get3A_2478, %get3A_2479, %get3A_2480] {strides = array<i32>} : memref<2x16x8x64xf32, #tpu.memory_space<vmem>>, vector<1x1x1x16xf32>,
      %get3A_2482 = vector.shape_cast %get3A_2481 : vector<1x1x1x16xf32> to vector<16xf32>
      %add3A_2483 = arith.addf %get3A_2475, %get3A_2482 : vector<16xf32>
      %add3A_2484 = arith.addf %add3A_2483, %get3A_661 : vector<16xf32>
      %swap3A_2485 = arith.constant 6 : i32
      %swap3A_2486 = arith.index_cast %swap3A_2485 : i32 to index
      %swap3A_2487 = arith.constant 32 : index
      %swap3A_2488 = tpu.vector_load %arg15[%swap3A_2486, %swap3A_2487] {strides = array<i32>} : memref<16x64xf32, #tpu.memory_space<vmem>>, vector<1x16xf32>,
      %swap3A_2489 = vector.shape_cast %swap3A_2488 : vector<1x16xf32> to vector<16xf32>
      %swap3A_2490 = vector.shape_cast %add3A_2484 : vector<16xf32> to vector<1x16xf32>
      tpu.vector_store %arg15[%swap3A_2486, %swap3A_2487], %swap3A_2490 {strides = array<i32>} : memref<16x64xf32, #tpu.memory_space<vmem>>, vector<1x16xf32>,
      %get3A_2491 = arith.constant 6 : i32
      %get3A_2492 = arith.index_cast %rem3A_1347 : i32 to index
      %get3A_2493 = arith.index_cast %get3A_2491 : i32 to index
      %get3A_2494 = arith.index_cast %and3A_2420 : i32 to index
      %get3A_2495 = arith.constant 48 : index
      %get3A_2496 = tpu.vector_load %arg13[%get3A_2492, %get3A_2493, %get3A_2494, %get3A_2495] {strides = array<i32>} : memref<2x16x8x64xf32, #tpu.memory_space<vmem>>, vector<1x1x1x16xf32>,
      %get3A_2497 = vector.shape_cast %get3A_2496 : vector<1x1x1x16xf32> to vector<16xf32>
      %get3A_2498 = arith.constant 6 : i32
      %get3A_2499 = arith.index_cast %rem3A_1347 : i32 to index
      %get3A_2500 = arith.index_cast %get3A_2498 : i32 to index
      %get3A_2501 = arith.index_cast %and3A_2424 : i32 to index
      %get3A_2502 = arith.constant 48 : index
      %get3A_2503 = tpu.vector_load %arg14[%get3A_2499, %get3A_2500, %get3A_2501, %get3A_2502] {strides = array<i32>} : memref<2x16x8x64xf32, #tpu.memory_space<vmem>>, vector<1x1x1x16xf32>,
      %get3A_2504 = vector.shape_cast %get3A_2503 : vector<1x1x1x16xf32> to vector<16xf32>
      %add3A_2505 = arith.addf %get3A_2497, %get3A_2504 : vector<16xf32>
      %add3A_2506 = arith.addf %add3A_2505, %get3A_664 : vector<16xf32>
      %swap3A_2507 = arith.constant 6 : i32
      %swap3A_2508 = arith.index_cast %swap3A_2507 : i32 to index
      %swap3A_2509 = arith.constant 48 : index
      %swap3A_2510 = tpu.vector_load %arg15[%swap3A_2508, %swap3A_2509] {strides = array<i32>} : memref<16x64xf32, #tpu.memory_space<vmem>>, vector<1x16xf32>,
      %swap3A_2511 = vector.shape_cast %swap3A_2510 : vector<1x16xf32> to vector<16xf32>
      %swap3A_2512 = vector.shape_cast %add3A_2506 : vector<16xf32> to vector<1x16xf32>
      tpu.vector_store %arg15[%swap3A_2508, %swap3A_2509], %swap3A_2512 {strides = array<i32>} : memref<16x64xf32, #tpu.memory_space<vmem>>, vector<1x16xf32>,
      %slice3A_2513 = vector.extract_strided_slice %get3A_1836 {offsets = [7], sizes = [1], strides = [1]} : vector<16xi32> to vector<1xi32>
      %squeeze3A_2514 = vector.extract %slice3A_2513[0] : i32 from vector<1xi32>
      %and3A_2515 = arith.constant 7 : i32
      %and3A_2516 = arith.andi %squeeze3A_2514, %and3A_2515 : i32
      %slice3A_2517 = vector.extract_strided_slice %get3A_1841 {offsets = [7], sizes = [1], strides = [1]} : vector<16xi32> to vector<1xi32>
      %squeeze3A_2518 = vector.extract %slice3A_2517[0] : i32 from vector<1xi32>
      %and3A_2519 = arith.constant 7 : i32
      %and3A_2520 = arith.andi %squeeze3A_2518, %and3A_2519 : i32
      %get3A_2521 = arith.constant 7 : i32
      %get3A_2522 = arith.index_cast %rem3A_1347 : i32 to index
      %get3A_2523 = arith.index_cast %get3A_2521 : i32 to index
      %get3A_2524 = arith.index_cast %and3A_2516 : i32 to index
      %get3A_2525 = arith.constant 0 : index
      %get3A_2526 = tpu.vector_load %arg13[%get3A_2522, %get3A_2523, %get3A_2524, %get3A_2525] {strides = array<i32>} : memref<2x16x8x64xf32, #tpu.memory_space<vmem>>, vector<1x1x1x16xf32>,
      %get3A_2527 = vector.shape_cast %get3A_2526 : vector<1x1x1x16xf32> to vector<16xf32>
      %get3A_2528 = arith.constant 7 : i32
      %get3A_2529 = arith.index_cast %rem3A_1347 : i32 to index
      %get3A_2530 = arith.index_cast %get3A_2528 : i32 to index
      %get3A_2531 = arith.index_cast %and3A_2520 : i32 to index
      %get3A_2532 = arith.constant 0 : index
      %get3A_2533 = tpu.vector_load %arg14[%get3A_2529, %get3A_2530, %get3A_2531, %get3A_2532] {strides = array<i32>} : memref<2x16x8x64xf32, #tpu.memory_space<vmem>>, vector<1x1x1x16xf32>,
      %get3A_2534 = vector.shape_cast %get3A_2533 : vector<1x1x1x16xf32> to vector<16xf32>
      %add3A_2535 = arith.addf %get3A_2527, %get3A_2534 : vector<16xf32>
      %add3A_2536 = arith.addf %add3A_2535, %get3A_655 : vector<16xf32>
      %swap3A_2537 = arith.constant 7 : i32
      %swap3A_2538 = arith.index_cast %swap3A_2537 : i32 to index
      %swap3A_2539 = arith.constant 0 : index
      %swap3A_2540 = tpu.vector_load %arg15[%swap3A_2538, %swap3A_2539] {strides = array<i32>} : memref<16x64xf32, #tpu.memory_space<vmem>>, vector<1x16xf32>,
      %swap3A_2541 = vector.shape_cast %swap3A_2540 : vector<1x16xf32> to vector<16xf32>
      %swap3A_2542 = vector.shape_cast %add3A_2536 : vector<16xf32> to vector<1x16xf32>
      tpu.vector_store %arg15[%swap3A_2538, %swap3A_2539], %swap3A_2542 {strides = array<i32>} : memref<16x64xf32, #tpu.memory_space<vmem>>, vector<1x16xf32>,
      %get3A_2543 = arith.constant 7 : i32
      %get3A_2544 = arith.index_cast %rem3A_1347 : i32 to index
      %get3A_2545 = arith.index_cast %get3A_2543 : i32 to index
      %get3A_2546 = arith.index_cast %and3A_2516 : i32 to index
      %get3A_2547 = arith.constant 16 : index
      %get3A_2548 = tpu.vector_load %arg13[%get3A_2544, %get3A_2545, %get3A_2546, %get3A_2547] {strides = array<i32>} : memref<2x16x8x64xf32, #tpu.memory_space<vmem>>, vector<1x1x1x16xf32>,
      %get3A_2549 = vector.shape_cast %get3A_2548 : vector<1x1x1x16xf32> to vector<16xf32>
      %get3A_2550 = arith.constant 7 : i32
      %get3A_2551 = arith.index_cast %rem3A_1347 : i32 to index
      %get3A_2552 = arith.index_cast %get3A_2550 : i32 to index
      %get3A_2553 = arith.index_cast %and3A_2520 : i32 to index
      %get3A_2554 = arith.constant 16 : index
      %get3A_2555 = tpu.vector_load %arg14[%get3A_2551, %get3A_2552, %get3A_2553, %get3A_2554] {strides = array<i32>} : memref<2x16x8x64xf32, #tpu.memory_space<vmem>>, vector<1x1x1x16xf32>,
      %get3A_2556 = vector.shape_cast %get3A_2555 : vector<1x1x1x16xf32> to vector<16xf32>
      %add3A_2557 = arith.addf %get3A_2549, %get3A_2556 : vector<16xf32>
      %add3A_2558 = arith.addf %add3A_2557, %get3A_658 : vector<16xf32>
      %swap3A_2559 = arith.constant 7 : i32
      %swap3A_2560 = arith.index_cast %swap3A_2559 : i32 to index
      %swap3A_2561 = arith.constant 16 : index
      %swap3A_2562 = tpu.vector_load %arg15[%swap3A_2560, %swap3A_2561] {strides = array<i32>} : memref<16x64xf32, #tpu.memory_space<vmem>>, vector<1x16xf32>,
      %swap3A_2563 = vector.shape_cast %swap3A_2562 : vector<1x16xf32> to vector<16xf32>
      %swap3A_2564 = vector.shape_cast %add3A_2558 : vector<16xf32> to vector<1x16xf32>
      tpu.vector_store %arg15[%swap3A_2560, %swap3A_2561], %swap3A_2564 {strides = array<i32>} : memref<16x64xf32, #tpu.memory_space<vmem>>, vector<1x16xf32>,
      %get3A_2565 = arith.constant 7 : i32
      %get3A_2566 = arith.index_cast %rem3A_1347 : i32 to index
      %get3A_2567 = arith.index_cast %get3A_2565 : i32 to index
      %get3A_2568 = arith.index_cast %and3A_2516 : i32 to index
      %get3A_2569 = arith.constant 32 : index
      %get3A_2570 = tpu.vector_load %arg13[%get3A_2566, %get3A_2567, %get3A_2568, %get3A_2569] {strides = array<i32>} : memref<2x16x8x64xf32, #tpu.memory_space<vmem>>, vector<1x1x1x16xf32>,
      %get3A_2571 = vector.shape_cast %get3A_2570 : vector<1x1x1x16xf32> to vector<16xf32>
      %get3A_2572 = arith.constant 7 : i32
      %get3A_2573 = arith.index_cast %rem3A_1347 : i32 to index
      %get3A_2574 = arith.index_cast %get3A_2572 : i32 to index
      %get3A_2575 = arith.index_cast %and3A_2520 : i32 to index
      %get3A_2576 = arith.constant 32 : index
      %get3A_2577 = tpu.vector_load %arg14[%get3A_2573, %get3A_2574, %get3A_2575, %get3A_2576] {strides = array<i32>} : memref<2x16x8x64xf32, #tpu.memory_space<vmem>>, vector<1x1x1x16xf32>,
      %get3A_2578 = vector.shape_cast %get3A_2577 : vector<1x1x1x16xf32> to vector<16xf32>
      %add3A_2579 = arith.addf %get3A_2571, %get3A_2578 : vector<16xf32>
      %add3A_2580 = arith.addf %add3A_2579, %get3A_661 : vector<16xf32>
      %swap3A_2581 = arith.constant 7 : i32
      %swap3A_2582 = arith.index_cast %swap3A_2581 : i32 to index
      %swap3A_2583 = arith.constant 32 : index
      %swap3A_2584 = tpu.vector_load %arg15[%swap3A_2582, %swap3A_2583] {strides = array<i32>} : memref<16x64xf32, #tpu.memory_space<vmem>>, vector<1x16xf32>,
      %swap3A_2585 = vector.shape_cast %swap3A_2584 : vector<1x16xf32> to vector<16xf32>
      %swap3A_2586 = vector.shape_cast %add3A_2580 : vector<16xf32> to vector<1x16xf32>
      tpu.vector_store %arg15[%swap3A_2582, %swap3A_2583], %swap3A_2586 {strides = array<i32>} : memref<16x64xf32, #tpu.memory_space<vmem>>, vector<1x16xf32>,
      %get3A_2587 = arith.constant 7 : i32
      %get3A_2588 = arith.index_cast %rem3A_1347 : i32 to index
      %get3A_2589 = arith.index_cast %get3A_2587 : i32 to index
      %get3A_2590 = arith.index_cast %and3A_2516 : i32 to index
      %get3A_2591 = arith.constant 48 : index
      %get3A_2592 = tpu.vector_load %arg13[%get3A_2588, %get3A_2589, %get3A_2590, %get3A_2591] {strides = array<i32>} : memref<2x16x8x64xf32, #tpu.memory_space<vmem>>, vector<1x1x1x16xf32>,
      %get3A_2593 = vector.shape_cast %get3A_2592 : vector<1x1x1x16xf32> to vector<16xf32>
      %get3A_2594 = arith.constant 7 : i32
      %get3A_2595 = arith.index_cast %rem3A_1347 : i32 to index
      %get3A_2596 = arith.index_cast %get3A_2594 : i32 to index
      %get3A_2597 = arith.index_cast %and3A_2520 : i32 to index
      %get3A_2598 = arith.constant 48 : index
      %get3A_2599 = tpu.vector_load %arg14[%get3A_2595, %get3A_2596, %get3A_2597, %get3A_2598] {strides = array<i32>} : memref<2x16x8x64xf32, #tpu.memory_space<vmem>>, vector<1x1x1x16xf32>,
      %get3A_2600 = vector.shape_cast %get3A_2599 : vector<1x1x1x16xf32> to vector<16xf32>
      %add3A_2601 = arith.addf %get3A_2593, %get3A_2600 : vector<16xf32>
      %add3A_2602 = arith.addf %add3A_2601, %get3A_664 : vector<16xf32>
      %swap3A_2603 = arith.constant 7 : i32
      %swap3A_2604 = arith.index_cast %swap3A_2603 : i32 to index
      %swap3A_2605 = arith.constant 48 : index
      %swap3A_2606 = tpu.vector_load %arg15[%swap3A_2604, %swap3A_2605] {strides = array<i32>} : memref<16x64xf32, #tpu.memory_space<vmem>>, vector<1x16xf32>,
      %swap3A_2607 = vector.shape_cast %swap3A_2606 : vector<1x16xf32> to vector<16xf32>
      %swap3A_2608 = vector.shape_cast %add3A_2602 : vector<16xf32> to vector<1x16xf32>
      tpu.vector_store %arg15[%swap3A_2604, %swap3A_2605], %swap3A_2608 {strides = array<i32>} : memref<16x64xf32, #tpu.memory_space<vmem>>, vector<1x16xf32>,
      %slice3A_2609 = vector.extract_strided_slice %get3A_1836 {offsets = [8], sizes = [1], strides = [1]} : vector<16xi32> to vector<1xi32>
      %squeeze3A_2610 = vector.extract %slice3A_2609[0] : i32 from vector<1xi32>
      %and3A_2611 = arith.constant 7 : i32
      %and3A_2612 = arith.andi %squeeze3A_2610, %and3A_2611 : i32
      %slice3A_2613 = vector.extract_strided_slice %get3A_1841 {offsets = [8], sizes = [1], strides = [1]} : vector<16xi32> to vector<1xi32>
      %squeeze3A_2614 = vector.extract %slice3A_2613[0] : i32 from vector<1xi32>
      %and3A_2615 = arith.constant 7 : i32
      %and3A_2616 = arith.andi %squeeze3A_2614, %and3A_2615 : i32
      %get3A_2617 = arith.constant 8 : i32
      %get3A_2618 = arith.index_cast %rem3A_1347 : i32 to index
      %get3A_2619 = arith.index_cast %get3A_2617 : i32 to index
      %get3A_2620 = arith.index_cast %and3A_2612 : i32 to index
      %get3A_2621 = arith.constant 0 : index
      %get3A_2622 = tpu.vector_load %arg13[%get3A_2618, %get3A_2619, %get3A_2620, %get3A_2621] {strides = array<i32>} : memref<2x16x8x64xf32, #tpu.memory_space<vmem>>, vector<1x1x1x16xf32>,
      %get3A_2623 = vector.shape_cast %get3A_2622 : vector<1x1x1x16xf32> to vector<16xf32>
      %get3A_2624 = arith.constant 8 : i32
      %get3A_2625 = arith.index_cast %rem3A_1347 : i32 to index
      %get3A_2626 = arith.index_cast %get3A_2624 : i32 to index
      %get3A_2627 = arith.index_cast %and3A_2616 : i32 to index
      %get3A_2628 = arith.constant 0 : index
      %get3A_2629 = tpu.vector_load %arg14[%get3A_2625, %get3A_2626, %get3A_2627, %get3A_2628] {strides = array<i32>} : memref<2x16x8x64xf32, #tpu.memory_space<vmem>>, vector<1x1x1x16xf32>,
      %get3A_2630 = vector.shape_cast %get3A_2629 : vector<1x1x1x16xf32> to vector<16xf32>
      %add3A_2631 = arith.addf %get3A_2623, %get3A_2630 : vector<16xf32>
      %add3A_2632 = arith.addf %add3A_2631, %get3A_655 : vector<16xf32>
      %swap3A_2633 = arith.constant 8 : i32
      %swap3A_2634 = arith.index_cast %swap3A_2633 : i32 to index
      %swap3A_2635 = arith.constant 0 : index
      %swap3A_2636 = tpu.vector_load %arg15[%swap3A_2634, %swap3A_2635] {strides = array<i32>} : memref<16x64xf32, #tpu.memory_space<vmem>>, vector<1x16xf32>,
      %swap3A_2637 = vector.shape_cast %swap3A_2636 : vector<1x16xf32> to vector<16xf32>
      %swap3A_2638 = vector.shape_cast %add3A_2632 : vector<16xf32> to vector<1x16xf32>
      tpu.vector_store %arg15[%swap3A_2634, %swap3A_2635], %swap3A_2638 {strides = array<i32>} : memref<16x64xf32, #tpu.memory_space<vmem>>, vector<1x16xf32>,
      %get3A_2639 = arith.constant 8 : i32
      %get3A_2640 = arith.index_cast %rem3A_1347 : i32 to index
      %get3A_2641 = arith.index_cast %get3A_2639 : i32 to index
      %get3A_2642 = arith.index_cast %and3A_2612 : i32 to index
      %get3A_2643 = arith.constant 16 : index
      %get3A_2644 = tpu.vector_load %arg13[%get3A_2640, %get3A_2641, %get3A_2642, %get3A_2643] {strides = array<i32>} : memref<2x16x8x64xf32, #tpu.memory_space<vmem>>, vector<1x1x1x16xf32>,
      %get3A_2645 = vector.shape_cast %get3A_2644 : vector<1x1x1x16xf32> to vector<16xf32>
      %get3A_2646 = arith.constant 8 : i32
      %get3A_2647 = arith.index_cast %rem3A_1347 : i32 to index
      %get3A_2648 = arith.index_cast %get3A_2646 : i32 to index
      %get3A_2649 = arith.index_cast %and3A_2616 : i32 to index
      %get3A_2650 = arith.constant 16 : index
      %get3A_2651 = tpu.vector_load %arg14[%get3A_2647, %get3A_2648, %get3A_2649, %get3A_2650] {strides = array<i32>} : memref<2x16x8x64xf32, #tpu.memory_space<vmem>>, vector<1x1x1x16xf32>,
      %get3A_2652 = vector.shape_cast %get3A_2651 : vector<1x1x1x16xf32> to vector<16xf32>
      %add3A_2653 = arith.addf %get3A_2645, %get3A_2652 : vector<16xf32>
      %add3A_2654 = arith.addf %add3A_2653, %get3A_658 : vector<16xf32>
      %swap3A_2655 = arith.constant 8 : i32
      %swap3A_2656 = arith.index_cast %swap3A_2655 : i32 to index
      %swap3A_2657 = arith.constant 16 : index
      %swap3A_2658 = tpu.vector_load %arg15[%swap3A_2656, %swap3A_2657] {strides = array<i32>} : memref<16x64xf32, #tpu.memory_space<vmem>>, vector<1x16xf32>,
      %swap3A_2659 = vector.shape_cast %swap3A_2658 : vector<1x16xf32> to vector<16xf32>
      %swap3A_2660 = vector.shape_cast %add3A_2654 : vector<16xf32> to vector<1x16xf32>
      tpu.vector_store %arg15[%swap3A_2656, %swap3A_2657], %swap3A_2660 {strides = array<i32>} : memref<16x64xf32, #tpu.memory_space<vmem>>, vector<1x16xf32>,
      %get3A_2661 = arith.constant 8 : i32
      %get3A_2662 = arith.index_cast %rem3A_1347 : i32 to index
      %get3A_2663 = arith.index_cast %get3A_2661 : i32 to index
      %get3A_2664 = arith.index_cast %and3A_2612 : i32 to index
      %get3A_2665 = arith.constant 32 : index
      %get3A_2666 = tpu.vector_load %arg13[%get3A_2662, %get3A_2663, %get3A_2664, %get3A_2665] {strides = array<i32>} : memref<2x16x8x64xf32, #tpu.memory_space<vmem>>, vector<1x1x1x16xf32>,
      %get3A_2667 = vector.shape_cast %get3A_2666 : vector<1x1x1x16xf32> to vector<16xf32>
      %get3A_2668 = arith.constant 8 : i32
      %get3A_2669 = arith.index_cast %rem3A_1347 : i32 to index
      %get3A_2670 = arith.index_cast %get3A_2668 : i32 to index
      %get3A_2671 = arith.index_cast %and3A_2616 : i32 to index
      %get3A_2672 = arith.constant 32 : index
      %get3A_2673 = tpu.vector_load %arg14[%get3A_2669, %get3A_2670, %get3A_2671, %get3A_2672] {strides = array<i32>} : memref<2x16x8x64xf32, #tpu.memory_space<vmem>>, vector<1x1x1x16xf32>,
      %get3A_2674 = vector.shape_cast %get3A_2673 : vector<1x1x1x16xf32> to vector<16xf32>
      %add3A_2675 = arith.addf %get3A_2667, %get3A_2674 : vector<16xf32>
      %add3A_2676 = arith.addf %add3A_2675, %get3A_661 : vector<16xf32>
      %swap3A_2677 = arith.constant 8 : i32
      %swap3A_2678 = arith.index_cast %swap3A_2677 : i32 to index
      %swap3A_2679 = arith.constant 32 : index
      %swap3A_2680 = tpu.vector_load %arg15[%swap3A_2678, %swap3A_2679] {strides = array<i32>} : memref<16x64xf32, #tpu.memory_space<vmem>>, vector<1x16xf32>,
      %swap3A_2681 = vector.shape_cast %swap3A_2680 : vector<1x16xf32> to vector<16xf32>
      %swap3A_2682 = vector.shape_cast %add3A_2676 : vector<16xf32> to vector<1x16xf32>
      tpu.vector_store %arg15[%swap3A_2678, %swap3A_2679], %swap3A_2682 {strides = array<i32>} : memref<16x64xf32, #tpu.memory_space<vmem>>, vector<1x16xf32>,
      %get3A_2683 = arith.constant 8 : i32
      %get3A_2684 = arith.index_cast %rem3A_1347 : i32 to index
      %get3A_2685 = arith.index_cast %get3A_2683 : i32 to index
      %get3A_2686 = arith.index_cast %and3A_2612 : i32 to index
      %get3A_2687 = arith.constant 48 : index
      %get3A_2688 = tpu.vector_load %arg13[%get3A_2684, %get3A_2685, %get3A_2686, %get3A_2687] {strides = array<i32>} : memref<2x16x8x64xf32, #tpu.memory_space<vmem>>, vector<1x1x1x16xf32>,
      %get3A_2689 = vector.shape_cast %get3A_2688 : vector<1x1x1x16xf32> to vector<16xf32>
      %get3A_2690 = arith.constant 8 : i32
      %get3A_2691 = arith.index_cast %rem3A_1347 : i32 to index
      %get3A_2692 = arith.index_cast %get3A_2690 : i32 to index
      %get3A_2693 = arith.index_cast %and3A_2616 : i32 to index
      %get3A_2694 = arith.constant 48 : index
      %get3A_2695 = tpu.vector_load %arg14[%get3A_2691, %get3A_2692, %get3A_2693, %get3A_2694] {strides = array<i32>} : memref<2x16x8x64xf32, #tpu.memory_space<vmem>>, vector<1x1x1x16xf32>,
      %get3A_2696 = vector.shape_cast %get3A_2695 : vector<1x1x1x16xf32> to vector<16xf32>
      %add3A_2697 = arith.addf %get3A_2689, %get3A_2696 : vector<16xf32>
      %add3A_2698 = arith.addf %add3A_2697, %get3A_664 : vector<16xf32>
      %swap3A_2699 = arith.constant 8 : i32
      %swap3A_2700 = arith.index_cast %swap3A_2699 : i32 to index
      %swap3A_2701 = arith.constant 48 : index
      %swap3A_2702 = tpu.vector_load %arg15[%swap3A_2700, %swap3A_2701] {strides = array<i32>} : memref<16x64xf32, #tpu.memory_space<vmem>>, vector<1x16xf32>,
      %swap3A_2703 = vector.shape_cast %swap3A_2702 : vector<1x16xf32> to vector<16xf32>
      %swap3A_2704 = vector.shape_cast %add3A_2698 : vector<16xf32> to vector<1x16xf32>
      tpu.vector_store %arg15[%swap3A_2700, %swap3A_2701], %swap3A_2704 {strides = array<i32>} : memref<16x64xf32, #tpu.memory_space<vmem>>, vector<1x16xf32>,
      %slice3A_2705 = vector.extract_strided_slice %get3A_1836 {offsets = [9], sizes = [1], strides = [1]} : vector<16xi32> to vector<1xi32>
      %squeeze3A_2706 = vector.extract %slice3A_2705[0] : i32 from vector<1xi32>
      %and3A_2707 = arith.constant 7 : i32
      %and3A_2708 = arith.andi %squeeze3A_2706, %and3A_2707 : i32
      %slice3A_2709 = vector.extract_strided_slice %get3A_1841 {offsets = [9], sizes = [1], strides = [1]} : vector<16xi32> to vector<1xi32>
      %squeeze3A_2710 = vector.extract %slice3A_2709[0] : i32 from vector<1xi32>
      %and3A_2711 = arith.constant 7 : i32
      %and3A_2712 = arith.andi %squeeze3A_2710, %and3A_2711 : i32
      %get3A_2713 = arith.constant 9 : i32
      %get3A_2714 = arith.index_cast %rem3A_1347 : i32 to index
      %get3A_2715 = arith.index_cast %get3A_2713 : i32 to index
      %get3A_2716 = arith.index_cast %and3A_2708 : i32 to index
      %get3A_2717 = arith.constant 0 : index
      %get3A_2718 = tpu.vector_load %arg13[%get3A_2714, %get3A_2715, %get3A_2716, %get3A_2717] {strides = array<i32>} : memref<2x16x8x64xf32, #tpu.memory_space<vmem>>, vector<1x1x1x16xf32>,
      %get3A_2719 = vector.shape_cast %get3A_2718 : vector<1x1x1x16xf32> to vector<16xf32>
      %get3A_2720 = arith.constant 9 : i32
      %get3A_2721 = arith.index_cast %rem3A_1347 : i32 to index
      %get3A_2722 = arith.index_cast %get3A_2720 : i32 to index
      %get3A_2723 = arith.index_cast %and3A_2712 : i32 to index
      %get3A_2724 = arith.constant 0 : index
      %get3A_2725 = tpu.vector_load %arg14[%get3A_2721, %get3A_2722, %get3A_2723, %get3A_2724] {strides = array<i32>} : memref<2x16x8x64xf32, #tpu.memory_space<vmem>>, vector<1x1x1x16xf32>,
      %get3A_2726 = vector.shape_cast %get3A_2725 : vector<1x1x1x16xf32> to vector<16xf32>
      %add3A_2727 = arith.addf %get3A_2719, %get3A_2726 : vector<16xf32>
      %add3A_2728 = arith.addf %add3A_2727, %get3A_655 : vector<16xf32>
      %swap3A_2729 = arith.constant 9 : i32
      %swap3A_2730 = arith.index_cast %swap3A_2729 : i32 to index
      %swap3A_2731 = arith.constant 0 : index
      %swap3A_2732 = tpu.vector_load %arg15[%swap3A_2730, %swap3A_2731] {strides = array<i32>} : memref<16x64xf32, #tpu.memory_space<vmem>>, vector<1x16xf32>,
      %swap3A_2733 = vector.shape_cast %swap3A_2732 : vector<1x16xf32> to vector<16xf32>
      %swap3A_2734 = vector.shape_cast %add3A_2728 : vector<16xf32> to vector<1x16xf32>
      tpu.vector_store %arg15[%swap3A_2730, %swap3A_2731], %swap3A_2734 {strides = array<i32>} : memref<16x64xf32, #tpu.memory_space<vmem>>, vector<1x16xf32>,
      %get3A_2735 = arith.constant 9 : i32
      %get3A_2736 = arith.index_cast %rem3A_1347 : i32 to index
      %get3A_2737 = arith.index_cast %get3A_2735 : i32 to index
      %get3A_2738 = arith.index_cast %and3A_2708 : i32 to index
      %get3A_2739 = arith.constant 16 : index
      %get3A_2740 = tpu.vector_load %arg13[%get3A_2736, %get3A_2737, %get3A_2738, %get3A_2739] {strides = array<i32>} : memref<2x16x8x64xf32, #tpu.memory_space<vmem>>, vector<1x1x1x16xf32>,
      %get3A_2741 = vector.shape_cast %get3A_2740 : vector<1x1x1x16xf32> to vector<16xf32>
      %get3A_2742 = arith.constant 9 : i32
      %get3A_2743 = arith.index_cast %rem3A_1347 : i32 to index
      %get3A_2744 = arith.index_cast %get3A_2742 : i32 to index
      %get3A_2745 = arith.index_cast %and3A_2712 : i32 to index
      %get3A_2746 = arith.constant 16 : index
      %get3A_2747 = tpu.vector_load %arg14[%get3A_2743, %get3A_2744, %get3A_2745, %get3A_2746] {strides = array<i32>} : memref<2x16x8x64xf32, #tpu.memory_space<vmem>>, vector<1x1x1x16xf32>,
      %get3A_2748 = vector.shape_cast %get3A_2747 : vector<1x1x1x16xf32> to vector<16xf32>
      %add3A_2749 = arith.addf %get3A_2741, %get3A_2748 : vector<16xf32>
      %add3A_2750 = arith.addf %add3A_2749, %get3A_658 : vector<16xf32>
      %swap3A_2751 = arith.constant 9 : i32
      %swap3A_2752 = arith.index_cast %swap3A_2751 : i32 to index
      %swap3A_2753 = arith.constant 16 : index
      %swap3A_2754 = tpu.vector_load %arg15[%swap3A_2752, %swap3A_2753] {strides = array<i32>} : memref<16x64xf32, #tpu.memory_space<vmem>>, vector<1x16xf32>,
      %swap3A_2755 = vector.shape_cast %swap3A_2754 : vector<1x16xf32> to vector<16xf32>
      %swap3A_2756 = vector.shape_cast %add3A_2750 : vector<16xf32> to vector<1x16xf32>
      tpu.vector_store %arg15[%swap3A_2752, %swap3A_2753], %swap3A_2756 {strides = array<i32>} : memref<16x64xf32, #tpu.memory_space<vmem>>, vector<1x16xf32>,
      %get3A_2757 = arith.constant 9 : i32
      %get3A_2758 = arith.index_cast %rem3A_1347 : i32 to index
      %get3A_2759 = arith.index_cast %get3A_2757 : i32 to index
      %get3A_2760 = arith.index_cast %and3A_2708 : i32 to index
      %get3A_2761 = arith.constant 32 : index
      %get3A_2762 = tpu.vector_load %arg13[%get3A_2758, %get3A_2759, %get3A_2760, %get3A_2761] {strides = array<i32>} : memref<2x16x8x64xf32, #tpu.memory_space<vmem>>, vector<1x1x1x16xf32>,
      %get3A_2763 = vector.shape_cast %get3A_2762 : vector<1x1x1x16xf32> to vector<16xf32>
      %get3A_2764 = arith.constant 9 : i32
      %get3A_2765 = arith.index_cast %rem3A_1347 : i32 to index
      %get3A_2766 = arith.index_cast %get3A_2764 : i32 to index
      %get3A_2767 = arith.index_cast %and3A_2712 : i32 to index
      %get3A_2768 = arith.constant 32 : index
      %get3A_2769 = tpu.vector_load %arg14[%get3A_2765, %get3A_2766, %get3A_2767, %get3A_2768] {strides = array<i32>} : memref<2x16x8x64xf32, #tpu.memory_space<vmem>>, vector<1x1x1x16xf32>,
      %get3A_2770 = vector.shape_cast %get3A_2769 : vector<1x1x1x16xf32> to vector<16xf32>
      %add3A_2771 = arith.addf %get3A_2763, %get3A_2770 : vector<16xf32>
      %add3A_2772 = arith.addf %add3A_2771, %get3A_661 : vector<16xf32>
      %swap3A_2773 = arith.constant 9 : i32
      %swap3A_2774 = arith.index_cast %swap3A_2773 : i32 to index
      %swap3A_2775 = arith.constant 32 : index
      %swap3A_2776 = tpu.vector_load %arg15[%swap3A_2774, %swap3A_2775] {strides = array<i32>} : memref<16x64xf32, #tpu.memory_space<vmem>>, vector<1x16xf32>,
      %swap3A_2777 = vector.shape_cast %swap3A_2776 : vector<1x16xf32> to vector<16xf32>
      %swap3A_2778 = vector.shape_cast %add3A_2772 : vector<16xf32> to vector<1x16xf32>
      tpu.vector_store %arg15[%swap3A_2774, %swap3A_2775], %swap3A_2778 {strides = array<i32>} : memref<16x64xf32, #tpu.memory_space<vmem>>, vector<1x16xf32>,
      %get3A_2779 = arith.constant 9 : i32
      %get3A_2780 = arith.index_cast %rem3A_1347 : i32 to index
      %get3A_2781 = arith.index_cast %get3A_2779 : i32 to index
      %get3A_2782 = arith.index_cast %and3A_2708 : i32 to index
      %get3A_2783 = arith.constant 48 : index
      %get3A_2784 = tpu.vector_load %arg13[%get3A_2780, %get3A_2781, %get3A_2782, %get3A_2783] {strides = array<i32>} : memref<2x16x8x64xf32, #tpu.memory_space<vmem>>, vector<1x1x1x16xf32>,
      %get3A_2785 = vector.shape_cast %get3A_2784 : vector<1x1x1x16xf32> to vector<16xf32>
      %get3A_2786 = arith.constant 9 : i32
      %get3A_2787 = arith.index_cast %rem3A_1347 : i32 to index
      %get3A_2788 = arith.index_cast %get3A_2786 : i32 to index
      %get3A_2789 = arith.index_cast %and3A_2712 : i32 to index
      %get3A_2790 = arith.constant 48 : index
      %get3A_2791 = tpu.vector_load %arg14[%get3A_2787, %get3A_2788, %get3A_2789, %get3A_2790] {strides = array<i32>} : memref<2x16x8x64xf32, #tpu.memory_space<vmem>>, vector<1x1x1x16xf32>,
      %get3A_2792 = vector.shape_cast %get3A_2791 : vector<1x1x1x16xf32> to vector<16xf32>
      %add3A_2793 = arith.addf %get3A_2785, %get3A_2792 : vector<16xf32>
      %add3A_2794 = arith.addf %add3A_2793, %get3A_664 : vector<16xf32>
      %swap3A_2795 = arith.constant 9 : i32
      %swap3A_2796 = arith.index_cast %swap3A_2795 : i32 to index
      %swap3A_2797 = arith.constant 48 : index
      %swap3A_2798 = tpu.vector_load %arg15[%swap3A_2796, %swap3A_2797] {strides = array<i32>} : memref<16x64xf32, #tpu.memory_space<vmem>>, vector<1x16xf32>,
      %swap3A_2799 = vector.shape_cast %swap3A_2798 : vector<1x16xf32> to vector<16xf32>
      %swap3A_2800 = vector.shape_cast %add3A_2794 : vector<16xf32> to vector<1x16xf32>
      tpu.vector_store %arg15[%swap3A_2796, %swap3A_2797], %swap3A_2800 {strides = array<i32>} : memref<16x64xf32, #tpu.memory_space<vmem>>, vector<1x16xf32>,
      %slice3A_2801 = vector.extract_strided_slice %get3A_1836 {offsets = [10], sizes = [1], strides = [1]} : vector<16xi32> to vector<1xi32>
      %squeeze3A_2802 = vector.extract %slice3A_2801[0] : i32 from vector<1xi32>
      %and3A_2803 = arith.constant 7 : i32
      %and3A_2804 = arith.andi %squeeze3A_2802, %and3A_2803 : i32
      %slice3A_2805 = vector.extract_strided_slice %get3A_1841 {offsets = [10], sizes = [1], strides = [1]} : vector<16xi32> to vector<1xi32>
      %squeeze3A_2806 = vector.extract %slice3A_2805[0] : i32 from vector<1xi32>
      %and3A_2807 = arith.constant 7 : i32
      %and3A_2808 = arith.andi %squeeze3A_2806, %and3A_2807 : i32
      %get3A_2809 = arith.constant 10 : i32
      %get3A_2810 = arith.index_cast %rem3A_1347 : i32 to index
      %get3A_2811 = arith.index_cast %get3A_2809 : i32 to index
      %get3A_2812 = arith.index_cast %and3A_2804 : i32 to index
      %get3A_2813 = arith.constant 0 : index
      %get3A_2814 = tpu.vector_load %arg13[%get3A_2810, %get3A_2811, %get3A_2812, %get3A_2813] {strides = array<i32>} : memref<2x16x8x64xf32, #tpu.memory_space<vmem>>, vector<1x1x1x16xf32>,
      %get3A_2815 = vector.shape_cast %get3A_2814 : vector<1x1x1x16xf32> to vector<16xf32>
      %get3A_2816 = arith.constant 10 : i32
      %get3A_2817 = arith.index_cast %rem3A_1347 : i32 to index
      %get3A_2818 = arith.index_cast %get3A_2816 : i32 to index
      %get3A_2819 = arith.index_cast %and3A_2808 : i32 to index
      %get3A_2820 = arith.constant 0 : index
      %get3A_2821 = tpu.vector_load %arg14[%get3A_2817, %get3A_2818, %get3A_2819, %get3A_2820] {strides = array<i32>} : memref<2x16x8x64xf32, #tpu.memory_space<vmem>>, vector<1x1x1x16xf32>,
      %get3A_2822 = vector.shape_cast %get3A_2821 : vector<1x1x1x16xf32> to vector<16xf32>
      %add3A_2823 = arith.addf %get3A_2815, %get3A_2822 : vector<16xf32>
      %add3A_2824 = arith.addf %add3A_2823, %get3A_655 : vector<16xf32>
      %swap3A_2825 = arith.constant 10 : i32
      %swap3A_2826 = arith.index_cast %swap3A_2825 : i32 to index
      %swap3A_2827 = arith.constant 0 : index
      %swap3A_2828 = tpu.vector_load %arg15[%swap3A_2826, %swap3A_2827] {strides = array<i32>} : memref<16x64xf32, #tpu.memory_space<vmem>>, vector<1x16xf32>,
      %swap3A_2829 = vector.shape_cast %swap3A_2828 : vector<1x16xf32> to vector<16xf32>
      %swap3A_2830 = vector.shape_cast %add3A_2824 : vector<16xf32> to vector<1x16xf32>
      tpu.vector_store %arg15[%swap3A_2826, %swap3A_2827], %swap3A_2830 {strides = array<i32>} : memref<16x64xf32, #tpu.memory_space<vmem>>, vector<1x16xf32>,
      %get3A_2831 = arith.constant 10 : i32
      %get3A_2832 = arith.index_cast %rem3A_1347 : i32 to index
      %get3A_2833 = arith.index_cast %get3A_2831 : i32 to index
      %get3A_2834 = arith.index_cast %and3A_2804 : i32 to index
      %get3A_2835 = arith.constant 16 : index
      %get3A_2836 = tpu.vector_load %arg13[%get3A_2832, %get3A_2833, %get3A_2834, %get3A_2835] {strides = array<i32>} : memref<2x16x8x64xf32, #tpu.memory_space<vmem>>, vector<1x1x1x16xf32>,
      %get3A_2837 = vector.shape_cast %get3A_2836 : vector<1x1x1x16xf32> to vector<16xf32>
      %get3A_2838 = arith.constant 10 : i32
      %get3A_2839 = arith.index_cast %rem3A_1347 : i32 to index
      %get3A_2840 = arith.index_cast %get3A_2838 : i32 to index
      %get3A_2841 = arith.index_cast %and3A_2808 : i32 to index
      %get3A_2842 = arith.constant 16 : index
      %get3A_2843 = tpu.vector_load %arg14[%get3A_2839, %get3A_2840, %get3A_2841, %get3A_2842] {strides = array<i32>} : memref<2x16x8x64xf32, #tpu.memory_space<vmem>>, vector<1x1x1x16xf32>,
      %get3A_2844 = vector.shape_cast %get3A_2843 : vector<1x1x1x16xf32> to vector<16xf32>
      %add3A_2845 = arith.addf %get3A_2837, %get3A_2844 : vector<16xf32>
      %add3A_2846 = arith.addf %add3A_2845, %get3A_658 : vector<16xf32>
      %swap3A_2847 = arith.constant 10 : i32
      %swap3A_2848 = arith.index_cast %swap3A_2847 : i32 to index
      %swap3A_2849 = arith.constant 16 : index
      %swap3A_2850 = tpu.vector_load %arg15[%swap3A_2848, %swap3A_2849] {strides = array<i32>} : memref<16x64xf32, #tpu.memory_space<vmem>>, vector<1x16xf32>,
      %swap3A_2851 = vector.shape_cast %swap3A_2850 : vector<1x16xf32> to vector<16xf32>
      %swap3A_2852 = vector.shape_cast %add3A_2846 : vector<16xf32> to vector<1x16xf32>
      tpu.vector_store %arg15[%swap3A_2848, %swap3A_2849], %swap3A_2852 {strides = array<i32>} : memref<16x64xf32, #tpu.memory_space<vmem>>, vector<1x16xf32>,
      %get3A_2853 = arith.constant 10 : i32
      %get3A_2854 = arith.index_cast %rem3A_1347 : i32 to index
      %get3A_2855 = arith.index_cast %get3A_2853 : i32 to index
      %get3A_2856 = arith.index_cast %and3A_2804 : i32 to index
      %get3A_2857 = arith.constant 32 : index
      %get3A_2858 = tpu.vector_load %arg13[%get3A_2854, %get3A_2855, %get3A_2856, %get3A_2857] {strides = array<i32>} : memref<2x16x8x64xf32, #tpu.memory_space<vmem>>, vector<1x1x1x16xf32>,
      %get3A_2859 = vector.shape_cast %get3A_2858 : vector<1x1x1x16xf32> to vector<16xf32>
      %get3A_2860 = arith.constant 10 : i32
      %get3A_2861 = arith.index_cast %rem3A_1347 : i32 to index
      %get3A_2862 = arith.index_cast %get3A_2860 : i32 to index
      %get3A_2863 = arith.index_cast %and3A_2808 : i32 to index
      %get3A_2864 = arith.constant 32 : index
      %get3A_2865 = tpu.vector_load %arg14[%get3A_2861, %get3A_2862, %get3A_2863, %get3A_2864] {strides = array<i32>} : memref<2x16x8x64xf32, #tpu.memory_space<vmem>>, vector<1x1x1x16xf32>,
      %get3A_2866 = vector.shape_cast %get3A_2865 : vector<1x1x1x16xf32> to vector<16xf32>
      %add3A_2867 = arith.addf %get3A_2859, %get3A_2866 : vector<16xf32>
      %add3A_2868 = arith.addf %add3A_2867, %get3A_661 : vector<16xf32>
      %swap3A_2869 = arith.constant 10 : i32
      %swap3A_2870 = arith.index_cast %swap3A_2869 : i32 to index
      %swap3A_2871 = arith.constant 32 : index
      %swap3A_2872 = tpu.vector_load %arg15[%swap3A_2870, %swap3A_2871] {strides = array<i32>} : memref<16x64xf32, #tpu.memory_space<vmem>>, vector<1x16xf32>,
      %swap3A_2873 = vector.shape_cast %swap3A_2872 : vector<1x16xf32> to vector<16xf32>
      %swap3A_2874 = vector.shape_cast %add3A_2868 : vector<16xf32> to vector<1x16xf32>
      tpu.vector_store %arg15[%swap3A_2870, %swap3A_2871], %swap3A_2874 {strides = array<i32>} : memref<16x64xf32, #tpu.memory_space<vmem>>, vector<1x16xf32>,
      %get3A_2875 = arith.constant 10 : i32
      %get3A_2876 = arith.index_cast %rem3A_1347 : i32 to index
      %get3A_2877 = arith.index_cast %get3A_2875 : i32 to index
      %get3A_2878 = arith.index_cast %and3A_2804 : i32 to index
      %get3A_2879 = arith.constant 48 : index
      %get3A_2880 = tpu.vector_load %arg13[%get3A_2876, %get3A_2877, %get3A_2878, %get3A_2879] {strides = array<i32>} : memref<2x16x8x64xf32, #tpu.memory_space<vmem>>, vector<1x1x1x16xf32>,
      %get3A_2881 = vector.shape_cast %get3A_2880 : vector<1x1x1x16xf32> to vector<16xf32>
      %get3A_2882 = arith.constant 10 : i32
      %get3A_2883 = arith.index_cast %rem3A_1347 : i32 to index
      %get3A_2884 = arith.index_cast %get3A_2882 : i32 to index
      %get3A_2885 = arith.index_cast %and3A_2808 : i32 to index
      %get3A_2886 = arith.constant 48 : index
      %get3A_2887 = tpu.vector_load %arg14[%get3A_2883, %get3A_2884, %get3A_2885, %get3A_2886] {strides = array<i32>} : memref<2x16x8x64xf32, #tpu.memory_space<vmem>>, vector<1x1x1x16xf32>,
      %get3A_2888 = vector.shape_cast %get3A_2887 : vector<1x1x1x16xf32> to vector<16xf32>
      %add3A_2889 = arith.addf %get3A_2881, %get3A_2888 : vector<16xf32>
      %add3A_2890 = arith.addf %add3A_2889, %get3A_664 : vector<16xf32>
      %swap3A_2891 = arith.constant 10 : i32
      %swap3A_2892 = arith.index_cast %swap3A_2891 : i32 to index
      %swap3A_2893 = arith.constant 48 : index
      %swap3A_2894 = tpu.vector_load %arg15[%swap3A_2892, %swap3A_2893] {strides = array<i32>} : memref<16x64xf32, #tpu.memory_space<vmem>>, vector<1x16xf32>,
      %swap3A_2895 = vector.shape_cast %swap3A_2894 : vector<1x16xf32> to vector<16xf32>
      %swap3A_2896 = vector.shape_cast %add3A_2890 : vector<16xf32> to vector<1x16xf32>
      tpu.vector_store %arg15[%swap3A_2892, %swap3A_2893], %swap3A_2896 {strides = array<i32>} : memref<16x64xf32, #tpu.memory_space<vmem>>, vector<1x16xf32>,
      %slice3A_2897 = vector.extract_strided_slice %get3A_1836 {offsets = [11], sizes = [1], strides = [1]} : vector<16xi32> to vector<1xi32>
      %squeeze3A_2898 = vector.extract %slice3A_2897[0] : i32 from vector<1xi32>
      %and3A_2899 = arith.constant 7 : i32
      %and3A_2900 = arith.andi %squeeze3A_2898, %and3A_2899 : i32
      %slice3A_2901 = vector.extract_strided_slice %get3A_1841 {offsets = [11], sizes = [1], strides = [1]} : vector<16xi32> to vector<1xi32>
      %squeeze3A_2902 = vector.extract %slice3A_2901[0] : i32 from vector<1xi32>
      %and3A_2903 = arith.constant 7 : i32
      %and3A_2904 = arith.andi %squeeze3A_2902, %and3A_2903 : i32
      %get3A_2905 = arith.constant 11 : i32
      %get3A_2906 = arith.index_cast %rem3A_1347 : i32 to index
      %get3A_2907 = arith.index_cast %get3A_2905 : i32 to index
      %get3A_2908 = arith.index_cast %and3A_2900 : i32 to index
      %get3A_2909 = arith.constant 0 : index
      %get3A_2910 = tpu.vector_load %arg13[%get3A_2906, %get3A_2907, %get3A_2908, %get3A_2909] {strides = array<i32>} : memref<2x16x8x64xf32, #tpu.memory_space<vmem>>, vector<1x1x1x16xf32>,
      %get3A_2911 = vector.shape_cast %get3A_2910 : vector<1x1x1x16xf32> to vector<16xf32>
      %get3A_2912 = arith.constant 11 : i32
      %get3A_2913 = arith.index_cast %rem3A_1347 : i32 to index
      %get3A_2914 = arith.index_cast %get3A_2912 : i32 to index
      %get3A_2915 = arith.index_cast %and3A_2904 : i32 to index
      %get3A_2916 = arith.constant 0 : index
      %get3A_2917 = tpu.vector_load %arg14[%get3A_2913, %get3A_2914, %get3A_2915, %get3A_2916] {strides = array<i32>} : memref<2x16x8x64xf32, #tpu.memory_space<vmem>>, vector<1x1x1x16xf32>,
      %get3A_2918 = vector.shape_cast %get3A_2917 : vector<1x1x1x16xf32> to vector<16xf32>
      %add3A_2919 = arith.addf %get3A_2911, %get3A_2918 : vector<16xf32>
      %add3A_2920 = arith.addf %add3A_2919, %get3A_655 : vector<16xf32>
      %swap3A_2921 = arith.constant 11 : i32
      %swap3A_2922 = arith.index_cast %swap3A_2921 : i32 to index
      %swap3A_2923 = arith.constant 0 : index
      %swap3A_2924 = tpu.vector_load %arg15[%swap3A_2922, %swap3A_2923] {strides = array<i32>} : memref<16x64xf32, #tpu.memory_space<vmem>>, vector<1x16xf32>,
      %swap3A_2925 = vector.shape_cast %swap3A_2924 : vector<1x16xf32> to vector<16xf32>
      %swap3A_2926 = vector.shape_cast %add3A_2920 : vector<16xf32> to vector<1x16xf32>
      tpu.vector_store %arg15[%swap3A_2922, %swap3A_2923], %swap3A_2926 {strides = array<i32>} : memref<16x64xf32, #tpu.memory_space<vmem>>, vector<1x16xf32>,
      %get3A_2927 = arith.constant 11 : i32
      %get3A_2928 = arith.index_cast %rem3A_1347 : i32 to index
      %get3A_2929 = arith.index_cast %get3A_2927 : i32 to index
      %get3A_2930 = arith.index_cast %and3A_2900 : i32 to index
      %get3A_2931 = arith.constant 16 : index
      %get3A_2932 = tpu.vector_load %arg13[%get3A_2928, %get3A_2929, %get3A_2930, %get3A_2931] {strides = array<i32>} : memref<2x16x8x64xf32, #tpu.memory_space<vmem>>, vector<1x1x1x16xf32>,
      %get3A_2933 = vector.shape_cast %get3A_2932 : vector<1x1x1x16xf32> to vector<16xf32>
      %get3A_2934 = arith.constant 11 : i32
      %get3A_2935 = arith.index_cast %rem3A_1347 : i32 to index
      %get3A_2936 = arith.index_cast %get3A_2934 : i32 to index
      %get3A_2937 = arith.index_cast %and3A_2904 : i32 to index
      %get3A_2938 = arith.constant 16 : index
      %get3A_2939 = tpu.vector_load %arg14[%get3A_2935, %get3A_2936, %get3A_2937, %get3A_2938] {strides = array<i32>} : memref<2x16x8x64xf32, #tpu.memory_space<vmem>>, vector<1x1x1x16xf32>,
      %get3A_2940 = vector.shape_cast %get3A_2939 : vector<1x1x1x16xf32> to vector<16xf32>
      %add3A_2941 = arith.addf %get3A_2933, %get3A_2940 : vector<16xf32>
      %add3A_2942 = arith.addf %add3A_2941, %get3A_658 : vector<16xf32>
      %swap3A_2943 = arith.constant 11 : i32
      %swap3A_2944 = arith.index_cast %swap3A_2943 : i32 to index
      %swap3A_2945 = arith.constant 16 : index
      %swap3A_2946 = tpu.vector_load %arg15[%swap3A_2944, %swap3A_2945] {strides = array<i32>} : memref<16x64xf32, #tpu.memory_space<vmem>>, vector<1x16xf32>,
      %swap3A_2947 = vector.shape_cast %swap3A_2946 : vector<1x16xf32> to vector<16xf32>
      %swap3A_2948 = vector.shape_cast %add3A_2942 : vector<16xf32> to vector<1x16xf32>
      tpu.vector_store %arg15[%swap3A_2944, %swap3A_2945], %swap3A_2948 {strides = array<i32>} : memref<16x64xf32, #tpu.memory_space<vmem>>, vector<1x16xf32>,
      %get3A_2949 = arith.constant 11 : i32
      %get3A_2950 = arith.index_cast %rem3A_1347 : i32 to index
      %get3A_2951 = arith.index_cast %get3A_2949 : i32 to index
      %get3A_2952 = arith.index_cast %and3A_2900 : i32 to index
      %get3A_2953 = arith.constant 32 : index
      %get3A_2954 = tpu.vector_load %arg13[%get3A_2950, %get3A_2951, %get3A_2952, %get3A_2953] {strides = array<i32>} : memref<2x16x8x64xf32, #tpu.memory_space<vmem>>, vector<1x1x1x16xf32>,
      %get3A_2955 = vector.shape_cast %get3A_2954 : vector<1x1x1x16xf32> to vector<16xf32>
      %get3A_2956 = arith.constant 11 : i32
      %get3A_2957 = arith.index_cast %rem3A_1347 : i32 to index
      %get3A_2958 = arith.index_cast %get3A_2956 : i32 to index
      %get3A_2959 = arith.index_cast %and3A_2904 : i32 to index
      %get3A_2960 = arith.constant 32 : index
      %get3A_2961 = tpu.vector_load %arg14[%get3A_2957, %get3A_2958, %get3A_2959, %get3A_2960] {strides = array<i32>} : memref<2x16x8x64xf32, #tpu.memory_space<vmem>>, vector<1x1x1x16xf32>,
      %get3A_2962 = vector.shape_cast %get3A_2961 : vector<1x1x1x16xf32> to vector<16xf32>
      %add3A_2963 = arith.addf %get3A_2955, %get3A_2962 : vector<16xf32>
      %add3A_2964 = arith.addf %add3A_2963, %get3A_661 : vector<16xf32>
      %swap3A_2965 = arith.constant 11 : i32
      %swap3A_2966 = arith.index_cast %swap3A_2965 : i32 to index
      %swap3A_2967 = arith.constant 32 : index
      %swap3A_2968 = tpu.vector_load %arg15[%swap3A_2966, %swap3A_2967] {strides = array<i32>} : memref<16x64xf32, #tpu.memory_space<vmem>>, vector<1x16xf32>,
      %swap3A_2969 = vector.shape_cast %swap3A_2968 : vector<1x16xf32> to vector<16xf32>
      %swap3A_2970 = vector.shape_cast %add3A_2964 : vector<16xf32> to vector<1x16xf32>
      tpu.vector_store %arg15[%swap3A_2966, %swap3A_2967], %swap3A_2970 {strides = array<i32>} : memref<16x64xf32, #tpu.memory_space<vmem>>, vector<1x16xf32>,
      %get3A_2971 = arith.constant 11 : i32
      %get3A_2972 = arith.index_cast %rem3A_1347 : i32 to index
      %get3A_2973 = arith.index_cast %get3A_2971 : i32 to index
      %get3A_2974 = arith.index_cast %and3A_2900 : i32 to index
      %get3A_2975 = arith.constant 48 : index
      %get3A_2976 = tpu.vector_load %arg13[%get3A_2972, %get3A_2973, %get3A_2974, %get3A_2975] {strides = array<i32>} : memref<2x16x8x64xf32, #tpu.memory_space<vmem>>, vector<1x1x1x16xf32>,
      %get3A_2977 = vector.shape_cast %get3A_2976 : vector<1x1x1x16xf32> to vector<16xf32>
      %get3A_2978 = arith.constant 11 : i32
      %get3A_2979 = arith.index_cast %rem3A_1347 : i32 to index
      %get3A_2980 = arith.index_cast %get3A_2978 : i32 to index
      %get3A_2981 = arith.index_cast %and3A_2904 : i32 to index
      %get3A_2982 = arith.constant 48 : index
      %get3A_2983 = tpu.vector_load %arg14[%get3A_2979, %get3A_2980, %get3A_2981, %get3A_2982] {strides = array<i32>} : memref<2x16x8x64xf32, #tpu.memory_space<vmem>>, vector<1x1x1x16xf32>,
      %get3A_2984 = vector.shape_cast %get3A_2983 : vector<1x1x1x16xf32> to vector<16xf32>
      %add3A_2985 = arith.addf %get3A_2977, %get3A_2984 : vector<16xf32>
      %add3A_2986 = arith.addf %add3A_2985, %get3A_664 : vector<16xf32>
      %swap3A_2987 = arith.constant 11 : i32
      %swap3A_2988 = arith.index_cast %swap3A_2987 : i32 to index
      %swap3A_2989 = arith.constant 48 : index
      %swap3A_2990 = tpu.vector_load %arg15[%swap3A_2988, %swap3A_2989] {strides = array<i32>} : memref<16x64xf32, #tpu.memory_space<vmem>>, vector<1x16xf32>,
      %swap3A_2991 = vector.shape_cast %swap3A_2990 : vector<1x16xf32> to vector<16xf32>
      %swap3A_2992 = vector.shape_cast %add3A_2986 : vector<16xf32> to vector<1x16xf32>
      tpu.vector_store %arg15[%swap3A_2988, %swap3A_2989], %swap3A_2992 {strides = array<i32>} : memref<16x64xf32, #tpu.memory_space<vmem>>, vector<1x16xf32>,
      %slice3A_2993 = vector.extract_strided_slice %get3A_1836 {offsets = [12], sizes = [1], strides = [1]} : vector<16xi32> to vector<1xi32>
      %squeeze3A_2994 = vector.extract %slice3A_2993[0] : i32 from vector<1xi32>
      %and3A_2995 = arith.constant 7 : i32
      %and3A_2996 = arith.andi %squeeze3A_2994, %and3A_2995 : i32
      %slice3A_2997 = vector.extract_strided_slice %get3A_1841 {offsets = [12], sizes = [1], strides = [1]} : vector<16xi32> to vector<1xi32>
      %squeeze3A_2998 = vector.extract %slice3A_2997[0] : i32 from vector<1xi32>
      %and3A_2999 = arith.constant 7 : i32
      %and3A_3000 = arith.andi %squeeze3A_2998, %and3A_2999 : i32
      %get3A_3001 = arith.constant 12 : i32
      %get3A_3002 = arith.index_cast %rem3A_1347 : i32 to index
      %get3A_3003 = arith.index_cast %get3A_3001 : i32 to index
      %get3A_3004 = arith.index_cast %and3A_2996 : i32 to index
      %get3A_3005 = arith.constant 0 : index
      %get3A_3006 = tpu.vector_load %arg13[%get3A_3002, %get3A_3003, %get3A_3004, %get3A_3005] {strides = array<i32>} : memref<2x16x8x64xf32, #tpu.memory_space<vmem>>, vector<1x1x1x16xf32>,
      %get3A_3007 = vector.shape_cast %get3A_3006 : vector<1x1x1x16xf32> to vector<16xf32>
      %get3A_3008 = arith.constant 12 : i32
      %get3A_3009 = arith.index_cast %rem3A_1347 : i32 to index
      %get3A_3010 = arith.index_cast %get3A_3008 : i32 to index
      %get3A_3011 = arith.index_cast %and3A_3000 : i32 to index
      %get3A_3012 = arith.constant 0 : index
      %get3A_3013 = tpu.vector_load %arg14[%get3A_3009, %get3A_3010, %get3A_3011, %get3A_3012] {strides = array<i32>} : memref<2x16x8x64xf32, #tpu.memory_space<vmem>>, vector<1x1x1x16xf32>,
      %get3A_3014 = vector.shape_cast %get3A_3013 : vector<1x1x1x16xf32> to vector<16xf32>
      %add3A_3015 = arith.addf %get3A_3007, %get3A_3014 : vector<16xf32>
      %add3A_3016 = arith.addf %add3A_3015, %get3A_655 : vector<16xf32>
      %swap3A_3017 = arith.constant 12 : i32
      %swap3A_3018 = arith.index_cast %swap3A_3017 : i32 to index
      %swap3A_3019 = arith.constant 0 : index
      %swap3A_3020 = tpu.vector_load %arg15[%swap3A_3018, %swap3A_3019] {strides = array<i32>} : memref<16x64xf32, #tpu.memory_space<vmem>>, vector<1x16xf32>,
      %swap3A_3021 = vector.shape_cast %swap3A_3020 : vector<1x16xf32> to vector<16xf32>
      %swap3A_3022 = vector.shape_cast %add3A_3016 : vector<16xf32> to vector<1x16xf32>
      tpu.vector_store %arg15[%swap3A_3018, %swap3A_3019], %swap3A_3022 {strides = array<i32>} : memref<16x64xf32, #tpu.memory_space<vmem>>, vector<1x16xf32>,
      %get3A_3023 = arith.constant 12 : i32
      %get3A_3024 = arith.index_cast %rem3A_1347 : i32 to index
      %get3A_3025 = arith.index_cast %get3A_3023 : i32 to index
      %get3A_3026 = arith.index_cast %and3A_2996 : i32 to index
      %get3A_3027 = arith.constant 16 : index
      %get3A_3028 = tpu.vector_load %arg13[%get3A_3024, %get3A_3025, %get3A_3026, %get3A_3027] {strides = array<i32>} : memref<2x16x8x64xf32, #tpu.memory_space<vmem>>, vector<1x1x1x16xf32>,
      %get3A_3029 = vector.shape_cast %get3A_3028 : vector<1x1x1x16xf32> to vector<16xf32>
      %get3A_3030 = arith.constant 12 : i32
      %get3A_3031 = arith.index_cast %rem3A_1347 : i32 to index
      %get3A_3032 = arith.index_cast %get3A_3030 : i32 to index
      %get3A_3033 = arith.index_cast %and3A_3000 : i32 to index
      %get3A_3034 = arith.constant 16 : index
      %get3A_3035 = tpu.vector_load %arg14[%get3A_3031, %get3A_3032, %get3A_3033, %get3A_3034] {strides = array<i32>} : memref<2x16x8x64xf32, #tpu.memory_space<vmem>>, vector<1x1x1x16xf32>,
      %get3A_3036 = vector.shape_cast %get3A_3035 : vector<1x1x1x16xf32> to vector<16xf32>
      %add3A_3037 = arith.addf %get3A_3029, %get3A_3036 : vector<16xf32>
      %add3A_3038 = arith.addf %add3A_3037, %get3A_658 : vector<16xf32>
      %swap3A_3039 = arith.constant 12 : i32
      %swap3A_3040 = arith.index_cast %swap3A_3039 : i32 to index
      %swap3A_3041 = arith.constant 16 : index
      %swap3A_3042 = tpu.vector_load %arg15[%swap3A_3040, %swap3A_3041] {strides = array<i32>} : memref<16x64xf32, #tpu.memory_space<vmem>>, vector<1x16xf32>,
      %swap3A_3043 = vector.shape_cast %swap3A_3042 : vector<1x16xf32> to vector<16xf32>
      %swap3A_3044 = vector.shape_cast %add3A_3038 : vector<16xf32> to vector<1x16xf32>
      tpu.vector_store %arg15[%swap3A_3040, %swap3A_3041], %swap3A_3044 {strides = array<i32>} : memref<16x64xf32, #tpu.memory_space<vmem>>, vector<1x16xf32>,
      %get3A_3045 = arith.constant 12 : i32
      %get3A_3046 = arith.index_cast %rem3A_1347 : i32 to index
      %get3A_3047 = arith.index_cast %get3A_3045 : i32 to index
      %get3A_3048 = arith.index_cast %and3A_2996 : i32 to index
      %get3A_3049 = arith.constant 32 : index
      %get3A_3050 = tpu.vector_load %arg13[%get3A_3046, %get3A_3047, %get3A_3048, %get3A_3049] {strides = array<i32>} : memref<2x16x8x64xf32, #tpu.memory_space<vmem>>, vector<1x1x1x16xf32>,
      %get3A_3051 = vector.shape_cast %get3A_3050 : vector<1x1x1x16xf32> to vector<16xf32>
      %get3A_3052 = arith.constant 12 : i32
      %get3A_3053 = arith.index_cast %rem3A_1347 : i32 to index
      %get3A_3054 = arith.index_cast %get3A_3052 : i32 to index
      %get3A_3055 = arith.index_cast %and3A_3000 : i32 to index
      %get3A_3056 = arith.constant 32 : index
      %get3A_3057 = tpu.vector_load %arg14[%get3A_3053, %get3A_3054, %get3A_3055, %get3A_3056] {strides = array<i32>} : memref<2x16x8x64xf32, #tpu.memory_space<vmem>>, vector<1x1x1x16xf32>,
      %get3A_3058 = vector.shape_cast %get3A_3057 : vector<1x1x1x16xf32> to vector<16xf32>
      %add3A_3059 = arith.addf %get3A_3051, %get3A_3058 : vector<16xf32>
      %add3A_3060 = arith.addf %add3A_3059, %get3A_661 : vector<16xf32>
      %swap3A_3061 = arith.constant 12 : i32
      %swap3A_3062 = arith.index_cast %swap3A_3061 : i32 to index
      %swap3A_3063 = arith.constant 32 : index
      %swap3A_3064 = tpu.vector_load %arg15[%swap3A_3062, %swap3A_3063] {strides = array<i32>} : memref<16x64xf32, #tpu.memory_space<vmem>>, vector<1x16xf32>,
      %swap3A_3065 = vector.shape_cast %swap3A_3064 : vector<1x16xf32> to vector<16xf32>
      %swap3A_3066 = vector.shape_cast %add3A_3060 : vector<16xf32> to vector<1x16xf32>
      tpu.vector_store %arg15[%swap3A_3062, %swap3A_3063], %swap3A_3066 {strides = array<i32>} : memref<16x64xf32, #tpu.memory_space<vmem>>, vector<1x16xf32>,
      %get3A_3067 = arith.constant 12 : i32
      %get3A_3068 = arith.index_cast %rem3A_1347 : i32 to index
      %get3A_3069 = arith.index_cast %get3A_3067 : i32 to index
      %get3A_3070 = arith.index_cast %and3A_2996 : i32 to index
      %get3A_3071 = arith.constant 48 : index
      %get3A_3072 = tpu.vector_load %arg13[%get3A_3068, %get3A_3069, %get3A_3070, %get3A_3071] {strides = array<i32>} : memref<2x16x8x64xf32, #tpu.memory_space<vmem>>, vector<1x1x1x16xf32>,
      %get3A_3073 = vector.shape_cast %get3A_3072 : vector<1x1x1x16xf32> to vector<16xf32>
      %get3A_3074 = arith.constant 12 : i32
      %get3A_3075 = arith.index_cast %rem3A_1347 : i32 to index
      %get3A_3076 = arith.index_cast %get3A_3074 : i32 to index
      %get3A_3077 = arith.index_cast %and3A_3000 : i32 to index
      %get3A_3078 = arith.constant 48 : index
      %get3A_3079 = tpu.vector_load %arg14[%get3A_3075, %get3A_3076, %get3A_3077, %get3A_3078] {strides = array<i32>} : memref<2x16x8x64xf32, #tpu.memory_space<vmem>>, vector<1x1x1x16xf32>,
      %get3A_3080 = vector.shape_cast %get3A_3079 : vector<1x1x1x16xf32> to vector<16xf32>
      %add3A_3081 = arith.addf %get3A_3073, %get3A_3080 : vector<16xf32>
      %add3A_3082 = arith.addf %add3A_3081, %get3A_664 : vector<16xf32>
      %swap3A_3083 = arith.constant 12 : i32
      %swap3A_3084 = arith.index_cast %swap3A_3083 : i32 to index
      %swap3A_3085 = arith.constant 48 : index
      %swap3A_3086 = tpu.vector_load %arg15[%swap3A_3084, %swap3A_3085] {strides = array<i32>} : memref<16x64xf32, #tpu.memory_space<vmem>>, vector<1x16xf32>,
      %swap3A_3087 = vector.shape_cast %swap3A_3086 : vector<1x16xf32> to vector<16xf32>
      %swap3A_3088 = vector.shape_cast %add3A_3082 : vector<16xf32> to vector<1x16xf32>
      tpu.vector_store %arg15[%swap3A_3084, %swap3A_3085], %swap3A_3088 {strides = array<i32>} : memref<16x64xf32, #tpu.memory_space<vmem>>, vector<1x16xf32>,
      %slice3A_3089 = vector.extract_strided_slice %get3A_1836 {offsets = [13], sizes = [1], strides = [1]} : vector<16xi32> to vector<1xi32>
      %squeeze3A_3090 = vector.extract %slice3A_3089[0] : i32 from vector<1xi32>
      %and3A_3091 = arith.constant 7 : i32
      %and3A_3092 = arith.andi %squeeze3A_3090, %and3A_3091 : i32
      %slice3A_3093 = vector.extract_strided_slice %get3A_1841 {offsets = [13], sizes = [1], strides = [1]} : vector<16xi32> to vector<1xi32>
      %squeeze3A_3094 = vector.extract %slice3A_3093[0] : i32 from vector<1xi32>
      %and3A_3095 = arith.constant 7 : i32
      %and3A_3096 = arith.andi %squeeze3A_3094, %and3A_3095 : i32
      %get3A_3097 = arith.constant 13 : i32
      %get3A_3098 = arith.index_cast %rem3A_1347 : i32 to index
      %get3A_3099 = arith.index_cast %get3A_3097 : i32 to index
      %get3A_3100 = arith.index_cast %and3A_3092 : i32 to index
      %get3A_3101 = arith.constant 0 : index
      %get3A_3102 = tpu.vector_load %arg13[%get3A_3098, %get3A_3099, %get3A_3100, %get3A_3101] {strides = array<i32>} : memref<2x16x8x64xf32, #tpu.memory_space<vmem>>, vector<1x1x1x16xf32>,
      %get3A_3103 = vector.shape_cast %get3A_3102 : vector<1x1x1x16xf32> to vector<16xf32>
      %get3A_3104 = arith.constant 13 : i32
      %get3A_3105 = arith.index_cast %rem3A_1347 : i32 to index
      %get3A_3106 = arith.index_cast %get3A_3104 : i32 to index
      %get3A_3107 = arith.index_cast %and3A_3096 : i32 to index
      %get3A_3108 = arith.constant 0 : index
      %get3A_3109 = tpu.vector_load %arg14[%get3A_3105, %get3A_3106, %get3A_3107, %get3A_3108] {strides = array<i32>} : memref<2x16x8x64xf32, #tpu.memory_space<vmem>>, vector<1x1x1x16xf32>,
      %get3A_3110 = vector.shape_cast %get3A_3109 : vector<1x1x1x16xf32> to vector<16xf32>
      %add3A_3111 = arith.addf %get3A_3103, %get3A_3110 : vector<16xf32>
      %add3A_3112 = arith.addf %add3A_3111, %get3A_655 : vector<16xf32>
      %swap3A_3113 = arith.constant 13 : i32
      %swap3A_3114 = arith.index_cast %swap3A_3113 : i32 to index
      %swap3A_3115 = arith.constant 0 : index
      %swap3A_3116 = tpu.vector_load %arg15[%swap3A_3114, %swap3A_3115] {strides = array<i32>} : memref<16x64xf32, #tpu.memory_space<vmem>>, vector<1x16xf32>,
      %swap3A_3117 = vector.shape_cast %swap3A_3116 : vector<1x16xf32> to vector<16xf32>
      %swap3A_3118 = vector.shape_cast %add3A_3112 : vector<16xf32> to vector<1x16xf32>
      tpu.vector_store %arg15[%swap3A_3114, %swap3A_3115], %swap3A_3118 {strides = array<i32>} : memref<16x64xf32, #tpu.memory_space<vmem>>, vector<1x16xf32>,
      %get3A_3119 = arith.constant 13 : i32
      %get3A_3120 = arith.index_cast %rem3A_1347 : i32 to index
      %get3A_3121 = arith.index_cast %get3A_3119 : i32 to index
      %get3A_3122 = arith.index_cast %and3A_3092 : i32 to index
      %get3A_3123 = arith.constant 16 : index
      %get3A_3124 = tpu.vector_load %arg13[%get3A_3120, %get3A_3121, %get3A_3122, %get3A_3123] {strides = array<i32>} : memref<2x16x8x64xf32, #tpu.memory_space<vmem>>, vector<1x1x1x16xf32>,
      %get3A_3125 = vector.shape_cast %get3A_3124 : vector<1x1x1x16xf32> to vector<16xf32>
      %get3A_3126 = arith.constant 13 : i32
      %get3A_3127 = arith.index_cast %rem3A_1347 : i32 to index
      %get3A_3128 = arith.index_cast %get3A_3126 : i32 to index
      %get3A_3129 = arith.index_cast %and3A_3096 : i32 to index
      %get3A_3130 = arith.constant 16 : index
      %get3A_3131 = tpu.vector_load %arg14[%get3A_3127, %get3A_3128, %get3A_3129, %get3A_3130] {strides = array<i32>} : memref<2x16x8x64xf32, #tpu.memory_space<vmem>>, vector<1x1x1x16xf32>,
      %get3A_3132 = vector.shape_cast %get3A_3131 : vector<1x1x1x16xf32> to vector<16xf32>
      %add3A_3133 = arith.addf %get3A_3125, %get3A_3132 : vector<16xf32>
      %add3A_3134 = arith.addf %add3A_3133, %get3A_658 : vector<16xf32>
      %swap3A_3135 = arith.constant 13 : i32
      %swap3A_3136 = arith.index_cast %swap3A_3135 : i32 to index
      %swap3A_3137 = arith.constant 16 : index
      %swap3A_3138 = tpu.vector_load %arg15[%swap3A_3136, %swap3A_3137] {strides = array<i32>} : memref<16x64xf32, #tpu.memory_space<vmem>>, vector<1x16xf32>,
      %swap3A_3139 = vector.shape_cast %swap3A_3138 : vector<1x16xf32> to vector<16xf32>
      %swap3A_3140 = vector.shape_cast %add3A_3134 : vector<16xf32> to vector<1x16xf32>
      tpu.vector_store %arg15[%swap3A_3136, %swap3A_3137], %swap3A_3140 {strides = array<i32>} : memref<16x64xf32, #tpu.memory_space<vmem>>, vector<1x16xf32>,
      %get3A_3141 = arith.constant 13 : i32
      %get3A_3142 = arith.index_cast %rem3A_1347 : i32 to index
      %get3A_3143 = arith.index_cast %get3A_3141 : i32 to index
      %get3A_3144 = arith.index_cast %and3A_3092 : i32 to index
      %get3A_3145 = arith.constant 32 : index
      %get3A_3146 = tpu.vector_load %arg13[%get3A_3142, %get3A_3143, %get3A_3144, %get3A_3145] {strides = array<i32>} : memref<2x16x8x64xf32, #tpu.memory_space<vmem>>, vector<1x1x1x16xf32>,
      %get3A_3147 = vector.shape_cast %get3A_3146 : vector<1x1x1x16xf32> to vector<16xf32>
      %get3A_3148 = arith.constant 13 : i32
      %get3A_3149 = arith.index_cast %rem3A_1347 : i32 to index
      %get3A_3150 = arith.index_cast %get3A_3148 : i32 to index
      %get3A_3151 = arith.index_cast %and3A_3096 : i32 to index
      %get3A_3152 = arith.constant 32 : index
      %get3A_3153 = tpu.vector_load %arg14[%get3A_3149, %get3A_3150, %get3A_3151, %get3A_3152] {strides = array<i32>} : memref<2x16x8x64xf32, #tpu.memory_space<vmem>>, vector<1x1x1x16xf32>,
      %get3A_3154 = vector.shape_cast %get3A_3153 : vector<1x1x1x16xf32> to vector<16xf32>
      %add3A_3155 = arith.addf %get3A_3147, %get3A_3154 : vector<16xf32>
      %add3A_3156 = arith.addf %add3A_3155, %get3A_661 : vector<16xf32>
      %swap3A_3157 = arith.constant 13 : i32
      %swap3A_3158 = arith.index_cast %swap3A_3157 : i32 to index
      %swap3A_3159 = arith.constant 32 : index
      %swap3A_3160 = tpu.vector_load %arg15[%swap3A_3158, %swap3A_3159] {strides = array<i32>} : memref<16x64xf32, #tpu.memory_space<vmem>>, vector<1x16xf32>,
      %swap3A_3161 = vector.shape_cast %swap3A_3160 : vector<1x16xf32> to vector<16xf32>
      %swap3A_3162 = vector.shape_cast %add3A_3156 : vector<16xf32> to vector<1x16xf32>
      tpu.vector_store %arg15[%swap3A_3158, %swap3A_3159], %swap3A_3162 {strides = array<i32>} : memref<16x64xf32, #tpu.memory_space<vmem>>, vector<1x16xf32>,
      %get3A_3163 = arith.constant 13 : i32
      %get3A_3164 = arith.index_cast %rem3A_1347 : i32 to index
      %get3A_3165 = arith.index_cast %get3A_3163 : i32 to index
      %get3A_3166 = arith.index_cast %and3A_3092 : i32 to index
      %get3A_3167 = arith.constant 48 : index
      %get3A_3168 = tpu.vector_load %arg13[%get3A_3164, %get3A_3165, %get3A_3166, %get3A_3167] {strides = array<i32>} : memref<2x16x8x64xf32, #tpu.memory_space<vmem>>, vector<1x1x1x16xf32>,
      %get3A_3169 = vector.shape_cast %get3A_3168 : vector<1x1x1x16xf32> to vector<16xf32>
      %get3A_3170 = arith.constant 13 : i32
      %get3A_3171 = arith.index_cast %rem3A_1347 : i32 to index
      %get3A_3172 = arith.index_cast %get3A_3170 : i32 to index
      %get3A_3173 = arith.index_cast %and3A_3096 : i32 to index
      %get3A_3174 = arith.constant 48 : index
      %get3A_3175 = tpu.vector_load %arg14[%get3A_3171, %get3A_3172, %get3A_3173, %get3A_3174] {strides = array<i32>} : memref<2x16x8x64xf32, #tpu.memory_space<vmem>>, vector<1x1x1x16xf32>,
      %get3A_3176 = vector.shape_cast %get3A_3175 : vector<1x1x1x16xf32> to vector<16xf32>
      %add3A_3177 = arith.addf %get3A_3169, %get3A_3176 : vector<16xf32>
      %add3A_3178 = arith.addf %add3A_3177, %get3A_664 : vector<16xf32>
      %swap3A_3179 = arith.constant 13 : i32
      %swap3A_3180 = arith.index_cast %swap3A_3179 : i32 to index
      %swap3A_3181 = arith.constant 48 : index
      %swap3A_3182 = tpu.vector_load %arg15[%swap3A_3180, %swap3A_3181] {strides = array<i32>} : memref<16x64xf32, #tpu.memory_space<vmem>>, vector<1x16xf32>,
      %swap3A_3183 = vector.shape_cast %swap3A_3182 : vector<1x16xf32> to vector<16xf32>
      %swap3A_3184 = vector.shape_cast %add3A_3178 : vector<16xf32> to vector<1x16xf32>
      tpu.vector_store %arg15[%swap3A_3180, %swap3A_3181], %swap3A_3184 {strides = array<i32>} : memref<16x64xf32, #tpu.memory_space<vmem>>, vector<1x16xf32>,
      %slice3A_3185 = vector.extract_strided_slice %get3A_1836 {offsets = [14], sizes = [1], strides = [1]} : vector<16xi32> to vector<1xi32>
      %squeeze3A_3186 = vector.extract %slice3A_3185[0] : i32 from vector<1xi32>
      %and3A_3187 = arith.constant 7 : i32
      %and3A_3188 = arith.andi %squeeze3A_3186, %and3A_3187 : i32
      %slice3A_3189 = vector.extract_strided_slice %get3A_1841 {offsets = [14], sizes = [1], strides = [1]} : vector<16xi32> to vector<1xi32>
      %squeeze3A_3190 = vector.extract %slice3A_3189[0] : i32 from vector<1xi32>
      %and3A_3191 = arith.constant 7 : i32
      %and3A_3192 = arith.andi %squeeze3A_3190, %and3A_3191 : i32
      %get3A_3193 = arith.constant 14 : i32
      %get3A_3194 = arith.index_cast %rem3A_1347 : i32 to index
      %get3A_3195 = arith.index_cast %get3A_3193 : i32 to index
      %get3A_3196 = arith.index_cast %and3A_3188 : i32 to index
      %get3A_3197 = arith.constant 0 : index
      %get3A_3198 = tpu.vector_load %arg13[%get3A_3194, %get3A_3195, %get3A_3196, %get3A_3197] {strides = array<i32>} : memref<2x16x8x64xf32, #tpu.memory_space<vmem>>, vector<1x1x1x16xf32>,
      %get3A_3199 = vector.shape_cast %get3A_3198 : vector<1x1x1x16xf32> to vector<16xf32>
      %get3A_3200 = arith.constant 14 : i32
      %get3A_3201 = arith.index_cast %rem3A_1347 : i32 to index
      %get3A_3202 = arith.index_cast %get3A_3200 : i32 to index
      %get3A_3203 = arith.index_cast %and3A_3192 : i32 to index
      %get3A_3204 = arith.constant 0 : index
      %get3A_3205 = tpu.vector_load %arg14[%get3A_3201, %get3A_3202, %get3A_3203, %get3A_3204] {strides = array<i32>} : memref<2x16x8x64xf32, #tpu.memory_space<vmem>>, vector<1x1x1x16xf32>,
      %get3A_3206 = vector.shape_cast %get3A_3205 : vector<1x1x1x16xf32> to vector<16xf32>
      %add3A_3207 = arith.addf %get3A_3199, %get3A_3206 : vector<16xf32>
      %add3A_3208 = arith.addf %add3A_3207, %get3A_655 : vector<16xf32>
      %swap3A_3209 = arith.constant 14 : i32
      %swap3A_3210 = arith.index_cast %swap3A_3209 : i32 to index
      %swap3A_3211 = arith.constant 0 : index
      %swap3A_3212 = tpu.vector_load %arg15[%swap3A_3210, %swap3A_3211] {strides = array<i32>} : memref<16x64xf32, #tpu.memory_space<vmem>>, vector<1x16xf32>,
      %swap3A_3213 = vector.shape_cast %swap3A_3212 : vector<1x16xf32> to vector<16xf32>
      %swap3A_3214 = vector.shape_cast %add3A_3208 : vector<16xf32> to vector<1x16xf32>
      tpu.vector_store %arg15[%swap3A_3210, %swap3A_3211], %swap3A_3214 {strides = array<i32>} : memref<16x64xf32, #tpu.memory_space<vmem>>, vector<1x16xf32>,
      %get3A_3215 = arith.constant 14 : i32
      %get3A_3216 = arith.index_cast %rem3A_1347 : i32 to index
      %get3A_3217 = arith.index_cast %get3A_3215 : i32 to index
      %get3A_3218 = arith.index_cast %and3A_3188 : i32 to index
      %get3A_3219 = arith.constant 16 : index
      %get3A_3220 = tpu.vector_load %arg13[%get3A_3216, %get3A_3217, %get3A_3218, %get3A_3219] {strides = array<i32>} : memref<2x16x8x64xf32, #tpu.memory_space<vmem>>, vector<1x1x1x16xf32>,
      %get3A_3221 = vector.shape_cast %get3A_3220 : vector<1x1x1x16xf32> to vector<16xf32>
      %get3A_3222 = arith.constant 14 : i32
      %get3A_3223 = arith.index_cast %rem3A_1347 : i32 to index
      %get3A_3224 = arith.index_cast %get3A_3222 : i32 to index
      %get3A_3225 = arith.index_cast %and3A_3192 : i32 to index
      %get3A_3226 = arith.constant 16 : index
      %get3A_3227 = tpu.vector_load %arg14[%get3A_3223, %get3A_3224, %get3A_3225, %get3A_3226] {strides = array<i32>} : memref<2x16x8x64xf32, #tpu.memory_space<vmem>>, vector<1x1x1x16xf32>,
      %get3A_3228 = vector.shape_cast %get3A_3227 : vector<1x1x1x16xf32> to vector<16xf32>
      %add3A_3229 = arith.addf %get3A_3221, %get3A_3228 : vector<16xf32>
      %add3A_3230 = arith.addf %add3A_3229, %get3A_658 : vector<16xf32>
      %swap3A_3231 = arith.constant 14 : i32
      %swap3A_3232 = arith.index_cast %swap3A_3231 : i32 to index
      %swap3A_3233 = arith.constant 16 : index
      %swap3A_3234 = tpu.vector_load %arg15[%swap3A_3232, %swap3A_3233] {strides = array<i32>} : memref<16x64xf32, #tpu.memory_space<vmem>>, vector<1x16xf32>,
      %swap3A_3235 = vector.shape_cast %swap3A_3234 : vector<1x16xf32> to vector<16xf32>
      %swap3A_3236 = vector.shape_cast %add3A_3230 : vector<16xf32> to vector<1x16xf32>
      tpu.vector_store %arg15[%swap3A_3232, %swap3A_3233], %swap3A_3236 {strides = array<i32>} : memref<16x64xf32, #tpu.memory_space<vmem>>, vector<1x16xf32>,
      %get3A_3237 = arith.constant 14 : i32
      %get3A_3238 = arith.index_cast %rem3A_1347 : i32 to index
      %get3A_3239 = arith.index_cast %get3A_3237 : i32 to index
      %get3A_3240 = arith.index_cast %and3A_3188 : i32 to index
      %get3A_3241 = arith.constant 32 : index
      %get3A_3242 = tpu.vector_load %arg13[%get3A_3238, %get3A_3239, %get3A_3240, %get3A_3241] {strides = array<i32>} : memref<2x16x8x64xf32, #tpu.memory_space<vmem>>, vector<1x1x1x16xf32>,
      %get3A_3243 = vector.shape_cast %get3A_3242 : vector<1x1x1x16xf32> to vector<16xf32>
      %get3A_3244 = arith.constant 14 : i32
      %get3A_3245 = arith.index_cast %rem3A_1347 : i32 to index
      %get3A_3246 = arith.index_cast %get3A_3244 : i32 to index
      %get3A_3247 = arith.index_cast %and3A_3192 : i32 to index
      %get3A_3248 = arith.constant 32 : index
      %get3A_3249 = tpu.vector_load %arg14[%get3A_3245, %get3A_3246, %get3A_3247, %get3A_3248] {strides = array<i32>} : memref<2x16x8x64xf32, #tpu.memory_space<vmem>>, vector<1x1x1x16xf32>,
      %get3A_3250 = vector.shape_cast %get3A_3249 : vector<1x1x1x16xf32> to vector<16xf32>
      %add3A_3251 = arith.addf %get3A_3243, %get3A_3250 : vector<16xf32>
      %add3A_3252 = arith.addf %add3A_3251, %get3A_661 : vector<16xf32>
      %swap3A_3253 = arith.constant 14 : i32
      %swap3A_3254 = arith.index_cast %swap3A_3253 : i32 to index
      %swap3A_3255 = arith.constant 32 : index
      %swap3A_3256 = tpu.vector_load %arg15[%swap3A_3254, %swap3A_3255] {strides = array<i32>} : memref<16x64xf32, #tpu.memory_space<vmem>>, vector<1x16xf32>,
      %swap3A_3257 = vector.shape_cast %swap3A_3256 : vector<1x16xf32> to vector<16xf32>
      %swap3A_3258 = vector.shape_cast %add3A_3252 : vector<16xf32> to vector<1x16xf32>
      tpu.vector_store %arg15[%swap3A_3254, %swap3A_3255], %swap3A_3258 {strides = array<i32>} : memref<16x64xf32, #tpu.memory_space<vmem>>, vector<1x16xf32>,
      %get3A_3259 = arith.constant 14 : i32
      %get3A_3260 = arith.index_cast %rem3A_1347 : i32 to index
      %get3A_3261 = arith.index_cast %get3A_3259 : i32 to index
      %get3A_3262 = arith.index_cast %and3A_3188 : i32 to index
      %get3A_3263 = arith.constant 48 : index
      %get3A_3264 = tpu.vector_load %arg13[%get3A_3260, %get3A_3261, %get3A_3262, %get3A_3263] {strides = array<i32>} : memref<2x16x8x64xf32, #tpu.memory_space<vmem>>, vector<1x1x1x16xf32>,
      %get3A_3265 = vector.shape_cast %get3A_3264 : vector<1x1x1x16xf32> to vector<16xf32>
      %get3A_3266 = arith.constant 14 : i32
      %get3A_3267 = arith.index_cast %rem3A_1347 : i32 to index
      %get3A_3268 = arith.index_cast %get3A_3266 : i32 to index
      %get3A_3269 = arith.index_cast %and3A_3192 : i32 to index
      %get3A_3270 = arith.constant 48 : index
      %get3A_3271 = tpu.vector_load %arg14[%get3A_3267, %get3A_3268, %get3A_3269, %get3A_3270] {strides = array<i32>} : memref<2x16x8x64xf32, #tpu.memory_space<vmem>>, vector<1x1x1x16xf32>,
      %get3A_3272 = vector.shape_cast %get3A_3271 : vector<1x1x1x16xf32> to vector<16xf32>
      %add3A_3273 = arith.addf %get3A_3265, %get3A_3272 : vector<16xf32>
      %add3A_3274 = arith.addf %add3A_3273, %get3A_664 : vector<16xf32>
      %swap3A_3275 = arith.constant 14 : i32
      %swap3A_3276 = arith.index_cast %swap3A_3275 : i32 to index
      %swap3A_3277 = arith.constant 48 : index
      %swap3A_3278 = tpu.vector_load %arg15[%swap3A_3276, %swap3A_3277] {strides = array<i32>} : memref<16x64xf32, #tpu.memory_space<vmem>>, vector<1x16xf32>,
      %swap3A_3279 = vector.shape_cast %swap3A_3278 : vector<1x16xf32> to vector<16xf32>
      %swap3A_3280 = vector.shape_cast %add3A_3274 : vector<16xf32> to vector<1x16xf32>
      tpu.vector_store %arg15[%swap3A_3276, %swap3A_3277], %swap3A_3280 {strides = array<i32>} : memref<16x64xf32, #tpu.memory_space<vmem>>, vector<1x16xf32>,
      %slice3A_3281 = vector.extract_strided_slice %get3A_1836 {offsets = [15], sizes = [1], strides = [1]} : vector<16xi32> to vector<1xi32>
      %squeeze3A_3282 = vector.extract %slice3A_3281[0] : i32 from vector<1xi32>
      %and3A_3283 = arith.constant 7 : i32
      %and3A_3284 = arith.andi %squeeze3A_3282, %and3A_3283 : i32
      %slice3A_3285 = vector.extract_strided_slice %get3A_1841 {offsets = [15], sizes = [1], strides = [1]} : vector<16xi32> to vector<1xi32>
      %squeeze3A_3286 = vector.extract %slice3A_3285[0] : i32 from vector<1xi32>
      %and3A_3287 = arith.constant 7 : i32
      %and3A_3288 = arith.andi %squeeze3A_3286, %and3A_3287 : i32
      %get3A_3289 = arith.constant 15 : i32
      %get3A_3290 = arith.index_cast %rem3A_1347 : i32 to index
      %get3A_3291 = arith.index_cast %get3A_3289 : i32 to index
      %get3A_3292 = arith.index_cast %and3A_3284 : i32 to index
      %get3A_3293 = arith.constant 0 : index
      %get3A_3294 = tpu.vector_load %arg13[%get3A_3290, %get3A_3291, %get3A_3292, %get3A_3293] {strides = array<i32>} : memref<2x16x8x64xf32, #tpu.memory_space<vmem>>, vector<1x1x1x16xf32>,
      %get3A_3295 = vector.shape_cast %get3A_3294 : vector<1x1x1x16xf32> to vector<16xf32>
      %get3A_3296 = arith.constant 15 : i32
      %get3A_3297 = arith.index_cast %rem3A_1347 : i32 to index
      %get3A_3298 = arith.index_cast %get3A_3296 : i32 to index
      %get3A_3299 = arith.index_cast %and3A_3288 : i32 to index
      %get3A_3300 = arith.constant 0 : index
      %get3A_3301 = tpu.vector_load %arg14[%get3A_3297, %get3A_3298, %get3A_3299, %get3A_3300] {strides = array<i32>} : memref<2x16x8x64xf32, #tpu.memory_space<vmem>>, vector<1x1x1x16xf32>,
      %get3A_3302 = vector.shape_cast %get3A_3301 : vector<1x1x1x16xf32> to vector<16xf32>
      %add3A_3303 = arith.addf %get3A_3295, %get3A_3302 : vector<16xf32>
      %add3A_3304 = arith.addf %add3A_3303, %get3A_655 : vector<16xf32>
      %swap3A_3305 = arith.constant 15 : i32
      %swap3A_3306 = arith.index_cast %swap3A_3305 : i32 to index
      %swap3A_3307 = arith.constant 0 : index
      %swap3A_3308 = tpu.vector_load %arg15[%swap3A_3306, %swap3A_3307] {strides = array<i32>} : memref<16x64xf32, #tpu.memory_space<vmem>>, vector<1x16xf32>,
      %swap3A_3309 = vector.shape_cast %swap3A_3308 : vector<1x16xf32> to vector<16xf32>
      %swap3A_3310 = vector.shape_cast %add3A_3304 : vector<16xf32> to vector<1x16xf32>
      tpu.vector_store %arg15[%swap3A_3306, %swap3A_3307], %swap3A_3310 {strides = array<i32>} : memref<16x64xf32, #tpu.memory_space<vmem>>, vector<1x16xf32>,
      %get3A_3311 = arith.constant 15 : i32
      %get3A_3312 = arith.index_cast %rem3A_1347 : i32 to index
      %get3A_3313 = arith.index_cast %get3A_3311 : i32 to index
      %get3A_3314 = arith.index_cast %and3A_3284 : i32 to index
      %get3A_3315 = arith.constant 16 : index
      %get3A_3316 = tpu.vector_load %arg13[%get3A_3312, %get3A_3313, %get3A_3314, %get3A_3315] {strides = array<i32>} : memref<2x16x8x64xf32, #tpu.memory_space<vmem>>, vector<1x1x1x16xf32>,
      %get3A_3317 = vector.shape_cast %get3A_3316 : vector<1x1x1x16xf32> to vector<16xf32>
      %get3A_3318 = arith.constant 15 : i32
      %get3A_3319 = arith.index_cast %rem3A_1347 : i32 to index
      %get3A_3320 = arith.index_cast %get3A_3318 : i32 to index
      %get3A_3321 = arith.index_cast %and3A_3288 : i32 to index
      %get3A_3322 = arith.constant 16 : index
      %get3A_3323 = tpu.vector_load %arg14[%get3A_3319, %get3A_3320, %get3A_3321, %get3A_3322] {strides = array<i32>} : memref<2x16x8x64xf32, #tpu.memory_space<vmem>>, vector<1x1x1x16xf32>,
      %get3A_3324 = vector.shape_cast %get3A_3323 : vector<1x1x1x16xf32> to vector<16xf32>
      %add3A_3325 = arith.addf %get3A_3317, %get3A_3324 : vector<16xf32>
      %add3A_3326 = arith.addf %add3A_3325, %get3A_658 : vector<16xf32>
      %swap3A_3327 = arith.constant 15 : i32
      %swap3A_3328 = arith.index_cast %swap3A_3327 : i32 to index
      %swap3A_3329 = arith.constant 16 : index
      %swap3A_3330 = tpu.vector_load %arg15[%swap3A_3328, %swap3A_3329] {strides = array<i32>} : memref<16x64xf32, #tpu.memory_space<vmem>>, vector<1x16xf32>,
      %swap3A_3331 = vector.shape_cast %swap3A_3330 : vector<1x16xf32> to vector<16xf32>
      %swap3A_3332 = vector.shape_cast %add3A_3326 : vector<16xf32> to vector<1x16xf32>
      tpu.vector_store %arg15[%swap3A_3328, %swap3A_3329], %swap3A_3332 {strides = array<i32>} : memref<16x64xf32, #tpu.memory_space<vmem>>, vector<1x16xf32>,
      %get3A_3333 = arith.constant 15 : i32
      %get3A_3334 = arith.index_cast %rem3A_1347 : i32 to index
      %get3A_3335 = arith.index_cast %get3A_3333 : i32 to index
      %get3A_3336 = arith.index_cast %and3A_3284 : i32 to index
      %get3A_3337 = arith.constant 32 : index
      %get3A_3338 = tpu.vector_load %arg13[%get3A_3334, %get3A_3335, %get3A_3336, %get3A_3337] {strides = array<i32>} : memref<2x16x8x64xf32, #tpu.memory_space<vmem>>, vector<1x1x1x16xf32>,
      %get3A_3339 = vector.shape_cast %get3A_3338 : vector<1x1x1x16xf32> to vector<16xf32>
      %get3A_3340 = arith.constant 15 : i32
      %get3A_3341 = arith.index_cast %rem3A_1347 : i32 to index
      %get3A_3342 = arith.index_cast %get3A_3340 : i32 to index
      %get3A_3343 = arith.index_cast %and3A_3288 : i32 to index
      %get3A_3344 = arith.constant 32 : index
      %get3A_3345 = tpu.vector_load %arg14[%get3A_3341, %get3A_3342, %get3A_3343, %get3A_3344] {strides = array<i32>} : memref<2x16x8x64xf32, #tpu.memory_space<vmem>>, vector<1x1x1x16xf32>,
      %get3A_3346 = vector.shape_cast %get3A_3345 : vector<1x1x1x16xf32> to vector<16xf32>
      %add3A_3347 = arith.addf %get3A_3339, %get3A_3346 : vector<16xf32>
      %add3A_3348 = arith.addf %add3A_3347, %get3A_661 : vector<16xf32>
      %swap3A_3349 = arith.constant 15 : i32
      %swap3A_3350 = arith.index_cast %swap3A_3349 : i32 to index
      %swap3A_3351 = arith.constant 32 : index
      %swap3A_3352 = tpu.vector_load %arg15[%swap3A_3350, %swap3A_3351] {strides = array<i32>} : memref<16x64xf32, #tpu.memory_space<vmem>>, vector<1x16xf32>,
      %swap3A_3353 = vector.shape_cast %swap3A_3352 : vector<1x16xf32> to vector<16xf32>
      %swap3A_3354 = vector.shape_cast %add3A_3348 : vector<16xf32> to vector<1x16xf32>
      tpu.vector_store %arg15[%swap3A_3350, %swap3A_3351], %swap3A_3354 {strides = array<i32>} : memref<16x64xf32, #tpu.memory_space<vmem>>, vector<1x16xf32>,
      %get3A_3355 = arith.constant 15 : i32
      %get3A_3356 = arith.index_cast %rem3A_1347 : i32 to index
      %get3A_3357 = arith.index_cast %get3A_3355 : i32 to index
      %get3A_3358 = arith.index_cast %and3A_3284 : i32 to index
      %get3A_3359 = arith.constant 48 : index
      %get3A_3360 = tpu.vector_load %arg13[%get3A_3356, %get3A_3357, %get3A_3358, %get3A_3359] {strides = array<i32>} : memref<2x16x8x64xf32, #tpu.memory_space<vmem>>, vector<1x1x1x16xf32>,
      %get3A_3361 = vector.shape_cast %get3A_3360 : vector<1x1x1x16xf32> to vector<16xf32>
      %get3A_3362 = arith.constant 15 : i32
      %get3A_3363 = arith.index_cast %rem3A_1347 : i32 to index
      %get3A_3364 = arith.index_cast %get3A_3362 : i32 to index
      %get3A_3365 = arith.index_cast %and3A_3288 : i32 to index
      %get3A_3366 = arith.constant 48 : index
      %get3A_3367 = tpu.vector_load %arg14[%get3A_3363, %get3A_3364, %get3A_3365, %get3A_3366] {strides = array<i32>} : memref<2x16x8x64xf32, #tpu.memory_space<vmem>>, vector<1x1x1x16xf32>,
      %get3A_3368 = vector.shape_cast %get3A_3367 : vector<1x1x1x16xf32> to vector<16xf32>
      %add3A_3369 = arith.addf %get3A_3361, %get3A_3368 : vector<16xf32>
      %add3A_3370 = arith.addf %add3A_3369, %get3A_664 : vector<16xf32>
      %swap3A_3371 = arith.constant 15 : i32
      %swap3A_3372 = arith.index_cast %swap3A_3371 : i32 to index
      %swap3A_3373 = arith.constant 48 : index
      %swap3A_3374 = tpu.vector_load %arg15[%swap3A_3372, %swap3A_3373] {strides = array<i32>} : memref<16x64xf32, #tpu.memory_space<vmem>>, vector<1x16xf32>,
      %swap3A_3375 = vector.shape_cast %swap3A_3374 : vector<1x16xf32> to vector<16xf32>
      %swap3A_3376 = vector.shape_cast %add3A_3370 : vector<16xf32> to vector<1x16xf32>
      tpu.vector_store %arg15[%swap3A_3372, %swap3A_3373], %swap3A_3376 {strides = array<i32>} : memref<16x64xf32, #tpu.memory_space<vmem>>, vector<1x16xf32>,
      %mul3A_3377 = arith.constant 16 : i32
      %mul3A_3378 = arith.muli %scan3A_1345, %mul3A_3377 : i32
      %add3A_3379 = arith.addi %mul3A_2, %mul3A_3378 : i32
      "tpu.region"() ({
        %run_scoped3A = tpu.sem_alloc : memref<!tpu.dma_semaphore, #tpu.memory_space<semaphore_mem>>
        %dma_start3A_3381 = arith.constant 0 : i32
        %dma_start3A_3382 = tpu.memref_slice %arg8[%add3A_3379, %dma_start3A_3381] : memref<16384x64xf32, #tpu.memory_space<hbm>> -> memref<16x64xf32, #tpu.memory_space<hbm>>
        %dma_start3A_3383 = arith.constant 0 : i32
        %dma_start3A_3384 = tpu.memref_slice %arg8[%add3A_3379, %dma_start3A_3383] : memref<16384x64xf32, #tpu.memory_space<hbm>> -> memref<16x64xf32, #tpu.memory_space<hbm>>
        tpu.enqueue_dma source(%arg15 : memref<16x64xf32, #tpu.memory_space<vmem>>) target(%dma_start3A_3384 : memref<16x64xf32, #tpu.memory_space<hbm>>) target_semaphore(%run_scoped3A : memref<!tpu.dma_semaphore, #tpu.memory_space<semaphore_mem>>)
        %dma_wait3A_3385 = arith.constant 0 : i32
        %dma_wait3A_3386 = tpu.memref_slice %arg8[%add3A_3379, %dma_wait3A_3385] : memref<16384x64xf32, #tpu.memory_space<hbm>> -> memref<16x64xf32, #tpu.memory_space<hbm>>
        %dma_wait3A_3387 = arith.constant 0 : i32
        %dma_wait3A_3388 = tpu.memref_slice %arg8[%add3A_3379, %dma_wait3A_3387] : memref<16384x64xf32, #tpu.memory_space<hbm>> -> memref<16x64xf32, #tpu.memory_space<hbm>>
        tpu.wait_dma2 semaphore(%run_scoped3A : memref<!tpu.dma_semaphore, #tpu.memory_space<semaphore_mem>>) src(%arg15 : memref<16x64xf32, #tpu.memory_space<vmem>>) dst(%dma_wait3A_3388 : memref<16x64xf32, #tpu.memory_space<hbm>>)
        tpu.yield
      }) : () -> ()
      %scan3A_3380 = arith.constant 0 : i32
      scf.yield %scan3A_3380 : i32
    }
    %scan3A_1344 = arith.constant 32 : i32
    return
  }
}

</mosaic_0001>

<sc_bundles>
// kernel: _trans_rec.3.cloned.1.call-start
scs
__scs_entry_jumppad:
0x0: {  	(pc) =	sbr.rel $0x88, $3  }
0x1: {  	(tag) =	ssettag $0x0;
	lr =	simm.s32 $0x1  }
0x2: {  	[smem:$0x3F9B] =	sst lr;
	_ =	strace $0xD0000000  }
0x3: {  	_ = 	snop  }
0x4: {  	_ = 	snop  }
0x5: {  	_ = 	snop  }
0x6: {  	_ = 	snop  }
0x7: {  	_ = 	snop  }
__scs_overlays_trampoline_lowered:
0x8: {  	[smem:$0x3FAA] =	sst s0  }
0x9: {  	[smem:$0x3FAB] =	sst s1  }
0xa: {  	[smem:$0x3FAC] =	sst s2  }
0xb: {  	[smem:$0x3FAD] =	sst s3  }
0xc: {  	[smem:$0x3FAE] =	sst s4  }
0xd: {  	[smem:$0x3FAF] =	sst s5  }
0xe: {  	[smem:$0x3FB0] =	sst s6  }
0xf: {  	[smem:$0x3FB1] =	sst s7  }
0x10: {  	[smem:$0x3FB2] =	sst s8  }
0x11: {  	[smem:$0x3FB3] =	sst s9;
	s0 =	simm.s32 @!p0 $0x0  }
0x12: {  	s1 =	sld [smem:$0x3F99];
	s0 =	simm.s32 @p0 $0x1  }
0x13: {  	[smem:$0x3FB4] =	sst s0;
	s0 =	simm.s32 @!p1 $0x0  }
0x14: {  	s2 =	sld [smem:$0x3F98];
	s0 =	simm.s32 @p1 $0x1  }
0x15: {  	[smem:$0x3FB5] =	sst s0;
	s0 =	simm.s32 @!p2 $0x0  }
0x16: {  	s3 =	sld [smem:$0x3FDB];
	s0 =	simm.s32 @p2 $0x1  }
0x17: {  	s4 =	simm.s32 $0x1BF5;
	[smem:$0x3FB7] =	sst s0  }
0x18: {  	s0 =	sld [smem:$0x3F9A];
	_ =	swait.ge [sflag:s4], $0x0  }
0x19: {  	s7 =	sld [smem:$0x3F9B]  }
0x1a: {  	s8 =	sadd.s32 $0xFFFFE003, lr  }
0x1b: {  	s9 =	sadd.s32 $0xFFFFFEF7, lr;
	s5 =	simm.s32 $0xFFFFFFFF;
	p2 =	slt.u32 s8, $0xFFFFF086  }
0x1c: {  	p1 =	slt.u32 s9, $0xF7A;
	s5 =	simm.s32 @!p2 $0x0  }
0x1d: {  	s5 =	simm.s32 @p1 $0x1;
	p0 =	seq.s32 s7, s2  }
0x1e: {  	s7 =	smul.u32 @!p0 $0xF7A, s2;
	p2 =	seq.s32 @!p0 s5, $0x0  }
0x1f: {  	s9 =	smul.u32 $0xF7A, s1;
	s8 =	simm.s32 @!p0 $0x1BF5;
	p2 =	por !p2, p0  }
0x20: {  	[sflag:s8] =	ssyncset.s32 @!p0 $0xFFFFF086;
	s6 =	sadd.s32 @!p0 s3, s7;
	s7 =	simm.s32 @!p0 $0x108  }
0x21: {  	s3 =	sadd.s32 s3, s9;
	s6 =	sadd.s32 @!p0 $0x88, s6;
	s7 =	simm.s32 @p2 $0x1082  }
0x22: {  	[simem:s7], [sflag:s8] =	dma.local @!p0 [hbm:s6], $0xF7A  }
0x23: {  	s9 =	sor.u32 $0xD0000000, s2;
	s6 =	simm.s32 $0x108;
	_ =	swait.ge @!p0 [sflag:s8], $0x0  }
0x24: {  	s3 =	sadd.s32 $0x88, s3;
	s6 =	simm.s32 @!p1 $0x1082;
	[sflag:s4] =	ssyncset.s32 $0xFFFFF086  }
0x25: {  	[simem:s6], [sflag:s4] =	dma.local [hbm:s3], $0xF7A  }
0x26: {  	[smem:$0x3F9B] =	sst s1;
	(tag) =	ssettag s2;
	_ =	strace s9  }
0x27: {  	s1 =	sld [smem:$0x3FAB]  }
0x28: {  	s2 =	sld [smem:$0x3FAC]  }
0x29: {  	s4 =	sld [smem:$0x3FAE]  }
0x2a: {  	p0 =	seq.s32 s5, $0x0;
	s5 =	sld [smem:$0x3FAF]  }
0x2b: {  	s6 =	sld [smem:$0x3FB0]  }
0x2c: {  	s7 =	sld [smem:$0x3FB1]  }
0x2d: {  	s3 =	simm.s32 $0x108;
	s8 =	sld [smem:$0x3FB2]  }
0x2e: {  	s3 =	simm.s32 @!p0 $0x1082;
	s9 =	sld [smem:$0x3FB3]  }
0x2f: {  	lr =	sadd.s32 s0, s3;
	s0 =	sld [smem:$0x3FAA]  }
0x30: {  	s3 =	sld [smem:$0x3FAD]  }
0x31: {  	[smem:$0x3FB6] =	sst s10  }
0x32: {  	s10 =	sld [smem:$0x3FB4];
	_ =	sdelay $0x3  }
0x33: {  	p0 =	seq.s32 s10, $0x1;
	s10 =	sld [smem:$0x3FB6];
	_ =	sdelay $0x3  }
0x34: {  	[smem:$0x3FB6] =	sst s10  }
0x35: {  	s10 =	sld [smem:$0x3FB5];
	_ =	sdelay $0x3  }
0x36: {  	p1 =	seq.s32 s10, $0x1;
	s10 =	sld [smem:$0x3FB6];
	_ =	sdelay $0x3  }
0x37: {  	[smem:$0x3FB6] =	sst s10  }
0x38: {  	s10 =	sld [smem:$0x3FB7]  }
0x39: {  	_ = 	snop;
	(pc) =	sbr.ind lr, $3  }
0x3a: {  	_ = 	snop  }
0x3b: {  	_ = 	snop  }
0x3c: {  	p2 =	seq.s32 s10, $0x1;
	s10 =	sld [smem:$0x3FB6]  }
0x3d: {  	_ =	shalt  }
0x3e: {  	_ =	shalt  }
0x3f: {  	_ =	shalt  }
0x40: {  	_ =	shalt  }
0x41: {  	_ =	shalt  }
0x42: {  	_ =	shalt  }
0x43: {  	_ =	shalt  }
0x44: {  	_ =	shalt  }
0x45: {  	_ =	shalt  }
0x46: {  	_ =	shalt  }
0x47: {  	_ =	shalt  }
0x48: {  	_ =	shalt  }
0x49: {  	_ =	shalt  }
0x4a: {  	_ =	shalt  }
0x4b: {  	_ =	shalt  }
0x4c: {  	_ =	shalt  }
0x4d: {  	_ =	shalt  }
0x4e: {  	_ =	shalt  }
0x4f: {  	_ =	shalt  }
0x50: {  	_ =	shalt  }
0x51: {  	_ =	shalt  }
0x52: {  	_ =	shalt  }
0x53: {  	_ =	shalt  }
0x54: {  	_ =	shalt  }
0x55: {  	_ =	shalt  }
0x56: {  	_ =	shalt  }
0x57: {  	_ =	shalt  }
0x58: {  	_ =	shalt  }
0x59: {  	_ =	shalt  }
0x5a: {  	_ =	shalt  }
0x5b: {  	_ =	shalt  }
0x5c: {  	_ =	shalt  }
0x5d: {  	_ =	shalt  }
0x5e: {  	_ =	shalt  }
0x5f: {  	_ =	shalt  }
0x60: {  	_ =	shalt  }
0x61: {  	_ =	shalt  }
0x62: {  	_ =	shalt  }
0x63: {  	_ =	shalt  }
0x64: {  	_ =	shalt  }
0x65: {  	_ =	shalt  }
0x66: {  	_ =	shalt  }
0x67: {  	_ =	shalt  }
0x68: {  	_ =	shalt  }
0x69: {  	_ =	shalt  }
0x6a: {  	_ =	shalt  }
0x6b: {  	_ =	shalt  }
0x6c: {  	_ =	shalt  }
0x6d: {  	_ =	shalt  }
0x6e: {  	_ =	shalt  }
0x6f: {  	_ =	shalt  }
0x70: {  	_ =	shalt  }
0x71: {  	_ =	shalt  }
0x72: {  	_ =	shalt  }
0x73: {  	_ =	shalt  }
0x74: {  	_ =	shalt  }
0x75: {  	_ =	shalt  }
0x76: {  	_ =	shalt  }
0x77: {  	_ =	shalt  }
0x78: {  	_ =	shalt  }
0x79: {  	_ =	shalt  }
0x7a: {  	_ =	shalt  }
0x7b: {  	_ =	shalt  }
0x7c: {  	_ =	shalt  }
0x7d: {  	_ =	shalt  }
0x7e: {  	_ =	shalt  }
0x7f: {  	_ =	shalt  }
0x80: {  	_ =	shalt  }
0x81: {  	_ =	shalt  }
0x82: {  	_ =	shalt  }
0x83: {  	_ =	shalt  }
0x84: {  	_ =	shalt  }
0x85: {  	_ =	shalt  }
0x86: {  	_ =	shalt  }
0x87: {  	_ =	shalt  }
.Lfunc_end0:
.L_simem_size_0:
called_computation_lowered:
.L_overlay_start_0:
0x88: {  	s2 =	sld [smem:$0x3FD9]  }
0x89: {  	s3 =	sld [smem:$0x3FFE];
	_ =	sdelay $0x1  }
0x8a: {  	s1 =	srdreg.scid  }
0x8b: {  	s0 =	sand.u32 $0x1, s1  }
0x8c: {  	s17 =	sshll.u32 s0, $0xA;
	s2 =	sadd.s32 s3, s2  }
0x8d: {  	s2 =	sadd.s32 s2, s17  }
0x8e: {  	[smem:$0x3FC2] =	sst s2  }
0x8f: {  	_ = 	snop  }
0x90: {  	s2 =	sld [smem:$0x3FC9]  }
0x91: {  	s18 =	sld [smem:$0x3FC8]  }
0x92: {  	s4 =	sld [smem:$0x3FC7]  }
0x93: {  	s5 =	sld [smem:$0x3FC4];
	(tm) =	ssettm $0x1  }
0x94: {  	s6 =	sld [smem:$0x3FFB];
	_ =	sdelay $0x3  }
0x95: {  	_ =	strace s6  }
0x96: {  	s6 =	sld [smem:$0x3FFC];
	_ =	sdelay $0x3  }
0x97: {  	_ =	strace s6  }
0x98: {  	s6 =	sld [smem:$0x3FFD];
	_ =	sdelay $0x3  }
0x99: {  	_ =	strace s6  }
0x9a: {  	_ =	strace $0x8FFFFFFF  }
0x9b: {  	s19 =	sld [smem:$0x3FDB];
	_ =	sdelay $0x1  }
0x9c: {  	s7 =	simm.s32 $_scs_section_size  }
0x9d: {  	s8 =	simm.s32 $_size__tile_overlayer_lowered;
	s9 =	simm.s32 $_tile_overlayer_lowered  }
0x9e: {  	s22 =	simm.s32 $0x1BFF;
	s21 =	sshll.u32 s9, $0x1;
	s6 =	sadd.s32 s7, s19  }
0x9f: {  	s10 =	simm.s32 $0x0;
	s20 =	sshll.u32 s8, $0x1;
	s8 =	sadd.s32 s21, s6  }
0xa0: {  	[timem:s10], [sflag:s22] =	dma.local [hbm:s8], s20  }
0xa1: {  	_ =	swait.ge [sflag:s22], s20  }
0xa2: {  	s7 =	ssub.s32 $0x0, s20;
	[sflag:s22] =	ssyncset.done $0x0  }
0xa3: {  	[sflag:s22] =	ssyncadd.s32 s7;
	_ =	sdelay $0x1  }
0xa4: {  	s23 =	simm.s32 $0x1B8B  }
0xa5: {  	_ =	swait.ge [sflag:s23], $0x1  }
0xa6: {  	[sflag:s23] =	ssyncset.done $0x0  }
0xa7: {  	s25 =	simm.s32 $0x1B8E;
	s24 =	sld [smem:$0x3FFE];
	[sflag:s23] =	ssyncadd.s32 $0xFFFFFFFF  }
0xa8: {  	s26 =	simm.s32 $execute0_lowered;
	[smem:$0x3FD2] =	sst s25  }
0xa9: {  	s8 =	sshll.u32 s26, $0x1;
	_ =	strace $0x80000046;
	[dreg:$0x1] =	wrdreg $0xFFFFFFFF  }
0xaa: {  	s28 =	simm.s32 $_size_execute0_lowered;
	s6 =	sadd.s32 s6, s8;
	[dreg:$0x0] =	wrdreg $0x0  }
0xab: {  	s8 =	sshll.u32 s28, $0x1;
	[dreg:$0x2] =	wrdreg s6  }
0xac: {  	[dreg:$0x3] =	wrdreg s8  }
0xad: {  	[dreg:$0x4] =	wrdreg $0xC0  }
0xae: {  	_ =	task [dreg:s10], $0x5FFFF  }
0xaf: {  	[dreg:$0x1] =	wrdreg $0xFFFFFFFF  }
0xb0: {  	[dreg:$0x0] =	wrdreg $0x60  }
0xb1: {  	[dreg:$0x2] =	wrdreg s2  }
0xb2: {  	[dreg:$0x3] =	wrdreg s18  }
0xb3: {  	[dreg:$0x4] =	wrdreg s4  }
0xb4: {  	[dreg:$0x5] =	wrdreg s24  }
0xb5: {  	[dreg:$0x6] =	wrdreg s5  }
0xb6: {  	[dreg:$0x7] =	wrdreg $0x9  }
0xb7: {  	_ =	task.clear_ibuf [dreg:s10], $0x8FFFF;
	_ =	strace $0x90000046  }
0xb8: {  	s29 =	simm.s32 $0x9;
	_ =	strace $0x80000048  }
0xb9: {  	_ =	swait.ge [sflag:s29], $0x1  }
0xba: {  	[sflag:s29] =	ssyncadd.s32 $0xFFFFFFFF  }
0xbb: {  	_ =	strace $0x90000048  }
0xbc: {  	_ =	sfence  }
0xbd: {  	s30 =	sld [smem:$0x0];
	_ =	sdelay $0x2  }
0xbe: {  	s31 =	sshll.u32 s1, $0xD;
	s1 =	sshrl.u32 s1, $0x2  }
0xbf: {  	s3 =	sand.u32 $0x4000, s31;
	s1 =	sadd.s32 s1, s30  }
0xc0: {  	s0 =	sor.u32 s3, s0;
	s1 =	sshll.u32 s1, $0x11  }
0xc1: {  	s0 =	sor.u32 s1, s0  }
0xc2: {  	s0 =	sadd.s32 $0x8F2B, s0  }
0xc3: {  	[sflag:s0] =	ssyncadd.remote.s32 $0x1  }
0xc4: {  	_ =	sfence.sel $0xFFFF  }
0xc5: {  	[dreg:$0x0] =	wrdreg $0xFFFFFFFF;
	(pc) =	sbr.abs _section_cstart, $3  }
0xc6: {  	[dreg:$0x1] =	wrdreg $0xFFFFFFFF  }
0xc7: {  	_ =	task.clear_ibuf [dreg:s10], $0x2FFFF;
	_ =	strace $0x9FFFFFFF  }
0xc8: {  	(tm) =	ssettm $0x7FFFFFFF  }
0xc9: {  	_ =	shalt  }
tec
execute0_lowered:
.L_overlay_start_1:
0x0: {  	(tag) =	ssettag $0x1  }
0x1: {  	s0 =	srdreg.scid  }
0x2: {  	s9 =	stileid.u32;
	s2 =	sand.u32 $0x1, s0  }
0x3: {  	v1 =	vlaneseq.u32;
	s6 =	sshll.u32 s9, $0xA;
	s1 =	sshll.u32 s2, $0x9  }
0x4: {  	v1 =	vmul.u32 $0x32, v1;
	s0 =	sor.u32 s1, s6  }
0x5: {  	v0 =	vmov s0  }
0x6: {  	v31 =	vadd.s32 $0xFFFFFFFF, v1;
	s1 =	sor.u32 $0x10, s0;
	s7 =	sor.u32 $0x20, s0;
	s3 =	sor.u32 $0x40, s0;
	v0 =	vmul.u32 $0x32, v0  }
0x7: {  	s10 =	sor.u32 $0x50, s0;
	s11 =	sor.u32 $0x60, s0;
	s12 =	sor.u32 $0x70, s0;
	v2 =	vmov s1;
	v3 =	vmov s7;
	v4 =	vmov s3  }
0x8: {  	s13 =	sor.u32 $0x80, s0;
	s4 =	sor.u32 $0x90, s0;
	s5 =	sor.u32 $0xA0, s0;
	v5 =	vmov s10;
	v6 =	vmov s11;
	v7 =	vmov s12  }
0x9: {  	s15 =	sor.u32 $0xB0, s0;
	s16 =	sor.u32 $0xC0, s0;
	s6 =	sor.u32 $0xD0, s0;
	v8 =	vmov s13;
	v9 =	vmov s4;
	v10 =	vmov s5  }
0xa: {  	s17 =	sor.u32 $0xE0, s0;
	s19 =	sor.u32 $0x110, s0;
	s20 =	sor.u32 $0x120, s0;
	v11 =	vmov s15;
	v12 =	vmov s16;
	v13 =	vmov s6  }
0xb: {  	s21 =	sor.u32 $0x130, s0;
	s22 =	sor.u32 $0x140, s0;
	s23 =	sor.u32 $0x150, s0;
	v14 =	vmov s17;
	v17 =	vmov s19;
	v18 =	vmov s20  }
0xc: {  	s24 =	sor.u32 $0x180, s0;
	s25 =	sor.u32 $0x190, s0;
	s26 =	sor.u32 $0x1B0, s0;
	v19 =	vmov s21;
	v20 =	vmov s22;
	v21 =	vmov s23  }
0xd: {  	v24 =	vmov s24;
	v25 =	vmov s25;
	v27 =	vmov s26  }
0xe: {  	v2 =	vmul.u32 $0x32, v2;
	v3 =	vmul.u32 $0x32, v3;
	v4 =	vmul.u32 $0x32, v4  }
0xf: {  	v5 =	vmul.u32 $0x32, v5;
	v6 =	vmul.u32 $0x32, v6;
	v7 =	vmul.u32 $0x32, v7  }
0x10: {  	v8 =	vmul.u32 $0x32, v8;
	v9 =	vmul.u32 $0x32, v9;
	v10 =	vmul.u32 $0x32, v10  }
0x11: {  	s10 =	sor.u32 $0xF0, s0;
	s11 =	sor.u32 $0x100, s0;
	v11 =	vmul.u32 $0x32, v11;
	v12 =	vmul.u32 $0x32, v12;
	v13 =	vmul.u32 $0x32, v13  }
0x12: {  	v14 =	vmul.u32 $0x32, v14;
	v15 =	vmov s10;
	v16 =	vmov s11  }
0x13: {  	s14 =	rddreg [dreg:$0x0];
	s15 =	sor.u32 $0x170, s0;
	v17 =	vmul.u32 $0x32, v17;
	v18 =	vmul.u32 $0x32, v18;
	v19 =	vmul.u32 $0x32, v19  }
0x14: {  	s16 =	sor.u32 $0x1A0, s0;
	s17 =	sor.u32 $0x1C0, s0;
	s19 =	sor.u32 $0x1E0, s0;
	v20 =	vmul.u32 $0x32, v20;
	v21 =	vmul.u32 $0x32, v21;
	v23 =	vmov s15  }
0x15: {  	s9 =	sshll.u32 s9, $0xE;
	s18 =	ssub.s32 $0x2, s2;
	s7 =	rddreg [dreg:$0x3];
	v26 =	vmov s16;
	v28 =	vmov s17;
	v30 =	vmov s19  }
0x16: {  	s13 =	sshrl.u32 s0, $0x3;
	s5 =	sadd.s32 $0x400, s7;
	s6 =	sadd.s32 $0xF42800, s7;
	v24 =	vmul.u32 $0x32, v24;
	v25 =	vmul.u32 $0x32, v25;
	v27 =	vmul.u32 $0x32, v27  }
0x17: {  	s9 =	sadd.s32 s9, s7;
	s7 =	sadd.s32 s14, s13;
	s14 =	sor.u32 $0x160, s0;
	v0 =	vbroadcast v0, $0x0;
	v15 =	vmul.u32 $0x32, v15;
	v16 =	vmul.u32 $0x32, v16  }
0x18: {  	s12 =	sshrl.u32 s18, $0x1;
	v22 =	vmov s14;
	v1 =	vbroadcast v2, $0x0;
	v2 =	vbroadcast v3, $0x0  }
0x19: {  	s11 =	ssub.s32 s18, s12;
	s18 =	sor.u32 $0x1D0, s0;
	v23 =	vmul.u32 $0x32, v23;
	v4 =	vbroadcast v4, $0x0;
	v5 =	vbroadcast v5, $0x0  }
0x1a: {  	s8 =	sor.u32 $0x30, s0;
	s0 =	sor.u32 $0x1F0, s0;
	v29 =	vmov s18;
	v6 =	vbroadcast v6, $0x0;
	v7 =	vbroadcast v7, $0x0  }
0x1b: {  	v32 =	vmov s0;
	v8 =	vbroadcast v8, $0x0;
	v9 =	vbroadcast v9, $0x0  }
0x1c: {  	v26 =	vmul.u32 $0x32, v26;
	v10 =	vbroadcast v10, $0x0;
	v11 =	vbroadcast v11, $0x0  }
0x1d: {  	v28 =	vmul.u32 $0x32, v28;
	v12 =	vbroadcast v12, $0x0;
	v13 =	vbroadcast v13, $0x0  }
0x1e: {  	v30 =	vmul.u32 $0x32, v30;
	v14 =	vbroadcast v14, $0x0;
	v17 =	vbroadcast v17, $0x0  }
0x1f: {  	v3 =	vmov s8;
	v18 =	vbroadcast v18, $0x0;
	v19 =	vbroadcast v19, $0x0  }
0x20: {  	v20 =	vbroadcast v20, $0x0;
	v22 =	vmul.u32 $0x32, v22;
	v21 =	vbroadcast v21, $0x0  }
0x21: {  	v24 =	vbroadcast v24, $0x0;
	v25 =	vbroadcast v25, $0x0;
	v29 =	vmul.u32 $0x32, v29  }
0x22: {  	v27 =	vbroadcast v27, $0x0;
	v32 =	vmul.u32 $0x32, v32;
	v15 =	vbroadcast v15, $0x0  }
0x23: {  	v3 =	vmul.u32 $0x32, v3;
	v16 =	vbroadcast v16, $0x0;
	v23 =	vbroadcast v23, $0x0  }
0x24: {  	v0 =	vadd.s32 v31, v0;
	v26 =	vbroadcast v26, $0x0;
	v28 =	vbroadcast v28, $0x0  }
0x25: {  	v30 =	vbroadcast v30, $0x0;
	v1 =	vadd.s32 v31, v1;
	v2 =	vadd.s32 v31, v2  }
0x26: {  	v4 =	vadd.s32 v31, v4;
	v5 =	vadd.s32 v31, v5;
	v6 =	vadd.s32 v31, v6  }
0x27: {  	v7 =	vadd.s32 v31, v7;
	v8 =	vadd.s32 v31, v8;
	v9 =	vadd.s32 v31, v9  }
0x28: {  	s28 =	simm.s32 $0xB400;
	s29 =	simm.s32 $0x3800;
	v10 =	vadd.s32 v31, v10;
	v11 =	vadd.s32 v31, v11;
	v12 =	vadd.s32 v31, v12  }
0x29: {  	s30 =	simm.s32 $0xB800;
	s31 =	simm.s32 $0x3C00;
	s2 =	sshll.u32 s2, $0xD;
	v13 =	vadd.s32 v31, v13;
	v14 =	vadd.s32 v31, v14;
	v17 =	vadd.s32 v31, v17  }
0x2a: {  	s1 =	rddreg [dreg:$0x1];
	s4 =	simm.s32 $0x0;
	s23 =	simm.s32 $0x1;
	v18 =	vadd.s32 v31, v18;
	v19 =	vadd.s32 v31, v19;
	v20 =	vadd.s32 v31, v20  }
0x2b: {  	s3 =	simm.s32 $0xC000;
	[smem:$0x7FF] =	sst s4;
	s12 =	simm.s32 $0x4400;
	v22 =	vbroadcast v22, $0x0;
	v21 =	vadd.s32 v31, v21;
	v24 =	vadd.s32 v31, v24  }
.Ltmp0:
0x2c: {  	s15 =	simm.s32 $0x2;
	s16 =	simm.s32 $0x10800;
	v29 =	vbroadcast v29, $0x0;
	v25 =	vadd.s32 v31, v25;
	v32 =	vbroadcast v32, $0x0;
	(pc) =	sbr.rel .LBB2_1-.Ltmp0, $4  }
0x2d: {  	s17 =	simm.s32 $0x0;
	s2 =	sadd.s32 s2, s9;
	s9 =	smax.u32 s11, $0x1;
	v27 =	vadd.s32 v31, v27;
	v3 =	vbroadcast v3, $0x0;
	v15 =	vadd.s32 v31, v15  }
0x2e: {  	s11 =	simm.s32 $0x3;
	s14 =	simm.s32 $0x80;
	s0 =	simm.s32 $0x4000;
	v16 =	vadd.s32 v31, v16;
	v23 =	vadd.s32 v31, v23;
	v26 =	vadd.s32 v31, v26  }
0x2f: {  	s8 =	rddreg [dreg:$0x2];
	_ =	strace $0x80000047;
	s20 =	sadd.s32 $0x1E84C00, s2;
	v28 =	vadd.s32 v31, v28;
	v30 =	vadd.s32 v31, v30;
	v22 =	vadd.s32 v31, v22  }
0x30: {  	s2 =	simm.s32 $0xBC00;
	s8 =	sadd.s32 s8, s13;
	s13 =	simm.s32 $0xC400;
	v29 =	vadd.s32 v31, v29;
	v3 =	vadd.s32 v31, v3;
	v31 =	vadd.s32 v31, v32  }
.LBB2_5:
0x31: {  	s17 =	sadd.s32 $0x1, s17  }
0x32: {  	p0 =	sne.s32 s17, s9  }
.Ltmp1:
0x33: {  	_ = 	snop;
	(pc) =	sbr.rel @!p0 .LBB2_6-.Ltmp1, $1  }
0x34: {  	_ =	sdelay $0x3  }
.LBB2_1:
0x35: {  	[tilespmem:s4], [sflag:$0x3] =	stream.linear.gather [hbm4b:s7+s4], $0x200, $0x38;
	[tilespmem:$0x11080] =	vst v63  }
0x36: {  	_ =	swait.ge [sflag:s11], $0x200  }
0x37: {  	[sflag:s11] =	ssyncset.done $0x0  }
0x38: {  	s10 =	simm.s32 $0x200;
	[sflag:s11] =	ssyncadd.s32 $0xFFFFFE00  }
0x39: {  	[tilespmem:s10], [sflag:$0x3] =	stream.linear.gather [hbm4b:s8+s4], $0x200, $0x38;
	[tilespmem:$0x11080] =	vst v63  }
0x3a: {  	_ =	swait.ge [sflag:s11], $0x200  }
0x3b: {  	[sflag:s11] =	ssyncset.done $0x0  }
0x3c: {  	[sflag:s11] =	ssyncadd.s32 $0xFFFFFE00  }
0x3d: {  	s18 =	simm.s32 $0x11000;
	s26 =	rddreg [dreg:$0x4]  }
0x3e: {  	[tilespmem:s18], [sflag:$0x3] =	stream.linear.gather [hbm4b:s26+s4], $0x80, $0x38;
	[tilespmem:$0x11080] =	vst v63  }
0x3f: {  	_ =	swait.ge [sflag:s11], $0x80  }
0x40: {  	[sflag:s11] =	ssyncset.done $0x0  }
0x41: {  	[sflag:s11] =	ssyncadd.s32 $0xFFFFFF80  }
0x42: {  	v32 =	vld [tilespmem:$0x200]  }
0x43: {  	v33 =	vld [tilespmem:$0x210]  }
0x44: {  	v34 =	vld [tilespmem:$0x220]  }
0x45: {  	v35 =	vld [tilespmem:$0x230]  }
0x46: {  	v36 =	vld [tilespmem:$0x240]  }
0x47: {  	v37 =	vld [tilespmem:$0x250];
	v32 =	vadd.s32 v32, v0  }
0x48: {  	v53 =	vld [tilespmem:$0x260];
	v52 =	vadd.s32 v33, v1;
	[tilespmem:$0x400] =	vst v32  }
0x49: {  	v55 =	vld [tilespmem:$0x270];
	v54 =	vadd.s32 v34, v2;
	[tilespmem:$0x410] =	vst v52  }
0x4a: {  	v57 =	vld [tilespmem:$0x280];
	v56 =	vadd.s32 v35, v3;
	[tilespmem:$0x420] =	vst v54  }
0x4b: {  	v59 =	vld [tilespmem:$0x290];
	v58 =	vadd.s32 v36, v4;
	[tilespmem:$0x430] =	vst v56  }
0x4c: {  	v61 =	vld [tilespmem:$0x2A0];
	v60 =	vadd.s32 v37, v5;
	[tilespmem:$0x440] =	vst v58  }
0x4d: {  	v63 =	vld [tilespmem:$0x2B0];
	v62 =	vadd.s32 v53, v6;
	[tilespmem:$0x450] =	vst v60  }
0x4e: {  	v40 =	vld [tilespmem:$0x2C0];
	v39 =	vadd.s32 v55, v7;
	[tilespmem:$0x460] =	vst v62  }
0x4f: {  	v42 =	vld [tilespmem:$0x2D0];
	v41 =	vadd.s32 v57, v8;
	[tilespmem:$0x470] =	vst v39  }
0x50: {  	v44 =	vld [tilespmem:$0x2E0];
	v43 =	vadd.s32 v59, v9;
	[tilespmem:$0x480] =	vst v41  }
0x51: {  	v46 =	vld [tilespmem:$0x2F0];
	v45 =	vadd.s32 v61, v10;
	[tilespmem:$0x490] =	vst v43  }
0x52: {  	v48 =	vld [tilespmem:$0x300];
	v47 =	vadd.s32 v63, v11;
	[tilespmem:$0x4A0] =	vst v45  }
0x53: {  	v50 =	vld [tilespmem:$0x310];
	v49 =	vadd.s32 v40, v12;
	[tilespmem:$0x4B0] =	vst v47  }
0x54: {  	v51 =	vadd.s32 v42, v13;
	v40 =	vld [tilespmem:$0x380];
	[tilespmem:$0x4C0] =	vst v49  }
0x55: {  	v53 =	vadd.s32 v44, v14;
	v42 =	vld [tilespmem:$0x390];
	[tilespmem:$0x4D0] =	vst v51  }
0x56: {  	v55 =	vadd.s32 v46, v15;
	v44 =	vld [tilespmem:$0x3A0];
	[tilespmem:$0x4E0] =	vst v53  }
0x57: {  	v57 =	vadd.s32 v48, v16;
	v46 =	vld [tilespmem:$0x3B0];
	[tilespmem:$0x4F0] =	vst v55  }
0x58: {  	v59 =	vadd.s32 v50, v17;
	v50 =	vld [tilespmem:$0x3D0];
	[tilespmem:$0x500] =	vst v57  }
0x59: {  	v52 =	vld [tilespmem:$0x320];
	[tilespmem:$0x510] =	vst v59;
	v49 =	vadd.s32 v40, v24  }
0x5a: {  	v54 =	vld [tilespmem:$0x330];
	v51 =	vadd.s32 v42, v25;
	[tilespmem:$0x580] =	vst v49  }
0x5b: {  	v56 =	vld [tilespmem:$0x340];
	v53 =	vadd.s32 v44, v26;
	[tilespmem:$0x590] =	vst v51  }
0x5c: {  	v58 =	vld [tilespmem:$0x350];
	v55 =	vadd.s32 v46, v27;
	[tilespmem:$0x5A0] =	vst v53  }
0x5d: {  	v60 =	vld [tilespmem:$0x360];
	v57 =	vadd.s32 v50, v29;
	[tilespmem:$0x5B0] =	vst v55  }
0x5e: {  	v62 =	vld [tilespmem:$0x370];
	v61 =	vadd.s32 v52, v18;
	[tilespmem:$0x5D0] =	vst v57  }
0x5f: {  	v48 =	vld [tilespmem:$0x3C0];
	v63 =	vadd.s32 v54, v19;
	[tilespmem:$0x520] =	vst v61  }
0x60: {  	v41 =	vadd.s32 v56, v20;
	v52 =	vld [tilespmem:$0x3E0];
	[tilespmem:$0x530] =	vst v63  }
0x61: {  	v43 =	vadd.s32 v58, v21;
	v54 =	vld [tilespmem:$0x3F0];
	[tilespmem:$0x540] =	vst v41  }
0x62: {  	v45 =	vadd.s32 v60, v22;
	[tilespmem:$0x550] =	vst v43  }
0x63: {  	v47 =	vadd.s32 v62, v23;
	[tilespmem:$0x560] =	vst v45  }
0x64: {  	v56 =	vadd.s32 v48, v28;
	[tilespmem:$0x570] =	vst v47  }
0x65: {  	[tilespmem:$0x5C0] =	vst v56;
	v58 =	vadd.s32 v52, v30  }
0x66: {  	v59 =	vadd.s32 v54, v31;
	[tilespmem:$0x5E0] =	vst v58  }
0x67: {  	s19 =	simm.s32 $0x400;
	s21 =	simm.s32 $0x600;
	[tilespmem:$0x5F0] =	vst v59  }
0x68: {  	[tilespmem:s21], [sflag:$0x1] =	stream.indirect.gather [hbm4b:s1+s14], $0x1, s19, s14, $0xb8;
	[tilespmem:$0x11080] =	vst v63  }
0x69: {  	s22 =	simm.s32 $0x480;
	s24 =	simm.s32 $0x680  }
0x6a: {  	[tilespmem:s24], [sflag:$0x1] =	stream.indirect.gather [hbm4b:s1+s14], $0x1, s22, s14, $0xb8;
	[tilespmem:$0x11080] =	vst v63  }
0x6b: {  	s25 =	simm.s32 $0x500;
	s26 =	simm.s32 $0x700  }
0x6c: {  	[tilespmem:s26], [sflag:$0x1] =	stream.indirect.gather [hbm4b:s1+s14], $0x1, s25, s14, $0xb8;
	[tilespmem:$0x11080] =	vst v63  }
0x6d: {  	s19 =	simm.s32 $0x580;
	s21 =	simm.s32 $0x780  }
0x6e: {  	[tilespmem:s21], [sflag:$0x1] =	stream.indirect.gather [hbm4b:s1+s14], $0x1, s19, s14, $0xb8;
	[tilespmem:$0x11080] =	vst v63  }
0x6f: {  	_ =	swait.ge [sflag:s23], $0x80  }
0x70: {  	[sflag:s23] =	ssyncset.done $0x0  }
0x71: {  	[sflag:s23] =	ssyncadd.s32 $0xFFFFFF80  }
0x72: {  	_ =	swait.ge [sflag:s23], $0x80  }
0x73: {  	[sflag:s23] =	ssyncset.done $0x0  }
0x74: {  	[sflag:s23] =	ssyncadd.s32 $0xFFFFFF80  }
0x75: {  	_ =	swait.ge [sflag:s23], $0x80  }
0x76: {  	[sflag:s23] =	ssyncset.done $0x0  }
0x77: {  	[sflag:s23] =	ssyncadd.s32 $0xFFFFFF80  }
0x78: {  	_ =	swait.ge [sflag:s23], $0x80  }
0x79: {  	[sflag:s23] =	ssyncset.done $0x0  }
0x7a: {  	[sflag:s23] =	ssyncadd.s32 $0xFFFFFF80  }
0x7b: {  	v60 =	vld [tilespmem:$0x0]  }
0x7c: {  	v61 =	vld [tilespmem:$0x600];
	_ =	sdelay $0x3  }
0x7d: {  	v62 =	vshll.u32 v60, $0x4  }
0x7e: {  	v63 =	vshll.u32 v61, $0x4;
	(v2sf) =	vpush v62, $0x0  }
0x7f: {  	(v2sf) =	vpush v63, $0x0;
	_ =	sdelay $0x6  }
0x80: {  	(v2sf) =	vpush v62, $0x1  }
0x81: {  	(v2sf) =	vpush v63, $0x1;
	_ =	sdelay $0x5  }
0x82: {  	s22 =	spop (v2sf);
	(v2sf) =	vpush v62, $0x2  }
0x83: {  	s25 =	spop (v2sf);
	(v2sf) =	vpush v63, $0x2;
	_ =	sdelay $0x5  }
0x84: {  	(v2sf) =	vpush v62, $0x3  }
0x85: {  	v32 =	vld [tilespmem:$0x11000];
	s19 =	spop (v2sf)  }
0x86: {  	v33 =	vld [tilespmem:$0x11010];
	s10 =	sand.u32 $0xFFFFF80, s22;
	s22 =	spop (v2sf);
	(v2sf) =	vpush v63, $0x3  }
0x87: {  	s24 =	simm.s32 $0x800;
	v34 =	vld [tilespmem:$0x11020];
	s10 =	sadd.s32 s5, s10  }
0x88: {  	v35 =	vld [tilespmem:$0x11030];
	[tilespmem:s24], [sflag:$0x2] =	stream.linear.gather [hbm4b:s10+s4], $0x400, $0x38  }
0x89: {  	s10 =	sand.u32 $0xFFFFF80, s25  }
0x8a: {  	s26 =	simm.s32 $0x8800;
	s10 =	sadd.s32 s6, s10  }
0x8b: {  	[tilespmem:s26], [sflag:$0x2] =	stream.linear.gather [hbm4b:s10+s4], $0x400, $0x38;
	[tilespmem:$0x11080] =	vst v63  }
0x8c: {  	s25 =	spop (v2sf);
	(v2sf) =	vpush v62, $0x4  }
0x8d: {  	s10 =	sand.u32 $0xFFFFF80, s19;
	s19 =	spop (v2sf);
	(v2sf) =	vpush v63, $0x4;
	_ =	sdelay $0x2  }
0x8e: {  	s21 =	simm.s32 $0xC00;
	s10 =	sadd.s32 s5, s10  }
0x8f: {  	[tilespmem:s21], [sflag:$0x2] =	stream.linear.gather [hbm4b:s10+s4], $0x400, $0x38;
	[tilespmem:$0x11080] =	vst v63  }
0x90: {  	s10 =	sand.u32 $0xFFFFF80, s22  }
0x91: {  	s24 =	simm.s32 $0x8C00;
	s10 =	sadd.s32 s6, s10;
	s22 =	spop (v2sf);
	(v2sf) =	vpush v62, $0x5  }
0x92: {  	[tilespmem:s24], [sflag:$0x2] =	stream.linear.gather [hbm4b:s10+s4], $0x400, $0x38;
	[tilespmem:$0x11080] =	vst v63  }
0x93: {  	s10 =	sand.u32 $0xFFFFF80, s25;
	s25 =	spop (v2sf);
	(v2sf) =	vpush v63, $0x5  }
0x94: {  	s26 =	simm.s32 $0x1000;
	s10 =	sadd.s32 s5, s10  }
0x95: {  	[tilespmem:s26], [sflag:$0x2] =	stream.linear.gather [hbm4b:s10+s4], $0x400, $0x38;
	[tilespmem:$0x11080] =	vst v63  }
0x96: {  	s10 =	sand.u32 $0xFFFFF80, s19  }
0x97: {  	s21 =	simm.s32 $0x9000;
	s10 =	sadd.s32 s6, s10  }
0x98: {  	[tilespmem:s21], [sflag:$0x2] =	stream.linear.gather [hbm4b:s10+s4], $0x400, $0x38;
	[tilespmem:$0x11080] =	vst v63  }
0x99: {  	s19 =	spop (v2sf);
	(v2sf) =	vpush v62, $0x6  }
0x9a: {  	s10 =	sand.u32 $0xFFFFF80, s22;
	s22 =	spop (v2sf);
	(v2sf) =	vpush v63, $0x6;
	_ =	sdelay $0x2  }
0x9b: {  	s24 =	simm.s32 $0x1400;
	s10 =	sadd.s32 s5, s10  }
0x9c: {  	[tilespmem:s24], [sflag:$0x2] =	stream.linear.gather [hbm4b:s10+s4], $0x400, $0x38;
	[tilespmem:$0x11080] =	vst v63  }
0x9d: {  	s10 =	sand.u32 $0xFFFFF80, s25  }
0x9e: {  	s26 =	simm.s32 $0x9400;
	s10 =	sadd.s32 s6, s10;
	s25 =	spop (v2sf);
	(v2sf) =	vpush v62, $0x7  }
0x9f: {  	[tilespmem:s26], [sflag:$0x2] =	stream.linear.gather [hbm4b:s10+s4], $0x400, $0x38;
	[tilespmem:$0x11080] =	vst v63  }
0xa0: {  	s10 =	sand.u32 $0xFFFFF80, s19;
	s19 =	spop (v2sf);
	(v2sf) =	vpush v63, $0x7  }
0xa1: {  	s21 =	simm.s32 $0x1800;
	s10 =	sadd.s32 s5, s10  }
0xa2: {  	[tilespmem:s21], [sflag:$0x2] =	stream.linear.gather [hbm4b:s10+s4], $0x400, $0x38;
	[tilespmem:$0x11080] =	vst v63  }
0xa3: {  	s10 =	sand.u32 $0xFFFFF80, s22  }
0xa4: {  	s24 =	simm.s32 $0x9800;
	s10 =	sadd.s32 s6, s10  }
0xa5: {  	[tilespmem:s24], [sflag:$0x2] =	stream.linear.gather [hbm4b:s10+s4], $0x400, $0x38;
	[tilespmem:$0x11080] =	vst v63  }
0xa6: {  	s22 =	spop (v2sf);
	(v2sf) =	vpush v62, $0x8  }
0xa7: {  	s10 =	sand.u32 $0xFFFFF80, s25;
	s25 =	spop (v2sf);
	(v2sf) =	vpush v63, $0x8;
	_ =	sdelay $0x2  }
0xa8: {  	s26 =	simm.s32 $0x1C00;
	s10 =	sadd.s32 s5, s10  }
0xa9: {  	[tilespmem:s26], [sflag:$0x2] =	stream.linear.gather [hbm4b:s10+s4], $0x400, $0x38;
	[tilespmem:$0x11080] =	vst v63  }
0xaa: {  	s10 =	sand.u32 $0xFFFFF80, s19  }
0xab: {  	s21 =	simm.s32 $0x9C00;
	s10 =	sadd.s32 s6, s10;
	s19 =	spop (v2sf);
	(v2sf) =	vpush v62, $0x9  }
0xac: {  	[tilespmem:s21], [sflag:$0x2] =	stream.linear.gather [hbm4b:s10+s4], $0x400, $0x38;
	[tilespmem:$0x11080] =	vst v63  }
0xad: {  	s10 =	sand.u32 $0xFFFFF80, s22;
	s22 =	spop (v2sf);
	(v2sf) =	vpush v63, $0x9  }
0xae: {  	s24 =	simm.s32 $0x2000;
	s10 =	sadd.s32 s5, s10  }
0xaf: {  	[tilespmem:s24], [sflag:$0x2] =	stream.linear.gather [hbm4b:s10+s4], $0x400, $0x38;
	[tilespmem:$0x11080] =	vst v63  }
0xb0: {  	s10 =	sand.u32 $0xFFFFF80, s25  }
0xb1: {  	s26 =	simm.s32 $0xA000;
	s10 =	sadd.s32 s6, s10  }
0xb2: {  	[tilespmem:s26], [sflag:$0x2] =	stream.linear.gather [hbm4b:s10+s4], $0x400, $0x38;
	[tilespmem:$0x11080] =	vst v63  }
0xb3: {  	s10 =	sand.u32 $0xFFFFF80, s19;
	s25 =	spop (v2sf);
	(v2sf) =	vpush v62, $0xA  }
0xb4: {  	s21 =	simm.s32 $0x2400;
	s10 =	sadd.s32 s5, s10;
	s19 =	spop (v2sf);
	(v2sf) =	vpush v63, $0xA  }
0xb5: {  	[tilespmem:s21], [sflag:$0x2] =	stream.linear.gather [hbm4b:s10+s4], $0x400, $0x38;
	[tilespmem:$0x11080] =	vst v63  }
0xb6: {  	s10 =	sand.u32 $0xFFFFF80, s22  }
0xb7: {  	s24 =	simm.s32 $0xA400;
	s10 =	sadd.s32 s6, s10  }
0xb8: {  	[tilespmem:s24], [sflag:$0x2] =	stream.linear.gather [hbm4b:s10+s4], $0x400, $0x38;
	[tilespmem:$0x11080] =	vst v63  }
0xb9: {  	s10 =	sand.u32 $0xFFFFF80, s25  }
0xba: {  	s26 =	simm.s32 $0x2800;
	s10 =	sadd.s32 s5, s10;
	s22 =	spop (v2sf);
	(v2sf) =	vpush v62, $0xB  }
0xbb: {  	[tilespmem:s26], [sflag:$0x2] =	stream.linear.gather [hbm4b:s10+s4], $0x400, $0x38;
	[tilespmem:$0x11080] =	vst v63  }
0xbc: {  	s10 =	sand.u32 $0xFFFFF80, s19;
	s25 =	spop (v2sf);
	(v2sf) =	vpush v63, $0xB  }
0xbd: {  	s21 =	simm.s32 $0xA800;
	s10 =	sadd.s32 s6, s10  }
0xbe: {  	[tilespmem:s21], [sflag:$0x2] =	stream.linear.gather [hbm4b:s10+s4], $0x400, $0x38;
	[tilespmem:$0x11080] =	vst v63  }
0xbf: {  	s10 =	sand.u32 $0xFFFFF80, s22  }
0xc0: {  	s24 =	simm.s32 $0x2C00;
	s10 =	sadd.s32 s5, s10  }
0xc1: {  	[tilespmem:s24], [sflag:$0x2] =	stream.linear.gather [hbm4b:s10+s4], $0x400, $0x38;
	[tilespmem:$0x11080] =	vst v63  }
0xc2: {  	s10 =	sand.u32 $0xFFFFF80, s25;
	s19 =	spop (v2sf);
	(v2sf) =	vpush v62, $0xC  }
0xc3: {  	s26 =	simm.s32 $0xAC00;
	s10 =	sadd.s32 s6, s10;
	s22 =	spop (v2sf);
	(v2sf) =	vpush v63, $0xC  }
0xc4: {  	[tilespmem:s26], [sflag:$0x2] =	stream.linear.gather [hbm4b:s10+s4], $0x400, $0x38;
	[tilespmem:$0x11080] =	vst v63  }
0xc5: {  	s10 =	sand.u32 $0xFFFFF80, s19  }
0xc6: {  	s21 =	simm.s32 $0x3000;
	s10 =	sadd.s32 s5, s10  }
0xc7: {  	[tilespmem:s21], [sflag:$0x2] =	stream.linear.gather [hbm4b:s10+s4], $0x400, $0x38;
	[tilespmem:$0x11080] =	vst v63  }
0xc8: {  	(v2sf) =	vpush v62, $0xD;
	s10 =	sand.u32 $0xFFFFF80, s22  }
0xc9: {  	s24 =	simm.s32 $0xB000;
	s25 =	spop (v2sf);
	s10 =	sadd.s32 s6, s10  }
0xca: {  	(v2sf) =	vpush v63, $0xD;
	[tilespmem:s24], [sflag:$0x2] =	stream.linear.gather [hbm4b:s10+s4], $0x400, $0x38;
	[tilespmem:$0x11080] =	vst v63  }
0xcb: {  	s18 =	spop (v2sf);
	(v2sf) =	vpush v62, $0xE;
	s10 =	sand.u32 $0xFFFFF80, s25  }
0xcc: {  	s26 =	simm.s32 $0x3400;
	s10 =	sadd.s32 s5, s10  }
0xcd: {  	[tilespmem:s26], [sflag:$0x2] =	stream.linear.gather [hbm4b:s10+s4], $0x400, $0x38;
	[tilespmem:$0x11080] =	vst v63  }
0xce: {  	s10 =	sand.u32 $0xFFFFF80, s18  }
0xcf: {  	s10 =	sadd.s32 s6, s10  }
0xd0: {  	[tilespmem:s28], [sflag:$0x2] =	stream.linear.gather [hbm4b:s10+s4], $0x400, $0x38;
	[tilespmem:$0x11080] =	vst v63  }
0xd1: {  	s19 =	spop (v2sf);
	(v2sf) =	vpush v63, $0xE  }
0xd2: {  	s21 =	spop (v2sf);
	(v2sf) =	vpush v62, $0xF  }
0xd3: {  	s10 =	sand.u32 $0xFFFFF80, s19  }
0xd4: {  	s10 =	sadd.s32 s5, s10  }
0xd5: {  	[tilespmem:s29], [sflag:$0x2] =	stream.linear.gather [hbm4b:s10+s4], $0x400, $0x38;
	[tilespmem:$0x11080] =	vst v63  }
0xd6: {  	s10 =	sand.u32 $0xFFFFF80, s21  }
0xd7: {  	s22 =	spop (v2sf);
	(v2sf) =	vpush v63, $0xF;
	s10 =	sadd.s32 s6, s10  }
0xd8: {  	[tilespmem:s30], [sflag:$0x2] =	stream.linear.gather [hbm4b:s10+s4], $0x400, $0x38;
	[tilespmem:$0x11080] =	vst v63  }
0xd9: {  	s24 =	spop (v2sf);
	s10 =	sand.u32 $0xFFFFF80, s22  }
0xda: {  	s25 =	sand.u32 $0xFFFFF80, s24;
	s26 =	spop (v2sf);
	s10 =	sadd.s32 s5, s10  }
0xdb: {  	[tilespmem:s31], [sflag:$0x2] =	stream.linear.gather [hbm4b:s10+s4], $0x400, $0x38;
	[tilespmem:$0x11080] =	vst v63  }
0xdc: {  	s19 =	sand.u32 $0xFFFFF80, s26;
	s10 =	sadd.s32 s6, s25  }
0xdd: {  	[tilespmem:s2], [sflag:$0x2] =	stream.linear.gather [hbm4b:s10+s4], $0x400, $0x38;
	[tilespmem:$0x11080] =	vst v63  }
0xde: {  	s10 =	sadd.s32 s5, s19  }
0xdf: {  	[tilespmem:s0], [sflag:$0x2] =	stream.linear.gather [hbm4b:s10+s4], $0x400, $0x38;
	[tilespmem:$0x11080] =	vst v63  }
0xe0: {  	s21 =	spop (v2sf)  }
0xe1: {  	s22 =	sand.u32 $0xFFFFF80, s21;
	s24 =	spop (v2sf)  }
0xe2: {  	s10 =	sadd.s32 s6, s22;
	s25 =	sand.u32 $0xFFFFF80, s24  }
0xe3: {  	[tilespmem:s3], [sflag:$0x2] =	stream.linear.gather [hbm4b:s10+s4], $0x400, $0x38;
	[tilespmem:$0x11080] =	vst v63  }
0xe4: {  	s10 =	sadd.s32 s5, s25  }
0xe5: {  	[tilespmem:s12], [sflag:$0x2] =	stream.linear.gather [hbm4b:s10+s4], $0x400, $0x38;
	[tilespmem:$0x11080] =	vst v63  }
.Ltmp2:
0xe6: {  	s26 =	spop (v2sf);
	(pc) =	sbr.rel .LBB2_2-.Ltmp2, $4  }
0xe7: {  	s10 =	sand.u32 $0xFFFFF80, s26  }
0xe8: {  	s18 =	simm.s32 $0x610;
	s10 =	sadd.s32 s6, s10  }
0xe9: {  	[tilespmem:s13], [sflag:$0x2] =	stream.linear.gather [hbm4b:s10+s4], $0x400, $0x38;
	[tilespmem:$0x11080] =	vst v63  }
0xea: {  	s19 =	simm.s32 $0x10;
	s21 =	simm.s32 $0x0;
	s10 =	smov.u32 s20  }
.LBB2_4:
0xeb: {  	_ =	swait.ge [sflag:s15], $0x400  }
0xec: {  	[sflag:s15] =	ssyncset.done $0x0  }
0xed: {  	[sflag:s15] =	ssyncadd.s32 $0xFFFFFC00  }
0xee: {  	_ =	swait.ge [sflag:s15], $0x400  }
0xef: {  	[sflag:s15] =	ssyncset.done $0x0  }
0xf0: {  	[sflag:s15] =	ssyncadd.s32 $0xFFFFFC00  }
0xf1: {  	_ =	swait.ge [sflag:s15], $0x400  }
0xf2: {  	[sflag:s15] =	ssyncset.done $0x0  }
0xf3: {  	[sflag:s15] =	ssyncadd.s32 $0xFFFFFC00  }
0xf4: {  	_ =	swait.ge [sflag:s15], $0x400  }
0xf5: {  	[sflag:s15] =	ssyncset.done $0x0  }
0xf6: {  	[sflag:s15] =	ssyncadd.s32 $0xFFFFFC00  }
0xf7: {  	_ =	swait.ge [sflag:s15], $0x400  }
0xf8: {  	[sflag:s15] =	ssyncset.done $0x0  }
0xf9: {  	[sflag:s15] =	ssyncadd.s32 $0xFFFFFC00  }
0xfa: {  	_ =	swait.ge [sflag:s15], $0x400  }
0xfb: {  	[sflag:s15] =	ssyncset.done $0x0  }
0xfc: {  	[sflag:s15] =	ssyncadd.s32 $0xFFFFFC00  }
0xfd: {  	_ =	swait.ge [sflag:s15], $0x400  }
0xfe: {  	[sflag:s15] =	ssyncset.done $0x0  }
0xff: {  	[sflag:s15] =	ssyncadd.s32 $0xFFFFFC00  }
0x100: {  	_ =	swait.ge [sflag:s15], $0x400  }
0x101: {  	[sflag:s15] =	ssyncset.done $0x0  }
0x102: {  	[sflag:s15] =	ssyncadd.s32 $0xFFFFFC00  }
0x103: {  	_ =	swait.ge [sflag:s15], $0x400  }
0x104: {  	[sflag:s15] =	ssyncset.done $0x0  }
0x105: {  	[sflag:s15] =	ssyncadd.s32 $0xFFFFFC00  }
0x106: {  	_ =	swait.ge [sflag:s15], $0x400  }
0x107: {  	[sflag:s15] =	ssyncset.done $0x0  }
0x108: {  	[sflag:s15] =	ssyncadd.s32 $0xFFFFFC00  }
0x109: {  	_ =	swait.ge [sflag:s15], $0x400  }
0x10a: {  	[sflag:s15] =	ssyncset.done $0x0  }
0x10b: {  	[sflag:s15] =	ssyncadd.s32 $0xFFFFFC00  }
0x10c: {  	_ =	swait.ge [sflag:s15], $0x400  }
0x10d: {  	[sflag:s15] =	ssyncset.done $0x0  }
0x10e: {  	[sflag:s15] =	ssyncadd.s32 $0xFFFFFC00  }
0x10f: {  	_ =	swait.ge [sflag:s15], $0x400  }
0x110: {  	[sflag:s15] =	ssyncset.done $0x0  }
0x111: {  	[sflag:s15] =	ssyncadd.s32 $0xFFFFFC00  }
0x112: {  	_ =	swait.ge [sflag:s15], $0x400  }
0x113: {  	[sflag:s15] =	ssyncset.done $0x0  }
0x114: {  	[sflag:s15] =	ssyncadd.s32 $0xFFFFFC00  }
0x115: {  	_ =	swait.ge [sflag:s15], $0x400  }
0x116: {  	[sflag:s15] =	ssyncset.done $0x0  }
0x117: {  	[sflag:s15] =	ssyncadd.s32 $0xFFFFFC00  }
0x118: {  	_ =	swait.ge [sflag:s15], $0x400  }
0x119: {  	[sflag:s15] =	ssyncset.done $0x0  }
0x11a: {  	[sflag:s15] =	ssyncadd.s32 $0xFFFFFC00  }
0x11b: {  	_ =	swait.ge [sflag:s15], $0x400  }
0x11c: {  	[sflag:s15] =	ssyncset.done $0x0  }
0x11d: {  	[sflag:s15] =	ssyncadd.s32 $0xFFFFFC00  }
0x11e: {  	_ =	swait.ge [sflag:s15], $0x400  }
0x11f: {  	[sflag:s15] =	ssyncset.done $0x0  }
0x120: {  	[sflag:s15] =	ssyncadd.s32 $0xFFFFFC00  }
0x121: {  	_ =	swait.ge [sflag:s15], $0x400  }
0x122: {  	[sflag:s15] =	ssyncset.done $0x0  }
0x123: {  	[sflag:s15] =	ssyncadd.s32 $0xFFFFFC00  }
0x124: {  	_ =	swait.ge [sflag:s15], $0x400  }
0x125: {  	[sflag:s15] =	ssyncset.done $0x0  }
0x126: {  	[sflag:s15] =	ssyncadd.s32 $0xFFFFFC00  }
0x127: {  	_ =	swait.ge [sflag:s15], $0x400  }
0x128: {  	[sflag:s15] =	ssyncset.done $0x0  }
0x129: {  	[sflag:s15] =	ssyncadd.s32 $0xFFFFFC00  }
0x12a: {  	_ =	swait.ge [sflag:s15], $0x400  }
0x12b: {  	[sflag:s15] =	ssyncset.done $0x0  }
0x12c: {  	[sflag:s15] =	ssyncadd.s32 $0xFFFFFC00  }
0x12d: {  	_ =	swait.ge [sflag:s15], $0x400  }
0x12e: {  	[sflag:s15] =	ssyncset.done $0x0  }
0x12f: {  	[sflag:s15] =	ssyncadd.s32 $0xFFFFFC00  }
0x130: {  	_ =	swait.ge [sflag:s15], $0x400  }
0x131: {  	[sflag:s15] =	ssyncset.done $0x0  }
0x132: {  	[sflag:s15] =	ssyncadd.s32 $0xFFFFFC00  }
0x133: {  	_ =	swait.ge [sflag:s15], $0x400  }
0x134: {  	[sflag:s15] =	ssyncset.done $0x0  }
0x135: {  	[sflag:s15] =	ssyncadd.s32 $0xFFFFFC00  }
0x136: {  	_ =	swait.ge [sflag:s15], $0x400  }
0x137: {  	[sflag:s15] =	ssyncset.done $0x0  }
0x138: {  	[sflag:s15] =	ssyncadd.s32 $0xFFFFFC00  }
0x139: {  	_ =	swait.ge [sflag:s15], $0x400  }
0x13a: {  	[sflag:s15] =	ssyncset.done $0x0  }
0x13b: {  	[sflag:s15] =	ssyncadd.s32 $0xFFFFFC00  }
0x13c: {  	_ =	swait.ge [sflag:s15], $0x400  }
0x13d: {  	[sflag:s15] =	ssyncset.done $0x0  }
0x13e: {  	[sflag:s15] =	ssyncadd.s32 $0xFFFFFC00  }
0x13f: {  	_ =	swait.ge [sflag:s15], $0x400  }
0x140: {  	[sflag:s15] =	ssyncset.done $0x0  }
0x141: {  	[sflag:s15] =	ssyncadd.s32 $0xFFFFFC00  }
0x142: {  	_ =	swait.ge [sflag:s15], $0x400  }
0x143: {  	[sflag:s15] =	ssyncset.done $0x0  }
0x144: {  	[sflag:s15] =	ssyncadd.s32 $0xFFFFFC00  }
0x145: {  	_ =	swait.ge [sflag:s15], $0x400  }
0x146: {  	[sflag:s15] =	ssyncset.done $0x0  }
0x147: {  	[sflag:s15] =	ssyncadd.s32 $0xFFFFFC00  }
0x148: {  	_ =	swait.ge [sflag:s15], $0x400  }
0x149: {  	[sflag:s15] =	ssyncset.done $0x0  }
0x14a: {  	[sflag:s15] =	ssyncadd.s32 $0xFFFFFC00  }
0x14b: {  	v36 =	vld [tilespmem:s19+$0xFFFFFFF0]  }
0x14c: {  	v37 =	vld [tilespmem:s18+$0xFFFFFFF0];
	_ =	sdelay $0x3  }
0x14d: {  	v36 =	vshll.u32 v36, $0x7  }
0x14e: {  	v37 =	vshll.u32 v37, $0x7;
	(v2sf) =	vpush v36, $0x0  }
0x14f: {  	(v2sf) =	vpush v37, $0x0;
	_ =	sdelay $0xd  }
0x150: {  	s24 =	spop (v2sf)  }
0x151: {  	s24 =	sand.u32 $0x380, s24;
	s25 =	spop (v2sf)  }
0x152: {  	s24 =	sadd.s32 s24, s22;
	s25 =	sand.u32 $0x380, s25  }
0x153: {  	v38 =	vld [tilespmem:s24+$0x800];
	s25 =	sadd.s32 s25, s22  }
0x154: {  	v39 =	vld [tilespmem:s25+$0x8800];
	_ =	sdelay $0x4  }
0x155: {  	v38 =	vadd.f32 v39, v38;
	_ =	sdelay $0x1  }
0x156: {  	v38 =	vadd.f32 v38, v32;
	_ =	sdelay $0x1  }
0x157: {  	[tilespmem:$0x10800] =	vst v38  }
0x158: {  	v38 =	vld [tilespmem:s24+$0x810]  }
0x159: {  	v44 =	vld [tilespmem:s25+$0x8810];
	_ =	sdelay $0x4  }
0x15a: {  	v38 =	vadd.f32 v44, v38;
	_ =	sdelay $0x1  }
0x15b: {  	v38 =	vadd.f32 v38, v33;
	_ =	sdelay $0x1  }
0x15c: {  	[tilespmem:$0x10810] =	vst v38  }
0x15d: {  	v38 =	vld [tilespmem:s24+$0x820]  }
0x15e: {  	v45 =	vld [tilespmem:s25+$0x8820];
	_ =	sdelay $0x2  }
0x15f: {  	(v2sf) =	vpush v36, $0x1  }
0x160: {  	(v2sf) =	vpush v37, $0x1  }
0x161: {  	v38 =	vadd.f32 v45, v38;
	_ =	sdelay $0x1  }
0x162: {  	v38 =	vadd.f32 v38, v34;
	_ =	sdelay $0x1  }
0x163: {  	[tilespmem:$0x10820] =	vst v38  }
0x164: {  	v38 =	vld [tilespmem:s24+$0x830]  }
0x165: {  	v46 =	vld [tilespmem:s25+$0x8830];
	_ =	sdelay $0x4  }
0x166: {  	v38 =	vadd.f32 v46, v38;
	_ =	sdelay $0x1  }
0x167: {  	s26 =	spop (v2sf);
	v38 =	vadd.f32 v38, v35  }
0x168: {  	s25 =	sor.u32 $0x400, s22;
	s24 =	sand.u32 $0x380, s26;
	s26 =	spop (v2sf)  }
0x169: {  	s24 =	sadd.s32 s24, s25;
	s26 =	sand.u32 $0x380, s26;
	[tilespmem:$0x10830] =	vst v38  }
0x16a: {  	s25 =	sadd.s32 s26, s25;
	v38 =	vld [tilespmem:s24+$0x800]  }
0x16b: {  	v47 =	vld [tilespmem:s25+$0x8800];
	_ =	sdelay $0x4  }
0x16c: {  	v38 =	vadd.f32 v47, v38;
	_ =	sdelay $0x1  }
0x16d: {  	v38 =	vadd.f32 v38, v32;
	_ =	sdelay $0x1  }
0x16e: {  	[tilespmem:$0x10880] =	vst v38  }
0x16f: {  	v38 =	vld [tilespmem:s24+$0x810]  }
0x170: {  	v48 =	vld [tilespmem:s25+$0x8810];
	_ =	sdelay $0x4  }
0x171: {  	v38 =	vadd.f32 v48, v38;
	_ =	sdelay $0x1  }
0x172: {  	v38 =	vadd.f32 v38, v33;
	_ =	sdelay $0x1  }
0x173: {  	[tilespmem:$0x10890] =	vst v38  }
0x174: {  	v38 =	vld [tilespmem:s24+$0x820]  }
0x175: {  	v49 =	vld [tilespmem:s25+$0x8820];
	_ =	sdelay $0x2  }
0x176: {  	(v2sf) =	vpush v36, $0x2  }
0x177: {  	(v2sf) =	vpush v37, $0x2  }
0x178: {  	v38 =	vadd.f32 v49, v38;
	_ =	sdelay $0x1  }
0x179: {  	v38 =	vadd.f32 v38, v34;
	_ =	sdelay $0x1  }
0x17a: {  	[tilespmem:$0x108A0] =	vst v38  }
0x17b: {  	v38 =	vld [tilespmem:s24+$0x830]  }
0x17c: {  	v50 =	vld [tilespmem:s25+$0x8830];
	_ =	sdelay $0x4  }
0x17d: {  	v38 =	vadd.f32 v50, v38;
	_ =	sdelay $0x1  }
0x17e: {  	s26 =	spop (v2sf);
	v38 =	vadd.f32 v38, v35  }
0x17f: {  	s25 =	sor.u32 $0x800, s22;
	s24 =	sand.u32 $0x380, s26;
	s26 =	spop (v2sf)  }
0x180: {  	s24 =	sadd.s32 s24, s25;
	s26 =	sand.u32 $0x380, s26;
	[tilespmem:$0x108B0] =	vst v38  }
0x181: {  	s25 =	sadd.s32 s26, s25;
	v38 =	vld [tilespmem:s24+$0x800]  }
0x182: {  	v51 =	vld [tilespmem:s25+$0x8800];
	_ =	sdelay $0x4  }
0x183: {  	v38 =	vadd.f32 v51, v38;
	_ =	sdelay $0x1  }
0x184: {  	v38 =	vadd.f32 v38, v32;
	_ =	sdelay $0x1  }
0x185: {  	[tilespmem:$0x10900] =	vst v38  }
0x186: {  	v38 =	vld [tilespmem:s24+$0x810]  }
0x187: {  	v52 =	vld [tilespmem:s25+$0x8810];
	_ =	sdelay $0x4  }
0x188: {  	v38 =	vadd.f32 v52, v38;
	_ =	sdelay $0x1  }
0x189: {  	v38 =	vadd.f32 v38, v33;
	_ =	sdelay $0x1  }
0x18a: {  	[tilespmem:$0x10910] =	vst v38  }
0x18b: {  	v38 =	vld [tilespmem:s24+$0x820]  }
0x18c: {  	v53 =	vld [tilespmem:s25+$0x8820];
	_ =	sdelay $0x2  }
0x18d: {  	(v2sf) =	vpush v36, $0x3  }
0x18e: {  	(v2sf) =	vpush v37, $0x3  }
0x18f: {  	v38 =	vadd.f32 v53, v38;
	_ =	sdelay $0x1  }
0x190: {  	v38 =	vadd.f32 v38, v34;
	_ =	sdelay $0x1  }
0x191: {  	[tilespmem:$0x10920] =	vst v38  }
0x192: {  	v38 =	vld [tilespmem:s24+$0x830]  }
0x193: {  	v54 =	vld [tilespmem:s25+$0x8830];
	_ =	sdelay $0x4  }
0x194: {  	v38 =	vadd.f32 v54, v38;
	_ =	sdelay $0x1  }
0x195: {  	s26 =	spop (v2sf);
	v38 =	vadd.f32 v38, v35  }
0x196: {  	s25 =	sor.u32 $0xC00, s22;
	s24 =	sand.u32 $0x380, s26;
	s26 =	spop (v2sf)  }
0x197: {  	s24 =	sadd.s32 s24, s25;
	s26 =	sand.u32 $0x380, s26;
	[tilespmem:$0x10930] =	vst v38  }
0x198: {  	s25 =	sadd.s32 s26, s25;
	v38 =	vld [tilespmem:s24+$0x800]  }
0x199: {  	v55 =	vld [tilespmem:s25+$0x8800];
	_ =	sdelay $0x4  }
0x19a: {  	v38 =	vadd.f32 v55, v38;
	_ =	sdelay $0x1  }
0x19b: {  	v38 =	vadd.f32 v38, v32;
	_ =	sdelay $0x1  }
0x19c: {  	[tilespmem:$0x10980] =	vst v38  }
0x19d: {  	v38 =	vld [tilespmem:s24+$0x810]  }
0x19e: {  	v56 =	vld [tilespmem:s25+$0x8810];
	_ =	sdelay $0x4  }
0x19f: {  	v38 =	vadd.f32 v56, v38;
	_ =	sdelay $0x1  }
0x1a0: {  	v38 =	vadd.f32 v38, v33;
	_ =	sdelay $0x1  }
0x1a1: {  	[tilespmem:$0x10990] =	vst v38  }
0x1a2: {  	v38 =	vld [tilespmem:s24+$0x820]  }
0x1a3: {  	v57 =	vld [tilespmem:s25+$0x8820];
	_ =	sdelay $0x2  }
0x1a4: {  	(v2sf) =	vpush v36, $0x4  }
0x1a5: {  	(v2sf) =	vpush v37, $0x4  }
0x1a6: {  	v38 =	vadd.f32 v57, v38;
	_ =	sdelay $0x1  }
0x1a7: {  	v38 =	vadd.f32 v38, v34;
	_ =	sdelay $0x1  }
0x1a8: {  	[tilespmem:$0x109A0] =	vst v38  }
0x1a9: {  	v38 =	vld [tilespmem:s24+$0x830]  }
0x1aa: {  	v58 =	vld [tilespmem:s25+$0x8830];
	_ =	sdelay $0x4  }
0x1ab: {  	v38 =	vadd.f32 v58, v38;
	_ =	sdelay $0x1  }
0x1ac: {  	s26 =	spop (v2sf);
	v38 =	vadd.f32 v38, v35  }
0x1ad: {  	s25 =	sor.u32 $0x1000, s22;
	s24 =	sand.u32 $0x380, s26;
	s26 =	spop (v2sf)  }
0x1ae: {  	s24 =	sadd.s32 s24, s25;
	s26 =	sand.u32 $0x380, s26;
	[tilespmem:$0x109B0] =	vst v38  }
0x1af: {  	s25 =	sadd.s32 s26, s25;
	v38 =	vld [tilespmem:s24+$0x800]  }
0x1b0: {  	v59 =	vld [tilespmem:s25+$0x8800];
	_ =	sdelay $0x4  }
0x1b1: {  	v38 =	vadd.f32 v59, v38;
	_ =	sdelay $0x1  }
0x1b2: {  	v38 =	vadd.f32 v38, v32;
	_ =	sdelay $0x1  }
0x1b3: {  	[tilespmem:$0x10A00] =	vst v38  }
0x1b4: {  	v38 =	vld [tilespmem:s24+$0x810]  }
0x1b5: {  	v60 =	vld [tilespmem:s25+$0x8810];
	_ =	sdelay $0x4  }
0x1b6: {  	v38 =	vadd.f32 v60, v38;
	_ =	sdelay $0x1  }
0x1b7: {  	v38 =	vadd.f32 v38, v33;
	_ =	sdelay $0x1  }
0x1b8: {  	[tilespmem:$0x10A10] =	vst v38  }
0x1b9: {  	v38 =	vld [tilespmem:s24+$0x820]  }
0x1ba: {  	v61 =	vld [tilespmem:s25+$0x8820];
	_ =	sdelay $0x2  }
0x1bb: {  	(v2sf) =	vpush v36, $0x5  }
0x1bc: {  	(v2sf) =	vpush v37, $0x5  }
0x1bd: {  	v38 =	vadd.f32 v61, v38;
	_ =	sdelay $0x1  }
0x1be: {  	v38 =	vadd.f32 v38, v34;
	_ =	sdelay $0x1  }
0x1bf: {  	[tilespmem:$0x10A20] =	vst v38  }
0x1c0: {  	v38 =	vld [tilespmem:s24+$0x830]  }
0x1c1: {  	v62 =	vld [tilespmem:s25+$0x8830];
	_ =	sdelay $0x4  }
0x1c2: {  	v38 =	vadd.f32 v62, v38;
	_ =	sdelay $0x1  }
0x1c3: {  	s26 =	spop (v2sf);
	v38 =	vadd.f32 v38, v35  }
0x1c4: {  	s25 =	sor.u32 $0x1400, s22;
	s24 =	sand.u32 $0x380, s26;
	s26 =	spop (v2sf)  }
0x1c5: {  	s24 =	sadd.s32 s24, s25;
	s26 =	sand.u32 $0x380, s26;
	[tilespmem:$0x10A30] =	vst v38  }
0x1c6: {  	s25 =	sadd.s32 s26, s25;
	v38 =	vld [tilespmem:s24+$0x800]  }
0x1c7: {  	v63 =	vld [tilespmem:s25+$0x8800];
	_ =	sdelay $0x4  }
0x1c8: {  	v38 =	vadd.f32 v63, v38;
	_ =	sdelay $0x1  }
0x1c9: {  	v38 =	vadd.f32 v38, v32;
	_ =	sdelay $0x1  }
0x1ca: {  	[tilespmem:$0x10A80] =	vst v38  }
0x1cb: {  	v38 =	vld [tilespmem:s24+$0x810]  }
0x1cc: {  	v42 =	vld [tilespmem:s25+$0x8810];
	_ =	sdelay $0x4  }
0x1cd: {  	v38 =	vadd.f32 v42, v38;
	_ =	sdelay $0x1  }
0x1ce: {  	v38 =	vadd.f32 v38, v33;
	_ =	sdelay $0x1  }
0x1cf: {  	[tilespmem:$0x10A90] =	vst v38  }
0x1d0: {  	v38 =	vld [tilespmem:s24+$0x820]  }
0x1d1: {  	v43 =	vld [tilespmem:s25+$0x8820];
	_ =	sdelay $0x2  }
0x1d2: {  	(v2sf) =	vpush v36, $0x6  }
0x1d3: {  	(v2sf) =	vpush v37, $0x6  }
0x1d4: {  	v38 =	vadd.f32 v43, v38;
	_ =	sdelay $0x1  }
0x1d5: {  	v38 =	vadd.f32 v38, v34;
	_ =	sdelay $0x1  }
0x1d6: {  	[tilespmem:$0x10AA0] =	vst v38  }
0x1d7: {  	v38 =	vld [tilespmem:s24+$0x830]  }
0x1d8: {  	v44 =	vld [tilespmem:s25+$0x8830];
	_ =	sdelay $0x4  }
0x1d9: {  	v38 =	vadd.f32 v44, v38;
	_ =	sdelay $0x1  }
0x1da: {  	s26 =	spop (v2sf);
	v38 =	vadd.f32 v38, v35  }
0x1db: {  	s25 =	sor.u32 $0x1800, s22;
	s24 =	sand.u32 $0x380, s26;
	s26 =	spop (v2sf)  }
0x1dc: {  	s24 =	sadd.s32 s24, s25;
	s26 =	sand.u32 $0x380, s26;
	[tilespmem:$0x10AB0] =	vst v38  }
0x1dd: {  	s25 =	sadd.s32 s26, s25;
	v38 =	vld [tilespmem:s24+$0x800]  }
0x1de: {  	v45 =	vld [tilespmem:s25+$0x8800];
	_ =	sdelay $0x4  }
0x1df: {  	v38 =	vadd.f32 v45, v38;
	_ =	sdelay $0x1  }
0x1e0: {  	v38 =	vadd.f32 v38, v32;
	_ =	sdelay $0x1  }
0x1e1: {  	[tilespmem:$0x10B00] =	vst v38  }
0x1e2: {  	v38 =	vld [tilespmem:s24+$0x810]  }
0x1e3: {  	v46 =	vld [tilespmem:s25+$0x8810];
	_ =	sdelay $0x4  }
0x1e4: {  	v38 =	vadd.f32 v46, v38;
	_ =	sdelay $0x1  }
0x1e5: {  	v38 =	vadd.f32 v38, v33;
	_ =	sdelay $0x1  }
0x1e6: {  	[tilespmem:$0x10B10] =	vst v38  }
0x1e7: {  	v38 =	vld [tilespmem:s24+$0x820]  }
0x1e8: {  	v47 =	vld [tilespmem:s25+$0x8820];
	_ =	sdelay $0x2  }
0x1e9: {  	(v2sf) =	vpush v36, $0x7  }
0x1ea: {  	(v2sf) =	vpush v37, $0x7  }
0x1eb: {  	v38 =	vadd.f32 v47, v38;
	_ =	sdelay $0x1  }
0x1ec: {  	v38 =	vadd.f32 v38, v34;
	_ =	sdelay $0x1  }
0x1ed: {  	[tilespmem:$0x10B20] =	vst v38  }
0x1ee: {  	v38 =	vld [tilespmem:s24+$0x830]  }
0x1ef: {  	v48 =	vld [tilespmem:s25+$0x8830];
	_ =	sdelay $0x4  }
0x1f0: {  	v38 =	vadd.f32 v48, v38;
	_ =	sdelay $0x1  }
0x1f1: {  	s26 =	spop (v2sf);
	v38 =	vadd.f32 v38, v35  }
0x1f2: {  	s25 =	sor.u32 $0x1C00, s22;
	s24 =	sand.u32 $0x380, s26;
	s26 =	spop (v2sf)  }
0x1f3: {  	s24 =	sadd.s32 s24, s25;
	s26 =	sand.u32 $0x380, s26;
	[tilespmem:$0x10B30] =	vst v38  }
0x1f4: {  	s25 =	sadd.s32 s26, s25;
	v38 =	vld [tilespmem:s24+$0x800]  }
0x1f5: {  	v49 =	vld [tilespmem:s25+$0x8800];
	_ =	sdelay $0x4  }
0x1f6: {  	v38 =	vadd.f32 v49, v38;
	_ =	sdelay $0x1  }
0x1f7: {  	v38 =	vadd.f32 v38, v32;
	_ =	sdelay $0x1  }
0x1f8: {  	[tilespmem:$0x10B80] =	vst v38  }
0x1f9: {  	v38 =	vld [tilespmem:s24+$0x810]  }
0x1fa: {  	v50 =	vld [tilespmem:s25+$0x8810];
	_ =	sdelay $0x4  }
0x1fb: {  	v38 =	vadd.f32 v50, v38;
	_ =	sdelay $0x1  }
0x1fc: {  	v38 =	vadd.f32 v38, v33;
	_ =	sdelay $0x1  }
0x1fd: {  	[tilespmem:$0x10B90] =	vst v38  }
0x1fe: {  	v38 =	vld [tilespmem:s24+$0x820]  }
0x1ff: {  	v51 =	vld [tilespmem:s25+$0x8820];
	_ =	sdelay $0x2  }
0x200: {  	(v2sf) =	vpush v36, $0x8  }
0x201: {  	(v2sf) =	vpush v37, $0x8  }
0x202: {  	v38 =	vadd.f32 v51, v38;
	_ =	sdelay $0x1  }
0x203: {  	v38 =	vadd.f32 v38, v34;
	_ =	sdelay $0x1  }
0x204: {  	[tilespmem:$0x10BA0] =	vst v38  }
0x205: {  	v38 =	vld [tilespmem:s24+$0x830]  }
0x206: {  	v52 =	vld [tilespmem:s25+$0x8830];
	_ =	sdelay $0x4  }
0x207: {  	v38 =	vadd.f32 v52, v38;
	_ =	sdelay $0x1  }
0x208: {  	s26 =	spop (v2sf);
	v38 =	vadd.f32 v38, v35  }
0x209: {  	s25 =	sor.u32 $0x2000, s22;
	s24 =	sand.u32 $0x380, s26;
	s26 =	spop (v2sf)  }
0x20a: {  	s24 =	sadd.s32 s24, s25;
	s26 =	sand.u32 $0x380, s26;
	[tilespmem:$0x10BB0] =	vst v38  }
0x20b: {  	s25 =	sadd.s32 s26, s25;
	v38 =	vld [tilespmem:s24+$0x800]  }
0x20c: {  	v53 =	vld [tilespmem:s25+$0x8800];
	_ =	sdelay $0x4  }
0x20d: {  	v38 =	vadd.f32 v53, v38;
	_ =	sdelay $0x1  }
0x20e: {  	v38 =	vadd.f32 v38, v32;
	_ =	sdelay $0x1  }
0x20f: {  	[tilespmem:$0x10C00] =	vst v38  }
0x210: {  	v38 =	vld [tilespmem:s24+$0x810]  }
0x211: {  	v54 =	vld [tilespmem:s25+$0x8810];
	_ =	sdelay $0x4  }
0x212: {  	v38 =	vadd.f32 v54, v38;
	_ =	sdelay $0x1  }
0x213: {  	v38 =	vadd.f32 v38, v33;
	_ =	sdelay $0x1  }
0x214: {  	[tilespmem:$0x10C10] =	vst v38  }
0x215: {  	v38 =	vld [tilespmem:s24+$0x820]  }
0x216: {  	v55 =	vld [tilespmem:s25+$0x8820];
	_ =	sdelay $0x2  }
0x217: {  	(v2sf) =	vpush v36, $0x9  }
0x218: {  	(v2sf) =	vpush v37, $0x9  }
0x219: {  	v38 =	vadd.f32 v55, v38;
	_ =	sdelay $0x1  }
0x21a: {  	v38 =	vadd.f32 v38, v34;
	_ =	sdelay $0x1  }
0x21b: {  	[tilespmem:$0x10C20] =	vst v38  }
0x21c: {  	v38 =	vld [tilespmem:s24+$0x830]  }
0x21d: {  	v56 =	vld [tilespmem:s25+$0x8830];
	_ =	sdelay $0x4  }
0x21e: {  	v38 =	vadd.f32 v56, v38;
	_ =	sdelay $0x1  }
0x21f: {  	s26 =	spop (v2sf);
	v38 =	vadd.f32 v38, v35  }
0x220: {  	s25 =	sor.u32 $0x2400, s22;
	s24 =	sand.u32 $0x380, s26;
	s26 =	spop (v2sf)  }
0x221: {  	s24 =	sadd.s32 s24, s25;
	s26 =	sand.u32 $0x380, s26;
	[tilespmem:$0x10C30] =	vst v38  }
0x222: {  	s25 =	sadd.s32 s26, s25;
	v38 =	vld [tilespmem:s24+$0x800]  }
0x223: {  	v57 =	vld [tilespmem:s25+$0x8800];
	_ =	sdelay $0x4  }
0x224: {  	v38 =	vadd.f32 v57, v38;
	_ =	sdelay $0x1  }
0x225: {  	v38 =	vadd.f32 v38, v32;
	_ =	sdelay $0x1  }
0x226: {  	[tilespmem:$0x10C80] =	vst v38  }
0x227: {  	v38 =	vld [tilespmem:s24+$0x810]  }
0x228: {  	v58 =	vld [tilespmem:s25+$0x8810];
	_ =	sdelay $0x4  }
0x229: {  	v38 =	vadd.f32 v58, v38;
	_ =	sdelay $0x1  }
0x22a: {  	v38 =	vadd.f32 v38, v33;
	_ =	sdelay $0x1  }
0x22b: {  	[tilespmem:$0x10C90] =	vst v38  }
0x22c: {  	v38 =	vld [tilespmem:s24+$0x820]  }
0x22d: {  	v59 =	vld [tilespmem:s25+$0x8820];
	_ =	sdelay $0x2  }
0x22e: {  	(v2sf) =	vpush v36, $0xA  }
0x22f: {  	(v2sf) =	vpush v37, $0xA  }
0x230: {  	v38 =	vadd.f32 v59, v38;
	_ =	sdelay $0x1  }
0x231: {  	v38 =	vadd.f32 v38, v34;
	_ =	sdelay $0x1  }
0x232: {  	[tilespmem:$0x10CA0] =	vst v38  }
0x233: {  	v38 =	vld [tilespmem:s24+$0x830]  }
0x234: {  	v60 =	vld [tilespmem:s25+$0x8830];
	_ =	sdelay $0x4  }
0x235: {  	v38 =	vadd.f32 v60, v38;
	_ =	sdelay $0x1  }
0x236: {  	s26 =	spop (v2sf);
	v38 =	vadd.f32 v38, v35  }
0x237: {  	s25 =	sor.u32 $0x2800, s22;
	s24 =	sand.u32 $0x380, s26;
	s26 =	spop (v2sf)  }
0x238: {  	s24 =	sadd.s32 s24, s25;
	s26 =	sand.u32 $0x380, s26;
	[tilespmem:$0x10CB0] =	vst v38  }
0x239: {  	s25 =	sadd.s32 s26, s25;
	v38 =	vld [tilespmem:s24+$0x800]  }
0x23a: {  	v61 =	vld [tilespmem:s25+$0x8800];
	_ =	sdelay $0x4  }
0x23b: {  	v38 =	vadd.f32 v61, v38;
	_ =	sdelay $0x1  }
0x23c: {  	v38 =	vadd.f32 v38, v32;
	_ =	sdelay $0x1  }
0x23d: {  	[tilespmem:$0x10D00] =	vst v38  }
0x23e: {  	v38 =	vld [tilespmem:s24+$0x810]  }
0x23f: {  	v62 =	vld [tilespmem:s25+$0x8810];
	_ =	sdelay $0x4  }
0x240: {  	v38 =	vadd.f32 v62, v38;
	_ =	sdelay $0x1  }
0x241: {  	v38 =	vadd.f32 v38, v33;
	_ =	sdelay $0x1  }
0x242: {  	[tilespmem:$0x10D10] =	vst v38  }
0x243: {  	v38 =	vld [tilespmem:s24+$0x820]  }
0x244: {  	v63 =	vld [tilespmem:s25+$0x8820];
	_ =	sdelay $0x2  }
0x245: {  	(v2sf) =	vpush v36, $0xB  }
0x246: {  	(v2sf) =	vpush v37, $0xB  }
0x247: {  	v38 =	vadd.f32 v63, v38;
	_ =	sdelay $0x1  }
0x248: {  	v38 =	vadd.f32 v38, v34;
	_ =	sdelay $0x1  }
0x249: {  	[tilespmem:$0x10D20] =	vst v38  }
0x24a: {  	v38 =	vld [tilespmem:s24+$0x830]  }
0x24b: {  	v42 =	vld [tilespmem:s25+$0x8830];
	_ =	sdelay $0x4  }
0x24c: {  	v38 =	vadd.f32 v42, v38;
	_ =	sdelay $0x1  }
0x24d: {  	s26 =	spop (v2sf);
	v38 =	vadd.f32 v38, v35  }
0x24e: {  	s25 =	sor.u32 $0x2C00, s22;
	s24 =	sand.u32 $0x380, s26;
	s26 =	spop (v2sf)  }
0x24f: {  	s24 =	sadd.s32 s24, s25;
	s26 =	sand.u32 $0x380, s26;
	[tilespmem:$0x10D30] =	vst v38  }
0x250: {  	s25 =	sadd.s32 s26, s25;
	v38 =	vld [tilespmem:s24+$0x800]  }
0x251: {  	v43 =	vld [tilespmem:s25+$0x8800];
	_ =	sdelay $0x4  }
0x252: {  	v38 =	vadd.f32 v43, v38;
	_ =	sdelay $0x1  }
0x253: {  	v38 =	vadd.f32 v38, v32;
	_ =	sdelay $0x1  }
0x254: {  	[tilespmem:$0x10D80] =	vst v38  }
0x255: {  	v38 =	vld [tilespmem:s24+$0x810]  }
0x256: {  	v44 =	vld [tilespmem:s25+$0x8810];
	_ =	sdelay $0x4  }
0x257: {  	v38 =	vadd.f32 v44, v38;
	_ =	sdelay $0x1  }
0x258: {  	v38 =	vadd.f32 v38, v33;
	_ =	sdelay $0x1  }
0x259: {  	[tilespmem:$0x10D90] =	vst v38  }
0x25a: {  	v38 =	vld [tilespmem:s24+$0x820]  }
0x25b: {  	v45 =	vld [tilespmem:s25+$0x8820];
	_ =	sdelay $0x2  }
0x25c: {  	(v2sf) =	vpush v36, $0xC  }
0x25d: {  	(v2sf) =	vpush v37, $0xC  }
0x25e: {  	v38 =	vadd.f32 v45, v38;
	_ =	sdelay $0x1  }
0x25f: {  	v38 =	vadd.f32 v38, v34;
	_ =	sdelay $0x1  }
0x260: {  	[tilespmem:$0x10DA0] =	vst v38  }
0x261: {  	v38 =	vld [tilespmem:s24+$0x830]  }
0x262: {  	v46 =	vld [tilespmem:s25+$0x8830];
	_ =	sdelay $0x4  }
0x263: {  	v38 =	vadd.f32 v46, v38;
	_ =	sdelay $0x1  }
0x264: {  	s26 =	spop (v2sf);
	v38 =	vadd.f32 v38, v35  }
0x265: {  	s25 =	sor.u32 $0x3000, s22;
	s24 =	sand.u32 $0x380, s26;
	s26 =	spop (v2sf)  }
0x266: {  	s24 =	sadd.s32 s24, s25;
	s26 =	sand.u32 $0x380, s26;
	[tilespmem:$0x10DB0] =	vst v38  }
0x267: {  	s25 =	sadd.s32 s26, s25;
	v38 =	vld [tilespmem:s24+$0x800]  }
0x268: {  	v47 =	vld [tilespmem:s25+$0x8800];
	_ =	sdelay $0x4  }
0x269: {  	v38 =	vadd.f32 v47, v38;
	_ =	sdelay $0x1  }
0x26a: {  	v38 =	vadd.f32 v38, v32;
	_ =	sdelay $0x1  }
0x26b: {  	[tilespmem:$0x10E00] =	vst v38  }
0x26c: {  	v38 =	vld [tilespmem:s24+$0x810]  }
0x26d: {  	v48 =	vld [tilespmem:s25+$0x8810];
	_ =	sdelay $0x4  }
0x26e: {  	v38 =	vadd.f32 v48, v38;
	_ =	sdelay $0x1  }
0x26f: {  	v38 =	vadd.f32 v38, v33;
	_ =	sdelay $0x1  }
0x270: {  	[tilespmem:$0x10E10] =	vst v38  }
0x271: {  	v38 =	vld [tilespmem:s24+$0x820]  }
0x272: {  	v49 =	vld [tilespmem:s25+$0x8820];
	_ =	sdelay $0x2  }
0x273: {  	(v2sf) =	vpush v36, $0xD  }
0x274: {  	(v2sf) =	vpush v37, $0xD  }
0x275: {  	v38 =	vadd.f32 v49, v38;
	_ =	sdelay $0x1  }
0x276: {  	v38 =	vadd.f32 v38, v34;
	_ =	sdelay $0x1  }
0x277: {  	[tilespmem:$0x10E20] =	vst v38  }
0x278: {  	v38 =	vld [tilespmem:s24+$0x830]  }
0x279: {  	v50 =	vld [tilespmem:s25+$0x8830];
	_ =	sdelay $0x4  }
0x27a: {  	v38 =	vadd.f32 v50, v38;
	_ =	sdelay $0x1  }
0x27b: {  	s26 =	spop (v2sf);
	v38 =	vadd.f32 v38, v35  }
0x27c: {  	s25 =	sor.u32 $0x3400, s22;
	s24 =	sand.u32 $0x380, s26;
	s26 =	spop (v2sf)  }
0x27d: {  	s24 =	sadd.s32 s24, s25;
	s26 =	sand.u32 $0x380, s26;
	[tilespmem:$0x10E30] =	vst v38  }
0x27e: {  	s25 =	sadd.s32 s26, s25;
	v38 =	vld [tilespmem:s24+$0x800]  }
0x27f: {  	v51 =	vld [tilespmem:s25+$0x8800];
	_ =	sdelay $0x4  }
0x280: {  	v38 =	vadd.f32 v51, v38;
	_ =	sdelay $0x1  }
0x281: {  	v38 =	vadd.f32 v38, v32;
	_ =	sdelay $0x1  }
0x282: {  	[tilespmem:$0x10E80] =	vst v38  }
0x283: {  	v38 =	vld [tilespmem:s24+$0x810]  }
0x284: {  	v52 =	vld [tilespmem:s25+$0x8810];
	_ =	sdelay $0x4  }
0x285: {  	v38 =	vadd.f32 v52, v38;
	_ =	sdelay $0x1  }
0x286: {  	v38 =	vadd.f32 v38, v33;
	_ =	sdelay $0x1  }
0x287: {  	[tilespmem:$0x10E90] =	vst v38  }
0x288: {  	v38 =	vld [tilespmem:s24+$0x820]  }
0x289: {  	v53 =	vld [tilespmem:s25+$0x8820];
	_ =	sdelay $0x2  }
0x28a: {  	(v2sf) =	vpush v36, $0xE  }
0x28b: {  	(v2sf) =	vpush v37, $0xE  }
0x28c: {  	v38 =	vadd.f32 v53, v38;
	_ =	sdelay $0x1  }
0x28d: {  	v38 =	vadd.f32 v38, v34;
	_ =	sdelay $0x1  }
0x28e: {  	[tilespmem:$0x10EA0] =	vst v38  }
0x28f: {  	v38 =	vld [tilespmem:s24+$0x830]  }
0x290: {  	v54 =	vld [tilespmem:s25+$0x8830];
	_ =	sdelay $0x4  }
0x291: {  	v38 =	vadd.f32 v54, v38;
	_ =	sdelay $0x1  }
0x292: {  	s26 =	spop (v2sf);
	v38 =	vadd.f32 v38, v35  }
0x293: {  	s25 =	sor.u32 $0x3800, s22;
	s24 =	sand.u32 $0x380, s26;
	s26 =	spop (v2sf)  }
0x294: {  	s24 =	sadd.s32 s24, s25;
	s26 =	sand.u32 $0x380, s26;
	[tilespmem:$0x10EB0] =	vst v38  }
0x295: {  	s25 =	sadd.s32 s26, s25;
	v38 =	vld [tilespmem:s24+$0x800]  }
0x296: {  	v55 =	vld [tilespmem:s25+$0x8800];
	_ =	sdelay $0x4  }
0x297: {  	v38 =	vadd.f32 v55, v38;
	_ =	sdelay $0x1  }
0x298: {  	v38 =	vadd.f32 v38, v32;
	_ =	sdelay $0x1  }
0x299: {  	[tilespmem:$0x10F00] =	vst v38  }
0x29a: {  	v38 =	vld [tilespmem:s24+$0x810]  }
0x29b: {  	v56 =	vld [tilespmem:s25+$0x8810];
	_ =	sdelay $0x4  }
0x29c: {  	v38 =	vadd.f32 v56, v38;
	_ =	sdelay $0x1  }
0x29d: {  	v38 =	vadd.f32 v38, v33;
	_ =	sdelay $0x1  }
0x29e: {  	[tilespmem:$0x10F10] =	vst v38  }
0x29f: {  	v38 =	vld [tilespmem:s24+$0x820]  }
0x2a0: {  	v57 =	vld [tilespmem:s25+$0x8820];
	_ =	sdelay $0x2  }
0x2a1: {  	(v2sf) =	vpush v36, $0xF  }
0x2a2: {  	(v2sf) =	vpush v37, $0xF  }
0x2a3: {  	v58 =	vadd.f32 v57, v38;
	_ =	sdelay $0x1  }
0x2a4: {  	v36 =	vadd.f32 v58, v34;
	_ =	sdelay $0x1  }
0x2a5: {  	[tilespmem:$0x10F20] =	vst v36  }
0x2a6: {  	v36 =	vld [tilespmem:s24+$0x830]  }
0x2a7: {  	v59 =	vld [tilespmem:s25+$0x8830];
	_ =	sdelay $0x4  }
0x2a8: {  	v36 =	vadd.f32 v59, v36;
	_ =	sdelay $0x1  }
0x2a9: {  	s25 =	spop (v2sf);
	v36 =	vadd.f32 v36, v35  }
0x2aa: {  	s22 =	sor.u32 $0x3C00, s22;
	s24 =	sand.u32 $0x380, s25;
	s26 =	spop (v2sf)  }
0x2ab: {  	s24 =	sadd.s32 s24, s22;
	s25 =	sand.u32 $0x380, s26;
	[tilespmem:$0x10F30] =	vst v36  }
0x2ac: {  	s22 =	sadd.s32 s25, s22;
	v36 =	vld [tilespmem:s24+$0x800]  }
0x2ad: {  	v60 =	vld [tilespmem:s22+$0x8800];
	_ =	sdelay $0x4  }
0x2ae: {  	v36 =	vadd.f32 v60, v36;
	_ =	sdelay $0x1  }
0x2af: {  	v36 =	vadd.f32 v36, v32;
	_ =	sdelay $0x1  }
0x2b0: {  	[tilespmem:$0x10F80] =	vst v36  }
0x2b1: {  	v36 =	vld [tilespmem:s24+$0x810]  }
0x2b2: {  	v61 =	vld [tilespmem:s22+$0x8810];
	_ =	sdelay $0x4  }
0x2b3: {  	v36 =	vadd.f32 v61, v36;
	_ =	sdelay $0x1  }
0x2b4: {  	v36 =	vadd.f32 v36, v33;
	_ =	sdelay $0x1  }
0x2b5: {  	[tilespmem:$0x10F90] =	vst v36  }
0x2b6: {  	v36 =	vld [tilespmem:s24+$0x820]  }
0x2b7: {  	v62 =	vld [tilespmem:s22+$0x8820];
	_ =	sdelay $0x4  }
0x2b8: {  	v36 =	vadd.f32 v62, v36;
	_ =	sdelay $0x1  }
0x2b9: {  	v36 =	vadd.f32 v36, v34;
	_ =	sdelay $0x1  }
0x2ba: {  	[tilespmem:$0x10FA0] =	vst v36  }
0x2bb: {  	v36 =	vld [tilespmem:s24+$0x830]  }
0x2bc: {  	v63 =	vld [tilespmem:s22+$0x8830];
	_ =	sdelay $0x4  }
0x2bd: {  	v36 =	vadd.f32 v63, v36;
	_ =	sdelay $0x1  }
0x2be: {  	s21 =	sadd.s32 $0x4000, s21;
	v36 =	vadd.f32 v36, v35  }
0x2bf: {  	p0 =	sne.s32 s21, $0x80000  }
.Ltmp3:
0x2c0: {  	[tilespmem:$0x10FB0] =	vst v36;
	(pc) =	sbr.rel @!p0 .LBB2_5-.Ltmp3, $4  }
0x2c1: {  	[hbm4b:s10+s4] =	stream.linear.scatter [tilespmem:s16], [sflag:$0x3], $0x800, $0x38;
	[tilespmem:$0x11080] =	vst v63  }
0x2c2: {  	_ =	swait.ge [sflag:s11], $0x800  }
0x2c3: {  	s18 =	sadd.s32 $0x10, s18;
	[sflag:s11] =	ssyncset.done $0x0  }
0x2c4: {  	s19 =	sadd.s32 $0x10, s19;
	s10 =	sadd.s32 $0x100, s10;
	[sflag:s11] =	ssyncadd.s32 $0xFFFFF800  }
.LBB2_2:
0x2c5: {  	p0 =	seq.s32 s21, $0x7C000  }
.Ltmp4:
0x2c6: {  	_ = 	snop;
	(pc) =	sbr.rel @p0 .LBB2_4-.Ltmp4, $2  }
0x2c7: {  	_ =	sdelay $0x2  }
0x2c8: {  	s22 =	simm.s32 $0x4000  }
0x2c9: {  	v36 =	vld [tilespmem:s19+$0x0];
	_ =	sdelay $0x3  }
0x2ca: {  	v38 =	vld [tilespmem:s18+$0x0]  }
0x2cb: {  	v37 =	vshll.u32 v36, $0x4  }
0x2cc: {  	(v2sf) =	vpush v37, $0x0;
	_ =	sdelay $0x2  }
0x2cd: {  	v63 =	vshll.u32 v38, $0x4  }
0x2ce: {  	(v2sf) =	vpush v63, $0x0;
	_ =	sdelay $0x1  }
0x2cf: {  	(v2sf) =	vpush v37, $0x1;
	_ =	sdelay $0x2  }
0x2d0: {  	(v2sf) =	vpush v63, $0x1;
	_ =	sdelay $0x5  }
0x2d1: {  	s24 =	spop (v2sf);
	(v2sf) =	vpush v37, $0x2  }
0x2d2: {  	s22 =	sand.u32 $0x4000, s21;
	s24 =	sand.u32 $0xFFFFF80, s24  }
0x2d3: {  	s25 =	sxor.u32 $0x4800, s22;
	s24 =	sadd.s32 s5, s24  }
0x2d4: {  	[tilespmem:s25], [sflag:$0x2] =	stream.linear.gather [hbm4b:s24+s4], $0x400, $0x38;
	[tilespmem:$0x11080] =	vst v63  }
0x2d5: {  	s25 =	spop (v2sf);
	(v2sf) =	vpush v63, $0x2;
	_ =	sdelay $0x1  }
0x2d6: {  	s24 =	sand.u32 $0xFFFFF80, s25;
	s25 =	spop (v2sf);
	(v2sf) =	vpush v37, $0x3  }
0x2d7: {  	s26 =	sxor.u32 $0xC800, s22;
	s24 =	sadd.s32 s6, s24  }
0x2d8: {  	[tilespmem:s26], [sflag:$0x2] =	stream.linear.gather [hbm4b:s24+s4], $0x400, $0x38;
	[tilespmem:$0x11080] =	vst v63  }
0x2d9: {  	s24 =	sand.u32 $0xFFFFF80, s25;
	s25 =	spop (v2sf);
	(v2sf) =	vpush v63, $0x3;
	_ =	sdelay $0x3  }
0x2da: {  	s26 =	sxor.u32 $0x4C00, s22;
	s24 =	sadd.s32 s5, s24  }
0x2db: {  	[tilespmem:s26], [sflag:$0x2] =	stream.linear.gather [hbm4b:s24+s4], $0x400, $0x38;
	[tilespmem:$0x11080] =	vst v63  }
0x2dc: {  	s24 =	sand.u32 $0xFFFFF80, s25;
	s25 =	spop (v2sf);
	(v2sf) =	vpush v37, $0x4  }
0x2dd: {  	s26 =	sxor.u32 $0xCC00, s22;
	s24 =	sadd.s32 s6, s24  }
0x2de: {  	[tilespmem:s26], [sflag:$0x2] =	stream.linear.gather [hbm4b:s24+s4], $0x400, $0x38;
	[tilespmem:$0x11080] =	vst v63  }
0x2df: {  	s24 =	sand.u32 $0xFFFFF80, s25  }
0x2e0: {  	s26 =	sxor.u32 $0x5000, s22;
	s24 =	sadd.s32 s5, s24;
	s25 =	spop (v2sf);
	(v2sf) =	vpush v63, $0x4  }
0x2e1: {  	[tilespmem:s26], [sflag:$0x2] =	stream.linear.gather [hbm4b:s24+s4], $0x400, $0x38;
	[tilespmem:$0x11080] =	vst v63  }
0x2e2: {  	s24 =	sand.u32 $0xFFFFF80, s25;
	s25 =	spop (v2sf);
	(v2sf) =	vpush v37, $0x5  }
0x2e3: {  	s26 =	sxor.u32 $0xD000, s22;
	s24 =	sadd.s32 s6, s24  }
0x2e4: {  	[tilespmem:s26], [sflag:$0x2] =	stream.linear.gather [hbm4b:s24+s4], $0x400, $0x38;
	[tilespmem:$0x11080] =	vst v63  }
0x2e5: {  	s24 =	sand.u32 $0xFFFFF80, s25;
	s25 =	spop (v2sf);
	(v2sf) =	vpush v63, $0x5;
	_ =	sdelay $0x3  }
0x2e6: {  	s26 =	sxor.u32 $0x5400, s22;
	s24 =	sadd.s32 s5, s24  }
0x2e7: {  	[tilespmem:s26], [sflag:$0x2] =	stream.linear.gather [hbm4b:s24+s4], $0x400, $0x38;
	[tilespmem:$0x11080] =	vst v63  }
0x2e8: {  	s24 =	sand.u32 $0xFFFFF80, s25;
	s25 =	spop (v2sf);
	(v2sf) =	vpush v37, $0x6  }
0x2e9: {  	s26 =	sxor.u32 $0xD400, s22;
	s24 =	sadd.s32 s6, s24  }
0x2ea: {  	[tilespmem:s26], [sflag:$0x2] =	stream.linear.gather [hbm4b:s24+s4], $0x400, $0x38;
	[tilespmem:$0x11080] =	vst v63  }
0x2eb: {  	s24 =	sand.u32 $0xFFFFF80, s25  }
0x2ec: {  	s26 =	sxor.u32 $0x5800, s22;
	s24 =	sadd.s32 s5, s24;
	s25 =	spop (v2sf);
	(v2sf) =	vpush v63, $0x6  }
0x2ed: {  	[tilespmem:s26], [sflag:$0x2] =	stream.linear.gather [hbm4b:s24+s4], $0x400, $0x38;
	[tilespmem:$0x11080] =	vst v63  }
0x2ee: {  	s24 =	sand.u32 $0xFFFFF80, s25;
	s25 =	spop (v2sf);
	(v2sf) =	vpush v37, $0x7  }
0x2ef: {  	s26 =	sxor.u32 $0xD800, s22;
	s24 =	sadd.s32 s6, s24  }
0x2f0: {  	[tilespmem:s26], [sflag:$0x2] =	stream.linear.gather [hbm4b:s24+s4], $0x400, $0x38;
	[tilespmem:$0x11080] =	vst v63  }
0x2f1: {  	s24 =	sand.u32 $0xFFFFF80, s25;
	s25 =	spop (v2sf);
	(v2sf) =	vpush v63, $0x7;
	_ =	sdelay $0x3  }
0x2f2: {  	s26 =	sxor.u32 $0x5C00, s22;
	s24 =	sadd.s32 s5, s24  }
0x2f3: {  	[tilespmem:s26], [sflag:$0x2] =	stream.linear.gather [hbm4b:s24+s4], $0x400, $0x38;
	[tilespmem:$0x11080] =	vst v63  }
0x2f4: {  	s24 =	sand.u32 $0xFFFFF80, s25;
	s25 =	spop (v2sf);
	(v2sf) =	vpush v37, $0x8  }
0x2f5: {  	s26 =	sxor.u32 $0xDC00, s22;
	s24 =	sadd.s32 s6, s24  }
0x2f6: {  	[tilespmem:s26], [sflag:$0x2] =	stream.linear.gather [hbm4b:s24+s4], $0x400, $0x38;
	[tilespmem:$0x11080] =	vst v63  }
0x2f7: {  	s24 =	sand.u32 $0xFFFFF80, s25  }
0x2f8: {  	s26 =	sxor.u32 $0x6000, s22;
	s24 =	sadd.s32 s5, s24;
	s25 =	spop (v2sf);
	(v2sf) =	vpush v63, $0x8  }
0x2f9: {  	[tilespmem:s26], [sflag:$0x2] =	stream.linear.gather [hbm4b:s24+s4], $0x400, $0x38;
	[tilespmem:$0x11080] =	vst v63  }
0x2fa: {  	s24 =	sand.u32 $0xFFFFF80, s25;
	s25 =	spop (v2sf);
	(v2sf) =	vpush v37, $0x9  }
0x2fb: {  	s26 =	sxor.u32 $0xE000, s22;
	s24 =	sadd.s32 s6, s24  }
0x2fc: {  	[tilespmem:s26], [sflag:$0x2] =	stream.linear.gather [hbm4b:s24+s4], $0x400, $0x38;
	[tilespmem:$0x11080] =	vst v63  }
0x2fd: {  	s24 =	sand.u32 $0xFFFFF80, s25;
	s25 =	spop (v2sf);
	(v2sf) =	vpush v63, $0x9;
	_ =	sdelay $0x3  }
0x2fe: {  	s26 =	sxor.u32 $0x6400, s22;
	s24 =	sadd.s32 s5, s24  }
0x2ff: {  	[tilespmem:s26], [sflag:$0x2] =	stream.linear.gather [hbm4b:s24+s4], $0x400, $0x38;
	[tilespmem:$0x11080] =	vst v63  }
0x300: {  	s24 =	sand.u32 $0xFFFFF80, s25;
	s25 =	spop (v2sf);
	(v2sf) =	vpush v37, $0xA  }
0x301: {  	s26 =	sxor.u32 $0xE400, s22;
	s24 =	sadd.s32 s6, s24  }
0x302: {  	[tilespmem:s26], [sflag:$0x2] =	stream.linear.gather [hbm4b:s24+s4], $0x400, $0x38;
	[tilespmem:$0x11080] =	vst v63  }
0x303: {  	s24 =	sand.u32 $0xFFFFF80, s25  }
0x304: {  	s26 =	sxor.u32 $0x6800, s22;
	s24 =	sadd.s32 s5, s24;
	s25 =	spop (v2sf);
	(v2sf) =	vpush v63, $0xA  }
0x305: {  	[tilespmem:s26], [sflag:$0x2] =	stream.linear.gather [hbm4b:s24+s4], $0x400, $0x38;
	[tilespmem:$0x11080] =	vst v63  }
0x306: {  	s24 =	sand.u32 $0xFFFFF80, s25;
	s25 =	spop (v2sf);
	(v2sf) =	vpush v37, $0xB  }
0x307: {  	s26 =	sxor.u32 $0xE800, s22;
	s24 =	sadd.s32 s6, s24  }
0x308: {  	[tilespmem:s26], [sflag:$0x2] =	stream.linear.gather [hbm4b:s24+s4], $0x400, $0x38;
	[tilespmem:$0x11080] =	vst v63  }
0x309: {  	s24 =	sand.u32 $0xFFFFF80, s25;
	s25 =	spop (v2sf);
	(v2sf) =	vpush v63, $0xB;
	_ =	sdelay $0x3  }
0x30a: {  	s26 =	sxor.u32 $0x6C00, s22;
	s24 =	sadd.s32 s5, s24  }
0x30b: {  	[tilespmem:s26], [sflag:$0x2] =	stream.linear.gather [hbm4b:s24+s4], $0x400, $0x38;
	[tilespmem:$0x11080] =	vst v63  }
0x30c: {  	s24 =	sand.u32 $0xFFFFF80, s25;
	s25 =	spop (v2sf);
	(v2sf) =	vpush v37, $0xC  }
0x30d: {  	s26 =	sxor.u32 $0xEC00, s22;
	s24 =	sadd.s32 s6, s24  }
0x30e: {  	[tilespmem:s26], [sflag:$0x2] =	stream.linear.gather [hbm4b:s24+s4], $0x400, $0x38;
	[tilespmem:$0x11080] =	vst v63  }
0x30f: {  	s24 =	sand.u32 $0xFFFFF80, s25  }
0x310: {  	s26 =	sxor.u32 $0x7000, s22;
	s24 =	sadd.s32 s5, s24;
	s25 =	spop (v2sf);
	(v2sf) =	vpush v63, $0xC  }
0x311: {  	[tilespmem:s26], [sflag:$0x2] =	stream.linear.gather [hbm4b:s24+s4], $0x400, $0x38;
	[tilespmem:$0x11080] =	vst v63  }
0x312: {  	s24 =	sand.u32 $0xFFFFF80, s25;
	s25 =	spop (v2sf);
	(v2sf) =	vpush v37, $0xD  }
0x313: {  	s26 =	sxor.u32 $0xF000, s22;
	s24 =	sadd.s32 s6, s24  }
0x314: {  	[tilespmem:s26], [sflag:$0x2] =	stream.linear.gather [hbm4b:s24+s4], $0x400, $0x38;
	[tilespmem:$0x11080] =	vst v63  }
0x315: {  	s24 =	sand.u32 $0xFFFFF80, s25;
	s25 =	spop (v2sf);
	(v2sf) =	vpush v63, $0xD;
	_ =	sdelay $0x3  }
0x316: {  	s26 =	sxor.u32 $0x7400, s22;
	s24 =	sadd.s32 s5, s24  }
0x317: {  	[tilespmem:s26], [sflag:$0x2] =	stream.linear.gather [hbm4b:s24+s4], $0x400, $0x38;
	[tilespmem:$0x11080] =	vst v63  }
0x318: {  	s24 =	sand.u32 $0xFFFFF80, s25;
	s25 =	spop (v2sf);
	(v2sf) =	vpush v37, $0xE  }
0x319: {  	s26 =	sxor.u32 $0xF400, s22;
	s24 =	sadd.s32 s6, s24  }
0x31a: {  	[tilespmem:s26], [sflag:$0x2] =	stream.linear.gather [hbm4b:s24+s4], $0x400, $0x38;
	[tilespmem:$0x11080] =	vst v63  }
0x31b: {  	s24 =	sand.u32 $0xFFFFF80, s25  }
0x31c: {  	s26 =	sxor.u32 $0x7800, s22;
	s24 =	sadd.s32 s5, s24;
	s25 =	spop (v2sf);
	(v2sf) =	vpush v63, $0xE  }
0x31d: {  	[tilespmem:s26], [sflag:$0x2] =	stream.linear.gather [hbm4b:s24+s4], $0x400, $0x38;
	[tilespmem:$0x11080] =	vst v63  }
0x31e: {  	s24 =	sand.u32 $0xFFFFF80, s25;
	s25 =	spop (v2sf);
	(v2sf) =	vpush v37, $0xF  }
0x31f: {  	s26 =	sxor.u32 $0xF800, s22;
	s24 =	sadd.s32 s6, s24  }
0x320: {  	[tilespmem:s26], [sflag:$0x2] =	stream.linear.gather [hbm4b:s24+s4], $0x400, $0x38;
	[tilespmem:$0x11080] =	vst v63  }
0x321: {  	s24 =	sand.u32 $0xFFFFF80, s25;
	s25 =	spop (v2sf);
	(v2sf) =	vpush v63, $0xF  }
0x322: {  	s26 =	sxor.u32 $0x7C00, s22;
	s24 =	sadd.s32 s5, s24  }
0x323: {  	[tilespmem:s26], [sflag:$0x2] =	stream.linear.gather [hbm4b:s24+s4], $0x400, $0x38;
	[tilespmem:$0x11080] =	vst v63  }
0x324: {  	s24 =	sand.u32 $0xFFFFF80, s25  }
0x325: {  	s26 =	sxor.u32 $0xFC00, s22;
	s24 =	sadd.s32 s6, s24  }
0x326: {  	[tilespmem:s26], [sflag:$0x2] =	stream.linear.gather [hbm4b:s24+s4], $0x400, $0x38;
	[tilespmem:$0x11080] =	vst v63  }
0x327: {  	s25 =	spop (v2sf)  }
0x328: {  	s24 =	sand.u32 $0xFFFFF80, s25  }
0x329: {  	s26 =	ssub.s32 $0x8000, s22;
	s24 =	sadd.s32 s5, s24  }
0x32a: {  	[tilespmem:s26], [sflag:$0x2] =	stream.linear.gather [hbm4b:s24+s4], $0x400, $0x38;
	[tilespmem:$0x11080] =	vst v63  }
0x32b: {  	s25 =	spop (v2sf)  }
0x32c: {  	s24 =	sand.u32 $0xFFFFF80, s25  }
0x32d: {  	s26 =	ssub.s32 $0x10000, s22;
	s25 =	spop (v2sf);
	s24 =	sadd.s32 s6, s24  }
0x32e: {  	[tilespmem:s26], [sflag:$0x2] =	stream.linear.gather [hbm4b:s24+s4], $0x400, $0x38;
	[tilespmem:$0x11080] =	vst v63  }
0x32f: {  	s24 =	sand.u32 $0xFFFFF80, s25;
	s26 =	ssub.s32 $0x8400, s22  }
.Ltmp5:
0x330: {  	s25 =	spop (v2sf);
	s24 =	sadd.s32 s5, s24;
	(pc) =	sbr.rel .LBB2_4-.Ltmp5, $4  }
0x331: {  	[tilespmem:s26], [sflag:$0x2] =	stream.linear.gather [hbm4b:s24+s4], $0x400, $0x38;
	[tilespmem:$0x11080] =	vst v63  }
0x332: {  	s24 =	sand.u32 $0xFFFFF80, s25  }
0x333: {  	s26 =	ssub.s32 $0x10400, s22;
	s24 =	sadd.s32 s6, s24  }
0x334: {  	[tilespmem:s26], [sflag:$0x2] =	stream.linear.gather [hbm4b:s24+s4], $0x400, $0x38;
	[tilespmem:$0x11080] =	vst v63  }
.LBB2_6:
0x335: {  	_ =	sfence.sel $0x180000  }
0x336: {  	[bflag:$0x0] =	sbarrier.arrive $0xFFFF  }
0x337: {  	_ =	strace $0x90000047  }
0x338: {  	s0 =	stileid.u32;
	[bflag:$0x2] =	sbarrier.arrive $0xFFFF  }
0x339: {  	p0 =	sne.s32 s0, $0x0;
	s0 =	rddreg [dreg:$0x5]  }
0x33a: {  	s0 =	sadd.s32 @!p0 $0x100000, s0  }
0x33b: {  	[sflag:s0] =	ssyncadd.tile.s32 @!p0 $0x1;
	_ =	shalt  }
.Lfunc_end2:
_tile_overlayer_lowered:
.L_overlay_start_2:
0x33c: {  	(tag) =	ssettag $0x2  }
0x33d: {  	s0 =	rddreg [dreg:$0x0];
	s2 =	stileid.u32  }
0x33e: {  	s1 =	rddreg [dreg:$0x1];
	p0 =	sne.s32 s2, $0x0  }
0x33f: {  	s3 =	rddreg [dreg:$0x2];
	[bflag:$0x3] =	sbarrier.arrive $0xFFFF;
	s2 =	simm.s32 @!p0 $0x1C03  }
0x340: {  	[timem:s3], [sflag:s2] =	dma.local @!p0 [hbm:s0], s1  }
0x341: {  	s0 =	simm.s32 @!p0 $0x3  }
0x342: {  	_ =	swait.ge @!p0 [sflag:s0], s1  }
0x343: {  	s1 =	ssub.s32 @!p0 $0x0, s1;
	[sflag:s0] =	ssyncset.done @!p0 $0x0  }
0x344: {  	[sflag:s0] =	ssyncadd.s32 @!p0 s1  }
0x345: {  	[bflag:$0x3] =	sbarrier.arrive $0xFFFF  }
0x346: {  	_ =	shalt  }

</sc_bundles>
